<compile_context>
chip_gen: v7x
topology: tpu7x:2x2x1
jax: 0.10.2.dev20260603
libtpu: 0.0.44.dev20260713+nightly
codegen_flags: <defaults>
</compile_context>

<pallas_src>
import jax
import jax.numpy as jnp
from jax import lax
from jax.experimental import pallas as pl
from jax.experimental.pallas import tpu as pltpu
from jax.experimental.pallas import tpu_sc as plsc

HID = 32
BATCH = 16384
TBL = 1000000
NTC = 7813
SLAB = NTC * 1024
FLAT = 4 * SLAB
NC = 2
NS = 16
NW = NC * NS
BPW = BATCH // NW

CHUNK = 512
FULL_CHUNKS = TBL // CHUNK
TAIL = FULL_CHUNKS * CHUNK


def _detile_body(wt_hbm, flat_hbm, buf0, buf1, sem0, sem1, esem0, esem1):
    wid = lax.axis_index("s") * NC + lax.axis_index("c")
    n_own = (FULL_CHUNKS - wid + NW - 1) // NW

    bufs = (buf0, buf1)
    sems = (sem0, sem1)
    esems = (esem0, esem1)

    def start(k, b):
        c0 = pl.multiple_of((wid + k * NW) * CHUNK, 128)
        pltpu.async_copy(wt_hbm.at[:, pl.ds(c0, CHUNK)], bufs[b], sems[b])

    def wait_stream(b):
        pltpu.make_async_copy(
            wt_hbm.at[:, pl.ds(0, CHUNK)], bufs[b], sems[b]
        ).wait()

    def emit(k, b):
        c0 = (wid + k * NW) * CHUNK
        for cg in range(4):
            for lb in range(CHUNK // 128):
                t = cg * NTC + c0 // 128 + lb
                pltpu.async_copy(
                    bufs[b].at[pl.ds(8 * cg, 8), pl.ds(128 * lb, 128)],
                    flat_hbm.at[t],
                    esems[b],
                )

    def drain_emits(b):
        pltpu.make_async_copy(
            wt_hbm.at[:, pl.ds(0, CHUNK)], bufs[b], esems[b]
        ).wait()

    start(0, 0)

    def step(k, carry):
        b = k % 2

        @pl.when(b == 0)
        def _():
            @pl.when(k + 1 < n_own)
            def _():
                @pl.when(k >= 1)
                def _():
                    drain_emits(1)
                start(k + 1, 1)

            wait_stream(0)
            emit(k, 0)

        @pl.when(b == 1)
        def _():
            @pl.when(k + 1 < n_own)
            def _():
                drain_emits(0)
                start(k + 1, 0)

            wait_stream(1)
            emit(k, 1)

        return carry

    lax.fori_loop(0, n_own, step, 0)
    last = (n_own - 1) % 2

    @pl.when(last == 0)
    def _():
        drain_emits(0)
        drain_emits(1)

    @pl.when(last == 1)
    def _():
        drain_emits(1)
        drain_emits(0)


def _gather_body(idx_hbm, flat_hbm, tail_hbm, out_hbm,
                 idx_v, off_v, val_v, tail_v, sem):
    wid = lax.axis_index("s") * NC + lax.axis_index("c")
    base = wid * BPW
    pltpu.sync_copy(idx_hbm.at[pl.ds(base, BPW)], idx_v)
    pltpu.sync_copy(tail_hbm, tail_v)
    lane = lax.iota(jnp.int32, 16)

    def offsets(jv, carry):
        r = idx_v[pl.ds(pl.multiple_of(jv * 16, 16), 16)]
        cb = (r >> 7) * 1024 + (r & 127)
        for c in range(HID):
            o = cb + ((c >> 3) * SLAB + (c & 7) * 128)
            pos = jv * 512 + lane * 32 + c
            plsc.store_scatter(off_v, [pos], o)
        return carry

    lax.fori_loop(0, BPW // 16, offsets, 0)
    pltpu.async_copy(flat_hbm.at[off_v], val_v, sem).wait()

    def fixup(jv, carry):
        r = idx_v[pl.ds(pl.multiple_of(jv * 16, 16), 16)]
        m = r >= TAIL
        any_hit = jnp.max(jnp.where(m, jnp.int32(1), jnp.int32(0)))

        @pl.when(any_hit > 0)
        def _():
            rm = jnp.clip(r - TAIL, 0, TBL - TAIL - 1)
            for c in range(HID):
                tv = plsc.load_gather(
                    tail_v, [rm, jnp.full((16,), c, jnp.int32)]
                )
                pos = jv * 512 + lane * 32 + c
                plsc.store_scatter(val_v, [pos], tv, mask=m)

        return carry

    lax.fori_loop(0, BPW // 16, fixup, 0)
    pltpu.sync_copy(
        val_v, out_hbm.at[pl.ds(base * HID, BPW * HID)]
    )


def kernel(ndata_id, w2v_embed):
    mesh = plsc.VectorSubcoreMesh(core_axis_name="c", subcore_axis_name="s")
    detile = pl.kernel(
        _detile_body,
        out_type=jax.ShapeDtypeStruct((4 * NTC, 8, 128), jnp.float32),
        mesh=mesh,
        scratch_types=[
            pltpu.VMEM((HID, CHUNK), jnp.float32),
            pltpu.VMEM((HID, CHUNK), jnp.float32),
            pltpu.SemaphoreType.DMA,
            pltpu.SemaphoreType.DMA,
            pltpu.SemaphoreType.DMA,
            pltpu.SemaphoreType.DMA,
        ],
        compiler_params=pltpu.CompilerParams(use_tc_tiling_on_sc=True, needs_layout_passes=False),
    )
    gather = pl.kernel(
        _gather_body,
        out_type=jax.ShapeDtypeStruct((BATCH * HID,), jnp.float32),
        mesh=mesh,
        scratch_types=[
            pltpu.VMEM((BPW,), jnp.int32),
            pltpu.VMEM((BPW * HID,), jnp.int32),
            pltpu.VMEM((BPW * HID,), jnp.float32),
            pltpu.VMEM((TBL - TAIL, HID), jnp.float32),
            pltpu.SemaphoreType.DMA,
        ],
        compiler_params=pltpu.CompilerParams(use_tc_tiling_on_sc=False, needs_layout_passes=False),
    )
    idx = ndata_id.astype(jnp.int32)
    flat = detile(w2v_embed.T)
    tail = w2v_embed[TAIL:]
    out_flat = gather(idx, flat.reshape(FLAT), tail)
    return out_flat.reshape(BATCH, HID)

# --- scband reference (transcript-rebuilt; emitter-appended) ---
"""Pipeline reference for scband-project-30356828848444 (READ-ONLY COPY).

The authoritative reference and input builder live on the scoring server;
editing this copy changes nothing except your own understanding.
"""

import jax, jax.numpy as jnp
import numpy as np

NUM_NODES = 1000000
HID_SIZE = 32
BATCH = 16384

def setup_inputs(seed: int = 0) -> dict:
    key = jax.random.key(seed)
    k1, k2 = jax.random.split(key)
    ndata_id = jax.random.randint(k1, (BATCH,), 0, NUM_NODES, dtype=jnp.int64 if jax.config.read('jax_enable_x64') else jnp.int32)
    # Embedding table for w2v_embed. Note: in the original torch code,
    # `self.w2v_embed.from_pretrained(g.ndata['w2v'])` is a classmethod call whose
    # result is discarded, so the table remains its random initialization.
    w2v_embed = jax.random.normal(k2, (NUM_NODES, HID_SIZE), dtype=jnp.float32)
    return {"ndata_id": ndata_id, "w2v_embed": w2v_embed}

def reference(ndata_id, w2v_embed):
    # Faithful translation of Project.forward: embedding lookup (row gather).
    return jnp.take(w2v_embed, ndata_id, axis=0)

if __name__ == "__main__":
    import jax
    _d = setup_inputs()
    print(jax.jit(kernel)(*tuple(_d.values())))

</pallas_src>

<mosaic_0001>
#map = affine_map<(d0, d1) -> (0, 0)>
#map1 = affine_map<(d0, d1) -> (0, 0, 0)>
module attributes {stable_mosaic.version = 14 : i64} {
  func.func @_detile_body(%arg0: i32, %arg1: i32, %arg2: memref<32x1000000xf32, #tpu.memory_space<hbm>>, %arg3: memref<31252x8x128xf32, #tpu.memory_space<hbm>>, %arg4: memref<32x512xf32, #tpu.memory_space<vmem>>, %arg5: memref<32x512xf32, #tpu.memory_space<vmem>>, %arg6: memref<!tpu.dma_semaphore, #tpu.memory_space<semaphore_mem>>, %arg7: memref<!tpu.dma_semaphore, #tpu.memory_space<semaphore_mem>>, %arg8: memref<!tpu.dma_semaphore, #tpu.memory_space<semaphore_mem>>, %arg9: memref<!tpu.dma_semaphore, #tpu.memory_space<semaphore_mem>>) attributes {dimension_semantics = [#tpu.dimension_semantics<core_parallel>, #tpu.dimension_semantics<subcore_parallel>], iteration_bounds = array<i64: 2, 16>, scalar_prefetch = 0 : i64, scratch_operands = 6 : i64, tpu.core_type = #tpu.core_type<sc_vector_subcore>, window_params = [{transform_indices = #map}, {transform_indices = #map1}]} {
    %mul3A = arith.constant 2 : i32
    %mul3A_0 = arith.muli %arg1, %mul3A : i32
    %add3A = arith.addi %mul3A_0, %arg0 : i32
    %sub3A = arith.constant 1953 : i32
    %sub3A_1 = arith.subi %sub3A, %add3A : i32
    %add3A_2 = arith.constant 32 : i32
    %add3A_3 = arith.addi %sub3A_1, %add3A_2 : i32
    %sub3A_4 = arith.constant 1 : i32
    %sub3A_5 = arith.subi %add3A_3, %sub3A_4 : i32
    %jit3A = arith.constant 32 : i32
    %div3A = arith.divsi %sub3A_5, %jit3A : i32
    %sign3A = arith.constant 0 : i32
    %sign3A_6 = arith.cmpi sgt, %sub3A_5, %sign3A : i32
    %sign3A_7 = arith.extui %sign3A_6 : i1 to i32
    %sign3A_8 = arith.constant 0 : i32
    %sign3A_9 = arith.cmpi slt, %sub3A_5, %sign3A_8 : i32
    %sign3A_10 = arith.extui %sign3A_9 : i1 to i32
    %sign3A_11 = arith.subi %sign3A_7, %sign3A_10 : i32
    %sign3A_12 = arith.constant 0 : i32
    %sign3A_13 = arith.cmpi sgt, %jit3A, %sign3A_12 : i32
    %sign3A_14 = arith.extui %sign3A_13 : i1 to i32
    %sign3A_15 = arith.constant 0 : i32
    %sign3A_16 = arith.cmpi slt, %jit3A, %sign3A_15 : i32
    %sign3A_17 = arith.extui %sign3A_16 : i1 to i32
    %sign3A_18 = arith.subi %sign3A_14, %sign3A_17 : i32
    %ne3A = arith.cmpi ne, %sign3A_11, %sign3A_18 : i32
    %rem3A = arith.remsi %sub3A_5, %jit3A : i32
    %ne3A_19 = arith.constant 0 : i32
    %ne3A_20 = arith.cmpi ne, %rem3A, %ne3A_19 : i32
    %and3A = arith.andi %ne3A, %ne3A_20 : i1
    %sub3A_21 = arith.constant 1 : i32
    %sub3A_22 = arith.subi %div3A, %sub3A_21 : i32
    %select_n3A = arith.select %and3A, %sub3A_22, %div3A : i32
    %add3A_23 = arith.constant 0 : i32
    %add3A_24 = arith.addi %add3A, %add3A_23 : i32
    %mul3A_25 = arith.constant 512 : i32
    %mul3A_26 = arith.muli %add3A_24, %mul3A_25 : i32
    %multiple_of3A = tpu.assume_multiple %mul3A_26, 128 : i32
    %dma_start3A = arith.constant 0 : i32
    %dma_start3A_27 = tpu.memref_slice %arg2[%dma_start3A, %multiple_of3A] : memref<32x1000000xf32, #tpu.memory_space<hbm>> -> memref<32x512xf32, #tpu.memory_space<hbm>>
    %dma_start3A_28 = arith.constant 0 : i32
    %dma_start3A_29 = tpu.memref_slice %arg2[%dma_start3A_28, %multiple_of3A] : memref<32x1000000xf32, #tpu.memory_space<hbm>> -> memref<32x512xf32, #tpu.memory_space<hbm>>
    tpu.enqueue_dma source(%dma_start3A_29 : memref<32x512xf32, #tpu.memory_space<hbm>>) target(%arg4 : memref<32x512xf32, #tpu.memory_space<vmem>>) target_semaphore(%arg6 : memref<!tpu.dma_semaphore, #tpu.memory_space<semaphore_mem>>)
    %while3A = arith.constant 0 : i32
    %while3A_30 = arith.constant 0 : i32
    %while3A_31 = arith.subi %select_n3A, %while3A_30 : i32
    %while3A_32 = arith.addi %while3A_30, %while3A_31 : i32
    %while3A_33 = arith.constant 1 : i32
    %while3A_34 = arith.divsi %while3A_31, %while3A_33 : i32
    %while3A_35 = arith.muli %while3A_34, %while3A_33 : i32
    %while3A_36 = arith.addi %while3A_30, %while3A_35 : i32
    %while3A_37 = arith.constant 1 : i32
    scf.for %while3A_63 = %while3A_30 to %while3A_36 step %while3A_37  : i32 {
      %jit3A_64 = arith.constant 2 : i32
      %eq3A_65 = arith.constant 0 : i32
      %eq3A_66 = arith.cmpi eq, %jit3A_64, %eq3A_65 : i32
      %jit3A_67 = arith.constant 1 : i32
      %select_n3A_68 = arith.select %eq3A_66, %jit3A_67, %jit3A_64 : i32
      %rem3A_69 = arith.remsi %while3A_63, %select_n3A_68 : i32
      %ne3A_70 = arith.constant 0 : i32
      %ne3A_71 = arith.cmpi ne, %rem3A_69, %ne3A_70 : i32
      %lt3A_72 = arith.constant 0 : i32
      %lt3A_73 = arith.cmpi slt, %rem3A_69, %lt3A_72 : i32
      %lt3A_74 = arith.constant 0 : i32
      %lt3A_75 = arith.cmpi slt, %select_n3A_68, %lt3A_74 : i32
      %ne3A_76 = arith.xori %lt3A_73, %lt3A_75 : i1
      %and3A_77 = arith.andi %ne3A_76, %ne3A_71 : i1
      %add3A_78 = arith.addi %rem3A_69, %select_n3A_68 : i32
      %select_n3A_79 = arith.select %and3A_77, %add3A_78, %rem3A_69 : i32
      %eq3A_80 = arith.constant 0 : i32
      %eq3A_81 = arith.cmpi eq, %select_n3A_79, %eq3A_80 : i32
      %convert_element_type3A_82 = arith.extui %eq3A_81 : i1 to i32
      %cond3A_83 = arith.constant 0 : i32
      %cond3A_84 = arith.cmpi ne, %convert_element_type3A_82, %cond3A_83 : i32
      scf.if %cond3A_84 {
        %add3A_90 = arith.constant 1 : i32
        %add3A_91 = arith.addi %while3A_63, %add3A_90 : i32
        %lt3A_92 = arith.cmpi slt, %add3A_91, %select_n3A : i32
        %convert_element_type3A_93 = arith.extui %lt3A_92 : i1 to i32
        %cond3A_94 = arith.constant 0 : i32
        %cond3A_95 = arith.cmpi ne, %convert_element_type3A_93, %cond3A_94 : i32
        scf.if %cond3A_95 {
          %ge3A = arith.constant 1 : i32
          %ge3A_778 = arith.cmpi sge, %while3A_63, %ge3A : i32
          %convert_element_type3A_779 = arith.extui %ge3A_778 : i1 to i32
          %cond3A_780 = arith.constant 0 : i32
          %cond3A_781 = arith.cmpi ne, %convert_element_type3A_779, %cond3A_780 : i32
          scf.if %cond3A_781 {
            %dma_wait3A_794 = arith.constant 0 : i32
            %dma_wait3A_795 = arith.constant 0 : i32
            %dma_wait3A_796 = tpu.memref_slice %arg2[%dma_wait3A_794, %dma_wait3A_795] : memref<32x1000000xf32, #tpu.memory_space<hbm>> -> memref<32x512xf32, #tpu.memory_space<hbm>>
            %dma_wait3A_797 = arith.constant 0 : i32
            %dma_wait3A_798 = arith.constant 0 : i32
            %dma_wait3A_799 = tpu.memref_slice %arg2[%dma_wait3A_797, %dma_wait3A_798] : memref<32x1000000xf32, #tpu.memory_space<hbm>> -> memref<32x512xf32, #tpu.memory_space<hbm>>
            tpu.wait_dma2 semaphore(%arg9 : memref<!tpu.dma_semaphore, #tpu.memory_space<semaphore_mem>>) src(%dma_wait3A_799 : memref<32x512xf32, #tpu.memory_space<hbm>>) dst(%arg5 : memref<32x512xf32, #tpu.memory_space<vmem>>)
          } else {
          }
          %add3A_782 = arith.constant 1 : i32
          %add3A_783 = arith.addi %while3A_63, %add3A_782 : i32
          %mul3A_784 = arith.constant 32 : i32
          %mul3A_785 = arith.muli %add3A_783, %mul3A_784 : i32
          %add3A_786 = arith.addi %add3A, %mul3A_785 : i32
          %mul3A_787 = arith.constant 512 : i32
          %mul3A_788 = arith.muli %add3A_786, %mul3A_787 : i32
          %multiple_of3A_789 = tpu.assume_multiple %mul3A_788, 128 : i32
          %dma_start3A_790 = arith.constant 0 : i32
          %dma_start3A_791 = tpu.memref_slice %arg2[%dma_start3A_790, %multiple_of3A_789] : memref<32x1000000xf32, #tpu.memory_space<hbm>> -> memref<32x512xf32, #tpu.memory_space<hbm>>
          %dma_start3A_792 = arith.constant 0 : i32
          %dma_start3A_793 = tpu.memref_slice %arg2[%dma_start3A_792, %multiple_of3A_789] : memref<32x1000000xf32, #tpu.memory_space<hbm>> -> memref<32x512xf32, #tpu.memory_space<hbm>>
          tpu.enqueue_dma source(%dma_start3A_793 : memref<32x512xf32, #tpu.memory_space<hbm>>) target(%arg5 : memref<32x512xf32, #tpu.memory_space<vmem>>) target_semaphore(%arg7 : memref<!tpu.dma_semaphore, #tpu.memory_space<semaphore_mem>>)
        } else {
        }
        %dma_wait3A = arith.constant 0 : i32
        %dma_wait3A_96 = arith.constant 0 : i32
        %dma_wait3A_97 = tpu.memref_slice %arg2[%dma_wait3A, %dma_wait3A_96] : memref<32x1000000xf32, #tpu.memory_space<hbm>> -> memref<32x512xf32, #tpu.memory_space<hbm>>
        %dma_wait3A_98 = arith.constant 0 : i32
        %dma_wait3A_99 = arith.constant 0 : i32
        %dma_wait3A_100 = tpu.memref_slice %arg2[%dma_wait3A_98, %dma_wait3A_99] : memref<32x1000000xf32, #tpu.memory_space<hbm>> -> memref<32x512xf32, #tpu.memory_space<hbm>>
        tpu.wait_dma2 semaphore(%arg6 : memref<!tpu.dma_semaphore, #tpu.memory_space<semaphore_mem>>) src(%dma_wait3A_100 : memref<32x512xf32, #tpu.memory_space<hbm>>) dst(%arg4 : memref<32x512xf32, #tpu.memory_space<vmem>>)
        %mul3A_101 = arith.constant 32 : i32
        %mul3A_102 = arith.muli %while3A_63, %mul3A_101 : i32
        %add3A_103 = arith.addi %add3A, %mul3A_102 : i32
        %mul3A_104 = arith.constant 512 : i32
        %mul3A_105 = arith.muli %add3A_103, %mul3A_104 : i32
        %jit3A_106 = arith.constant 128 : i32
        %div3A_107 = arith.divsi %mul3A_105, %jit3A_106 : i32
        %sign3A_108 = arith.constant 0 : i32
        %sign3A_109 = arith.cmpi sgt, %mul3A_105, %sign3A_108 : i32
        %sign3A_110 = arith.extui %sign3A_109 : i1 to i32
        %sign3A_111 = arith.constant 0 : i32
        %sign3A_112 = arith.cmpi slt, %mul3A_105, %sign3A_111 : i32
        %sign3A_113 = arith.extui %sign3A_112 : i1 to i32
        %sign3A_114 = arith.subi %sign3A_110, %sign3A_113 : i32
        %sign3A_115 = arith.constant 0 : i32
        %sign3A_116 = arith.cmpi sgt, %jit3A_106, %sign3A_115 : i32
        %sign3A_117 = arith.extui %sign3A_116 : i1 to i32
        %sign3A_118 = arith.constant 0 : i32
        %sign3A_119 = arith.cmpi slt, %jit3A_106, %sign3A_118 : i32
        %sign3A_120 = arith.extui %sign3A_119 : i1 to i32
        %sign3A_121 = arith.subi %sign3A_117, %sign3A_120 : i32
        %ne3A_122 = arith.cmpi ne, %sign3A_114, %sign3A_121 : i32
        %rem3A_123 = arith.remsi %mul3A_105, %jit3A_106 : i32
        %ne3A_124 = arith.constant 0 : i32
        %ne3A_125 = arith.cmpi ne, %rem3A_123, %ne3A_124 : i32
        %and3A_126 = arith.andi %ne3A_122, %ne3A_125 : i1
        %sub3A_127 = arith.constant 1 : i32
        %sub3A_128 = arith.subi %div3A_107, %sub3A_127 : i32
        %select_n3A_129 = arith.select %and3A_126, %sub3A_128, %div3A_107 : i32
        %add3A_130 = arith.constant 0 : i32
        %add3A_131 = arith.addi %add3A_130, %select_n3A_129 : i32
        %add3A_132 = arith.constant 0 : i32
        %add3A_133 = arith.addi %add3A_131, %add3A_132 : i32
        %dma_start3A_134 = arith.constant 0 : i32
        %dma_start3A_135 = arith.constant 0 : i32
        %dma_start3A_136 = tpu.memref_slice %arg4[%dma_start3A_134, %dma_start3A_135] : memref<32x512xf32, #tpu.memory_space<vmem>> -> memref<8x128xf32, #tpu.memory_space<vmem>>
        %dma_start3A_137 = arith.constant 0 : i32
        %dma_start3A_138 = arith.constant 0 : i32
        %dma_start3A_139 = tpu.memref_slice %arg3[%add3A_133, %dma_start3A_137, %dma_start3A_138] : memref<31252x8x128xf32, #tpu.memory_space<hbm>> -> memref<1x8x128xf32, #tpu.memory_space<hbm>>
        %dma_start3A_140 = tpu.memref_squeeze %dma_start3A_139 : memref<1x8x128xf32, #tpu.memory_space<hbm>> -> memref<8x128xf32, #tpu.memory_space<hbm>>
        %dma_start3A_141 = arith.constant 0 : i32
        %dma_start3A_142 = arith.constant 0 : i32
        %dma_start3A_143 = tpu.memref_slice %arg3[%add3A_133, %dma_start3A_141, %dma_start3A_142] : memref<31252x8x128xf32, #tpu.memory_space<hbm>> -> memref<1x8x128xf32, #tpu.memory_space<hbm>>
        %dma_start3A_144 = tpu.memref_squeeze %dma_start3A_143 : memref<1x8x128xf32, #tpu.memory_space<hbm>> -> memref<8x128xf32, #tpu.memory_space<hbm>>
        %dma_start3A_145 = arith.constant 0 : i32
        %dma_start3A_146 = arith.constant 0 : i32
        %dma_start3A_147 = tpu.memref_slice %arg4[%dma_start3A_145, %dma_start3A_146] : memref<32x512xf32, #tpu.memory_space<vmem>> -> memref<8x128xf32, #tpu.memory_space<vmem>>
        tpu.enqueue_dma source(%dma_start3A_147 : memref<8x128xf32, #tpu.memory_space<vmem>>) target(%dma_start3A_144 : memref<8x128xf32, #tpu.memory_space<hbm>>) target_semaphore(%arg8 : memref<!tpu.dma_semaphore, #tpu.memory_space<semaphore_mem>>)
        %jit3A_148 = arith.constant 128 : i32
        %div3A_149 = arith.divsi %mul3A_105, %jit3A_148 : i32
        %sign3A_150 = arith.constant 0 : i32
        %sign3A_151 = arith.cmpi sgt, %mul3A_105, %sign3A_150 : i32
        %sign3A_152 = arith.extui %sign3A_151 : i1 to i32
        %sign3A_153 = arith.constant 0 : i32
        %sign3A_154 = arith.cmpi slt, %mul3A_105, %sign3A_153 : i32
        %sign3A_155 = arith.extui %sign3A_154 : i1 to i32
        %sign3A_156 = arith.subi %sign3A_152, %sign3A_155 : i32
        %sign3A_157 = arith.constant 0 : i32
        %sign3A_158 = arith.cmpi sgt, %jit3A_148, %sign3A_157 : i32
        %sign3A_159 = arith.extui %sign3A_158 : i1 to i32
        %sign3A_160 = arith.constant 0 : i32
        %sign3A_161 = arith.cmpi slt, %jit3A_148, %sign3A_160 : i32
        %sign3A_162 = arith.extui %sign3A_161 : i1 to i32
        %sign3A_163 = arith.subi %sign3A_159, %sign3A_162 : i32
        %ne3A_164 = arith.cmpi ne, %sign3A_156, %sign3A_163 : i32
        %rem3A_165 = arith.remsi %mul3A_105, %jit3A_148 : i32
        %ne3A_166 = arith.constant 0 : i32
        %ne3A_167 = arith.cmpi ne, %rem3A_165, %ne3A_166 : i32
        %and3A_168 = arith.andi %ne3A_164, %ne3A_167 : i1
        %sub3A_169 = arith.constant 1 : i32
        %sub3A_170 = arith.subi %div3A_149, %sub3A_169 : i32
        %select_n3A_171 = arith.select %and3A_168, %sub3A_170, %div3A_149 : i32
        %add3A_172 = arith.constant 0 : i32
        %add3A_173 = arith.addi %add3A_172, %select_n3A_171 : i32
        %add3A_174 = arith.constant 1 : i32
        %add3A_175 = arith.addi %add3A_173, %add3A_174 : i32
        %dma_start3A_176 = arith.constant 0 : i32
        %dma_start3A_177 = arith.constant 128 : i32
        %dma_start3A_178 = tpu.memref_slice %arg4[%dma_start3A_176, %dma_start3A_177] : memref<32x512xf32, #tpu.memory_space<vmem>> -> memref<8x128xf32, #tpu.memory_space<vmem>>
        %dma_start3A_179 = arith.constant 0 : i32
        %dma_start3A_180 = arith.constant 0 : i32
        %dma_start3A_181 = tpu.memref_slice %arg3[%add3A_175, %dma_start3A_179, %dma_start3A_180] : memref<31252x8x128xf32, #tpu.memory_space<hbm>> -> memref<1x8x128xf32, #tpu.memory_space<hbm>>
        %dma_start3A_182 = tpu.memref_squeeze %dma_start3A_181 : memref<1x8x128xf32, #tpu.memory_space<hbm>> -> memref<8x128xf32, #tpu.memory_space<hbm>>
        %dma_start3A_183 = arith.constant 0 : i32
        %dma_start3A_184 = arith.constant 0 : i32
        %dma_start3A_185 = tpu.memref_slice %arg3[%add3A_175, %dma_start3A_183, %dma_start3A_184] : memref<31252x8x128xf32, #tpu.memory_space<hbm>> -> memref<1x8x128xf32, #tpu.memory_space<hbm>>
        %dma_start3A_186 = tpu.memref_squeeze %dma_start3A_185 : memref<1x8x128xf32, #tpu.memory_space<hbm>> -> memref<8x128xf32, #tpu.memory_space<hbm>>
        %dma_start3A_187 = arith.constant 0 : i32
        %dma_start3A_188 = arith.constant 128 : i32
        %dma_start3A_189 = tpu.memref_slice %arg4[%dma_start3A_187, %dma_start3A_188] : memref<32x512xf32, #tpu.memory_space<vmem>> -> memref<8x128xf32, #tpu.memory_space<vmem>>
        tpu.enqueue_dma source(%dma_start3A_189 : memref<8x128xf32, #tpu.memory_space<vmem>>) target(%dma_start3A_186 : memref<8x128xf32, #tpu.memory_space<hbm>>) target_semaphore(%arg8 : memref<!tpu.dma_semaphore, #tpu.memory_space<semaphore_mem>>)
        %jit3A_190 = arith.constant 128 : i32
        %div3A_191 = arith.divsi %mul3A_105, %jit3A_190 : i32
        %sign3A_192 = arith.constant 0 : i32
        %sign3A_193 = arith.cmpi sgt, %mul3A_105, %sign3A_192 : i32
        %sign3A_194 = arith.extui %sign3A_193 : i1 to i32
        %sign3A_195 = arith.constant 0 : i32
        %sign3A_196 = arith.cmpi slt, %mul3A_105, %sign3A_195 : i32
        %sign3A_197 = arith.extui %sign3A_196 : i1 to i32
        %sign3A_198 = arith.subi %sign3A_194, %sign3A_197 : i32
        %sign3A_199 = arith.constant 0 : i32
        %sign3A_200 = arith.cmpi sgt, %jit3A_190, %sign3A_199 : i32
        %sign3A_201 = arith.extui %sign3A_200 : i1 to i32
        %sign3A_202 = arith.constant 0 : i32
        %sign3A_203 = arith.cmpi slt, %jit3A_190, %sign3A_202 : i32
        %sign3A_204 = arith.extui %sign3A_203 : i1 to i32
        %sign3A_205 = arith.subi %sign3A_201, %sign3A_204 : i32
        %ne3A_206 = arith.cmpi ne, %sign3A_198, %sign3A_205 : i32
        %rem3A_207 = arith.remsi %mul3A_105, %jit3A_190 : i32
        %ne3A_208 = arith.constant 0 : i32
        %ne3A_209 = arith.cmpi ne, %rem3A_207, %ne3A_208 : i32
        %and3A_210 = arith.andi %ne3A_206, %ne3A_209 : i1
        %sub3A_211 = arith.constant 1 : i32
        %sub3A_212 = arith.subi %div3A_191, %sub3A_211 : i32
        %select_n3A_213 = arith.select %and3A_210, %sub3A_212, %div3A_191 : i32
        %add3A_214 = arith.constant 0 : i32
        %add3A_215 = arith.addi %add3A_214, %select_n3A_213 : i32
        %add3A_216 = arith.constant 2 : i32
        %add3A_217 = arith.addi %add3A_215, %add3A_216 : i32
        %dma_start3A_218 = arith.constant 0 : i32
        %dma_start3A_219 = arith.constant 256 : i32
        %dma_start3A_220 = tpu.memref_slice %arg4[%dma_start3A_218, %dma_start3A_219] : memref<32x512xf32, #tpu.memory_space<vmem>> -> memref<8x128xf32, #tpu.memory_space<vmem>>
        %dma_start3A_221 = arith.constant 0 : i32
        %dma_start3A_222 = arith.constant 0 : i32
        %dma_start3A_223 = tpu.memref_slice %arg3[%add3A_217, %dma_start3A_221, %dma_start3A_222] : memref<31252x8x128xf32, #tpu.memory_space<hbm>> -> memref<1x8x128xf32, #tpu.memory_space<hbm>>
        %dma_start3A_224 = tpu.memref_squeeze %dma_start3A_223 : memref<1x8x128xf32, #tpu.memory_space<hbm>> -> memref<8x128xf32, #tpu.memory_space<hbm>>
        %dma_start3A_225 = arith.constant 0 : i32
        %dma_start3A_226 = arith.constant 0 : i32
        %dma_start3A_227 = tpu.memref_slice %arg3[%add3A_217, %dma_start3A_225, %dma_start3A_226] : memref<31252x8x128xf32, #tpu.memory_space<hbm>> -> memref<1x8x128xf32, #tpu.memory_space<hbm>>
        %dma_start3A_228 = tpu.memref_squeeze %dma_start3A_227 : memref<1x8x128xf32, #tpu.memory_space<hbm>> -> memref<8x128xf32, #tpu.memory_space<hbm>>
        %dma_start3A_229 = arith.constant 0 : i32
        %dma_start3A_230 = arith.constant 256 : i32
        %dma_start3A_231 = tpu.memref_slice %arg4[%dma_start3A_229, %dma_start3A_230] : memref<32x512xf32, #tpu.memory_space<vmem>> -> memref<8x128xf32, #tpu.memory_space<vmem>>
        tpu.enqueue_dma source(%dma_start3A_231 : memref<8x128xf32, #tpu.memory_space<vmem>>) target(%dma_start3A_228 : memref<8x128xf32, #tpu.memory_space<hbm>>) target_semaphore(%arg8 : memref<!tpu.dma_semaphore, #tpu.memory_space<semaphore_mem>>)
        %jit3A_232 = arith.constant 128 : i32
        %div3A_233 = arith.divsi %mul3A_105, %jit3A_232 : i32
        %sign3A_234 = arith.constant 0 : i32
        %sign3A_235 = arith.cmpi sgt, %mul3A_105, %sign3A_234 : i32
        %sign3A_236 = arith.extui %sign3A_235 : i1 to i32
        %sign3A_237 = arith.constant 0 : i32
        %sign3A_238 = arith.cmpi slt, %mul3A_105, %sign3A_237 : i32
        %sign3A_239 = arith.extui %sign3A_238 : i1 to i32
        %sign3A_240 = arith.subi %sign3A_236, %sign3A_239 : i32
        %sign3A_241 = arith.constant 0 : i32
        %sign3A_242 = arith.cmpi sgt, %jit3A_232, %sign3A_241 : i32
        %sign3A_243 = arith.extui %sign3A_242 : i1 to i32
        %sign3A_244 = arith.constant 0 : i32
        %sign3A_245 = arith.cmpi slt, %jit3A_232, %sign3A_244 : i32
        %sign3A_246 = arith.extui %sign3A_245 : i1 to i32
        %sign3A_247 = arith.subi %sign3A_243, %sign3A_246 : i32
        %ne3A_248 = arith.cmpi ne, %sign3A_240, %sign3A_247 : i32
        %rem3A_249 = arith.remsi %mul3A_105, %jit3A_232 : i32
        %ne3A_250 = arith.constant 0 : i32
        %ne3A_251 = arith.cmpi ne, %rem3A_249, %ne3A_250 : i32
        %and3A_252 = arith.andi %ne3A_248, %ne3A_251 : i1
        %sub3A_253 = arith.constant 1 : i32
        %sub3A_254 = arith.subi %div3A_233, %sub3A_253 : i32
        %select_n3A_255 = arith.select %and3A_252, %sub3A_254, %div3A_233 : i32
        %add3A_256 = arith.constant 0 : i32
        %add3A_257 = arith.addi %add3A_256, %select_n3A_255 : i32
        %add3A_258 = arith.constant 3 : i32
        %add3A_259 = arith.addi %add3A_257, %add3A_258 : i32
        %dma_start3A_260 = arith.constant 0 : i32
        %dma_start3A_261 = arith.constant 384 : i32
        %dma_start3A_262 = tpu.memref_slice %arg4[%dma_start3A_260, %dma_start3A_261] : memref<32x512xf32, #tpu.memory_space<vmem>> -> memref<8x128xf32, #tpu.memory_space<vmem>>
        %dma_start3A_263 = arith.constant 0 : i32
        %dma_start3A_264 = arith.constant 0 : i32
        %dma_start3A_265 = tpu.memref_slice %arg3[%add3A_259, %dma_start3A_263, %dma_start3A_264] : memref<31252x8x128xf32, #tpu.memory_space<hbm>> -> memref<1x8x128xf32, #tpu.memory_space<hbm>>
        %dma_start3A_266 = tpu.memref_squeeze %dma_start3A_265 : memref<1x8x128xf32, #tpu.memory_space<hbm>> -> memref<8x128xf32, #tpu.memory_space<hbm>>
        %dma_start3A_267 = arith.constant 0 : i32
        %dma_start3A_268 = arith.constant 0 : i32
        %dma_start3A_269 = tpu.memref_slice %arg3[%add3A_259, %dma_start3A_267, %dma_start3A_268] : memref<31252x8x128xf32, #tpu.memory_space<hbm>> -> memref<1x8x128xf32, #tpu.memory_space<hbm>>
        %dma_start3A_270 = tpu.memref_squeeze %dma_start3A_269 : memref<1x8x128xf32, #tpu.memory_space<hbm>> -> memref<8x128xf32, #tpu.memory_space<hbm>>
        %dma_start3A_271 = arith.constant 0 : i32
        %dma_start3A_272 = arith.constant 384 : i32
        %dma_start3A_273 = tpu.memref_slice %arg4[%dma_start3A_271, %dma_start3A_272] : memref<32x512xf32, #tpu.memory_space<vmem>> -> memref<8x128xf32, #tpu.memory_space<vmem>>
        tpu.enqueue_dma source(%dma_start3A_273 : memref<8x128xf32, #tpu.memory_space<vmem>>) target(%dma_start3A_270 : memref<8x128xf32, #tpu.memory_space<hbm>>) target_semaphore(%arg8 : memref<!tpu.dma_semaphore, #tpu.memory_space<semaphore_mem>>)
        %jit3A_274 = arith.constant 128 : i32
        %div3A_275 = arith.divsi %mul3A_105, %jit3A_274 : i32
        %sign3A_276 = arith.constant 0 : i32
        %sign3A_277 = arith.cmpi sgt, %mul3A_105, %sign3A_276 : i32
        %sign3A_278 = arith.extui %sign3A_277 : i1 to i32
        %sign3A_279 = arith.constant 0 : i32
        %sign3A_280 = arith.cmpi slt, %mul3A_105, %sign3A_279 : i32
        %sign3A_281 = arith.extui %sign3A_280 : i1 to i32
        %sign3A_282 = arith.subi %sign3A_278, %sign3A_281 : i32
        %sign3A_283 = arith.constant 0 : i32
        %sign3A_284 = arith.cmpi sgt, %jit3A_274, %sign3A_283 : i32
        %sign3A_285 = arith.extui %sign3A_284 : i1 to i32
        %sign3A_286 = arith.constant 0 : i32
        %sign3A_287 = arith.cmpi slt, %jit3A_274, %sign3A_286 : i32
        %sign3A_288 = arith.extui %sign3A_287 : i1 to i32
        %sign3A_289 = arith.subi %sign3A_285, %sign3A_288 : i32
        %ne3A_290 = arith.cmpi ne, %sign3A_282, %sign3A_289 : i32
        %rem3A_291 = arith.remsi %mul3A_105, %jit3A_274 : i32
        %ne3A_292 = arith.constant 0 : i32
        %ne3A_293 = arith.cmpi ne, %rem3A_291, %ne3A_292 : i32
        %and3A_294 = arith.andi %ne3A_290, %ne3A_293 : i1
        %sub3A_295 = arith.constant 1 : i32
        %sub3A_296 = arith.subi %div3A_275, %sub3A_295 : i32
        %select_n3A_297 = arith.select %and3A_294, %sub3A_296, %div3A_275 : i32
        %add3A_298 = arith.constant 7813 : i32
        %add3A_299 = arith.addi %add3A_298, %select_n3A_297 : i32
        %add3A_300 = arith.constant 0 : i32
        %add3A_301 = arith.addi %add3A_299, %add3A_300 : i32
        %dma_start3A_302 = arith.constant 8 : i32
        %dma_start3A_303 = arith.constant 0 : i32
        %dma_start3A_304 = tpu.memref_slice %arg4[%dma_start3A_302, %dma_start3A_303] : memref<32x512xf32, #tpu.memory_space<vmem>> -> memref<8x128xf32, #tpu.memory_space<vmem>>
        %dma_start3A_305 = arith.constant 0 : i32
        %dma_start3A_306 = arith.constant 0 : i32
        %dma_start3A_307 = tpu.memref_slice %arg3[%add3A_301, %dma_start3A_305, %dma_start3A_306] : memref<31252x8x128xf32, #tpu.memory_space<hbm>> -> memref<1x8x128xf32, #tpu.memory_space<hbm>>
        %dma_start3A_308 = tpu.memref_squeeze %dma_start3A_307 : memref<1x8x128xf32, #tpu.memory_space<hbm>> -> memref<8x128xf32, #tpu.memory_space<hbm>>
        %dma_start3A_309 = arith.constant 0 : i32
        %dma_start3A_310 = arith.constant 0 : i32
        %dma_start3A_311 = tpu.memref_slice %arg3[%add3A_301, %dma_start3A_309, %dma_start3A_310] : memref<31252x8x128xf32, #tpu.memory_space<hbm>> -> memref<1x8x128xf32, #tpu.memory_space<hbm>>
        %dma_start3A_312 = tpu.memref_squeeze %dma_start3A_311 : memref<1x8x128xf32, #tpu.memory_space<hbm>> -> memref<8x128xf32, #tpu.memory_space<hbm>>
        %dma_start3A_313 = arith.constant 8 : i32
        %dma_start3A_314 = arith.constant 0 : i32
        %dma_start3A_315 = tpu.memref_slice %arg4[%dma_start3A_313, %dma_start3A_314] : memref<32x512xf32, #tpu.memory_space<vmem>> -> memref<8x128xf32, #tpu.memory_space<vmem>>
        tpu.enqueue_dma source(%dma_start3A_315 : memref<8x128xf32, #tpu.memory_space<vmem>>) target(%dma_start3A_312 : memref<8x128xf32, #tpu.memory_space<hbm>>) target_semaphore(%arg8 : memref<!tpu.dma_semaphore, #tpu.memory_space<semaphore_mem>>)
        %jit3A_316 = arith.constant 128 : i32
        %div3A_317 = arith.divsi %mul3A_105, %jit3A_316 : i32
        %sign3A_318 = arith.constant 0 : i32
        %sign3A_319 = arith.cmpi sgt, %mul3A_105, %sign3A_318 : i32
        %sign3A_320 = arith.extui %sign3A_319 : i1 to i32
        %sign3A_321 = arith.constant 0 : i32
        %sign3A_322 = arith.cmpi slt, %mul3A_105, %sign3A_321 : i32
        %sign3A_323 = arith.extui %sign3A_322 : i1 to i32
        %sign3A_324 = arith.subi %sign3A_320, %sign3A_323 : i32
        %sign3A_325 = arith.constant 0 : i32
        %sign3A_326 = arith.cmpi sgt, %jit3A_316, %sign3A_325 : i32
        %sign3A_327 = arith.extui %sign3A_326 : i1 to i32
        %sign3A_328 = arith.constant 0 : i32
        %sign3A_329 = arith.cmpi slt, %jit3A_316, %sign3A_328 : i32
        %sign3A_330 = arith.extui %sign3A_329 : i1 to i32
        %sign3A_331 = arith.subi %sign3A_327, %sign3A_330 : i32
        %ne3A_332 = arith.cmpi ne, %sign3A_324, %sign3A_331 : i32
        %rem3A_333 = arith.remsi %mul3A_105, %jit3A_316 : i32
        %ne3A_334 = arith.constant 0 : i32
        %ne3A_335 = arith.cmpi ne, %rem3A_333, %ne3A_334 : i32
        %and3A_336 = arith.andi %ne3A_332, %ne3A_335 : i1
        %sub3A_337 = arith.constant 1 : i32
        %sub3A_338 = arith.subi %div3A_317, %sub3A_337 : i32
        %select_n3A_339 = arith.select %and3A_336, %sub3A_338, %div3A_317 : i32
        %add3A_340 = arith.constant 7813 : i32
        %add3A_341 = arith.addi %add3A_340, %select_n3A_339 : i32
        %add3A_342 = arith.constant 1 : i32
        %add3A_343 = arith.addi %add3A_341, %add3A_342 : i32
        %dma_start3A_344 = arith.constant 8 : i32
        %dma_start3A_345 = arith.constant 128 : i32
        %dma_start3A_346 = tpu.memref_slice %arg4[%dma_start3A_344, %dma_start3A_345] : memref<32x512xf32, #tpu.memory_space<vmem>> -> memref<8x128xf32, #tpu.memory_space<vmem>>
        %dma_start3A_347 = arith.constant 0 : i32
        %dma_start3A_348 = arith.constant 0 : i32
        %dma_start3A_349 = tpu.memref_slice %arg3[%add3A_343, %dma_start3A_347, %dma_start3A_348] : memref<31252x8x128xf32, #tpu.memory_space<hbm>> -> memref<1x8x128xf32, #tpu.memory_space<hbm>>
        %dma_start3A_350 = tpu.memref_squeeze %dma_start3A_349 : memref<1x8x128xf32, #tpu.memory_space<hbm>> -> memref<8x128xf32, #tpu.memory_space<hbm>>
        %dma_start3A_351 = arith.constant 0 : i32
        %dma_start3A_352 = arith.constant 0 : i32
        %dma_start3A_353 = tpu.memref_slice %arg3[%add3A_343, %dma_start3A_351, %dma_start3A_352] : memref<31252x8x128xf32, #tpu.memory_space<hbm>> -> memref<1x8x128xf32, #tpu.memory_space<hbm>>
        %dma_start3A_354 = tpu.memref_squeeze %dma_start3A_353 : memref<1x8x128xf32, #tpu.memory_space<hbm>> -> memref<8x128xf32, #tpu.memory_space<hbm>>
        %dma_start3A_355 = arith.constant 8 : i32
        %dma_start3A_356 = arith.constant 128 : i32
        %dma_start3A_357 = tpu.memref_slice %arg4[%dma_start3A_355, %dma_start3A_356] : memref<32x512xf32, #tpu.memory_space<vmem>> -> memref<8x128xf32, #tpu.memory_space<vmem>>
        tpu.enqueue_dma source(%dma_start3A_357 : memref<8x128xf32, #tpu.memory_space<vmem>>) target(%dma_start3A_354 : memref<8x128xf32, #tpu.memory_space<hbm>>) target_semaphore(%arg8 : memref<!tpu.dma_semaphore, #tpu.memory_space<semaphore_mem>>)
        %jit3A_358 = arith.constant 128 : i32
        %div3A_359 = arith.divsi %mul3A_105, %jit3A_358 : i32
        %sign3A_360 = arith.constant 0 : i32
        %sign3A_361 = arith.cmpi sgt, %mul3A_105, %sign3A_360 : i32
        %sign3A_362 = arith.extui %sign3A_361 : i1 to i32
        %sign3A_363 = arith.constant 0 : i32
        %sign3A_364 = arith.cmpi slt, %mul3A_105, %sign3A_363 : i32
        %sign3A_365 = arith.extui %sign3A_364 : i1 to i32
        %sign3A_366 = arith.subi %sign3A_362, %sign3A_365 : i32
        %sign3A_367 = arith.constant 0 : i32
        %sign3A_368 = arith.cmpi sgt, %jit3A_358, %sign3A_367 : i32
        %sign3A_369 = arith.extui %sign3A_368 : i1 to i32
        %sign3A_370 = arith.constant 0 : i32
        %sign3A_371 = arith.cmpi slt, %jit3A_358, %sign3A_370 : i32
        %sign3A_372 = arith.extui %sign3A_371 : i1 to i32
        %sign3A_373 = arith.subi %sign3A_369, %sign3A_372 : i32
        %ne3A_374 = arith.cmpi ne, %sign3A_366, %sign3A_373 : i32
        %rem3A_375 = arith.remsi %mul3A_105, %jit3A_358 : i32
        %ne3A_376 = arith.constant 0 : i32
        %ne3A_377 = arith.cmpi ne, %rem3A_375, %ne3A_376 : i32
        %and3A_378 = arith.andi %ne3A_374, %ne3A_377 : i1
        %sub3A_379 = arith.constant 1 : i32
        %sub3A_380 = arith.subi %div3A_359, %sub3A_379 : i32
        %select_n3A_381 = arith.select %and3A_378, %sub3A_380, %div3A_359 : i32
        %add3A_382 = arith.constant 7813 : i32
        %add3A_383 = arith.addi %add3A_382, %select_n3A_381 : i32
        %add3A_384 = arith.constant 2 : i32
        %add3A_385 = arith.addi %add3A_383, %add3A_384 : i32
        %dma_start3A_386 = arith.constant 8 : i32
        %dma_start3A_387 = arith.constant 256 : i32
        %dma_start3A_388 = tpu.memref_slice %arg4[%dma_start3A_386, %dma_start3A_387] : memref<32x512xf32, #tpu.memory_space<vmem>> -> memref<8x128xf32, #tpu.memory_space<vmem>>
        %dma_start3A_389 = arith.constant 0 : i32
        %dma_start3A_390 = arith.constant 0 : i32
        %dma_start3A_391 = tpu.memref_slice %arg3[%add3A_385, %dma_start3A_389, %dma_start3A_390] : memref<31252x8x128xf32, #tpu.memory_space<hbm>> -> memref<1x8x128xf32, #tpu.memory_space<hbm>>
        %dma_start3A_392 = tpu.memref_squeeze %dma_start3A_391 : memref<1x8x128xf32, #tpu.memory_space<hbm>> -> memref<8x128xf32, #tpu.memory_space<hbm>>
        %dma_start3A_393 = arith.constant 0 : i32
        %dma_start3A_394 = arith.constant 0 : i32
        %dma_start3A_395 = tpu.memref_slice %arg3[%add3A_385, %dma_start3A_393, %dma_start3A_394] : memref<31252x8x128xf32, #tpu.memory_space<hbm>> -> memref<1x8x128xf32, #tpu.memory_space<hbm>>
        %dma_start3A_396 = tpu.memref_squeeze %dma_start3A_395 : memref<1x8x128xf32, #tpu.memory_space<hbm>> -> memref<8x128xf32, #tpu.memory_space<hbm>>
        %dma_start3A_397 = arith.constant 8 : i32
        %dma_start3A_398 = arith.constant 256 : i32
        %dma_start3A_399 = tpu.memref_slice %arg4[%dma_start3A_397, %dma_start3A_398] : memref<32x512xf32, #tpu.memory_space<vmem>> -> memref<8x128xf32, #tpu.memory_space<vmem>>
        tpu.enqueue_dma source(%dma_start3A_399 : memref<8x128xf32, #tpu.memory_space<vmem>>) target(%dma_start3A_396 : memref<8x128xf32, #tpu.memory_space<hbm>>) target_semaphore(%arg8 : memref<!tpu.dma_semaphore, #tpu.memory_space<semaphore_mem>>)
        %jit3A_400 = arith.constant 128 : i32
        %div3A_401 = arith.divsi %mul3A_105, %jit3A_400 : i32
        %sign3A_402 = arith.constant 0 : i32
        %sign3A_403 = arith.cmpi sgt, %mul3A_105, %sign3A_402 : i32
        %sign3A_404 = arith.extui %sign3A_403 : i1 to i32
        %sign3A_405 = arith.constant 0 : i32
        %sign3A_406 = arith.cmpi slt, %mul3A_105, %sign3A_405 : i32
        %sign3A_407 = arith.extui %sign3A_406 : i1 to i32
        %sign3A_408 = arith.subi %sign3A_404, %sign3A_407 : i32
        %sign3A_409 = arith.constant 0 : i32
        %sign3A_410 = arith.cmpi sgt, %jit3A_400, %sign3A_409 : i32
        %sign3A_411 = arith.extui %sign3A_410 : i1 to i32
        %sign3A_412 = arith.constant 0 : i32
        %sign3A_413 = arith.cmpi slt, %jit3A_400, %sign3A_412 : i32
        %sign3A_414 = arith.extui %sign3A_413 : i1 to i32
        %sign3A_415 = arith.subi %sign3A_411, %sign3A_414 : i32
        %ne3A_416 = arith.cmpi ne, %sign3A_408, %sign3A_415 : i32
        %rem3A_417 = arith.remsi %mul3A_105, %jit3A_400 : i32
        %ne3A_418 = arith.constant 0 : i32
        %ne3A_419 = arith.cmpi ne, %rem3A_417, %ne3A_418 : i32
        %and3A_420 = arith.andi %ne3A_416, %ne3A_419 : i1
        %sub3A_421 = arith.constant 1 : i32
        %sub3A_422 = arith.subi %div3A_401, %sub3A_421 : i32
        %select_n3A_423 = arith.select %and3A_420, %sub3A_422, %div3A_401 : i32
        %add3A_424 = arith.constant 7813 : i32
        %add3A_425 = arith.addi %add3A_424, %select_n3A_423 : i32
        %add3A_426 = arith.constant 3 : i32
        %add3A_427 = arith.addi %add3A_425, %add3A_426 : i32
        %dma_start3A_428 = arith.constant 8 : i32
        %dma_start3A_429 = arith.constant 384 : i32
        %dma_start3A_430 = tpu.memref_slice %arg4[%dma_start3A_428, %dma_start3A_429] : memref<32x512xf32, #tpu.memory_space<vmem>> -> memref<8x128xf32, #tpu.memory_space<vmem>>
        %dma_start3A_431 = arith.constant 0 : i32
        %dma_start3A_432 = arith.constant 0 : i32
        %dma_start3A_433 = tpu.memref_slice %arg3[%add3A_427, %dma_start3A_431, %dma_start3A_432] : memref<31252x8x128xf32, #tpu.memory_space<hbm>> -> memref<1x8x128xf32, #tpu.memory_space<hbm>>
        %dma_start3A_434 = tpu.memref_squeeze %dma_start3A_433 : memref<1x8x128xf32, #tpu.memory_space<hbm>> -> memref<8x128xf32, #tpu.memory_space<hbm>>
        %dma_start3A_435 = arith.constant 0 : i32
        %dma_start3A_436 = arith.constant 0 : i32
        %dma_start3A_437 = tpu.memref_slice %arg3[%add3A_427, %dma_start3A_435, %dma_start3A_436] : memref<31252x8x128xf32, #tpu.memory_space<hbm>> -> memref<1x8x128xf32, #tpu.memory_space<hbm>>
        %dma_start3A_438 = tpu.memref_squeeze %dma_start3A_437 : memref<1x8x128xf32, #tpu.memory_space<hbm>> -> memref<8x128xf32, #tpu.memory_space<hbm>>
        %dma_start3A_439 = arith.constant 8 : i32
        %dma_start3A_440 = arith.constant 384 : i32
        %dma_start3A_441 = tpu.memref_slice %arg4[%dma_start3A_439, %dma_start3A_440] : memref<32x512xf32, #tpu.memory_space<vmem>> -> memref<8x128xf32, #tpu.memory_space<vmem>>
        tpu.enqueue_dma source(%dma_start3A_441 : memref<8x128xf32, #tpu.memory_space<vmem>>) target(%dma_start3A_438 : memref<8x128xf32, #tpu.memory_space<hbm>>) target_semaphore(%arg8 : memref<!tpu.dma_semaphore, #tpu.memory_space<semaphore_mem>>)
        %jit3A_442 = arith.constant 128 : i32
        %div3A_443 = arith.divsi %mul3A_105, %jit3A_442 : i32
        %sign3A_444 = arith.constant 0 : i32
        %sign3A_445 = arith.cmpi sgt, %mul3A_105, %sign3A_444 : i32
        %sign3A_446 = arith.extui %sign3A_445 : i1 to i32
        %sign3A_447 = arith.constant 0 : i32
        %sign3A_448 = arith.cmpi slt, %mul3A_105, %sign3A_447 : i32
        %sign3A_449 = arith.extui %sign3A_448 : i1 to i32
        %sign3A_450 = arith.subi %sign3A_446, %sign3A_449 : i32
        %sign3A_451 = arith.constant 0 : i32
        %sign3A_452 = arith.cmpi sgt, %jit3A_442, %sign3A_451 : i32
        %sign3A_453 = arith.extui %sign3A_452 : i1 to i32
        %sign3A_454 = arith.constant 0 : i32
        %sign3A_455 = arith.cmpi slt, %jit3A_442, %sign3A_454 : i32
        %sign3A_456 = arith.extui %sign3A_455 : i1 to i32
        %sign3A_457 = arith.subi %sign3A_453, %sign3A_456 : i32
        %ne3A_458 = arith.cmpi ne, %sign3A_450, %sign3A_457 : i32
        %rem3A_459 = arith.remsi %mul3A_105, %jit3A_442 : i32
        %ne3A_460 = arith.constant 0 : i32
        %ne3A_461 = arith.cmpi ne, %rem3A_459, %ne3A_460 : i32
        %and3A_462 = arith.andi %ne3A_458, %ne3A_461 : i1
        %sub3A_463 = arith.constant 1 : i32
        %sub3A_464 = arith.subi %div3A_443, %sub3A_463 : i32
        %select_n3A_465 = arith.select %and3A_462, %sub3A_464, %div3A_443 : i32
        %add3A_466 = arith.constant 15626 : i32
        %add3A_467 = arith.addi %add3A_466, %select_n3A_465 : i32
        %add3A_468 = arith.constant 0 : i32
        %add3A_469 = arith.addi %add3A_467, %add3A_468 : i32
        %dma_start3A_470 = arith.constant 16 : i32
        %dma_start3A_471 = arith.constant 0 : i32
        %dma_start3A_472 = tpu.memref_slice %arg4[%dma_start3A_470, %dma_start3A_471] : memref<32x512xf32, #tpu.memory_space<vmem>> -> memref<8x128xf32, #tpu.memory_space<vmem>>
        %dma_start3A_473 = arith.constant 0 : i32
        %dma_start3A_474 = arith.constant 0 : i32
        %dma_start3A_475 = tpu.memref_slice %arg3[%add3A_469, %dma_start3A_473, %dma_start3A_474] : memref<31252x8x128xf32, #tpu.memory_space<hbm>> -> memref<1x8x128xf32, #tpu.memory_space<hbm>>
        %dma_start3A_476 = tpu.memref_squeeze %dma_start3A_475 : memref<1x8x128xf32, #tpu.memory_space<hbm>> -> memref<8x128xf32, #tpu.memory_space<hbm>>
        %dma_start3A_477 = arith.constant 0 : i32
        %dma_start3A_478 = arith.constant 0 : i32
        %dma_start3A_479 = tpu.memref_slice %arg3[%add3A_469, %dma_start3A_477, %dma_start3A_478] : memref<31252x8x128xf32, #tpu.memory_space<hbm>> -> memref<1x8x128xf32, #tpu.memory_space<hbm>>
        %dma_start3A_480 = tpu.memref_squeeze %dma_start3A_479 : memref<1x8x128xf32, #tpu.memory_space<hbm>> -> memref<8x128xf32, #tpu.memory_space<hbm>>
        %dma_start3A_481 = arith.constant 16 : i32
        %dma_start3A_482 = arith.constant 0 : i32
        %dma_start3A_483 = tpu.memref_slice %arg4[%dma_start3A_481, %dma_start3A_482] : memref<32x512xf32, #tpu.memory_space<vmem>> -> memref<8x128xf32, #tpu.memory_space<vmem>>
        tpu.enqueue_dma source(%dma_start3A_483 : memref<8x128xf32, #tpu.memory_space<vmem>>) target(%dma_start3A_480 : memref<8x128xf32, #tpu.memory_space<hbm>>) target_semaphore(%arg8 : memref<!tpu.dma_semaphore, #tpu.memory_space<semaphore_mem>>)
        %jit3A_484 = arith.constant 128 : i32
        %div3A_485 = arith.divsi %mul3A_105, %jit3A_484 : i32
        %sign3A_486 = arith.constant 0 : i32
        %sign3A_487 = arith.cmpi sgt, %mul3A_105, %sign3A_486 : i32
        %sign3A_488 = arith.extui %sign3A_487 : i1 to i32
        %sign3A_489 = arith.constant 0 : i32
        %sign3A_490 = arith.cmpi slt, %mul3A_105, %sign3A_489 : i32
        %sign3A_491 = arith.extui %sign3A_490 : i1 to i32
        %sign3A_492 = arith.subi %sign3A_488, %sign3A_491 : i32
        %sign3A_493 = arith.constant 0 : i32
        %sign3A_494 = arith.cmpi sgt, %jit3A_484, %sign3A_493 : i32
        %sign3A_495 = arith.extui %sign3A_494 : i1 to i32
        %sign3A_496 = arith.constant 0 : i32
        %sign3A_497 = arith.cmpi slt, %jit3A_484, %sign3A_496 : i32
        %sign3A_498 = arith.extui %sign3A_497 : i1 to i32
        %sign3A_499 = arith.subi %sign3A_495, %sign3A_498 : i32
        %ne3A_500 = arith.cmpi ne, %sign3A_492, %sign3A_499 : i32
        %rem3A_501 = arith.remsi %mul3A_105, %jit3A_484 : i32
        %ne3A_502 = arith.constant 0 : i32
        %ne3A_503 = arith.cmpi ne, %rem3A_501, %ne3A_502 : i32
        %and3A_504 = arith.andi %ne3A_500, %ne3A_503 : i1
        %sub3A_505 = arith.constant 1 : i32
        %sub3A_506 = arith.subi %div3A_485, %sub3A_505 : i32
        %select_n3A_507 = arith.select %and3A_504, %sub3A_506, %div3A_485 : i32
        %add3A_508 = arith.constant 15626 : i32
        %add3A_509 = arith.addi %add3A_508, %select_n3A_507 : i32
        %add3A_510 = arith.constant 1 : i32
        %add3A_511 = arith.addi %add3A_509, %add3A_510 : i32
        %dma_start3A_512 = arith.constant 16 : i32
        %dma_start3A_513 = arith.constant 128 : i32
        %dma_start3A_514 = tpu.memref_slice %arg4[%dma_start3A_512, %dma_start3A_513] : memref<32x512xf32, #tpu.memory_space<vmem>> -> memref<8x128xf32, #tpu.memory_space<vmem>>
        %dma_start3A_515 = arith.constant 0 : i32
        %dma_start3A_516 = arith.constant 0 : i32
        %dma_start3A_517 = tpu.memref_slice %arg3[%add3A_511, %dma_start3A_515, %dma_start3A_516] : memref<31252x8x128xf32, #tpu.memory_space<hbm>> -> memref<1x8x128xf32, #tpu.memory_space<hbm>>
        %dma_start3A_518 = tpu.memref_squeeze %dma_start3A_517 : memref<1x8x128xf32, #tpu.memory_space<hbm>> -> memref<8x128xf32, #tpu.memory_space<hbm>>
        %dma_start3A_519 = arith.constant 0 : i32
        %dma_start3A_520 = arith.constant 0 : i32
        %dma_start3A_521 = tpu.memref_slice %arg3[%add3A_511, %dma_start3A_519, %dma_start3A_520] : memref<31252x8x128xf32, #tpu.memory_space<hbm>> -> memref<1x8x128xf32, #tpu.memory_space<hbm>>
        %dma_start3A_522 = tpu.memref_squeeze %dma_start3A_521 : memref<1x8x128xf32, #tpu.memory_space<hbm>> -> memref<8x128xf32, #tpu.memory_space<hbm>>
        %dma_start3A_523 = arith.constant 16 : i32
        %dma_start3A_524 = arith.constant 128 : i32
        %dma_start3A_525 = tpu.memref_slice %arg4[%dma_start3A_523, %dma_start3A_524] : memref<32x512xf32, #tpu.memory_space<vmem>> -> memref<8x128xf32, #tpu.memory_space<vmem>>
        tpu.enqueue_dma source(%dma_start3A_525 : memref<8x128xf32, #tpu.memory_space<vmem>>) target(%dma_start3A_522 : memref<8x128xf32, #tpu.memory_space<hbm>>) target_semaphore(%arg8 : memref<!tpu.dma_semaphore, #tpu.memory_space<semaphore_mem>>)
        %jit3A_526 = arith.constant 128 : i32
        %div3A_527 = arith.divsi %mul3A_105, %jit3A_526 : i32
        %sign3A_528 = arith.constant 0 : i32
        %sign3A_529 = arith.cmpi sgt, %mul3A_105, %sign3A_528 : i32
        %sign3A_530 = arith.extui %sign3A_529 : i1 to i32
        %sign3A_531 = arith.constant 0 : i32
        %sign3A_532 = arith.cmpi slt, %mul3A_105, %sign3A_531 : i32
        %sign3A_533 = arith.extui %sign3A_532 : i1 to i32
        %sign3A_534 = arith.subi %sign3A_530, %sign3A_533 : i32
        %sign3A_535 = arith.constant 0 : i32
        %sign3A_536 = arith.cmpi sgt, %jit3A_526, %sign3A_535 : i32
        %sign3A_537 = arith.extui %sign3A_536 : i1 to i32
        %sign3A_538 = arith.constant 0 : i32
        %sign3A_539 = arith.cmpi slt, %jit3A_526, %sign3A_538 : i32
        %sign3A_540 = arith.extui %sign3A_539 : i1 to i32
        %sign3A_541 = arith.subi %sign3A_537, %sign3A_540 : i32
        %ne3A_542 = arith.cmpi ne, %sign3A_534, %sign3A_541 : i32
        %rem3A_543 = arith.remsi %mul3A_105, %jit3A_526 : i32
        %ne3A_544 = arith.constant 0 : i32
        %ne3A_545 = arith.cmpi ne, %rem3A_543, %ne3A_544 : i32
        %and3A_546 = arith.andi %ne3A_542, %ne3A_545 : i1
        %sub3A_547 = arith.constant 1 : i32
        %sub3A_548 = arith.subi %div3A_527, %sub3A_547 : i32
        %select_n3A_549 = arith.select %and3A_546, %sub3A_548, %div3A_527 : i32
        %add3A_550 = arith.constant 15626 : i32
        %add3A_551 = arith.addi %add3A_550, %select_n3A_549 : i32
        %add3A_552 = arith.constant 2 : i32
        %add3A_553 = arith.addi %add3A_551, %add3A_552 : i32
        %dma_start3A_554 = arith.constant 16 : i32
        %dma_start3A_555 = arith.constant 256 : i32
        %dma_start3A_556 = tpu.memref_slice %arg4[%dma_start3A_554, %dma_start3A_555] : memref<32x512xf32, #tpu.memory_space<vmem>> -> memref<8x128xf32, #tpu.memory_space<vmem>>
        %dma_start3A_557 = arith.constant 0 : i32
        %dma_start3A_558 = arith.constant 0 : i32
        %dma_start3A_559 = tpu.memref_slice %arg3[%add3A_553, %dma_start3A_557, %dma_start3A_558] : memref<31252x8x128xf32, #tpu.memory_space<hbm>> -> memref<1x8x128xf32, #tpu.memory_space<hbm>>
        %dma_start3A_560 = tpu.memref_squeeze %dma_start3A_559 : memref<1x8x128xf32, #tpu.memory_space<hbm>> -> memref<8x128xf32, #tpu.memory_space<hbm>>
        %dma_start3A_561 = arith.constant 0 : i32
        %dma_start3A_562 = arith.constant 0 : i32
        %dma_start3A_563 = tpu.memref_slice %arg3[%add3A_553, %dma_start3A_561, %dma_start3A_562] : memref<31252x8x128xf32, #tpu.memory_space<hbm>> -> memref<1x8x128xf32, #tpu.memory_space<hbm>>
        %dma_start3A_564 = tpu.memref_squeeze %dma_start3A_563 : memref<1x8x128xf32, #tpu.memory_space<hbm>> -> memref<8x128xf32, #tpu.memory_space<hbm>>
        %dma_start3A_565 = arith.constant 16 : i32
        %dma_start3A_566 = arith.constant 256 : i32
        %dma_start3A_567 = tpu.memref_slice %arg4[%dma_start3A_565, %dma_start3A_566] : memref<32x512xf32, #tpu.memory_space<vmem>> -> memref<8x128xf32, #tpu.memory_space<vmem>>
        tpu.enqueue_dma source(%dma_start3A_567 : memref<8x128xf32, #tpu.memory_space<vmem>>) target(%dma_start3A_564 : memref<8x128xf32, #tpu.memory_space<hbm>>) target_semaphore(%arg8 : memref<!tpu.dma_semaphore, #tpu.memory_space<semaphore_mem>>)
        %jit3A_568 = arith.constant 128 : i32
        %div3A_569 = arith.divsi %mul3A_105, %jit3A_568 : i32
        %sign3A_570 = arith.constant 0 : i32
        %sign3A_571 = arith.cmpi sgt, %mul3A_105, %sign3A_570 : i32
        %sign3A_572 = arith.extui %sign3A_571 : i1 to i32
        %sign3A_573 = arith.constant 0 : i32
        %sign3A_574 = arith.cmpi slt, %mul3A_105, %sign3A_573 : i32
        %sign3A_575 = arith.extui %sign3A_574 : i1 to i32
        %sign3A_576 = arith.subi %sign3A_572, %sign3A_575 : i32
        %sign3A_577 = arith.constant 0 : i32
        %sign3A_578 = arith.cmpi sgt, %jit3A_568, %sign3A_577 : i32
        %sign3A_579 = arith.extui %sign3A_578 : i1 to i32
        %sign3A_580 = arith.constant 0 : i32
        %sign3A_581 = arith.cmpi slt, %jit3A_568, %sign3A_580 : i32
        %sign3A_582 = arith.extui %sign3A_581 : i1 to i32
        %sign3A_583 = arith.subi %sign3A_579, %sign3A_582 : i32
        %ne3A_584 = arith.cmpi ne, %sign3A_576, %sign3A_583 : i32
        %rem3A_585 = arith.remsi %mul3A_105, %jit3A_568 : i32
        %ne3A_586 = arith.constant 0 : i32
        %ne3A_587 = arith.cmpi ne, %rem3A_585, %ne3A_586 : i32
        %and3A_588 = arith.andi %ne3A_584, %ne3A_587 : i1
        %sub3A_589 = arith.constant 1 : i32
        %sub3A_590 = arith.subi %div3A_569, %sub3A_589 : i32
        %select_n3A_591 = arith.select %and3A_588, %sub3A_590, %div3A_569 : i32
        %add3A_592 = arith.constant 15626 : i32
        %add3A_593 = arith.addi %add3A_592, %select_n3A_591 : i32
        %add3A_594 = arith.constant 3 : i32
        %add3A_595 = arith.addi %add3A_593, %add3A_594 : i32
        %dma_start3A_596 = arith.constant 16 : i32
        %dma_start3A_597 = arith.constant 384 : i32
        %dma_start3A_598 = tpu.memref_slice %arg4[%dma_start3A_596, %dma_start3A_597] : memref<32x512xf32, #tpu.memory_space<vmem>> -> memref<8x128xf32, #tpu.memory_space<vmem>>
        %dma_start3A_599 = arith.constant 0 : i32
        %dma_start3A_600 = arith.constant 0 : i32
        %dma_start3A_601 = tpu.memref_slice %arg3[%add3A_595, %dma_start3A_599, %dma_start3A_600] : memref<31252x8x128xf32, #tpu.memory_space<hbm>> -> memref<1x8x128xf32, #tpu.memory_space<hbm>>
        %dma_start3A_602 = tpu.memref_squeeze %dma_start3A_601 : memref<1x8x128xf32, #tpu.memory_space<hbm>> -> memref<8x128xf32, #tpu.memory_space<hbm>>
        %dma_start3A_603 = arith.constant 0 : i32
        %dma_start3A_604 = arith.constant 0 : i32
        %dma_start3A_605 = tpu.memref_slice %arg3[%add3A_595, %dma_start3A_603, %dma_start3A_604] : memref<31252x8x128xf32, #tpu.memory_space<hbm>> -> memref<1x8x128xf32, #tpu.memory_space<hbm>>
        %dma_start3A_606 = tpu.memref_squeeze %dma_start3A_605 : memref<1x8x128xf32, #tpu.memory_space<hbm>> -> memref<8x128xf32, #tpu.memory_space<hbm>>
        %dma_start3A_607 = arith.constant 16 : i32
        %dma_start3A_608 = arith.constant 384 : i32
        %dma_start3A_609 = tpu.memref_slice %arg4[%dma_start3A_607, %dma_start3A_608] : memref<32x512xf32, #tpu.memory_space<vmem>> -> memref<8x128xf32, #tpu.memory_space<vmem>>
        tpu.enqueue_dma source(%dma_start3A_609 : memref<8x128xf32, #tpu.memory_space<vmem>>) target(%dma_start3A_606 : memref<8x128xf32, #tpu.memory_space<hbm>>) target_semaphore(%arg8 : memref<!tpu.dma_semaphore, #tpu.memory_space<semaphore_mem>>)
        %jit3A_610 = arith.constant 128 : i32
        %div3A_611 = arith.divsi %mul3A_105, %jit3A_610 : i32
        %sign3A_612 = arith.constant 0 : i32
        %sign3A_613 = arith.cmpi sgt, %mul3A_105, %sign3A_612 : i32
        %sign3A_614 = arith.extui %sign3A_613 : i1 to i32
        %sign3A_615 = arith.constant 0 : i32
        %sign3A_616 = arith.cmpi slt, %mul3A_105, %sign3A_615 : i32
        %sign3A_617 = arith.extui %sign3A_616 : i1 to i32
        %sign3A_618 = arith.subi %sign3A_614, %sign3A_617 : i32
        %sign3A_619 = arith.constant 0 : i32
        %sign3A_620 = arith.cmpi sgt, %jit3A_610, %sign3A_619 : i32
        %sign3A_621 = arith.extui %sign3A_620 : i1 to i32
        %sign3A_622 = arith.constant 0 : i32
        %sign3A_623 = arith.cmpi slt, %jit3A_610, %sign3A_622 : i32
        %sign3A_624 = arith.extui %sign3A_623 : i1 to i32
        %sign3A_625 = arith.subi %sign3A_621, %sign3A_624 : i32
        %ne3A_626 = arith.cmpi ne, %sign3A_618, %sign3A_625 : i32
        %rem3A_627 = arith.remsi %mul3A_105, %jit3A_610 : i32
        %ne3A_628 = arith.constant 0 : i32
        %ne3A_629 = arith.cmpi ne, %rem3A_627, %ne3A_628 : i32
        %and3A_630 = arith.andi %ne3A_626, %ne3A_629 : i1
        %sub3A_631 = arith.constant 1 : i32
        %sub3A_632 = arith.subi %div3A_611, %sub3A_631 : i32
        %select_n3A_633 = arith.select %and3A_630, %sub3A_632, %div3A_611 : i32
        %add3A_634 = arith.constant 23439 : i32
        %add3A_635 = arith.addi %add3A_634, %select_n3A_633 : i32
        %add3A_636 = arith.constant 0 : i32
        %add3A_637 = arith.addi %add3A_635, %add3A_636 : i32
        %dma_start3A_638 = arith.constant 24 : i32
        %dma_start3A_639 = arith.constant 0 : i32
        %dma_start3A_640 = tpu.memref_slice %arg4[%dma_start3A_638, %dma_start3A_639] : memref<32x512xf32, #tpu.memory_space<vmem>> -> memref<8x128xf32, #tpu.memory_space<vmem>>
        %dma_start3A_641 = arith.constant 0 : i32
        %dma_start3A_642 = arith.constant 0 : i32
        %dma_start3A_643 = tpu.memref_slice %arg3[%add3A_637, %dma_start3A_641, %dma_start3A_642] : memref<31252x8x128xf32, #tpu.memory_space<hbm>> -> memref<1x8x128xf32, #tpu.memory_space<hbm>>
        %dma_start3A_644 = tpu.memref_squeeze %dma_start3A_643 : memref<1x8x128xf32, #tpu.memory_space<hbm>> -> memref<8x128xf32, #tpu.memory_space<hbm>>
        %dma_start3A_645 = arith.constant 0 : i32
        %dma_start3A_646 = arith.constant 0 : i32
        %dma_start3A_647 = tpu.memref_slice %arg3[%add3A_637, %dma_start3A_645, %dma_start3A_646] : memref<31252x8x128xf32, #tpu.memory_space<hbm>> -> memref<1x8x128xf32, #tpu.memory_space<hbm>>
        %dma_start3A_648 = tpu.memref_squeeze %dma_start3A_647 : memref<1x8x128xf32, #tpu.memory_space<hbm>> -> memref<8x128xf32, #tpu.memory_space<hbm>>
        %dma_start3A_649 = arith.constant 24 : i32
        %dma_start3A_650 = arith.constant 0 : i32
        %dma_start3A_651 = tpu.memref_slice %arg4[%dma_start3A_649, %dma_start3A_650] : memref<32x512xf32, #tpu.memory_space<vmem>> -> memref<8x128xf32, #tpu.memory_space<vmem>>
        tpu.enqueue_dma source(%dma_start3A_651 : memref<8x128xf32, #tpu.memory_space<vmem>>) target(%dma_start3A_648 : memref<8x128xf32, #tpu.memory_space<hbm>>) target_semaphore(%arg8 : memref<!tpu.dma_semaphore, #tpu.memory_space<semaphore_mem>>)
        %jit3A_652 = arith.constant 128 : i32
        %div3A_653 = arith.divsi %mul3A_105, %jit3A_652 : i32
        %sign3A_654 = arith.constant 0 : i32
        %sign3A_655 = arith.cmpi sgt, %mul3A_105, %sign3A_654 : i32
        %sign3A_656 = arith.extui %sign3A_655 : i1 to i32
        %sign3A_657 = arith.constant 0 : i32
        %sign3A_658 = arith.cmpi slt, %mul3A_105, %sign3A_657 : i32
        %sign3A_659 = arith.extui %sign3A_658 : i1 to i32
        %sign3A_660 = arith.subi %sign3A_656, %sign3A_659 : i32
        %sign3A_661 = arith.constant 0 : i32
        %sign3A_662 = arith.cmpi sgt, %jit3A_652, %sign3A_661 : i32
        %sign3A_663 = arith.extui %sign3A_662 : i1 to i32
        %sign3A_664 = arith.constant 0 : i32
        %sign3A_665 = arith.cmpi slt, %jit3A_652, %sign3A_664 : i32
        %sign3A_666 = arith.extui %sign3A_665 : i1 to i32
        %sign3A_667 = arith.subi %sign3A_663, %sign3A_666 : i32
        %ne3A_668 = arith.cmpi ne, %sign3A_660, %sign3A_667 : i32
        %rem3A_669 = arith.remsi %mul3A_105, %jit3A_652 : i32
        %ne3A_670 = arith.constant 0 : i32
        %ne3A_671 = arith.cmpi ne, %rem3A_669, %ne3A_670 : i32
        %and3A_672 = arith.andi %ne3A_668, %ne3A_671 : i1
        %sub3A_673 = arith.constant 1 : i32
        %sub3A_674 = arith.subi %div3A_653, %sub3A_673 : i32
        %select_n3A_675 = arith.select %and3A_672, %sub3A_674, %div3A_653 : i32
        %add3A_676 = arith.constant 23439 : i32
        %add3A_677 = arith.addi %add3A_676, %select_n3A_675 : i32
        %add3A_678 = arith.constant 1 : i32
        %add3A_679 = arith.addi %add3A_677, %add3A_678 : i32
        %dma_start3A_680 = arith.constant 24 : i32
        %dma_start3A_681 = arith.constant 128 : i32
        %dma_start3A_682 = tpu.memref_slice %arg4[%dma_start3A_680, %dma_start3A_681] : memref<32x512xf32, #tpu.memory_space<vmem>> -> memref<8x128xf32, #tpu.memory_space<vmem>>
        %dma_start3A_683 = arith.constant 0 : i32
        %dma_start3A_684 = arith.constant 0 : i32
        %dma_start3A_685 = tpu.memref_slice %arg3[%add3A_679, %dma_start3A_683, %dma_start3A_684] : memref<31252x8x128xf32, #tpu.memory_space<hbm>> -> memref<1x8x128xf32, #tpu.memory_space<hbm>>
        %dma_start3A_686 = tpu.memref_squeeze %dma_start3A_685 : memref<1x8x128xf32, #tpu.memory_space<hbm>> -> memref<8x128xf32, #tpu.memory_space<hbm>>
        %dma_start3A_687 = arith.constant 0 : i32
        %dma_start3A_688 = arith.constant 0 : i32
        %dma_start3A_689 = tpu.memref_slice %arg3[%add3A_679, %dma_start3A_687, %dma_start3A_688] : memref<31252x8x128xf32, #tpu.memory_space<hbm>> -> memref<1x8x128xf32, #tpu.memory_space<hbm>>
        %dma_start3A_690 = tpu.memref_squeeze %dma_start3A_689 : memref<1x8x128xf32, #tpu.memory_space<hbm>> -> memref<8x128xf32, #tpu.memory_space<hbm>>
        %dma_start3A_691 = arith.constant 24 : i32
        %dma_start3A_692 = arith.constant 128 : i32
        %dma_start3A_693 = tpu.memref_slice %arg4[%dma_start3A_691, %dma_start3A_692] : memref<32x512xf32, #tpu.memory_space<vmem>> -> memref<8x128xf32, #tpu.memory_space<vmem>>
        tpu.enqueue_dma source(%dma_start3A_693 : memref<8x128xf32, #tpu.memory_space<vmem>>) target(%dma_start3A_690 : memref<8x128xf32, #tpu.memory_space<hbm>>) target_semaphore(%arg8 : memref<!tpu.dma_semaphore, #tpu.memory_space<semaphore_mem>>)
        %jit3A_694 = arith.constant 128 : i32
        %div3A_695 = arith.divsi %mul3A_105, %jit3A_694 : i32
        %sign3A_696 = arith.constant 0 : i32
        %sign3A_697 = arith.cmpi sgt, %mul3A_105, %sign3A_696 : i32
        %sign3A_698 = arith.extui %sign3A_697 : i1 to i32
        %sign3A_699 = arith.constant 0 : i32
        %sign3A_700 = arith.cmpi slt, %mul3A_105, %sign3A_699 : i32
        %sign3A_701 = arith.extui %sign3A_700 : i1 to i32
        %sign3A_702 = arith.subi %sign3A_698, %sign3A_701 : i32
        %sign3A_703 = arith.constant 0 : i32
        %sign3A_704 = arith.cmpi sgt, %jit3A_694, %sign3A_703 : i32
        %sign3A_705 = arith.extui %sign3A_704 : i1 to i32
        %sign3A_706 = arith.constant 0 : i32
        %sign3A_707 = arith.cmpi slt, %jit3A_694, %sign3A_706 : i32
        %sign3A_708 = arith.extui %sign3A_707 : i1 to i32
        %sign3A_709 = arith.subi %sign3A_705, %sign3A_708 : i32
        %ne3A_710 = arith.cmpi ne, %sign3A_702, %sign3A_709 : i32
        %rem3A_711 = arith.remsi %mul3A_105, %jit3A_694 : i32
        %ne3A_712 = arith.constant 0 : i32
        %ne3A_713 = arith.cmpi ne, %rem3A_711, %ne3A_712 : i32
        %and3A_714 = arith.andi %ne3A_710, %ne3A_713 : i1
        %sub3A_715 = arith.constant 1 : i32
        %sub3A_716 = arith.subi %div3A_695, %sub3A_715 : i32
        %select_n3A_717 = arith.select %and3A_714, %sub3A_716, %div3A_695 : i32
        %add3A_718 = arith.constant 23439 : i32
        %add3A_719 = arith.addi %add3A_718, %select_n3A_717 : i32
        %add3A_720 = arith.constant 2 : i32
        %add3A_721 = arith.addi %add3A_719, %add3A_720 : i32
        %dma_start3A_722 = arith.constant 24 : i32
        %dma_start3A_723 = arith.constant 256 : i32
        %dma_start3A_724 = tpu.memref_slice %arg4[%dma_start3A_722, %dma_start3A_723] : memref<32x512xf32, #tpu.memory_space<vmem>> -> memref<8x128xf32, #tpu.memory_space<vmem>>
        %dma_start3A_725 = arith.constant 0 : i32
        %dma_start3A_726 = arith.constant 0 : i32
        %dma_start3A_727 = tpu.memref_slice %arg3[%add3A_721, %dma_start3A_725, %dma_start3A_726] : memref<31252x8x128xf32, #tpu.memory_space<hbm>> -> memref<1x8x128xf32, #tpu.memory_space<hbm>>
        %dma_start3A_728 = tpu.memref_squeeze %dma_start3A_727 : memref<1x8x128xf32, #tpu.memory_space<hbm>> -> memref<8x128xf32, #tpu.memory_space<hbm>>
        %dma_start3A_729 = arith.constant 0 : i32
        %dma_start3A_730 = arith.constant 0 : i32
        %dma_start3A_731 = tpu.memref_slice %arg3[%add3A_721, %dma_start3A_729, %dma_start3A_730] : memref<31252x8x128xf32, #tpu.memory_space<hbm>> -> memref<1x8x128xf32, #tpu.memory_space<hbm>>
        %dma_start3A_732 = tpu.memref_squeeze %dma_start3A_731 : memref<1x8x128xf32, #tpu.memory_space<hbm>> -> memref<8x128xf32, #tpu.memory_space<hbm>>
        %dma_start3A_733 = arith.constant 24 : i32
        %dma_start3A_734 = arith.constant 256 : i32
        %dma_start3A_735 = tpu.memref_slice %arg4[%dma_start3A_733, %dma_start3A_734] : memref<32x512xf32, #tpu.memory_space<vmem>> -> memref<8x128xf32, #tpu.memory_space<vmem>>
        tpu.enqueue_dma source(%dma_start3A_735 : memref<8x128xf32, #tpu.memory_space<vmem>>) target(%dma_start3A_732 : memref<8x128xf32, #tpu.memory_space<hbm>>) target_semaphore(%arg8 : memref<!tpu.dma_semaphore, #tpu.memory_space<semaphore_mem>>)
        %jit3A_736 = arith.constant 128 : i32
        %div3A_737 = arith.divsi %mul3A_105, %jit3A_736 : i32
        %sign3A_738 = arith.constant 0 : i32
        %sign3A_739 = arith.cmpi sgt, %mul3A_105, %sign3A_738 : i32
        %sign3A_740 = arith.extui %sign3A_739 : i1 to i32
        %sign3A_741 = arith.constant 0 : i32
        %sign3A_742 = arith.cmpi slt, %mul3A_105, %sign3A_741 : i32
        %sign3A_743 = arith.extui %sign3A_742 : i1 to i32
        %sign3A_744 = arith.subi %sign3A_740, %sign3A_743 : i32
        %sign3A_745 = arith.constant 0 : i32
        %sign3A_746 = arith.cmpi sgt, %jit3A_736, %sign3A_745 : i32
        %sign3A_747 = arith.extui %sign3A_746 : i1 to i32
        %sign3A_748 = arith.constant 0 : i32
        %sign3A_749 = arith.cmpi slt, %jit3A_736, %sign3A_748 : i32
        %sign3A_750 = arith.extui %sign3A_749 : i1 to i32
        %sign3A_751 = arith.subi %sign3A_747, %sign3A_750 : i32
        %ne3A_752 = arith.cmpi ne, %sign3A_744, %sign3A_751 : i32
        %rem3A_753 = arith.remsi %mul3A_105, %jit3A_736 : i32
        %ne3A_754 = arith.constant 0 : i32
        %ne3A_755 = arith.cmpi ne, %rem3A_753, %ne3A_754 : i32
        %and3A_756 = arith.andi %ne3A_752, %ne3A_755 : i1
        %sub3A_757 = arith.constant 1 : i32
        %sub3A_758 = arith.subi %div3A_737, %sub3A_757 : i32
        %select_n3A_759 = arith.select %and3A_756, %sub3A_758, %div3A_737 : i32
        %add3A_760 = arith.constant 23439 : i32
        %add3A_761 = arith.addi %add3A_760, %select_n3A_759 : i32
        %add3A_762 = arith.constant 3 : i32
        %add3A_763 = arith.addi %add3A_761, %add3A_762 : i32
        %dma_start3A_764 = arith.constant 24 : i32
        %dma_start3A_765 = arith.constant 384 : i32
        %dma_start3A_766 = tpu.memref_slice %arg4[%dma_start3A_764, %dma_start3A_765] : memref<32x512xf32, #tpu.memory_space<vmem>> -> memref<8x128xf32, #tpu.memory_space<vmem>>
        %dma_start3A_767 = arith.constant 0 : i32
        %dma_start3A_768 = arith.constant 0 : i32
        %dma_start3A_769 = tpu.memref_slice %arg3[%add3A_763, %dma_start3A_767, %dma_start3A_768] : memref<31252x8x128xf32, #tpu.memory_space<hbm>> -> memref<1x8x128xf32, #tpu.memory_space<hbm>>
        %dma_start3A_770 = tpu.memref_squeeze %dma_start3A_769 : memref<1x8x128xf32, #tpu.memory_space<hbm>> -> memref<8x128xf32, #tpu.memory_space<hbm>>
        %dma_start3A_771 = arith.constant 0 : i32
        %dma_start3A_772 = arith.constant 0 : i32
        %dma_start3A_773 = tpu.memref_slice %arg3[%add3A_763, %dma_start3A_771, %dma_start3A_772] : memref<31252x8x128xf32, #tpu.memory_space<hbm>> -> memref<1x8x128xf32, #tpu.memory_space<hbm>>
        %dma_start3A_774 = tpu.memref_squeeze %dma_start3A_773 : memref<1x8x128xf32, #tpu.memory_space<hbm>> -> memref<8x128xf32, #tpu.memory_space<hbm>>
        %dma_start3A_775 = arith.constant 24 : i32
        %dma_start3A_776 = arith.constant 384 : i32
        %dma_start3A_777 = tpu.memref_slice %arg4[%dma_start3A_775, %dma_start3A_776] : memref<32x512xf32, #tpu.memory_space<vmem>> -> memref<8x128xf32, #tpu.memory_space<vmem>>
        tpu.enqueue_dma source(%dma_start3A_777 : memref<8x128xf32, #tpu.memory_space<vmem>>) target(%dma_start3A_774 : memref<8x128xf32, #tpu.memory_space<hbm>>) target_semaphore(%arg8 : memref<!tpu.dma_semaphore, #tpu.memory_space<semaphore_mem>>)
      } else {
      }
      %eq3A_85 = arith.constant 1 : i32
      %eq3A_86 = arith.cmpi eq, %select_n3A_79, %eq3A_85 : i32
      %convert_element_type3A_87 = arith.extui %eq3A_86 : i1 to i32
      %cond3A_88 = arith.constant 0 : i32
      %cond3A_89 = arith.cmpi ne, %convert_element_type3A_87, %cond3A_88 : i32
      scf.if %cond3A_89 {
        %add3A_90 = arith.constant 1 : i32
        %add3A_91 = arith.addi %while3A_63, %add3A_90 : i32
        %lt3A_92 = arith.cmpi slt, %add3A_91, %select_n3A : i32
        %convert_element_type3A_93 = arith.extui %lt3A_92 : i1 to i32
        %cond3A_94 = arith.constant 0 : i32
        %cond3A_95 = arith.cmpi ne, %convert_element_type3A_93, %cond3A_94 : i32
        scf.if %cond3A_95 {
          %dma_wait3A_778 = arith.constant 0 : i32
          %dma_wait3A_779 = arith.constant 0 : i32
          %dma_wait3A_780 = tpu.memref_slice %arg2[%dma_wait3A_778, %dma_wait3A_779] : memref<32x1000000xf32, #tpu.memory_space<hbm>> -> memref<32x512xf32, #tpu.memory_space<hbm>>
          %dma_wait3A_781 = arith.constant 0 : i32
          %dma_wait3A_782 = arith.constant 0 : i32
          %dma_wait3A_783 = tpu.memref_slice %arg2[%dma_wait3A_781, %dma_wait3A_782] : memref<32x1000000xf32, #tpu.memory_space<hbm>> -> memref<32x512xf32, #tpu.memory_space<hbm>>
          tpu.wait_dma2 semaphore(%arg8 : memref<!tpu.dma_semaphore, #tpu.memory_space<semaphore_mem>>) src(%dma_wait3A_783 : memref<32x512xf32, #tpu.memory_space<hbm>>) dst(%arg4 : memref<32x512xf32, #tpu.memory_space<vmem>>)
          %add3A_784 = arith.constant 1 : i32
          %add3A_785 = arith.addi %while3A_63, %add3A_784 : i32
          %mul3A_786 = arith.constant 32 : i32
          %mul3A_787 = arith.muli %add3A_785, %mul3A_786 : i32
          %add3A_788 = arith.addi %add3A, %mul3A_787 : i32
          %mul3A_789 = arith.constant 512 : i32
          %mul3A_790 = arith.muli %add3A_788, %mul3A_789 : i32
          %multiple_of3A_791 = tpu.assume_multiple %mul3A_790, 128 : i32
          %dma_start3A_792 = arith.constant 0 : i32
          %dma_start3A_793 = tpu.memref_slice %arg2[%dma_start3A_792, %multiple_of3A_791] : memref<32x1000000xf32, #tpu.memory_space<hbm>> -> memref<32x512xf32, #tpu.memory_space<hbm>>
          %dma_start3A_794 = arith.constant 0 : i32
          %dma_start3A_795 = tpu.memref_slice %arg2[%dma_start3A_794, %multiple_of3A_791] : memref<32x1000000xf32, #tpu.memory_space<hbm>> -> memref<32x512xf32, #tpu.memory_space<hbm>>
          tpu.enqueue_dma source(%dma_start3A_795 : memref<32x512xf32, #tpu.memory_space<hbm>>) target(%arg4 : memref<32x512xf32, #tpu.memory_space<vmem>>) target_semaphore(%arg6 : memref<!tpu.dma_semaphore, #tpu.memory_space<semaphore_mem>>)
        } else {
        }
        %dma_wait3A = arith.constant 0 : i32
        %dma_wait3A_96 = arith.constant 0 : i32
        %dma_wait3A_97 = tpu.memref_slice %arg2[%dma_wait3A, %dma_wait3A_96] : memref<32x1000000xf32, #tpu.memory_space<hbm>> -> memref<32x512xf32, #tpu.memory_space<hbm>>
        %dma_wait3A_98 = arith.constant 0 : i32
        %dma_wait3A_99 = arith.constant 0 : i32
        %dma_wait3A_100 = tpu.memref_slice %arg2[%dma_wait3A_98, %dma_wait3A_99] : memref<32x1000000xf32, #tpu.memory_space<hbm>> -> memref<32x512xf32, #tpu.memory_space<hbm>>
        tpu.wait_dma2 semaphore(%arg7 : memref<!tpu.dma_semaphore, #tpu.memory_space<semaphore_mem>>) src(%dma_wait3A_100 : memref<32x512xf32, #tpu.memory_space<hbm>>) dst(%arg5 : memref<32x512xf32, #tpu.memory_space<vmem>>)
        %mul3A_101 = arith.constant 32 : i32
        %mul3A_102 = arith.muli %while3A_63, %mul3A_101 : i32
        %add3A_103 = arith.addi %add3A, %mul3A_102 : i32
        %mul3A_104 = arith.constant 512 : i32
        %mul3A_105 = arith.muli %add3A_103, %mul3A_104 : i32
        %jit3A_106 = arith.constant 128 : i32
        %div3A_107 = arith.divsi %mul3A_105, %jit3A_106 : i32
        %sign3A_108 = arith.constant 0 : i32
        %sign3A_109 = arith.cmpi sgt, %mul3A_105, %sign3A_108 : i32
        %sign3A_110 = arith.extui %sign3A_109 : i1 to i32
        %sign3A_111 = arith.constant 0 : i32
        %sign3A_112 = arith.cmpi slt, %mul3A_105, %sign3A_111 : i32
        %sign3A_113 = arith.extui %sign3A_112 : i1 to i32
        %sign3A_114 = arith.subi %sign3A_110, %sign3A_113 : i32
        %sign3A_115 = arith.constant 0 : i32
        %sign3A_116 = arith.cmpi sgt, %jit3A_106, %sign3A_115 : i32
        %sign3A_117 = arith.extui %sign3A_116 : i1 to i32
        %sign3A_118 = arith.constant 0 : i32
        %sign3A_119 = arith.cmpi slt, %jit3A_106, %sign3A_118 : i32
        %sign3A_120 = arith.extui %sign3A_119 : i1 to i32
        %sign3A_121 = arith.subi %sign3A_117, %sign3A_120 : i32
        %ne3A_122 = arith.cmpi ne, %sign3A_114, %sign3A_121 : i32
        %rem3A_123 = arith.remsi %mul3A_105, %jit3A_106 : i32
        %ne3A_124 = arith.constant 0 : i32
        %ne3A_125 = arith.cmpi ne, %rem3A_123, %ne3A_124 : i32
        %and3A_126 = arith.andi %ne3A_122, %ne3A_125 : i1
        %sub3A_127 = arith.constant 1 : i32
        %sub3A_128 = arith.subi %div3A_107, %sub3A_127 : i32
        %select_n3A_129 = arith.select %and3A_126, %sub3A_128, %div3A_107 : i32
        %add3A_130 = arith.constant 0 : i32
        %add3A_131 = arith.addi %add3A_130, %select_n3A_129 : i32
        %add3A_132 = arith.constant 0 : i32
        %add3A_133 = arith.addi %add3A_131, %add3A_132 : i32
        %dma_start3A_134 = arith.constant 0 : i32
        %dma_start3A_135 = arith.constant 0 : i32
        %dma_start3A_136 = tpu.memref_slice %arg5[%dma_start3A_134, %dma_start3A_135] : memref<32x512xf32, #tpu.memory_space<vmem>> -> memref<8x128xf32, #tpu.memory_space<vmem>>
        %dma_start3A_137 = arith.constant 0 : i32
        %dma_start3A_138 = arith.constant 0 : i32
        %dma_start3A_139 = tpu.memref_slice %arg3[%add3A_133, %dma_start3A_137, %dma_start3A_138] : memref<31252x8x128xf32, #tpu.memory_space<hbm>> -> memref<1x8x128xf32, #tpu.memory_space<hbm>>
        %dma_start3A_140 = tpu.memref_squeeze %dma_start3A_139 : memref<1x8x128xf32, #tpu.memory_space<hbm>> -> memref<8x128xf32, #tpu.memory_space<hbm>>
        %dma_start3A_141 = arith.constant 0 : i32
        %dma_start3A_142 = arith.constant 0 : i32
        %dma_start3A_143 = tpu.memref_slice %arg3[%add3A_133, %dma_start3A_141, %dma_start3A_142] : memref<31252x8x128xf32, #tpu.memory_space<hbm>> -> memref<1x8x128xf32, #tpu.memory_space<hbm>>
        %dma_start3A_144 = tpu.memref_squeeze %dma_start3A_143 : memref<1x8x128xf32, #tpu.memory_space<hbm>> -> memref<8x128xf32, #tpu.memory_space<hbm>>
        %dma_start3A_145 = arith.constant 0 : i32
        %dma_start3A_146 = arith.constant 0 : i32
        %dma_start3A_147 = tpu.memref_slice %arg5[%dma_start3A_145, %dma_start3A_146] : memref<32x512xf32, #tpu.memory_space<vmem>> -> memref<8x128xf32, #tpu.memory_space<vmem>>
        tpu.enqueue_dma source(%dma_start3A_147 : memref<8x128xf32, #tpu.memory_space<vmem>>) target(%dma_start3A_144 : memref<8x128xf32, #tpu.memory_space<hbm>>) target_semaphore(%arg9 : memref<!tpu.dma_semaphore, #tpu.memory_space<semaphore_mem>>)
        %jit3A_148 = arith.constant 128 : i32
        %div3A_149 = arith.divsi %mul3A_105, %jit3A_148 : i32
        %sign3A_150 = arith.constant 0 : i32
        %sign3A_151 = arith.cmpi sgt, %mul3A_105, %sign3A_150 : i32
        %sign3A_152 = arith.extui %sign3A_151 : i1 to i32
        %sign3A_153 = arith.constant 0 : i32
        %sign3A_154 = arith.cmpi slt, %mul3A_105, %sign3A_153 : i32
        %sign3A_155 = arith.extui %sign3A_154 : i1 to i32
        %sign3A_156 = arith.subi %sign3A_152, %sign3A_155 : i32
        %sign3A_157 = arith.constant 0 : i32
        %sign3A_158 = arith.cmpi sgt, %jit3A_148, %sign3A_157 : i32
        %sign3A_159 = arith.extui %sign3A_158 : i1 to i32
        %sign3A_160 = arith.constant 0 : i32
        %sign3A_161 = arith.cmpi slt, %jit3A_148, %sign3A_160 : i32
        %sign3A_162 = arith.extui %sign3A_161 : i1 to i32
        %sign3A_163 = arith.subi %sign3A_159, %sign3A_162 : i32
        %ne3A_164 = arith.cmpi ne, %sign3A_156, %sign3A_163 : i32
        %rem3A_165 = arith.remsi %mul3A_105, %jit3A_148 : i32
        %ne3A_166 = arith.constant 0 : i32
        %ne3A_167 = arith.cmpi ne, %rem3A_165, %ne3A_166 : i32
        %and3A_168 = arith.andi %ne3A_164, %ne3A_167 : i1
        %sub3A_169 = arith.constant 1 : i32
        %sub3A_170 = arith.subi %div3A_149, %sub3A_169 : i32
        %select_n3A_171 = arith.select %and3A_168, %sub3A_170, %div3A_149 : i32
        %add3A_172 = arith.constant 0 : i32
        %add3A_173 = arith.addi %add3A_172, %select_n3A_171 : i32
        %add3A_174 = arith.constant 1 : i32
        %add3A_175 = arith.addi %add3A_173, %add3A_174 : i32
        %dma_start3A_176 = arith.constant 0 : i32
        %dma_start3A_177 = arith.constant 128 : i32
        %dma_start3A_178 = tpu.memref_slice %arg5[%dma_start3A_176, %dma_start3A_177] : memref<32x512xf32, #tpu.memory_space<vmem>> -> memref<8x128xf32, #tpu.memory_space<vmem>>
        %dma_start3A_179 = arith.constant 0 : i32
        %dma_start3A_180 = arith.constant 0 : i32
        %dma_start3A_181 = tpu.memref_slice %arg3[%add3A_175, %dma_start3A_179, %dma_start3A_180] : memref<31252x8x128xf32, #tpu.memory_space<hbm>> -> memref<1x8x128xf32, #tpu.memory_space<hbm>>
        %dma_start3A_182 = tpu.memref_squeeze %dma_start3A_181 : memref<1x8x128xf32, #tpu.memory_space<hbm>> -> memref<8x128xf32, #tpu.memory_space<hbm>>
        %dma_start3A_183 = arith.constant 0 : i32
        %dma_start3A_184 = arith.constant 0 : i32
        %dma_start3A_185 = tpu.memref_slice %arg3[%add3A_175, %dma_start3A_183, %dma_start3A_184] : memref<31252x8x128xf32, #tpu.memory_space<hbm>> -> memref<1x8x128xf32, #tpu.memory_space<hbm>>
        %dma_start3A_186 = tpu.memref_squeeze %dma_start3A_185 : memref<1x8x128xf32, #tpu.memory_space<hbm>> -> memref<8x128xf32, #tpu.memory_space<hbm>>
        %dma_start3A_187 = arith.constant 0 : i32
        %dma_start3A_188 = arith.constant 128 : i32
        %dma_start3A_189 = tpu.memref_slice %arg5[%dma_start3A_187, %dma_start3A_188] : memref<32x512xf32, #tpu.memory_space<vmem>> -> memref<8x128xf32, #tpu.memory_space<vmem>>
        tpu.enqueue_dma source(%dma_start3A_189 : memref<8x128xf32, #tpu.memory_space<vmem>>) target(%dma_start3A_186 : memref<8x128xf32, #tpu.memory_space<hbm>>) target_semaphore(%arg9 : memref<!tpu.dma_semaphore, #tpu.memory_space<semaphore_mem>>)
        %jit3A_190 = arith.constant 128 : i32
        %div3A_191 = arith.divsi %mul3A_105, %jit3A_190 : i32
        %sign3A_192 = arith.constant 0 : i32
        %sign3A_193 = arith.cmpi sgt, %mul3A_105, %sign3A_192 : i32
        %sign3A_194 = arith.extui %sign3A_193 : i1 to i32
        %sign3A_195 = arith.constant 0 : i32
        %sign3A_196 = arith.cmpi slt, %mul3A_105, %sign3A_195 : i32
        %sign3A_197 = arith.extui %sign3A_196 : i1 to i32
        %sign3A_198 = arith.subi %sign3A_194, %sign3A_197 : i32
        %sign3A_199 = arith.constant 0 : i32
        %sign3A_200 = arith.cmpi sgt, %jit3A_190, %sign3A_199 : i32
        %sign3A_201 = arith.extui %sign3A_200 : i1 to i32
        %sign3A_202 = arith.constant 0 : i32
        %sign3A_203 = arith.cmpi slt, %jit3A_190, %sign3A_202 : i32
        %sign3A_204 = arith.extui %sign3A_203 : i1 to i32
        %sign3A_205 = arith.subi %sign3A_201, %sign3A_204 : i32
        %ne3A_206 = arith.cmpi ne, %sign3A_198, %sign3A_205 : i32
        %rem3A_207 = arith.remsi %mul3A_105, %jit3A_190 : i32
        %ne3A_208 = arith.constant 0 : i32
        %ne3A_209 = arith.cmpi ne, %rem3A_207, %ne3A_208 : i32
        %and3A_210 = arith.andi %ne3A_206, %ne3A_209 : i1
        %sub3A_211 = arith.constant 1 : i32
        %sub3A_212 = arith.subi %div3A_191, %sub3A_211 : i32
        %select_n3A_213 = arith.select %and3A_210, %sub3A_212, %div3A_191 : i32
        %add3A_214 = arith.constant 0 : i32
        %add3A_215 = arith.addi %add3A_214, %select_n3A_213 : i32
        %add3A_216 = arith.constant 2 : i32
        %add3A_217 = arith.addi %add3A_215, %add3A_216 : i32
        %dma_start3A_218 = arith.constant 0 : i32
        %dma_start3A_219 = arith.constant 256 : i32
        %dma_start3A_220 = tpu.memref_slice %arg5[%dma_start3A_218, %dma_start3A_219] : memref<32x512xf32, #tpu.memory_space<vmem>> -> memref<8x128xf32, #tpu.memory_space<vmem>>
        %dma_start3A_221 = arith.constant 0 : i32
        %dma_start3A_222 = arith.constant 0 : i32
        %dma_start3A_223 = tpu.memref_slice %arg3[%add3A_217, %dma_start3A_221, %dma_start3A_222] : memref<31252x8x128xf32, #tpu.memory_space<hbm>> -> memref<1x8x128xf32, #tpu.memory_space<hbm>>
        %dma_start3A_224 = tpu.memref_squeeze %dma_start3A_223 : memref<1x8x128xf32, #tpu.memory_space<hbm>> -> memref<8x128xf32, #tpu.memory_space<hbm>>
        %dma_start3A_225 = arith.constant 0 : i32
        %dma_start3A_226 = arith.constant 0 : i32
        %dma_start3A_227 = tpu.memref_slice %arg3[%add3A_217, %dma_start3A_225, %dma_start3A_226] : memref<31252x8x128xf32, #tpu.memory_space<hbm>> -> memref<1x8x128xf32, #tpu.memory_space<hbm>>
        %dma_start3A_228 = tpu.memref_squeeze %dma_start3A_227 : memref<1x8x128xf32, #tpu.memory_space<hbm>> -> memref<8x128xf32, #tpu.memory_space<hbm>>
        %dma_start3A_229 = arith.constant 0 : i32
        %dma_start3A_230 = arith.constant 256 : i32
        %dma_start3A_231 = tpu.memref_slice %arg5[%dma_start3A_229, %dma_start3A_230] : memref<32x512xf32, #tpu.memory_space<vmem>> -> memref<8x128xf32, #tpu.memory_space<vmem>>
        tpu.enqueue_dma source(%dma_start3A_231 : memref<8x128xf32, #tpu.memory_space<vmem>>) target(%dma_start3A_228 : memref<8x128xf32, #tpu.memory_space<hbm>>) target_semaphore(%arg9 : memref<!tpu.dma_semaphore, #tpu.memory_space<semaphore_mem>>)
        %jit3A_232 = arith.constant 128 : i32
        %div3A_233 = arith.divsi %mul3A_105, %jit3A_232 : i32
        %sign3A_234 = arith.constant 0 : i32
        %sign3A_235 = arith.cmpi sgt, %mul3A_105, %sign3A_234 : i32
        %sign3A_236 = arith.extui %sign3A_235 : i1 to i32
        %sign3A_237 = arith.constant 0 : i32
        %sign3A_238 = arith.cmpi slt, %mul3A_105, %sign3A_237 : i32
        %sign3A_239 = arith.extui %sign3A_238 : i1 to i32
        %sign3A_240 = arith.subi %sign3A_236, %sign3A_239 : i32
        %sign3A_241 = arith.constant 0 : i32
        %sign3A_242 = arith.cmpi sgt, %jit3A_232, %sign3A_241 : i32
        %sign3A_243 = arith.extui %sign3A_242 : i1 to i32
        %sign3A_244 = arith.constant 0 : i32
        %sign3A_245 = arith.cmpi slt, %jit3A_232, %sign3A_244 : i32
        %sign3A_246 = arith.extui %sign3A_245 : i1 to i32
        %sign3A_247 = arith.subi %sign3A_243, %sign3A_246 : i32
        %ne3A_248 = arith.cmpi ne, %sign3A_240, %sign3A_247 : i32
        %rem3A_249 = arith.remsi %mul3A_105, %jit3A_232 : i32
        %ne3A_250 = arith.constant 0 : i32
        %ne3A_251 = arith.cmpi ne, %rem3A_249, %ne3A_250 : i32
        %and3A_252 = arith.andi %ne3A_248, %ne3A_251 : i1
        %sub3A_253 = arith.constant 1 : i32
        %sub3A_254 = arith.subi %div3A_233, %sub3A_253 : i32
        %select_n3A_255 = arith.select %and3A_252, %sub3A_254, %div3A_233 : i32
        %add3A_256 = arith.constant 0 : i32
        %add3A_257 = arith.addi %add3A_256, %select_n3A_255 : i32
        %add3A_258 = arith.constant 3 : i32
        %add3A_259 = arith.addi %add3A_257, %add3A_258 : i32
        %dma_start3A_260 = arith.constant 0 : i32
        %dma_start3A_261 = arith.constant 384 : i32
        %dma_start3A_262 = tpu.memref_slice %arg5[%dma_start3A_260, %dma_start3A_261] : memref<32x512xf32, #tpu.memory_space<vmem>> -> memref<8x128xf32, #tpu.memory_space<vmem>>
        %dma_start3A_263 = arith.constant 0 : i32
        %dma_start3A_264 = arith.constant 0 : i32
        %dma_start3A_265 = tpu.memref_slice %arg3[%add3A_259, %dma_start3A_263, %dma_start3A_264] : memref<31252x8x128xf32, #tpu.memory_space<hbm>> -> memref<1x8x128xf32, #tpu.memory_space<hbm>>
        %dma_start3A_266 = tpu.memref_squeeze %dma_start3A_265 : memref<1x8x128xf32, #tpu.memory_space<hbm>> -> memref<8x128xf32, #tpu.memory_space<hbm>>
        %dma_start3A_267 = arith.constant 0 : i32
        %dma_start3A_268 = arith.constant 0 : i32
        %dma_start3A_269 = tpu.memref_slice %arg3[%add3A_259, %dma_start3A_267, %dma_start3A_268] : memref<31252x8x128xf32, #tpu.memory_space<hbm>> -> memref<1x8x128xf32, #tpu.memory_space<hbm>>
        %dma_start3A_270 = tpu.memref_squeeze %dma_start3A_269 : memref<1x8x128xf32, #tpu.memory_space<hbm>> -> memref<8x128xf32, #tpu.memory_space<hbm>>
        %dma_start3A_271 = arith.constant 0 : i32
        %dma_start3A_272 = arith.constant 384 : i32
        %dma_start3A_273 = tpu.memref_slice %arg5[%dma_start3A_271, %dma_start3A_272] : memref<32x512xf32, #tpu.memory_space<vmem>> -> memref<8x128xf32, #tpu.memory_space<vmem>>
        tpu.enqueue_dma source(%dma_start3A_273 : memref<8x128xf32, #tpu.memory_space<vmem>>) target(%dma_start3A_270 : memref<8x128xf32, #tpu.memory_space<hbm>>) target_semaphore(%arg9 : memref<!tpu.dma_semaphore, #tpu.memory_space<semaphore_mem>>)
        %jit3A_274 = arith.constant 128 : i32
        %div3A_275 = arith.divsi %mul3A_105, %jit3A_274 : i32
        %sign3A_276 = arith.constant 0 : i32
        %sign3A_277 = arith.cmpi sgt, %mul3A_105, %sign3A_276 : i32
        %sign3A_278 = arith.extui %sign3A_277 : i1 to i32
        %sign3A_279 = arith.constant 0 : i32
        %sign3A_280 = arith.cmpi slt, %mul3A_105, %sign3A_279 : i32
        %sign3A_281 = arith.extui %sign3A_280 : i1 to i32
        %sign3A_282 = arith.subi %sign3A_278, %sign3A_281 : i32
        %sign3A_283 = arith.constant 0 : i32
        %sign3A_284 = arith.cmpi sgt, %jit3A_274, %sign3A_283 : i32
        %sign3A_285 = arith.extui %sign3A_284 : i1 to i32
        %sign3A_286 = arith.constant 0 : i32
        %sign3A_287 = arith.cmpi slt, %jit3A_274, %sign3A_286 : i32
        %sign3A_288 = arith.extui %sign3A_287 : i1 to i32
        %sign3A_289 = arith.subi %sign3A_285, %sign3A_288 : i32
        %ne3A_290 = arith.cmpi ne, %sign3A_282, %sign3A_289 : i32
        %rem3A_291 = arith.remsi %mul3A_105, %jit3A_274 : i32
        %ne3A_292 = arith.constant 0 : i32
        %ne3A_293 = arith.cmpi ne, %rem3A_291, %ne3A_292 : i32
        %and3A_294 = arith.andi %ne3A_290, %ne3A_293 : i1
        %sub3A_295 = arith.constant 1 : i32
        %sub3A_296 = arith.subi %div3A_275, %sub3A_295 : i32
        %select_n3A_297 = arith.select %and3A_294, %sub3A_296, %div3A_275 : i32
        %add3A_298 = arith.constant 7813 : i32
        %add3A_299 = arith.addi %add3A_298, %select_n3A_297 : i32
        %add3A_300 = arith.constant 0 : i32
        %add3A_301 = arith.addi %add3A_299, %add3A_300 : i32
        %dma_start3A_302 = arith.constant 8 : i32
        %dma_start3A_303 = arith.constant 0 : i32
        %dma_start3A_304 = tpu.memref_slice %arg5[%dma_start3A_302, %dma_start3A_303] : memref<32x512xf32, #tpu.memory_space<vmem>> -> memref<8x128xf32, #tpu.memory_space<vmem>>
        %dma_start3A_305 = arith.constant 0 : i32
        %dma_start3A_306 = arith.constant 0 : i32
        %dma_start3A_307 = tpu.memref_slice %arg3[%add3A_301, %dma_start3A_305, %dma_start3A_306] : memref<31252x8x128xf32, #tpu.memory_space<hbm>> -> memref<1x8x128xf32, #tpu.memory_space<hbm>>
        %dma_start3A_308 = tpu.memref_squeeze %dma_start3A_307 : memref<1x8x128xf32, #tpu.memory_space<hbm>> -> memref<8x128xf32, #tpu.memory_space<hbm>>
        %dma_start3A_309 = arith.constant 0 : i32
        %dma_start3A_310 = arith.constant 0 : i32
        %dma_start3A_311 = tpu.memref_slice %arg3[%add3A_301, %dma_start3A_309, %dma_start3A_310] : memref<31252x8x128xf32, #tpu.memory_space<hbm>> -> memref<1x8x128xf32, #tpu.memory_space<hbm>>
        %dma_start3A_312 = tpu.memref_squeeze %dma_start3A_311 : memref<1x8x128xf32, #tpu.memory_space<hbm>> -> memref<8x128xf32, #tpu.memory_space<hbm>>
        %dma_start3A_313 = arith.constant 8 : i32
        %dma_start3A_314 = arith.constant 0 : i32
        %dma_start3A_315 = tpu.memref_slice %arg5[%dma_start3A_313, %dma_start3A_314] : memref<32x512xf32, #tpu.memory_space<vmem>> -> memref<8x128xf32, #tpu.memory_space<vmem>>
        tpu.enqueue_dma source(%dma_start3A_315 : memref<8x128xf32, #tpu.memory_space<vmem>>) target(%dma_start3A_312 : memref<8x128xf32, #tpu.memory_space<hbm>>) target_semaphore(%arg9 : memref<!tpu.dma_semaphore, #tpu.memory_space<semaphore_mem>>)
        %jit3A_316 = arith.constant 128 : i32
        %div3A_317 = arith.divsi %mul3A_105, %jit3A_316 : i32
        %sign3A_318 = arith.constant 0 : i32
        %sign3A_319 = arith.cmpi sgt, %mul3A_105, %sign3A_318 : i32
        %sign3A_320 = arith.extui %sign3A_319 : i1 to i32
        %sign3A_321 = arith.constant 0 : i32
        %sign3A_322 = arith.cmpi slt, %mul3A_105, %sign3A_321 : i32
        %sign3A_323 = arith.extui %sign3A_322 : i1 to i32
        %sign3A_324 = arith.subi %sign3A_320, %sign3A_323 : i32
        %sign3A_325 = arith.constant 0 : i32
        %sign3A_326 = arith.cmpi sgt, %jit3A_316, %sign3A_325 : i32
        %sign3A_327 = arith.extui %sign3A_326 : i1 to i32
        %sign3A_328 = arith.constant 0 : i32
        %sign3A_329 = arith.cmpi slt, %jit3A_316, %sign3A_328 : i32
        %sign3A_330 = arith.extui %sign3A_329 : i1 to i32
        %sign3A_331 = arith.subi %sign3A_327, %sign3A_330 : i32
        %ne3A_332 = arith.cmpi ne, %sign3A_324, %sign3A_331 : i32
        %rem3A_333 = arith.remsi %mul3A_105, %jit3A_316 : i32
        %ne3A_334 = arith.constant 0 : i32
        %ne3A_335 = arith.cmpi ne, %rem3A_333, %ne3A_334 : i32
        %and3A_336 = arith.andi %ne3A_332, %ne3A_335 : i1
        %sub3A_337 = arith.constant 1 : i32
        %sub3A_338 = arith.subi %div3A_317, %sub3A_337 : i32
        %select_n3A_339 = arith.select %and3A_336, %sub3A_338, %div3A_317 : i32
        %add3A_340 = arith.constant 7813 : i32
        %add3A_341 = arith.addi %add3A_340, %select_n3A_339 : i32
        %add3A_342 = arith.constant 1 : i32
        %add3A_343 = arith.addi %add3A_341, %add3A_342 : i32
        %dma_start3A_344 = arith.constant 8 : i32
        %dma_start3A_345 = arith.constant 128 : i32
        %dma_start3A_346 = tpu.memref_slice %arg5[%dma_start3A_344, %dma_start3A_345] : memref<32x512xf32, #tpu.memory_space<vmem>> -> memref<8x128xf32, #tpu.memory_space<vmem>>
        %dma_start3A_347 = arith.constant 0 : i32
        %dma_start3A_348 = arith.constant 0 : i32
        %dma_start3A_349 = tpu.memref_slice %arg3[%add3A_343, %dma_start3A_347, %dma_start3A_348] : memref<31252x8x128xf32, #tpu.memory_space<hbm>> -> memref<1x8x128xf32, #tpu.memory_space<hbm>>
        %dma_start3A_350 = tpu.memref_squeeze %dma_start3A_349 : memref<1x8x128xf32, #tpu.memory_space<hbm>> -> memref<8x128xf32, #tpu.memory_space<hbm>>
        %dma_start3A_351 = arith.constant 0 : i32
        %dma_start3A_352 = arith.constant 0 : i32
        %dma_start3A_353 = tpu.memref_slice %arg3[%add3A_343, %dma_start3A_351, %dma_start3A_352] : memref<31252x8x128xf32, #tpu.memory_space<hbm>> -> memref<1x8x128xf32, #tpu.memory_space<hbm>>
        %dma_start3A_354 = tpu.memref_squeeze %dma_start3A_353 : memref<1x8x128xf32, #tpu.memory_space<hbm>> -> memref<8x128xf32, #tpu.memory_space<hbm>>
        %dma_start3A_355 = arith.constant 8 : i32
        %dma_start3A_356 = arith.constant 128 : i32
        %dma_start3A_357 = tpu.memref_slice %arg5[%dma_start3A_355, %dma_start3A_356] : memref<32x512xf32, #tpu.memory_space<vmem>> -> memref<8x128xf32, #tpu.memory_space<vmem>>
        tpu.enqueue_dma source(%dma_start3A_357 : memref<8x128xf32, #tpu.memory_space<vmem>>) target(%dma_start3A_354 : memref<8x128xf32, #tpu.memory_space<hbm>>) target_semaphore(%arg9 : memref<!tpu.dma_semaphore, #tpu.memory_space<semaphore_mem>>)
        %jit3A_358 = arith.constant 128 : i32
        %div3A_359 = arith.divsi %mul3A_105, %jit3A_358 : i32
        %sign3A_360 = arith.constant 0 : i32
        %sign3A_361 = arith.cmpi sgt, %mul3A_105, %sign3A_360 : i32
        %sign3A_362 = arith.extui %sign3A_361 : i1 to i32
        %sign3A_363 = arith.constant 0 : i32
        %sign3A_364 = arith.cmpi slt, %mul3A_105, %sign3A_363 : i32
        %sign3A_365 = arith.extui %sign3A_364 : i1 to i32
        %sign3A_366 = arith.subi %sign3A_362, %sign3A_365 : i32
        %sign3A_367 = arith.constant 0 : i32
        %sign3A_368 = arith.cmpi sgt, %jit3A_358, %sign3A_367 : i32
        %sign3A_369 = arith.extui %sign3A_368 : i1 to i32
        %sign3A_370 = arith.constant 0 : i32
        %sign3A_371 = arith.cmpi slt, %jit3A_358, %sign3A_370 : i32
        %sign3A_372 = arith.extui %sign3A_371 : i1 to i32
        %sign3A_373 = arith.subi %sign3A_369, %sign3A_372 : i32
        %ne3A_374 = arith.cmpi ne, %sign3A_366, %sign3A_373 : i32
        %rem3A_375 = arith.remsi %mul3A_105, %jit3A_358 : i32
        %ne3A_376 = arith.constant 0 : i32
        %ne3A_377 = arith.cmpi ne, %rem3A_375, %ne3A_376 : i32
        %and3A_378 = arith.andi %ne3A_374, %ne3A_377 : i1
        %sub3A_379 = arith.constant 1 : i32
        %sub3A_380 = arith.subi %div3A_359, %sub3A_379 : i32
        %select_n3A_381 = arith.select %and3A_378, %sub3A_380, %div3A_359 : i32
        %add3A_382 = arith.constant 7813 : i32
        %add3A_383 = arith.addi %add3A_382, %select_n3A_381 : i32
        %add3A_384 = arith.constant 2 : i32
        %add3A_385 = arith.addi %add3A_383, %add3A_384 : i32
        %dma_start3A_386 = arith.constant 8 : i32
        %dma_start3A_387 = arith.constant 256 : i32
        %dma_start3A_388 = tpu.memref_slice %arg5[%dma_start3A_386, %dma_start3A_387] : memref<32x512xf32, #tpu.memory_space<vmem>> -> memref<8x128xf32, #tpu.memory_space<vmem>>
        %dma_start3A_389 = arith.constant 0 : i32
        %dma_start3A_390 = arith.constant 0 : i32
        %dma_start3A_391 = tpu.memref_slice %arg3[%add3A_385, %dma_start3A_389, %dma_start3A_390] : memref<31252x8x128xf32, #tpu.memory_space<hbm>> -> memref<1x8x128xf32, #tpu.memory_space<hbm>>
        %dma_start3A_392 = tpu.memref_squeeze %dma_start3A_391 : memref<1x8x128xf32, #tpu.memory_space<hbm>> -> memref<8x128xf32, #tpu.memory_space<hbm>>
        %dma_start3A_393 = arith.constant 0 : i32
        %dma_start3A_394 = arith.constant 0 : i32
        %dma_start3A_395 = tpu.memref_slice %arg3[%add3A_385, %dma_start3A_393, %dma_start3A_394] : memref<31252x8x128xf32, #tpu.memory_space<hbm>> -> memref<1x8x128xf32, #tpu.memory_space<hbm>>
        %dma_start3A_396 = tpu.memref_squeeze %dma_start3A_395 : memref<1x8x128xf32, #tpu.memory_space<hbm>> -> memref<8x128xf32, #tpu.memory_space<hbm>>
        %dma_start3A_397 = arith.constant 8 : i32
        %dma_start3A_398 = arith.constant 256 : i32
        %dma_start3A_399 = tpu.memref_slice %arg5[%dma_start3A_397, %dma_start3A_398] : memref<32x512xf32, #tpu.memory_space<vmem>> -> memref<8x128xf32, #tpu.memory_space<vmem>>
        tpu.enqueue_dma source(%dma_start3A_399 : memref<8x128xf32, #tpu.memory_space<vmem>>) target(%dma_start3A_396 : memref<8x128xf32, #tpu.memory_space<hbm>>) target_semaphore(%arg9 : memref<!tpu.dma_semaphore, #tpu.memory_space<semaphore_mem>>)
        %jit3A_400 = arith.constant 128 : i32
        %div3A_401 = arith.divsi %mul3A_105, %jit3A_400 : i32
        %sign3A_402 = arith.constant 0 : i32
        %sign3A_403 = arith.cmpi sgt, %mul3A_105, %sign3A_402 : i32
        %sign3A_404 = arith.extui %sign3A_403 : i1 to i32
        %sign3A_405 = arith.constant 0 : i32
        %sign3A_406 = arith.cmpi slt, %mul3A_105, %sign3A_405 : i32
        %sign3A_407 = arith.extui %sign3A_406 : i1 to i32
        %sign3A_408 = arith.subi %sign3A_404, %sign3A_407 : i32
        %sign3A_409 = arith.constant 0 : i32
        %sign3A_410 = arith.cmpi sgt, %jit3A_400, %sign3A_409 : i32
        %sign3A_411 = arith.extui %sign3A_410 : i1 to i32
        %sign3A_412 = arith.constant 0 : i32
        %sign3A_413 = arith.cmpi slt, %jit3A_400, %sign3A_412 : i32
        %sign3A_414 = arith.extui %sign3A_413 : i1 to i32
        %sign3A_415 = arith.subi %sign3A_411, %sign3A_414 : i32
        %ne3A_416 = arith.cmpi ne, %sign3A_408, %sign3A_415 : i32
        %rem3A_417 = arith.remsi %mul3A_105, %jit3A_400 : i32
        %ne3A_418 = arith.constant 0 : i32
        %ne3A_419 = arith.cmpi ne, %rem3A_417, %ne3A_418 : i32
        %and3A_420 = arith.andi %ne3A_416, %ne3A_419 : i1
        %sub3A_421 = arith.constant 1 : i32
        %sub3A_422 = arith.subi %div3A_401, %sub3A_421 : i32
        %select_n3A_423 = arith.select %and3A_420, %sub3A_422, %div3A_401 : i32
        %add3A_424 = arith.constant 7813 : i32
        %add3A_425 = arith.addi %add3A_424, %select_n3A_423 : i32
        %add3A_426 = arith.constant 3 : i32
        %add3A_427 = arith.addi %add3A_425, %add3A_426 : i32
        %dma_start3A_428 = arith.constant 8 : i32
        %dma_start3A_429 = arith.constant 384 : i32
        %dma_start3A_430 = tpu.memref_slice %arg5[%dma_start3A_428, %dma_start3A_429] : memref<32x512xf32, #tpu.memory_space<vmem>> -> memref<8x128xf32, #tpu.memory_space<vmem>>
        %dma_start3A_431 = arith.constant 0 : i32
        %dma_start3A_432 = arith.constant 0 : i32
        %dma_start3A_433 = tpu.memref_slice %arg3[%add3A_427, %dma_start3A_431, %dma_start3A_432] : memref<31252x8x128xf32, #tpu.memory_space<hbm>> -> memref<1x8x128xf32, #tpu.memory_space<hbm>>
        %dma_start3A_434 = tpu.memref_squeeze %dma_start3A_433 : memref<1x8x128xf32, #tpu.memory_space<hbm>> -> memref<8x128xf32, #tpu.memory_space<hbm>>
        %dma_start3A_435 = arith.constant 0 : i32
        %dma_start3A_436 = arith.constant 0 : i32
        %dma_start3A_437 = tpu.memref_slice %arg3[%add3A_427, %dma_start3A_435, %dma_start3A_436] : memref<31252x8x128xf32, #tpu.memory_space<hbm>> -> memref<1x8x128xf32, #tpu.memory_space<hbm>>
        %dma_start3A_438 = tpu.memref_squeeze %dma_start3A_437 : memref<1x8x128xf32, #tpu.memory_space<hbm>> -> memref<8x128xf32, #tpu.memory_space<hbm>>
        %dma_start3A_439 = arith.constant 8 : i32
        %dma_start3A_440 = arith.constant 384 : i32
        %dma_start3A_441 = tpu.memref_slice %arg5[%dma_start3A_439, %dma_start3A_440] : memref<32x512xf32, #tpu.memory_space<vmem>> -> memref<8x128xf32, #tpu.memory_space<vmem>>
        tpu.enqueue_dma source(%dma_start3A_441 : memref<8x128xf32, #tpu.memory_space<vmem>>) target(%dma_start3A_438 : memref<8x128xf32, #tpu.memory_space<hbm>>) target_semaphore(%arg9 : memref<!tpu.dma_semaphore, #tpu.memory_space<semaphore_mem>>)
        %jit3A_442 = arith.constant 128 : i32
        %div3A_443 = arith.divsi %mul3A_105, %jit3A_442 : i32
        %sign3A_444 = arith.constant 0 : i32
        %sign3A_445 = arith.cmpi sgt, %mul3A_105, %sign3A_444 : i32
        %sign3A_446 = arith.extui %sign3A_445 : i1 to i32
        %sign3A_447 = arith.constant 0 : i32
        %sign3A_448 = arith.cmpi slt, %mul3A_105, %sign3A_447 : i32
        %sign3A_449 = arith.extui %sign3A_448 : i1 to i32
        %sign3A_450 = arith.subi %sign3A_446, %sign3A_449 : i32
        %sign3A_451 = arith.constant 0 : i32
        %sign3A_452 = arith.cmpi sgt, %jit3A_442, %sign3A_451 : i32
        %sign3A_453 = arith.extui %sign3A_452 : i1 to i32
        %sign3A_454 = arith.constant 0 : i32
        %sign3A_455 = arith.cmpi slt, %jit3A_442, %sign3A_454 : i32
        %sign3A_456 = arith.extui %sign3A_455 : i1 to i32
        %sign3A_457 = arith.subi %sign3A_453, %sign3A_456 : i32
        %ne3A_458 = arith.cmpi ne, %sign3A_450, %sign3A_457 : i32
        %rem3A_459 = arith.remsi %mul3A_105, %jit3A_442 : i32
        %ne3A_460 = arith.constant 0 : i32
        %ne3A_461 = arith.cmpi ne, %rem3A_459, %ne3A_460 : i32
        %and3A_462 = arith.andi %ne3A_458, %ne3A_461 : i1
        %sub3A_463 = arith.constant 1 : i32
        %sub3A_464 = arith.subi %div3A_443, %sub3A_463 : i32
        %select_n3A_465 = arith.select %and3A_462, %sub3A_464, %div3A_443 : i32
        %add3A_466 = arith.constant 15626 : i32
        %add3A_467 = arith.addi %add3A_466, %select_n3A_465 : i32
        %add3A_468 = arith.constant 0 : i32
        %add3A_469 = arith.addi %add3A_467, %add3A_468 : i32
        %dma_start3A_470 = arith.constant 16 : i32
        %dma_start3A_471 = arith.constant 0 : i32
        %dma_start3A_472 = tpu.memref_slice %arg5[%dma_start3A_470, %dma_start3A_471] : memref<32x512xf32, #tpu.memory_space<vmem>> -> memref<8x128xf32, #tpu.memory_space<vmem>>
        %dma_start3A_473 = arith.constant 0 : i32
        %dma_start3A_474 = arith.constant 0 : i32
        %dma_start3A_475 = tpu.memref_slice %arg3[%add3A_469, %dma_start3A_473, %dma_start3A_474] : memref<31252x8x128xf32, #tpu.memory_space<hbm>> -> memref<1x8x128xf32, #tpu.memory_space<hbm>>
        %dma_start3A_476 = tpu.memref_squeeze %dma_start3A_475 : memref<1x8x128xf32, #tpu.memory_space<hbm>> -> memref<8x128xf32, #tpu.memory_space<hbm>>
        %dma_start3A_477 = arith.constant 0 : i32
        %dma_start3A_478 = arith.constant 0 : i32
        %dma_start3A_479 = tpu.memref_slice %arg3[%add3A_469, %dma_start3A_477, %dma_start3A_478] : memref<31252x8x128xf32, #tpu.memory_space<hbm>> -> memref<1x8x128xf32, #tpu.memory_space<hbm>>
        %dma_start3A_480 = tpu.memref_squeeze %dma_start3A_479 : memref<1x8x128xf32, #tpu.memory_space<hbm>> -> memref<8x128xf32, #tpu.memory_space<hbm>>
        %dma_start3A_481 = arith.constant 16 : i32
        %dma_start3A_482 = arith.constant 0 : i32
        %dma_start3A_483 = tpu.memref_slice %arg5[%dma_start3A_481, %dma_start3A_482] : memref<32x512xf32, #tpu.memory_space<vmem>> -> memref<8x128xf32, #tpu.memory_space<vmem>>
        tpu.enqueue_dma source(%dma_start3A_483 : memref<8x128xf32, #tpu.memory_space<vmem>>) target(%dma_start3A_480 : memref<8x128xf32, #tpu.memory_space<hbm>>) target_semaphore(%arg9 : memref<!tpu.dma_semaphore, #tpu.memory_space<semaphore_mem>>)
        %jit3A_484 = arith.constant 128 : i32
        %div3A_485 = arith.divsi %mul3A_105, %jit3A_484 : i32
        %sign3A_486 = arith.constant 0 : i32
        %sign3A_487 = arith.cmpi sgt, %mul3A_105, %sign3A_486 : i32
        %sign3A_488 = arith.extui %sign3A_487 : i1 to i32
        %sign3A_489 = arith.constant 0 : i32
        %sign3A_490 = arith.cmpi slt, %mul3A_105, %sign3A_489 : i32
        %sign3A_491 = arith.extui %sign3A_490 : i1 to i32
        %sign3A_492 = arith.subi %sign3A_488, %sign3A_491 : i32
        %sign3A_493 = arith.constant 0 : i32
        %sign3A_494 = arith.cmpi sgt, %jit3A_484, %sign3A_493 : i32
        %sign3A_495 = arith.extui %sign3A_494 : i1 to i32
        %sign3A_496 = arith.constant 0 : i32
        %sign3A_497 = arith.cmpi slt, %jit3A_484, %sign3A_496 : i32
        %sign3A_498 = arith.extui %sign3A_497 : i1 to i32
        %sign3A_499 = arith.subi %sign3A_495, %sign3A_498 : i32
        %ne3A_500 = arith.cmpi ne, %sign3A_492, %sign3A_499 : i32
        %rem3A_501 = arith.remsi %mul3A_105, %jit3A_484 : i32
        %ne3A_502 = arith.constant 0 : i32
        %ne3A_503 = arith.cmpi ne, %rem3A_501, %ne3A_502 : i32
        %and3A_504 = arith.andi %ne3A_500, %ne3A_503 : i1
        %sub3A_505 = arith.constant 1 : i32
        %sub3A_506 = arith.subi %div3A_485, %sub3A_505 : i32
        %select_n3A_507 = arith.select %and3A_504, %sub3A_506, %div3A_485 : i32
        %add3A_508 = arith.constant 15626 : i32
        %add3A_509 = arith.addi %add3A_508, %select_n3A_507 : i32
        %add3A_510 = arith.constant 1 : i32
        %add3A_511 = arith.addi %add3A_509, %add3A_510 : i32
        %dma_start3A_512 = arith.constant 16 : i32
        %dma_start3A_513 = arith.constant 128 : i32
        %dma_start3A_514 = tpu.memref_slice %arg5[%dma_start3A_512, %dma_start3A_513] : memref<32x512xf32, #tpu.memory_space<vmem>> -> memref<8x128xf32, #tpu.memory_space<vmem>>
        %dma_start3A_515 = arith.constant 0 : i32
        %dma_start3A_516 = arith.constant 0 : i32
        %dma_start3A_517 = tpu.memref_slice %arg3[%add3A_511, %dma_start3A_515, %dma_start3A_516] : memref<31252x8x128xf32, #tpu.memory_space<hbm>> -> memref<1x8x128xf32, #tpu.memory_space<hbm>>
        %dma_start3A_518 = tpu.memref_squeeze %dma_start3A_517 : memref<1x8x128xf32, #tpu.memory_space<hbm>> -> memref<8x128xf32, #tpu.memory_space<hbm>>
        %dma_start3A_519 = arith.constant 0 : i32
        %dma_start3A_520 = arith.constant 0 : i32
        %dma_start3A_521 = tpu.memref_slice %arg3[%add3A_511, %dma_start3A_519, %dma_start3A_520] : memref<31252x8x128xf32, #tpu.memory_space<hbm>> -> memref<1x8x128xf32, #tpu.memory_space<hbm>>
        %dma_start3A_522 = tpu.memref_squeeze %dma_start3A_521 : memref<1x8x128xf32, #tpu.memory_space<hbm>> -> memref<8x128xf32, #tpu.memory_space<hbm>>
        %dma_start3A_523 = arith.constant 16 : i32
        %dma_start3A_524 = arith.constant 128 : i32
        %dma_start3A_525 = tpu.memref_slice %arg5[%dma_start3A_523, %dma_start3A_524] : memref<32x512xf32, #tpu.memory_space<vmem>> -> memref<8x128xf32, #tpu.memory_space<vmem>>
        tpu.enqueue_dma source(%dma_start3A_525 : memref<8x128xf32, #tpu.memory_space<vmem>>) target(%dma_start3A_522 : memref<8x128xf32, #tpu.memory_space<hbm>>) target_semaphore(%arg9 : memref<!tpu.dma_semaphore, #tpu.memory_space<semaphore_mem>>)
        %jit3A_526 = arith.constant 128 : i32
        %div3A_527 = arith.divsi %mul3A_105, %jit3A_526 : i32
        %sign3A_528 = arith.constant 0 : i32
        %sign3A_529 = arith.cmpi sgt, %mul3A_105, %sign3A_528 : i32
        %sign3A_530 = arith.extui %sign3A_529 : i1 to i32
        %sign3A_531 = arith.constant 0 : i32
        %sign3A_532 = arith.cmpi slt, %mul3A_105, %sign3A_531 : i32
        %sign3A_533 = arith.extui %sign3A_532 : i1 to i32
        %sign3A_534 = arith.subi %sign3A_530, %sign3A_533 : i32
        %sign3A_535 = arith.constant 0 : i32
        %sign3A_536 = arith.cmpi sgt, %jit3A_526, %sign3A_535 : i32
        %sign3A_537 = arith.extui %sign3A_536 : i1 to i32
        %sign3A_538 = arith.constant 0 : i32
        %sign3A_539 = arith.cmpi slt, %jit3A_526, %sign3A_538 : i32
        %sign3A_540 = arith.extui %sign3A_539 : i1 to i32
        %sign3A_541 = arith.subi %sign3A_537, %sign3A_540 : i32
        %ne3A_542 = arith.cmpi ne, %sign3A_534, %sign3A_541 : i32
        %rem3A_543 = arith.remsi %mul3A_105, %jit3A_526 : i32
        %ne3A_544 = arith.constant 0 : i32
        %ne3A_545 = arith.cmpi ne, %rem3A_543, %ne3A_544 : i32
        %and3A_546 = arith.andi %ne3A_542, %ne3A_545 : i1
        %sub3A_547 = arith.constant 1 : i32
        %sub3A_548 = arith.subi %div3A_527, %sub3A_547 : i32
        %select_n3A_549 = arith.select %and3A_546, %sub3A_548, %div3A_527 : i32
        %add3A_550 = arith.constant 15626 : i32
        %add3A_551 = arith.addi %add3A_550, %select_n3A_549 : i32
        %add3A_552 = arith.constant 2 : i32
        %add3A_553 = arith.addi %add3A_551, %add3A_552 : i32
        %dma_start3A_554 = arith.constant 16 : i32
        %dma_start3A_555 = arith.constant 256 : i32
        %dma_start3A_556 = tpu.memref_slice %arg5[%dma_start3A_554, %dma_start3A_555] : memref<32x512xf32, #tpu.memory_space<vmem>> -> memref<8x128xf32, #tpu.memory_space<vmem>>
        %dma_start3A_557 = arith.constant 0 : i32
        %dma_start3A_558 = arith.constant 0 : i32
        %dma_start3A_559 = tpu.memref_slice %arg3[%add3A_553, %dma_start3A_557, %dma_start3A_558] : memref<31252x8x128xf32, #tpu.memory_space<hbm>> -> memref<1x8x128xf32, #tpu.memory_space<hbm>>
        %dma_start3A_560 = tpu.memref_squeeze %dma_start3A_559 : memref<1x8x128xf32, #tpu.memory_space<hbm>> -> memref<8x128xf32, #tpu.memory_space<hbm>>
        %dma_start3A_561 = arith.constant 0 : i32
        %dma_start3A_562 = arith.constant 0 : i32
        %dma_start3A_563 = tpu.memref_slice %arg3[%add3A_553, %dma_start3A_561, %dma_start3A_562] : memref<31252x8x128xf32, #tpu.memory_space<hbm>> -> memref<1x8x128xf32, #tpu.memory_space<hbm>>
        %dma_start3A_564 = tpu.memref_squeeze %dma_start3A_563 : memref<1x8x128xf32, #tpu.memory_space<hbm>> -> memref<8x128xf32, #tpu.memory_space<hbm>>
        %dma_start3A_565 = arith.constant 16 : i32
        %dma_start3A_566 = arith.constant 256 : i32
        %dma_start3A_567 = tpu.memref_slice %arg5[%dma_start3A_565, %dma_start3A_566] : memref<32x512xf32, #tpu.memory_space<vmem>> -> memref<8x128xf32, #tpu.memory_space<vmem>>
        tpu.enqueue_dma source(%dma_start3A_567 : memref<8x128xf32, #tpu.memory_space<vmem>>) target(%dma_start3A_564 : memref<8x128xf32, #tpu.memory_space<hbm>>) target_semaphore(%arg9 : memref<!tpu.dma_semaphore, #tpu.memory_space<semaphore_mem>>)
        %jit3A_568 = arith.constant 128 : i32
        %div3A_569 = arith.divsi %mul3A_105, %jit3A_568 : i32
        %sign3A_570 = arith.constant 0 : i32
        %sign3A_571 = arith.cmpi sgt, %mul3A_105, %sign3A_570 : i32
        %sign3A_572 = arith.extui %sign3A_571 : i1 to i32
        %sign3A_573 = arith.constant 0 : i32
        %sign3A_574 = arith.cmpi slt, %mul3A_105, %sign3A_573 : i32
        %sign3A_575 = arith.extui %sign3A_574 : i1 to i32
        %sign3A_576 = arith.subi %sign3A_572, %sign3A_575 : i32
        %sign3A_577 = arith.constant 0 : i32
        %sign3A_578 = arith.cmpi sgt, %jit3A_568, %sign3A_577 : i32
        %sign3A_579 = arith.extui %sign3A_578 : i1 to i32
        %sign3A_580 = arith.constant 0 : i32
        %sign3A_581 = arith.cmpi slt, %jit3A_568, %sign3A_580 : i32
        %sign3A_582 = arith.extui %sign3A_581 : i1 to i32
        %sign3A_583 = arith.subi %sign3A_579, %sign3A_582 : i32
        %ne3A_584 = arith.cmpi ne, %sign3A_576, %sign3A_583 : i32
        %rem3A_585 = arith.remsi %mul3A_105, %jit3A_568 : i32
        %ne3A_586 = arith.constant 0 : i32
        %ne3A_587 = arith.cmpi ne, %rem3A_585, %ne3A_586 : i32
        %and3A_588 = arith.andi %ne3A_584, %ne3A_587 : i1
        %sub3A_589 = arith.constant 1 : i32
        %sub3A_590 = arith.subi %div3A_569, %sub3A_589 : i32
        %select_n3A_591 = arith.select %and3A_588, %sub3A_590, %div3A_569 : i32
        %add3A_592 = arith.constant 15626 : i32
        %add3A_593 = arith.addi %add3A_592, %select_n3A_591 : i32
        %add3A_594 = arith.constant 3 : i32
        %add3A_595 = arith.addi %add3A_593, %add3A_594 : i32
        %dma_start3A_596 = arith.constant 16 : i32
        %dma_start3A_597 = arith.constant 384 : i32
        %dma_start3A_598 = tpu.memref_slice %arg5[%dma_start3A_596, %dma_start3A_597] : memref<32x512xf32, #tpu.memory_space<vmem>> -> memref<8x128xf32, #tpu.memory_space<vmem>>
        %dma_start3A_599 = arith.constant 0 : i32
        %dma_start3A_600 = arith.constant 0 : i32
        %dma_start3A_601 = tpu.memref_slice %arg3[%add3A_595, %dma_start3A_599, %dma_start3A_600] : memref<31252x8x128xf32, #tpu.memory_space<hbm>> -> memref<1x8x128xf32, #tpu.memory_space<hbm>>
        %dma_start3A_602 = tpu.memref_squeeze %dma_start3A_601 : memref<1x8x128xf32, #tpu.memory_space<hbm>> -> memref<8x128xf32, #tpu.memory_space<hbm>>
        %dma_start3A_603 = arith.constant 0 : i32
        %dma_start3A_604 = arith.constant 0 : i32
        %dma_start3A_605 = tpu.memref_slice %arg3[%add3A_595, %dma_start3A_603, %dma_start3A_604] : memref<31252x8x128xf32, #tpu.memory_space<hbm>> -> memref<1x8x128xf32, #tpu.memory_space<hbm>>
        %dma_start3A_606 = tpu.memref_squeeze %dma_start3A_605 : memref<1x8x128xf32, #tpu.memory_space<hbm>> -> memref<8x128xf32, #tpu.memory_space<hbm>>
        %dma_start3A_607 = arith.constant 16 : i32
        %dma_start3A_608 = arith.constant 384 : i32
        %dma_start3A_609 = tpu.memref_slice %arg5[%dma_start3A_607, %dma_start3A_608] : memref<32x512xf32, #tpu.memory_space<vmem>> -> memref<8x128xf32, #tpu.memory_space<vmem>>
        tpu.enqueue_dma source(%dma_start3A_609 : memref<8x128xf32, #tpu.memory_space<vmem>>) target(%dma_start3A_606 : memref<8x128xf32, #tpu.memory_space<hbm>>) target_semaphore(%arg9 : memref<!tpu.dma_semaphore, #tpu.memory_space<semaphore_mem>>)
        %jit3A_610 = arith.constant 128 : i32
        %div3A_611 = arith.divsi %mul3A_105, %jit3A_610 : i32
        %sign3A_612 = arith.constant 0 : i32
        %sign3A_613 = arith.cmpi sgt, %mul3A_105, %sign3A_612 : i32
        %sign3A_614 = arith.extui %sign3A_613 : i1 to i32
        %sign3A_615 = arith.constant 0 : i32
        %sign3A_616 = arith.cmpi slt, %mul3A_105, %sign3A_615 : i32
        %sign3A_617 = arith.extui %sign3A_616 : i1 to i32
        %sign3A_618 = arith.subi %sign3A_614, %sign3A_617 : i32
        %sign3A_619 = arith.constant 0 : i32
        %sign3A_620 = arith.cmpi sgt, %jit3A_610, %sign3A_619 : i32
        %sign3A_621 = arith.extui %sign3A_620 : i1 to i32
        %sign3A_622 = arith.constant 0 : i32
        %sign3A_623 = arith.cmpi slt, %jit3A_610, %sign3A_622 : i32
        %sign3A_624 = arith.extui %sign3A_623 : i1 to i32
        %sign3A_625 = arith.subi %sign3A_621, %sign3A_624 : i32
        %ne3A_626 = arith.cmpi ne, %sign3A_618, %sign3A_625 : i32
        %rem3A_627 = arith.remsi %mul3A_105, %jit3A_610 : i32
        %ne3A_628 = arith.constant 0 : i32
        %ne3A_629 = arith.cmpi ne, %rem3A_627, %ne3A_628 : i32
        %and3A_630 = arith.andi %ne3A_626, %ne3A_629 : i1
        %sub3A_631 = arith.constant 1 : i32
        %sub3A_632 = arith.subi %div3A_611, %sub3A_631 : i32
        %select_n3A_633 = arith.select %and3A_630, %sub3A_632, %div3A_611 : i32
        %add3A_634 = arith.constant 23439 : i32
        %add3A_635 = arith.addi %add3A_634, %select_n3A_633 : i32
        %add3A_636 = arith.constant 0 : i32
        %add3A_637 = arith.addi %add3A_635, %add3A_636 : i32
        %dma_start3A_638 = arith.constant 24 : i32
        %dma_start3A_639 = arith.constant 0 : i32
        %dma_start3A_640 = tpu.memref_slice %arg5[%dma_start3A_638, %dma_start3A_639] : memref<32x512xf32, #tpu.memory_space<vmem>> -> memref<8x128xf32, #tpu.memory_space<vmem>>
        %dma_start3A_641 = arith.constant 0 : i32
        %dma_start3A_642 = arith.constant 0 : i32
        %dma_start3A_643 = tpu.memref_slice %arg3[%add3A_637, %dma_start3A_641, %dma_start3A_642] : memref<31252x8x128xf32, #tpu.memory_space<hbm>> -> memref<1x8x128xf32, #tpu.memory_space<hbm>>
        %dma_start3A_644 = tpu.memref_squeeze %dma_start3A_643 : memref<1x8x128xf32, #tpu.memory_space<hbm>> -> memref<8x128xf32, #tpu.memory_space<hbm>>
        %dma_start3A_645 = arith.constant 0 : i32
        %dma_start3A_646 = arith.constant 0 : i32
        %dma_start3A_647 = tpu.memref_slice %arg3[%add3A_637, %dma_start3A_645, %dma_start3A_646] : memref<31252x8x128xf32, #tpu.memory_space<hbm>> -> memref<1x8x128xf32, #tpu.memory_space<hbm>>
        %dma_start3A_648 = tpu.memref_squeeze %dma_start3A_647 : memref<1x8x128xf32, #tpu.memory_space<hbm>> -> memref<8x128xf32, #tpu.memory_space<hbm>>
        %dma_start3A_649 = arith.constant 24 : i32
        %dma_start3A_650 = arith.constant 0 : i32
        %dma_start3A_651 = tpu.memref_slice %arg5[%dma_start3A_649, %dma_start3A_650] : memref<32x512xf32, #tpu.memory_space<vmem>> -> memref<8x128xf32, #tpu.memory_space<vmem>>
        tpu.enqueue_dma source(%dma_start3A_651 : memref<8x128xf32, #tpu.memory_space<vmem>>) target(%dma_start3A_648 : memref<8x128xf32, #tpu.memory_space<hbm>>) target_semaphore(%arg9 : memref<!tpu.dma_semaphore, #tpu.memory_space<semaphore_mem>>)
        %jit3A_652 = arith.constant 128 : i32
        %div3A_653 = arith.divsi %mul3A_105, %jit3A_652 : i32
        %sign3A_654 = arith.constant 0 : i32
        %sign3A_655 = arith.cmpi sgt, %mul3A_105, %sign3A_654 : i32
        %sign3A_656 = arith.extui %sign3A_655 : i1 to i32
        %sign3A_657 = arith.constant 0 : i32
        %sign3A_658 = arith.cmpi slt, %mul3A_105, %sign3A_657 : i32
        %sign3A_659 = arith.extui %sign3A_658 : i1 to i32
        %sign3A_660 = arith.subi %sign3A_656, %sign3A_659 : i32
        %sign3A_661 = arith.constant 0 : i32
        %sign3A_662 = arith.cmpi sgt, %jit3A_652, %sign3A_661 : i32
        %sign3A_663 = arith.extui %sign3A_662 : i1 to i32
        %sign3A_664 = arith.constant 0 : i32
        %sign3A_665 = arith.cmpi slt, %jit3A_652, %sign3A_664 : i32
        %sign3A_666 = arith.extui %sign3A_665 : i1 to i32
        %sign3A_667 = arith.subi %sign3A_663, %sign3A_666 : i32
        %ne3A_668 = arith.cmpi ne, %sign3A_660, %sign3A_667 : i32
        %rem3A_669 = arith.remsi %mul3A_105, %jit3A_652 : i32
        %ne3A_670 = arith.constant 0 : i32
        %ne3A_671 = arith.cmpi ne, %rem3A_669, %ne3A_670 : i32
        %and3A_672 = arith.andi %ne3A_668, %ne3A_671 : i1
        %sub3A_673 = arith.constant 1 : i32
        %sub3A_674 = arith.subi %div3A_653, %sub3A_673 : i32
        %select_n3A_675 = arith.select %and3A_672, %sub3A_674, %div3A_653 : i32
        %add3A_676 = arith.constant 23439 : i32
        %add3A_677 = arith.addi %add3A_676, %select_n3A_675 : i32
        %add3A_678 = arith.constant 1 : i32
        %add3A_679 = arith.addi %add3A_677, %add3A_678 : i32
        %dma_start3A_680 = arith.constant 24 : i32
        %dma_start3A_681 = arith.constant 128 : i32
        %dma_start3A_682 = tpu.memref_slice %arg5[%dma_start3A_680, %dma_start3A_681] : memref<32x512xf32, #tpu.memory_space<vmem>> -> memref<8x128xf32, #tpu.memory_space<vmem>>
        %dma_start3A_683 = arith.constant 0 : i32
        %dma_start3A_684 = arith.constant 0 : i32
        %dma_start3A_685 = tpu.memref_slice %arg3[%add3A_679, %dma_start3A_683, %dma_start3A_684] : memref<31252x8x128xf32, #tpu.memory_space<hbm>> -> memref<1x8x128xf32, #tpu.memory_space<hbm>>
        %dma_start3A_686 = tpu.memref_squeeze %dma_start3A_685 : memref<1x8x128xf32, #tpu.memory_space<hbm>> -> memref<8x128xf32, #tpu.memory_space<hbm>>
        %dma_start3A_687 = arith.constant 0 : i32
        %dma_start3A_688 = arith.constant 0 : i32
        %dma_start3A_689 = tpu.memref_slice %arg3[%add3A_679, %dma_start3A_687, %dma_start3A_688] : memref<31252x8x128xf32, #tpu.memory_space<hbm>> -> memref<1x8x128xf32, #tpu.memory_space<hbm>>
        %dma_start3A_690 = tpu.memref_squeeze %dma_start3A_689 : memref<1x8x128xf32, #tpu.memory_space<hbm>> -> memref<8x128xf32, #tpu.memory_space<hbm>>
        %dma_start3A_691 = arith.constant 24 : i32
        %dma_start3A_692 = arith.constant 128 : i32
        %dma_start3A_693 = tpu.memref_slice %arg5[%dma_start3A_691, %dma_start3A_692] : memref<32x512xf32, #tpu.memory_space<vmem>> -> memref<8x128xf32, #tpu.memory_space<vmem>>
        tpu.enqueue_dma source(%dma_start3A_693 : memref<8x128xf32, #tpu.memory_space<vmem>>) target(%dma_start3A_690 : memref<8x128xf32, #tpu.memory_space<hbm>>) target_semaphore(%arg9 : memref<!tpu.dma_semaphore, #tpu.memory_space<semaphore_mem>>)
        %jit3A_694 = arith.constant 128 : i32
        %div3A_695 = arith.divsi %mul3A_105, %jit3A_694 : i32
        %sign3A_696 = arith.constant 0 : i32
        %sign3A_697 = arith.cmpi sgt, %mul3A_105, %sign3A_696 : i32
        %sign3A_698 = arith.extui %sign3A_697 : i1 to i32
        %sign3A_699 = arith.constant 0 : i32
        %sign3A_700 = arith.cmpi slt, %mul3A_105, %sign3A_699 : i32
        %sign3A_701 = arith.extui %sign3A_700 : i1 to i32
        %sign3A_702 = arith.subi %sign3A_698, %sign3A_701 : i32
        %sign3A_703 = arith.constant 0 : i32
        %sign3A_704 = arith.cmpi sgt, %jit3A_694, %sign3A_703 : i32
        %sign3A_705 = arith.extui %sign3A_704 : i1 to i32
        %sign3A_706 = arith.constant 0 : i32
        %sign3A_707 = arith.cmpi slt, %jit3A_694, %sign3A_706 : i32
        %sign3A_708 = arith.extui %sign3A_707 : i1 to i32
        %sign3A_709 = arith.subi %sign3A_705, %sign3A_708 : i32
        %ne3A_710 = arith.cmpi ne, %sign3A_702, %sign3A_709 : i32
        %rem3A_711 = arith.remsi %mul3A_105, %jit3A_694 : i32
        %ne3A_712 = arith.constant 0 : i32
        %ne3A_713 = arith.cmpi ne, %rem3A_711, %ne3A_712 : i32
        %and3A_714 = arith.andi %ne3A_710, %ne3A_713 : i1
        %sub3A_715 = arith.constant 1 : i32
        %sub3A_716 = arith.subi %div3A_695, %sub3A_715 : i32
        %select_n3A_717 = arith.select %and3A_714, %sub3A_716, %div3A_695 : i32
        %add3A_718 = arith.constant 23439 : i32
        %add3A_719 = arith.addi %add3A_718, %select_n3A_717 : i32
        %add3A_720 = arith.constant 2 : i32
        %add3A_721 = arith.addi %add3A_719, %add3A_720 : i32
        %dma_start3A_722 = arith.constant 24 : i32
        %dma_start3A_723 = arith.constant 256 : i32
        %dma_start3A_724 = tpu.memref_slice %arg5[%dma_start3A_722, %dma_start3A_723] : memref<32x512xf32, #tpu.memory_space<vmem>> -> memref<8x128xf32, #tpu.memory_space<vmem>>
        %dma_start3A_725 = arith.constant 0 : i32
        %dma_start3A_726 = arith.constant 0 : i32
        %dma_start3A_727 = tpu.memref_slice %arg3[%add3A_721, %dma_start3A_725, %dma_start3A_726] : memref<31252x8x128xf32, #tpu.memory_space<hbm>> -> memref<1x8x128xf32, #tpu.memory_space<hbm>>
        %dma_start3A_728 = tpu.memref_squeeze %dma_start3A_727 : memref<1x8x128xf32, #tpu.memory_space<hbm>> -> memref<8x128xf32, #tpu.memory_space<hbm>>
        %dma_start3A_729 = arith.constant 0 : i32
        %dma_start3A_730 = arith.constant 0 : i32
        %dma_start3A_731 = tpu.memref_slice %arg3[%add3A_721, %dma_start3A_729, %dma_start3A_730] : memref<31252x8x128xf32, #tpu.memory_space<hbm>> -> memref<1x8x128xf32, #tpu.memory_space<hbm>>
        %dma_start3A_732 = tpu.memref_squeeze %dma_start3A_731 : memref<1x8x128xf32, #tpu.memory_space<hbm>> -> memref<8x128xf32, #tpu.memory_space<hbm>>
        %dma_start3A_733 = arith.constant 24 : i32
        %dma_start3A_734 = arith.constant 256 : i32
        %dma_start3A_735 = tpu.memref_slice %arg5[%dma_start3A_733, %dma_start3A_734] : memref<32x512xf32, #tpu.memory_space<vmem>> -> memref<8x128xf32, #tpu.memory_space<vmem>>
        tpu.enqueue_dma source(%dma_start3A_735 : memref<8x128xf32, #tpu.memory_space<vmem>>) target(%dma_start3A_732 : memref<8x128xf32, #tpu.memory_space<hbm>>) target_semaphore(%arg9 : memref<!tpu.dma_semaphore, #tpu.memory_space<semaphore_mem>>)
        %jit3A_736 = arith.constant 128 : i32
        %div3A_737 = arith.divsi %mul3A_105, %jit3A_736 : i32
        %sign3A_738 = arith.constant 0 : i32
        %sign3A_739 = arith.cmpi sgt, %mul3A_105, %sign3A_738 : i32
        %sign3A_740 = arith.extui %sign3A_739 : i1 to i32
        %sign3A_741 = arith.constant 0 : i32
        %sign3A_742 = arith.cmpi slt, %mul3A_105, %sign3A_741 : i32
        %sign3A_743 = arith.extui %sign3A_742 : i1 to i32
        %sign3A_744 = arith.subi %sign3A_740, %sign3A_743 : i32
        %sign3A_745 = arith.constant 0 : i32
        %sign3A_746 = arith.cmpi sgt, %jit3A_736, %sign3A_745 : i32
        %sign3A_747 = arith.extui %sign3A_746 : i1 to i32
        %sign3A_748 = arith.constant 0 : i32
        %sign3A_749 = arith.cmpi slt, %jit3A_736, %sign3A_748 : i32
        %sign3A_750 = arith.extui %sign3A_749 : i1 to i32
        %sign3A_751 = arith.subi %sign3A_747, %sign3A_750 : i32
        %ne3A_752 = arith.cmpi ne, %sign3A_744, %sign3A_751 : i32
        %rem3A_753 = arith.remsi %mul3A_105, %jit3A_736 : i32
        %ne3A_754 = arith.constant 0 : i32
        %ne3A_755 = arith.cmpi ne, %rem3A_753, %ne3A_754 : i32
        %and3A_756 = arith.andi %ne3A_752, %ne3A_755 : i1
        %sub3A_757 = arith.constant 1 : i32
        %sub3A_758 = arith.subi %div3A_737, %sub3A_757 : i32
        %select_n3A_759 = arith.select %and3A_756, %sub3A_758, %div3A_737 : i32
        %add3A_760 = arith.constant 23439 : i32
        %add3A_761 = arith.addi %add3A_760, %select_n3A_759 : i32
        %add3A_762 = arith.constant 3 : i32
        %add3A_763 = arith.addi %add3A_761, %add3A_762 : i32
        %dma_start3A_764 = arith.constant 24 : i32
        %dma_start3A_765 = arith.constant 384 : i32
        %dma_start3A_766 = tpu.memref_slice %arg5[%dma_start3A_764, %dma_start3A_765] : memref<32x512xf32, #tpu.memory_space<vmem>> -> memref<8x128xf32, #tpu.memory_space<vmem>>
        %dma_start3A_767 = arith.constant 0 : i32
        %dma_start3A_768 = arith.constant 0 : i32
        %dma_start3A_769 = tpu.memref_slice %arg3[%add3A_763, %dma_start3A_767, %dma_start3A_768] : memref<31252x8x128xf32, #tpu.memory_space<hbm>> -> memref<1x8x128xf32, #tpu.memory_space<hbm>>
        %dma_start3A_770 = tpu.memref_squeeze %dma_start3A_769 : memref<1x8x128xf32, #tpu.memory_space<hbm>> -> memref<8x128xf32, #tpu.memory_space<hbm>>
        %dma_start3A_771 = arith.constant 0 : i32
        %dma_start3A_772 = arith.constant 0 : i32
        %dma_start3A_773 = tpu.memref_slice %arg3[%add3A_763, %dma_start3A_771, %dma_start3A_772] : memref<31252x8x128xf32, #tpu.memory_space<hbm>> -> memref<1x8x128xf32, #tpu.memory_space<hbm>>
        %dma_start3A_774 = tpu.memref_squeeze %dma_start3A_773 : memref<1x8x128xf32, #tpu.memory_space<hbm>> -> memref<8x128xf32, #tpu.memory_space<hbm>>
        %dma_start3A_775 = arith.constant 24 : i32
        %dma_start3A_776 = arith.constant 384 : i32
        %dma_start3A_777 = tpu.memref_slice %arg5[%dma_start3A_775, %dma_start3A_776] : memref<32x512xf32, #tpu.memory_space<vmem>> -> memref<8x128xf32, #tpu.memory_space<vmem>>
        tpu.enqueue_dma source(%dma_start3A_777 : memref<8x128xf32, #tpu.memory_space<vmem>>) target(%dma_start3A_774 : memref<8x128xf32, #tpu.memory_space<hbm>>) target_semaphore(%arg9 : memref<!tpu.dma_semaphore, #tpu.memory_space<semaphore_mem>>)
      } else {
      }
    }
    %while3A_38 = arith.constant 1 : i32
    scf.for %while3A_63 = %while3A_36 to %while3A_32 step %while3A_38  : i32 {
      %jit3A_64 = arith.constant 2 : i32
      %eq3A_65 = arith.constant 0 : i32
      %eq3A_66 = arith.cmpi eq, %jit3A_64, %eq3A_65 : i32
      %jit3A_67 = arith.constant 1 : i32
      %select_n3A_68 = arith.select %eq3A_66, %jit3A_67, %jit3A_64 : i32
      %rem3A_69 = arith.remsi %while3A_63, %select_n3A_68 : i32
      %ne3A_70 = arith.constant 0 : i32
      %ne3A_71 = arith.cmpi ne, %rem3A_69, %ne3A_70 : i32
      %lt3A_72 = arith.constant 0 : i32
      %lt3A_73 = arith.cmpi slt, %rem3A_69, %lt3A_72 : i32
      %lt3A_74 = arith.constant 0 : i32
      %lt3A_75 = arith.cmpi slt, %select_n3A_68, %lt3A_74 : i32
      %ne3A_76 = arith.xori %lt3A_73, %lt3A_75 : i1
      %and3A_77 = arith.andi %ne3A_76, %ne3A_71 : i1
      %add3A_78 = arith.addi %rem3A_69, %select_n3A_68 : i32
      %select_n3A_79 = arith.select %and3A_77, %add3A_78, %rem3A_69 : i32
      %eq3A_80 = arith.constant 0 : i32
      %eq3A_81 = arith.cmpi eq, %select_n3A_79, %eq3A_80 : i32
      %convert_element_type3A_82 = arith.extui %eq3A_81 : i1 to i32
      %cond3A_83 = arith.constant 0 : i32
      %cond3A_84 = arith.cmpi ne, %convert_element_type3A_82, %cond3A_83 : i32
      scf.if %cond3A_84 {
        %add3A_90 = arith.constant 1 : i32
        %add3A_91 = arith.addi %while3A_63, %add3A_90 : i32
        %lt3A_92 = arith.cmpi slt, %add3A_91, %select_n3A : i32
        %convert_element_type3A_93 = arith.extui %lt3A_92 : i1 to i32
        %cond3A_94 = arith.constant 0 : i32
        %cond3A_95 = arith.cmpi ne, %convert_element_type3A_93, %cond3A_94 : i32
        scf.if %cond3A_95 {
          %ge3A = arith.constant 1 : i32
          %ge3A_778 = arith.cmpi sge, %while3A_63, %ge3A : i32
          %convert_element_type3A_779 = arith.extui %ge3A_778 : i1 to i32
          %cond3A_780 = arith.constant 0 : i32
          %cond3A_781 = arith.cmpi ne, %convert_element_type3A_779, %cond3A_780 : i32
          scf.if %cond3A_781 {
            %dma_wait3A_794 = arith.constant 0 : i32
            %dma_wait3A_795 = arith.constant 0 : i32
            %dma_wait3A_796 = tpu.memref_slice %arg2[%dma_wait3A_794, %dma_wait3A_795] : memref<32x1000000xf32, #tpu.memory_space<hbm>> -> memref<32x512xf32, #tpu.memory_space<hbm>>
            %dma_wait3A_797 = arith.constant 0 : i32
            %dma_wait3A_798 = arith.constant 0 : i32
            %dma_wait3A_799 = tpu.memref_slice %arg2[%dma_wait3A_797, %dma_wait3A_798] : memref<32x1000000xf32, #tpu.memory_space<hbm>> -> memref<32x512xf32, #tpu.memory_space<hbm>>
            tpu.wait_dma2 semaphore(%arg9 : memref<!tpu.dma_semaphore, #tpu.memory_space<semaphore_mem>>) src(%dma_wait3A_799 : memref<32x512xf32, #tpu.memory_space<hbm>>) dst(%arg5 : memref<32x512xf32, #tpu.memory_space<vmem>>)
          } else {
          }
          %add3A_782 = arith.constant 1 : i32
          %add3A_783 = arith.addi %while3A_63, %add3A_782 : i32
          %mul3A_784 = arith.constant 32 : i32
          %mul3A_785 = arith.muli %add3A_783, %mul3A_784 : i32
          %add3A_786 = arith.addi %add3A, %mul3A_785 : i32
          %mul3A_787 = arith.constant 512 : i32
          %mul3A_788 = arith.muli %add3A_786, %mul3A_787 : i32
          %multiple_of3A_789 = tpu.assume_multiple %mul3A_788, 128 : i32
          %dma_start3A_790 = arith.constant 0 : i32
          %dma_start3A_791 = tpu.memref_slice %arg2[%dma_start3A_790, %multiple_of3A_789] : memref<32x1000000xf32, #tpu.memory_space<hbm>> -> memref<32x512xf32, #tpu.memory_space<hbm>>
          %dma_start3A_792 = arith.constant 0 : i32
          %dma_start3A_793 = tpu.memref_slice %arg2[%dma_start3A_792, %multiple_of3A_789] : memref<32x1000000xf32, #tpu.memory_space<hbm>> -> memref<32x512xf32, #tpu.memory_space<hbm>>
          tpu.enqueue_dma source(%dma_start3A_793 : memref<32x512xf32, #tpu.memory_space<hbm>>) target(%arg5 : memref<32x512xf32, #tpu.memory_space<vmem>>) target_semaphore(%arg7 : memref<!tpu.dma_semaphore, #tpu.memory_space<semaphore_mem>>)
        } else {
        }
        %dma_wait3A = arith.constant 0 : i32
        %dma_wait3A_96 = arith.constant 0 : i32
        %dma_wait3A_97 = tpu.memref_slice %arg2[%dma_wait3A, %dma_wait3A_96] : memref<32x1000000xf32, #tpu.memory_space<hbm>> -> memref<32x512xf32, #tpu.memory_space<hbm>>
        %dma_wait3A_98 = arith.constant 0 : i32
        %dma_wait3A_99 = arith.constant 0 : i32
        %dma_wait3A_100 = tpu.memref_slice %arg2[%dma_wait3A_98, %dma_wait3A_99] : memref<32x1000000xf32, #tpu.memory_space<hbm>> -> memref<32x512xf32, #tpu.memory_space<hbm>>
        tpu.wait_dma2 semaphore(%arg6 : memref<!tpu.dma_semaphore, #tpu.memory_space<semaphore_mem>>) src(%dma_wait3A_100 : memref<32x512xf32, #tpu.memory_space<hbm>>) dst(%arg4 : memref<32x512xf32, #tpu.memory_space<vmem>>)
        %mul3A_101 = arith.constant 32 : i32
        %mul3A_102 = arith.muli %while3A_63, %mul3A_101 : i32
        %add3A_103 = arith.addi %add3A, %mul3A_102 : i32
        %mul3A_104 = arith.constant 512 : i32
        %mul3A_105 = arith.muli %add3A_103, %mul3A_104 : i32
        %jit3A_106 = arith.constant 128 : i32
        %div3A_107 = arith.divsi %mul3A_105, %jit3A_106 : i32
        %sign3A_108 = arith.constant 0 : i32
        %sign3A_109 = arith.cmpi sgt, %mul3A_105, %sign3A_108 : i32
        %sign3A_110 = arith.extui %sign3A_109 : i1 to i32
        %sign3A_111 = arith.constant 0 : i32
        %sign3A_112 = arith.cmpi slt, %mul3A_105, %sign3A_111 : i32
        %sign3A_113 = arith.extui %sign3A_112 : i1 to i32
        %sign3A_114 = arith.subi %sign3A_110, %sign3A_113 : i32
        %sign3A_115 = arith.constant 0 : i32
        %sign3A_116 = arith.cmpi sgt, %jit3A_106, %sign3A_115 : i32
        %sign3A_117 = arith.extui %sign3A_116 : i1 to i32
        %sign3A_118 = arith.constant 0 : i32
        %sign3A_119 = arith.cmpi slt, %jit3A_106, %sign3A_118 : i32
        %sign3A_120 = arith.extui %sign3A_119 : i1 to i32
        %sign3A_121 = arith.subi %sign3A_117, %sign3A_120 : i32
        %ne3A_122 = arith.cmpi ne, %sign3A_114, %sign3A_121 : i32
        %rem3A_123 = arith.remsi %mul3A_105, %jit3A_106 : i32
        %ne3A_124 = arith.constant 0 : i32
        %ne3A_125 = arith.cmpi ne, %rem3A_123, %ne3A_124 : i32
        %and3A_126 = arith.andi %ne3A_122, %ne3A_125 : i1
        %sub3A_127 = arith.constant 1 : i32
        %sub3A_128 = arith.subi %div3A_107, %sub3A_127 : i32
        %select_n3A_129 = arith.select %and3A_126, %sub3A_128, %div3A_107 : i32
        %add3A_130 = arith.constant 0 : i32
        %add3A_131 = arith.addi %add3A_130, %select_n3A_129 : i32
        %add3A_132 = arith.constant 0 : i32
        %add3A_133 = arith.addi %add3A_131, %add3A_132 : i32
        %dma_start3A_134 = arith.constant 0 : i32
        %dma_start3A_135 = arith.constant 0 : i32
        %dma_start3A_136 = tpu.memref_slice %arg4[%dma_start3A_134, %dma_start3A_135] : memref<32x512xf32, #tpu.memory_space<vmem>> -> memref<8x128xf32, #tpu.memory_space<vmem>>
        %dma_start3A_137 = arith.constant 0 : i32
        %dma_start3A_138 = arith.constant 0 : i32
        %dma_start3A_139 = tpu.memref_slice %arg3[%add3A_133, %dma_start3A_137, %dma_start3A_138] : memref<31252x8x128xf32, #tpu.memory_space<hbm>> -> memref<1x8x128xf32, #tpu.memory_space<hbm>>
        %dma_start3A_140 = tpu.memref_squeeze %dma_start3A_139 : memref<1x8x128xf32, #tpu.memory_space<hbm>> -> memref<8x128xf32, #tpu.memory_space<hbm>>
        %dma_start3A_141 = arith.constant 0 : i32
        %dma_start3A_142 = arith.constant 0 : i32
        %dma_start3A_143 = tpu.memref_slice %arg3[%add3A_133, %dma_start3A_141, %dma_start3A_142] : memref<31252x8x128xf32, #tpu.memory_space<hbm>> -> memref<1x8x128xf32, #tpu.memory_space<hbm>>
        %dma_start3A_144 = tpu.memref_squeeze %dma_start3A_143 : memref<1x8x128xf32, #tpu.memory_space<hbm>> -> memref<8x128xf32, #tpu.memory_space<hbm>>
        %dma_start3A_145 = arith.constant 0 : i32
        %dma_start3A_146 = arith.constant 0 : i32
        %dma_start3A_147 = tpu.memref_slice %arg4[%dma_start3A_145, %dma_start3A_146] : memref<32x512xf32, #tpu.memory_space<vmem>> -> memref<8x128xf32, #tpu.memory_space<vmem>>
        tpu.enqueue_dma source(%dma_start3A_147 : memref<8x128xf32, #tpu.memory_space<vmem>>) target(%dma_start3A_144 : memref<8x128xf32, #tpu.memory_space<hbm>>) target_semaphore(%arg8 : memref<!tpu.dma_semaphore, #tpu.memory_space<semaphore_mem>>)
        %jit3A_148 = arith.constant 128 : i32
        %div3A_149 = arith.divsi %mul3A_105, %jit3A_148 : i32
        %sign3A_150 = arith.constant 0 : i32
        %sign3A_151 = arith.cmpi sgt, %mul3A_105, %sign3A_150 : i32
        %sign3A_152 = arith.extui %sign3A_151 : i1 to i32
        %sign3A_153 = arith.constant 0 : i32
        %sign3A_154 = arith.cmpi slt, %mul3A_105, %sign3A_153 : i32
        %sign3A_155 = arith.extui %sign3A_154 : i1 to i32
        %sign3A_156 = arith.subi %sign3A_152, %sign3A_155 : i32
        %sign3A_157 = arith.constant 0 : i32
        %sign3A_158 = arith.cmpi sgt, %jit3A_148, %sign3A_157 : i32
        %sign3A_159 = arith.extui %sign3A_158 : i1 to i32
        %sign3A_160 = arith.constant 0 : i32
        %sign3A_161 = arith.cmpi slt, %jit3A_148, %sign3A_160 : i32
        %sign3A_162 = arith.extui %sign3A_161 : i1 to i32
        %sign3A_163 = arith.subi %sign3A_159, %sign3A_162 : i32
        %ne3A_164 = arith.cmpi ne, %sign3A_156, %sign3A_163 : i32
        %rem3A_165 = arith.remsi %mul3A_105, %jit3A_148 : i32
        %ne3A_166 = arith.constant 0 : i32
        %ne3A_167 = arith.cmpi ne, %rem3A_165, %ne3A_166 : i32
        %and3A_168 = arith.andi %ne3A_164, %ne3A_167 : i1
        %sub3A_169 = arith.constant 1 : i32
        %sub3A_170 = arith.subi %div3A_149, %sub3A_169 : i32
        %select_n3A_171 = arith.select %and3A_168, %sub3A_170, %div3A_149 : i32
        %add3A_172 = arith.constant 0 : i32
        %add3A_173 = arith.addi %add3A_172, %select_n3A_171 : i32
        %add3A_174 = arith.constant 1 : i32
        %add3A_175 = arith.addi %add3A_173, %add3A_174 : i32
        %dma_start3A_176 = arith.constant 0 : i32
        %dma_start3A_177 = arith.constant 128 : i32
        %dma_start3A_178 = tpu.memref_slice %arg4[%dma_start3A_176, %dma_start3A_177] : memref<32x512xf32, #tpu.memory_space<vmem>> -> memref<8x128xf32, #tpu.memory_space<vmem>>
        %dma_start3A_179 = arith.constant 0 : i32
        %dma_start3A_180 = arith.constant 0 : i32
        %dma_start3A_181 = tpu.memref_slice %arg3[%add3A_175, %dma_start3A_179, %dma_start3A_180] : memref<31252x8x128xf32, #tpu.memory_space<hbm>> -> memref<1x8x128xf32, #tpu.memory_space<hbm>>
        %dma_start3A_182 = tpu.memref_squeeze %dma_start3A_181 : memref<1x8x128xf32, #tpu.memory_space<hbm>> -> memref<8x128xf32, #tpu.memory_space<hbm>>
        %dma_start3A_183 = arith.constant 0 : i32
        %dma_start3A_184 = arith.constant 0 : i32
        %dma_start3A_185 = tpu.memref_slice %arg3[%add3A_175, %dma_start3A_183, %dma_start3A_184] : memref<31252x8x128xf32, #tpu.memory_space<hbm>> -> memref<1x8x128xf32, #tpu.memory_space<hbm>>
        %dma_start3A_186 = tpu.memref_squeeze %dma_start3A_185 : memref<1x8x128xf32, #tpu.memory_space<hbm>> -> memref<8x128xf32, #tpu.memory_space<hbm>>
        %dma_start3A_187 = arith.constant 0 : i32
        %dma_start3A_188 = arith.constant 128 : i32
        %dma_start3A_189 = tpu.memref_slice %arg4[%dma_start3A_187, %dma_start3A_188] : memref<32x512xf32, #tpu.memory_space<vmem>> -> memref<8x128xf32, #tpu.memory_space<vmem>>
        tpu.enqueue_dma source(%dma_start3A_189 : memref<8x128xf32, #tpu.memory_space<vmem>>) target(%dma_start3A_186 : memref<8x128xf32, #tpu.memory_space<hbm>>) target_semaphore(%arg8 : memref<!tpu.dma_semaphore, #tpu.memory_space<semaphore_mem>>)
        %jit3A_190 = arith.constant 128 : i32
        %div3A_191 = arith.divsi %mul3A_105, %jit3A_190 : i32
        %sign3A_192 = arith.constant 0 : i32
        %sign3A_193 = arith.cmpi sgt, %mul3A_105, %sign3A_192 : i32
        %sign3A_194 = arith.extui %sign3A_193 : i1 to i32
        %sign3A_195 = arith.constant 0 : i32
        %sign3A_196 = arith.cmpi slt, %mul3A_105, %sign3A_195 : i32
        %sign3A_197 = arith.extui %sign3A_196 : i1 to i32
        %sign3A_198 = arith.subi %sign3A_194, %sign3A_197 : i32
        %sign3A_199 = arith.constant 0 : i32
        %sign3A_200 = arith.cmpi sgt, %jit3A_190, %sign3A_199 : i32
        %sign3A_201 = arith.extui %sign3A_200 : i1 to i32
        %sign3A_202 = arith.constant 0 : i32
        %sign3A_203 = arith.cmpi slt, %jit3A_190, %sign3A_202 : i32
        %sign3A_204 = arith.extui %sign3A_203 : i1 to i32
        %sign3A_205 = arith.subi %sign3A_201, %sign3A_204 : i32
        %ne3A_206 = arith.cmpi ne, %sign3A_198, %sign3A_205 : i32
        %rem3A_207 = arith.remsi %mul3A_105, %jit3A_190 : i32
        %ne3A_208 = arith.constant 0 : i32
        %ne3A_209 = arith.cmpi ne, %rem3A_207, %ne3A_208 : i32
        %and3A_210 = arith.andi %ne3A_206, %ne3A_209 : i1
        %sub3A_211 = arith.constant 1 : i32
        %sub3A_212 = arith.subi %div3A_191, %sub3A_211 : i32
        %select_n3A_213 = arith.select %and3A_210, %sub3A_212, %div3A_191 : i32
        %add3A_214 = arith.constant 0 : i32
        %add3A_215 = arith.addi %add3A_214, %select_n3A_213 : i32
        %add3A_216 = arith.constant 2 : i32
        %add3A_217 = arith.addi %add3A_215, %add3A_216 : i32
        %dma_start3A_218 = arith.constant 0 : i32
        %dma_start3A_219 = arith.constant 256 : i32
        %dma_start3A_220 = tpu.memref_slice %arg4[%dma_start3A_218, %dma_start3A_219] : memref<32x512xf32, #tpu.memory_space<vmem>> -> memref<8x128xf32, #tpu.memory_space<vmem>>
        %dma_start3A_221 = arith.constant 0 : i32
        %dma_start3A_222 = arith.constant 0 : i32
        %dma_start3A_223 = tpu.memref_slice %arg3[%add3A_217, %dma_start3A_221, %dma_start3A_222] : memref<31252x8x128xf32, #tpu.memory_space<hbm>> -> memref<1x8x128xf32, #tpu.memory_space<hbm>>
        %dma_start3A_224 = tpu.memref_squeeze %dma_start3A_223 : memref<1x8x128xf32, #tpu.memory_space<hbm>> -> memref<8x128xf32, #tpu.memory_space<hbm>>
        %dma_start3A_225 = arith.constant 0 : i32
        %dma_start3A_226 = arith.constant 0 : i32
        %dma_start3A_227 = tpu.memref_slice %arg3[%add3A_217, %dma_start3A_225, %dma_start3A_226] : memref<31252x8x128xf32, #tpu.memory_space<hbm>> -> memref<1x8x128xf32, #tpu.memory_space<hbm>>
        %dma_start3A_228 = tpu.memref_squeeze %dma_start3A_227 : memref<1x8x128xf32, #tpu.memory_space<hbm>> -> memref<8x128xf32, #tpu.memory_space<hbm>>
        %dma_start3A_229 = arith.constant 0 : i32
        %dma_start3A_230 = arith.constant 256 : i32
        %dma_start3A_231 = tpu.memref_slice %arg4[%dma_start3A_229, %dma_start3A_230] : memref<32x512xf32, #tpu.memory_space<vmem>> -> memref<8x128xf32, #tpu.memory_space<vmem>>
        tpu.enqueue_dma source(%dma_start3A_231 : memref<8x128xf32, #tpu.memory_space<vmem>>) target(%dma_start3A_228 : memref<8x128xf32, #tpu.memory_space<hbm>>) target_semaphore(%arg8 : memref<!tpu.dma_semaphore, #tpu.memory_space<semaphore_mem>>)
        %jit3A_232 = arith.constant 128 : i32
        %div3A_233 = arith.divsi %mul3A_105, %jit3A_232 : i32
        %sign3A_234 = arith.constant 0 : i32
        %sign3A_235 = arith.cmpi sgt, %mul3A_105, %sign3A_234 : i32
        %sign3A_236 = arith.extui %sign3A_235 : i1 to i32
        %sign3A_237 = arith.constant 0 : i32
        %sign3A_238 = arith.cmpi slt, %mul3A_105, %sign3A_237 : i32
        %sign3A_239 = arith.extui %sign3A_238 : i1 to i32
        %sign3A_240 = arith.subi %sign3A_236, %sign3A_239 : i32
        %sign3A_241 = arith.constant 0 : i32
        %sign3A_242 = arith.cmpi sgt, %jit3A_232, %sign3A_241 : i32
        %sign3A_243 = arith.extui %sign3A_242 : i1 to i32
        %sign3A_244 = arith.constant 0 : i32
        %sign3A_245 = arith.cmpi slt, %jit3A_232, %sign3A_244 : i32
        %sign3A_246 = arith.extui %sign3A_245 : i1 to i32
        %sign3A_247 = arith.subi %sign3A_243, %sign3A_246 : i32
        %ne3A_248 = arith.cmpi ne, %sign3A_240, %sign3A_247 : i32
        %rem3A_249 = arith.remsi %mul3A_105, %jit3A_232 : i32
        %ne3A_250 = arith.constant 0 : i32
        %ne3A_251 = arith.cmpi ne, %rem3A_249, %ne3A_250 : i32
        %and3A_252 = arith.andi %ne3A_248, %ne3A_251 : i1
        %sub3A_253 = arith.constant 1 : i32
        %sub3A_254 = arith.subi %div3A_233, %sub3A_253 : i32
        %select_n3A_255 = arith.select %and3A_252, %sub3A_254, %div3A_233 : i32
        %add3A_256 = arith.constant 0 : i32
        %add3A_257 = arith.addi %add3A_256, %select_n3A_255 : i32
        %add3A_258 = arith.constant 3 : i32
        %add3A_259 = arith.addi %add3A_257, %add3A_258 : i32
        %dma_start3A_260 = arith.constant 0 : i32
        %dma_start3A_261 = arith.constant 384 : i32
        %dma_start3A_262 = tpu.memref_slice %arg4[%dma_start3A_260, %dma_start3A_261] : memref<32x512xf32, #tpu.memory_space<vmem>> -> memref<8x128xf32, #tpu.memory_space<vmem>>
        %dma_start3A_263 = arith.constant 0 : i32
        %dma_start3A_264 = arith.constant 0 : i32
        %dma_start3A_265 = tpu.memref_slice %arg3[%add3A_259, %dma_start3A_263, %dma_start3A_264] : memref<31252x8x128xf32, #tpu.memory_space<hbm>> -> memref<1x8x128xf32, #tpu.memory_space<hbm>>
        %dma_start3A_266 = tpu.memref_squeeze %dma_start3A_265 : memref<1x8x128xf32, #tpu.memory_space<hbm>> -> memref<8x128xf32, #tpu.memory_space<hbm>>
        %dma_start3A_267 = arith.constant 0 : i32
        %dma_start3A_268 = arith.constant 0 : i32
        %dma_start3A_269 = tpu.memref_slice %arg3[%add3A_259, %dma_start3A_267, %dma_start3A_268] : memref<31252x8x128xf32, #tpu.memory_space<hbm>> -> memref<1x8x128xf32, #tpu.memory_space<hbm>>
        %dma_start3A_270 = tpu.memref_squeeze %dma_start3A_269 : memref<1x8x128xf32, #tpu.memory_space<hbm>> -> memref<8x128xf32, #tpu.memory_space<hbm>>
        %dma_start3A_271 = arith.constant 0 : i32
        %dma_start3A_272 = arith.constant 384 : i32
        %dma_start3A_273 = tpu.memref_slice %arg4[%dma_start3A_271, %dma_start3A_272] : memref<32x512xf32, #tpu.memory_space<vmem>> -> memref<8x128xf32, #tpu.memory_space<vmem>>
        tpu.enqueue_dma source(%dma_start3A_273 : memref<8x128xf32, #tpu.memory_space<vmem>>) target(%dma_start3A_270 : memref<8x128xf32, #tpu.memory_space<hbm>>) target_semaphore(%arg8 : memref<!tpu.dma_semaphore, #tpu.memory_space<semaphore_mem>>)
        %jit3A_274 = arith.constant 128 : i32
        %div3A_275 = arith.divsi %mul3A_105, %jit3A_274 : i32
        %sign3A_276 = arith.constant 0 : i32
        %sign3A_277 = arith.cmpi sgt, %mul3A_105, %sign3A_276 : i32
        %sign3A_278 = arith.extui %sign3A_277 : i1 to i32
        %sign3A_279 = arith.constant 0 : i32
        %sign3A_280 = arith.cmpi slt, %mul3A_105, %sign3A_279 : i32
        %sign3A_281 = arith.extui %sign3A_280 : i1 to i32
        %sign3A_282 = arith.subi %sign3A_278, %sign3A_281 : i32
        %sign3A_283 = arith.constant 0 : i32
        %sign3A_284 = arith.cmpi sgt, %jit3A_274, %sign3A_283 : i32
        %sign3A_285 = arith.extui %sign3A_284 : i1 to i32
        %sign3A_286 = arith.constant 0 : i32
        %sign3A_287 = arith.cmpi slt, %jit3A_274, %sign3A_286 : i32
        %sign3A_288 = arith.extui %sign3A_287 : i1 to i32
        %sign3A_289 = arith.subi %sign3A_285, %sign3A_288 : i32
        %ne3A_290 = arith.cmpi ne, %sign3A_282, %sign3A_289 : i32
        %rem3A_291 = arith.remsi %mul3A_105, %jit3A_274 : i32
        %ne3A_292 = arith.constant 0 : i32
        %ne3A_293 = arith.cmpi ne, %rem3A_291, %ne3A_292 : i32
        %and3A_294 = arith.andi %ne3A_290, %ne3A_293 : i1
        %sub3A_295 = arith.constant 1 : i32
        %sub3A_296 = arith.subi %div3A_275, %sub3A_295 : i32
        %select_n3A_297 = arith.select %and3A_294, %sub3A_296, %div3A_275 : i32
        %add3A_298 = arith.constant 7813 : i32
        %add3A_299 = arith.addi %add3A_298, %select_n3A_297 : i32
        %add3A_300 = arith.constant 0 : i32
        %add3A_301 = arith.addi %add3A_299, %add3A_300 : i32
        %dma_start3A_302 = arith.constant 8 : i32
        %dma_start3A_303 = arith.constant 0 : i32
        %dma_start3A_304 = tpu.memref_slice %arg4[%dma_start3A_302, %dma_start3A_303] : memref<32x512xf32, #tpu.memory_space<vmem>> -> memref<8x128xf32, #tpu.memory_space<vmem>>
        %dma_start3A_305 = arith.constant 0 : i32
        %dma_start3A_306 = arith.constant 0 : i32
        %dma_start3A_307 = tpu.memref_slice %arg3[%add3A_301, %dma_start3A_305, %dma_start3A_306] : memref<31252x8x128xf32, #tpu.memory_space<hbm>> -> memref<1x8x128xf32, #tpu.memory_space<hbm>>
        %dma_start3A_308 = tpu.memref_squeeze %dma_start3A_307 : memref<1x8x128xf32, #tpu.memory_space<hbm>> -> memref<8x128xf32, #tpu.memory_space<hbm>>
        %dma_start3A_309 = arith.constant 0 : i32
        %dma_start3A_310 = arith.constant 0 : i32
        %dma_start3A_311 = tpu.memref_slice %arg3[%add3A_301, %dma_start3A_309, %dma_start3A_310] : memref<31252x8x128xf32, #tpu.memory_space<hbm>> -> memref<1x8x128xf32, #tpu.memory_space<hbm>>
        %dma_start3A_312 = tpu.memref_squeeze %dma_start3A_311 : memref<1x8x128xf32, #tpu.memory_space<hbm>> -> memref<8x128xf32, #tpu.memory_space<hbm>>
        %dma_start3A_313 = arith.constant 8 : i32
        %dma_start3A_314 = arith.constant 0 : i32
        %dma_start3A_315 = tpu.memref_slice %arg4[%dma_start3A_313, %dma_start3A_314] : memref<32x512xf32, #tpu.memory_space<vmem>> -> memref<8x128xf32, #tpu.memory_space<vmem>>
        tpu.enqueue_dma source(%dma_start3A_315 : memref<8x128xf32, #tpu.memory_space<vmem>>) target(%dma_start3A_312 : memref<8x128xf32, #tpu.memory_space<hbm>>) target_semaphore(%arg8 : memref<!tpu.dma_semaphore, #tpu.memory_space<semaphore_mem>>)
        %jit3A_316 = arith.constant 128 : i32
        %div3A_317 = arith.divsi %mul3A_105, %jit3A_316 : i32
        %sign3A_318 = arith.constant 0 : i32
        %sign3A_319 = arith.cmpi sgt, %mul3A_105, %sign3A_318 : i32
        %sign3A_320 = arith.extui %sign3A_319 : i1 to i32
        %sign3A_321 = arith.constant 0 : i32
        %sign3A_322 = arith.cmpi slt, %mul3A_105, %sign3A_321 : i32
        %sign3A_323 = arith.extui %sign3A_322 : i1 to i32
        %sign3A_324 = arith.subi %sign3A_320, %sign3A_323 : i32
        %sign3A_325 = arith.constant 0 : i32
        %sign3A_326 = arith.cmpi sgt, %jit3A_316, %sign3A_325 : i32
        %sign3A_327 = arith.extui %sign3A_326 : i1 to i32
        %sign3A_328 = arith.constant 0 : i32
        %sign3A_329 = arith.cmpi slt, %jit3A_316, %sign3A_328 : i32
        %sign3A_330 = arith.extui %sign3A_329 : i1 to i32
        %sign3A_331 = arith.subi %sign3A_327, %sign3A_330 : i32
        %ne3A_332 = arith.cmpi ne, %sign3A_324, %sign3A_331 : i32
        %rem3A_333 = arith.remsi %mul3A_105, %jit3A_316 : i32
        %ne3A_334 = arith.constant 0 : i32
        %ne3A_335 = arith.cmpi ne, %rem3A_333, %ne3A_334 : i32
        %and3A_336 = arith.andi %ne3A_332, %ne3A_335 : i1
        %sub3A_337 = arith.constant 1 : i32
        %sub3A_338 = arith.subi %div3A_317, %sub3A_337 : i32
        %select_n3A_339 = arith.select %and3A_336, %sub3A_338, %div3A_317 : i32
        %add3A_340 = arith.constant 7813 : i32
        %add3A_341 = arith.addi %add3A_340, %select_n3A_339 : i32
        %add3A_342 = arith.constant 1 : i32
        %add3A_343 = arith.addi %add3A_341, %add3A_342 : i32
        %dma_start3A_344 = arith.constant 8 : i32
        %dma_start3A_345 = arith.constant 128 : i32
        %dma_start3A_346 = tpu.memref_slice %arg4[%dma_start3A_344, %dma_start3A_345] : memref<32x512xf32, #tpu.memory_space<vmem>> -> memref<8x128xf32, #tpu.memory_space<vmem>>
        %dma_start3A_347 = arith.constant 0 : i32
        %dma_start3A_348 = arith.constant 0 : i32
        %dma_start3A_349 = tpu.memref_slice %arg3[%add3A_343, %dma_start3A_347, %dma_start3A_348] : memref<31252x8x128xf32, #tpu.memory_space<hbm>> -> memref<1x8x128xf32, #tpu.memory_space<hbm>>
        %dma_start3A_350 = tpu.memref_squeeze %dma_start3A_349 : memref<1x8x128xf32, #tpu.memory_space<hbm>> -> memref<8x128xf32, #tpu.memory_space<hbm>>
        %dma_start3A_351 = arith.constant 0 : i32
        %dma_start3A_352 = arith.constant 0 : i32
        %dma_start3A_353 = tpu.memref_slice %arg3[%add3A_343, %dma_start3A_351, %dma_start3A_352] : memref<31252x8x128xf32, #tpu.memory_space<hbm>> -> memref<1x8x128xf32, #tpu.memory_space<hbm>>
        %dma_start3A_354 = tpu.memref_squeeze %dma_start3A_353 : memref<1x8x128xf32, #tpu.memory_space<hbm>> -> memref<8x128xf32, #tpu.memory_space<hbm>>
        %dma_start3A_355 = arith.constant 8 : i32
        %dma_start3A_356 = arith.constant 128 : i32
        %dma_start3A_357 = tpu.memref_slice %arg4[%dma_start3A_355, %dma_start3A_356] : memref<32x512xf32, #tpu.memory_space<vmem>> -> memref<8x128xf32, #tpu.memory_space<vmem>>
        tpu.enqueue_dma source(%dma_start3A_357 : memref<8x128xf32, #tpu.memory_space<vmem>>) target(%dma_start3A_354 : memref<8x128xf32, #tpu.memory_space<hbm>>) target_semaphore(%arg8 : memref<!tpu.dma_semaphore, #tpu.memory_space<semaphore_mem>>)
        %jit3A_358 = arith.constant 128 : i32
        %div3A_359 = arith.divsi %mul3A_105, %jit3A_358 : i32
        %sign3A_360 = arith.constant 0 : i32
        %sign3A_361 = arith.cmpi sgt, %mul3A_105, %sign3A_360 : i32
        %sign3A_362 = arith.extui %sign3A_361 : i1 to i32
        %sign3A_363 = arith.constant 0 : i32
        %sign3A_364 = arith.cmpi slt, %mul3A_105, %sign3A_363 : i32
        %sign3A_365 = arith.extui %sign3A_364 : i1 to i32
        %sign3A_366 = arith.subi %sign3A_362, %sign3A_365 : i32
        %sign3A_367 = arith.constant 0 : i32
        %sign3A_368 = arith.cmpi sgt, %jit3A_358, %sign3A_367 : i32
        %sign3A_369 = arith.extui %sign3A_368 : i1 to i32
        %sign3A_370 = arith.constant 0 : i32
        %sign3A_371 = arith.cmpi slt, %jit3A_358, %sign3A_370 : i32
        %sign3A_372 = arith.extui %sign3A_371 : i1 to i32
        %sign3A_373 = arith.subi %sign3A_369, %sign3A_372 : i32
        %ne3A_374 = arith.cmpi ne, %sign3A_366, %sign3A_373 : i32
        %rem3A_375 = arith.remsi %mul3A_105, %jit3A_358 : i32
        %ne3A_376 = arith.constant 0 : i32
        %ne3A_377 = arith.cmpi ne, %rem3A_375, %ne3A_376 : i32
        %and3A_378 = arith.andi %ne3A_374, %ne3A_377 : i1
        %sub3A_379 = arith.constant 1 : i32
        %sub3A_380 = arith.subi %div3A_359, %sub3A_379 : i32
        %select_n3A_381 = arith.select %and3A_378, %sub3A_380, %div3A_359 : i32
        %add3A_382 = arith.constant 7813 : i32
        %add3A_383 = arith.addi %add3A_382, %select_n3A_381 : i32
        %add3A_384 = arith.constant 2 : i32
        %add3A_385 = arith.addi %add3A_383, %add3A_384 : i32
        %dma_start3A_386 = arith.constant 8 : i32
        %dma_start3A_387 = arith.constant 256 : i32
        %dma_start3A_388 = tpu.memref_slice %arg4[%dma_start3A_386, %dma_start3A_387] : memref<32x512xf32, #tpu.memory_space<vmem>> -> memref<8x128xf32, #tpu.memory_space<vmem>>
        %dma_start3A_389 = arith.constant 0 : i32
        %dma_start3A_390 = arith.constant 0 : i32
        %dma_start3A_391 = tpu.memref_slice %arg3[%add3A_385, %dma_start3A_389, %dma_start3A_390] : memref<31252x8x128xf32, #tpu.memory_space<hbm>> -> memref<1x8x128xf32, #tpu.memory_space<hbm>>
        %dma_start3A_392 = tpu.memref_squeeze %dma_start3A_391 : memref<1x8x128xf32, #tpu.memory_space<hbm>> -> memref<8x128xf32, #tpu.memory_space<hbm>>
        %dma_start3A_393 = arith.constant 0 : i32
        %dma_start3A_394 = arith.constant 0 : i32
        %dma_start3A_395 = tpu.memref_slice %arg3[%add3A_385, %dma_start3A_393, %dma_start3A_394] : memref<31252x8x128xf32, #tpu.memory_space<hbm>> -> memref<1x8x128xf32, #tpu.memory_space<hbm>>
        %dma_start3A_396 = tpu.memref_squeeze %dma_start3A_395 : memref<1x8x128xf32, #tpu.memory_space<hbm>> -> memref<8x128xf32, #tpu.memory_space<hbm>>
        %dma_start3A_397 = arith.constant 8 : i32
        %dma_start3A_398 = arith.constant 256 : i32
        %dma_start3A_399 = tpu.memref_slice %arg4[%dma_start3A_397, %dma_start3A_398] : memref<32x512xf32, #tpu.memory_space<vmem>> -> memref<8x128xf32, #tpu.memory_space<vmem>>
        tpu.enqueue_dma source(%dma_start3A_399 : memref<8x128xf32, #tpu.memory_space<vmem>>) target(%dma_start3A_396 : memref<8x128xf32, #tpu.memory_space<hbm>>) target_semaphore(%arg8 : memref<!tpu.dma_semaphore, #tpu.memory_space<semaphore_mem>>)
        %jit3A_400 = arith.constant 128 : i32
        %div3A_401 = arith.divsi %mul3A_105, %jit3A_400 : i32
        %sign3A_402 = arith.constant 0 : i32
        %sign3A_403 = arith.cmpi sgt, %mul3A_105, %sign3A_402 : i32
        %sign3A_404 = arith.extui %sign3A_403 : i1 to i32
        %sign3A_405 = arith.constant 0 : i32
        %sign3A_406 = arith.cmpi slt, %mul3A_105, %sign3A_405 : i32
        %sign3A_407 = arith.extui %sign3A_406 : i1 to i32
        %sign3A_408 = arith.subi %sign3A_404, %sign3A_407 : i32
        %sign3A_409 = arith.constant 0 : i32
        %sign3A_410 = arith.cmpi sgt, %jit3A_400, %sign3A_409 : i32
        %sign3A_411 = arith.extui %sign3A_410 : i1 to i32
        %sign3A_412 = arith.constant 0 : i32
        %sign3A_413 = arith.cmpi slt, %jit3A_400, %sign3A_412 : i32
        %sign3A_414 = arith.extui %sign3A_413 : i1 to i32
        %sign3A_415 = arith.subi %sign3A_411, %sign3A_414 : i32
        %ne3A_416 = arith.cmpi ne, %sign3A_408, %sign3A_415 : i32
        %rem3A_417 = arith.remsi %mul3A_105, %jit3A_400 : i32
        %ne3A_418 = arith.constant 0 : i32
        %ne3A_419 = arith.cmpi ne, %rem3A_417, %ne3A_418 : i32
        %and3A_420 = arith.andi %ne3A_416, %ne3A_419 : i1
        %sub3A_421 = arith.constant 1 : i32
        %sub3A_422 = arith.subi %div3A_401, %sub3A_421 : i32
        %select_n3A_423 = arith.select %and3A_420, %sub3A_422, %div3A_401 : i32
        %add3A_424 = arith.constant 7813 : i32
        %add3A_425 = arith.addi %add3A_424, %select_n3A_423 : i32
        %add3A_426 = arith.constant 3 : i32
        %add3A_427 = arith.addi %add3A_425, %add3A_426 : i32
        %dma_start3A_428 = arith.constant 8 : i32
        %dma_start3A_429 = arith.constant 384 : i32
        %dma_start3A_430 = tpu.memref_slice %arg4[%dma_start3A_428, %dma_start3A_429] : memref<32x512xf32, #tpu.memory_space<vmem>> -> memref<8x128xf32, #tpu.memory_space<vmem>>
        %dma_start3A_431 = arith.constant 0 : i32
        %dma_start3A_432 = arith.constant 0 : i32
        %dma_start3A_433 = tpu.memref_slice %arg3[%add3A_427, %dma_start3A_431, %dma_start3A_432] : memref<31252x8x128xf32, #tpu.memory_space<hbm>> -> memref<1x8x128xf32, #tpu.memory_space<hbm>>
        %dma_start3A_434 = tpu.memref_squeeze %dma_start3A_433 : memref<1x8x128xf32, #tpu.memory_space<hbm>> -> memref<8x128xf32, #tpu.memory_space<hbm>>
        %dma_start3A_435 = arith.constant 0 : i32
        %dma_start3A_436 = arith.constant 0 : i32
        %dma_start3A_437 = tpu.memref_slice %arg3[%add3A_427, %dma_start3A_435, %dma_start3A_436] : memref<31252x8x128xf32, #tpu.memory_space<hbm>> -> memref<1x8x128xf32, #tpu.memory_space<hbm>>
        %dma_start3A_438 = tpu.memref_squeeze %dma_start3A_437 : memref<1x8x128xf32, #tpu.memory_space<hbm>> -> memref<8x128xf32, #tpu.memory_space<hbm>>
        %dma_start3A_439 = arith.constant 8 : i32
        %dma_start3A_440 = arith.constant 384 : i32
        %dma_start3A_441 = tpu.memref_slice %arg4[%dma_start3A_439, %dma_start3A_440] : memref<32x512xf32, #tpu.memory_space<vmem>> -> memref<8x128xf32, #tpu.memory_space<vmem>>
        tpu.enqueue_dma source(%dma_start3A_441 : memref<8x128xf32, #tpu.memory_space<vmem>>) target(%dma_start3A_438 : memref<8x128xf32, #tpu.memory_space<hbm>>) target_semaphore(%arg8 : memref<!tpu.dma_semaphore, #tpu.memory_space<semaphore_mem>>)
        %jit3A_442 = arith.constant 128 : i32
        %div3A_443 = arith.divsi %mul3A_105, %jit3A_442 : i32
        %sign3A_444 = arith.constant 0 : i32
        %sign3A_445 = arith.cmpi sgt, %mul3A_105, %sign3A_444 : i32
        %sign3A_446 = arith.extui %sign3A_445 : i1 to i32
        %sign3A_447 = arith.constant 0 : i32
        %sign3A_448 = arith.cmpi slt, %mul3A_105, %sign3A_447 : i32
        %sign3A_449 = arith.extui %sign3A_448 : i1 to i32
        %sign3A_450 = arith.subi %sign3A_446, %sign3A_449 : i32
        %sign3A_451 = arith.constant 0 : i32
        %sign3A_452 = arith.cmpi sgt, %jit3A_442, %sign3A_451 : i32
        %sign3A_453 = arith.extui %sign3A_452 : i1 to i32
        %sign3A_454 = arith.constant 0 : i32
        %sign3A_455 = arith.cmpi slt, %jit3A_442, %sign3A_454 : i32
        %sign3A_456 = arith.extui %sign3A_455 : i1 to i32
        %sign3A_457 = arith.subi %sign3A_453, %sign3A_456 : i32
        %ne3A_458 = arith.cmpi ne, %sign3A_450, %sign3A_457 : i32
        %rem3A_459 = arith.remsi %mul3A_105, %jit3A_442 : i32
        %ne3A_460 = arith.constant 0 : i32
        %ne3A_461 = arith.cmpi ne, %rem3A_459, %ne3A_460 : i32
        %and3A_462 = arith.andi %ne3A_458, %ne3A_461 : i1
        %sub3A_463 = arith.constant 1 : i32
        %sub3A_464 = arith.subi %div3A_443, %sub3A_463 : i32
        %select_n3A_465 = arith.select %and3A_462, %sub3A_464, %div3A_443 : i32
        %add3A_466 = arith.constant 15626 : i32
        %add3A_467 = arith.addi %add3A_466, %select_n3A_465 : i32
        %add3A_468 = arith.constant 0 : i32
        %add3A_469 = arith.addi %add3A_467, %add3A_468 : i32
        %dma_start3A_470 = arith.constant 16 : i32
        %dma_start3A_471 = arith.constant 0 : i32
        %dma_start3A_472 = tpu.memref_slice %arg4[%dma_start3A_470, %dma_start3A_471] : memref<32x512xf32, #tpu.memory_space<vmem>> -> memref<8x128xf32, #tpu.memory_space<vmem>>
        %dma_start3A_473 = arith.constant 0 : i32
        %dma_start3A_474 = arith.constant 0 : i32
        %dma_start3A_475 = tpu.memref_slice %arg3[%add3A_469, %dma_start3A_473, %dma_start3A_474] : memref<31252x8x128xf32, #tpu.memory_space<hbm>> -> memref<1x8x128xf32, #tpu.memory_space<hbm>>
        %dma_start3A_476 = tpu.memref_squeeze %dma_start3A_475 : memref<1x8x128xf32, #tpu.memory_space<hbm>> -> memref<8x128xf32, #tpu.memory_space<hbm>>
        %dma_start3A_477 = arith.constant 0 : i32
        %dma_start3A_478 = arith.constant 0 : i32
        %dma_start3A_479 = tpu.memref_slice %arg3[%add3A_469, %dma_start3A_477, %dma_start3A_478] : memref<31252x8x128xf32, #tpu.memory_space<hbm>> -> memref<1x8x128xf32, #tpu.memory_space<hbm>>
        %dma_start3A_480 = tpu.memref_squeeze %dma_start3A_479 : memref<1x8x128xf32, #tpu.memory_space<hbm>> -> memref<8x128xf32, #tpu.memory_space<hbm>>
        %dma_start3A_481 = arith.constant 16 : i32
        %dma_start3A_482 = arith.constant 0 : i32
        %dma_start3A_483 = tpu.memref_slice %arg4[%dma_start3A_481, %dma_start3A_482] : memref<32x512xf32, #tpu.memory_space<vmem>> -> memref<8x128xf32, #tpu.memory_space<vmem>>
        tpu.enqueue_dma source(%dma_start3A_483 : memref<8x128xf32, #tpu.memory_space<vmem>>) target(%dma_start3A_480 : memref<8x128xf32, #tpu.memory_space<hbm>>) target_semaphore(%arg8 : memref<!tpu.dma_semaphore, #tpu.memory_space<semaphore_mem>>)
        %jit3A_484 = arith.constant 128 : i32
        %div3A_485 = arith.divsi %mul3A_105, %jit3A_484 : i32
        %sign3A_486 = arith.constant 0 : i32
        %sign3A_487 = arith.cmpi sgt, %mul3A_105, %sign3A_486 : i32
        %sign3A_488 = arith.extui %sign3A_487 : i1 to i32
        %sign3A_489 = arith.constant 0 : i32
        %sign3A_490 = arith.cmpi slt, %mul3A_105, %sign3A_489 : i32
        %sign3A_491 = arith.extui %sign3A_490 : i1 to i32
        %sign3A_492 = arith.subi %sign3A_488, %sign3A_491 : i32
        %sign3A_493 = arith.constant 0 : i32
        %sign3A_494 = arith.cmpi sgt, %jit3A_484, %sign3A_493 : i32
        %sign3A_495 = arith.extui %sign3A_494 : i1 to i32
        %sign3A_496 = arith.constant 0 : i32
        %sign3A_497 = arith.cmpi slt, %jit3A_484, %sign3A_496 : i32
        %sign3A_498 = arith.extui %sign3A_497 : i1 to i32
        %sign3A_499 = arith.subi %sign3A_495, %sign3A_498 : i32
        %ne3A_500 = arith.cmpi ne, %sign3A_492, %sign3A_499 : i32
        %rem3A_501 = arith.remsi %mul3A_105, %jit3A_484 : i32
        %ne3A_502 = arith.constant 0 : i32
        %ne3A_503 = arith.cmpi ne, %rem3A_501, %ne3A_502 : i32
        %and3A_504 = arith.andi %ne3A_500, %ne3A_503 : i1
        %sub3A_505 = arith.constant 1 : i32
        %sub3A_506 = arith.subi %div3A_485, %sub3A_505 : i32
        %select_n3A_507 = arith.select %and3A_504, %sub3A_506, %div3A_485 : i32
        %add3A_508 = arith.constant 15626 : i32
        %add3A_509 = arith.addi %add3A_508, %select_n3A_507 : i32
        %add3A_510 = arith.constant 1 : i32
        %add3A_511 = arith.addi %add3A_509, %add3A_510 : i32
        %dma_start3A_512 = arith.constant 16 : i32
        %dma_start3A_513 = arith.constant 128 : i32
        %dma_start3A_514 = tpu.memref_slice %arg4[%dma_start3A_512, %dma_start3A_513] : memref<32x512xf32, #tpu.memory_space<vmem>> -> memref<8x128xf32, #tpu.memory_space<vmem>>
        %dma_start3A_515 = arith.constant 0 : i32
        %dma_start3A_516 = arith.constant 0 : i32
        %dma_start3A_517 = tpu.memref_slice %arg3[%add3A_511, %dma_start3A_515, %dma_start3A_516] : memref<31252x8x128xf32, #tpu.memory_space<hbm>> -> memref<1x8x128xf32, #tpu.memory_space<hbm>>
        %dma_start3A_518 = tpu.memref_squeeze %dma_start3A_517 : memref<1x8x128xf32, #tpu.memory_space<hbm>> -> memref<8x128xf32, #tpu.memory_space<hbm>>
        %dma_start3A_519 = arith.constant 0 : i32
        %dma_start3A_520 = arith.constant 0 : i32
        %dma_start3A_521 = tpu.memref_slice %arg3[%add3A_511, %dma_start3A_519, %dma_start3A_520] : memref<31252x8x128xf32, #tpu.memory_space<hbm>> -> memref<1x8x128xf32, #tpu.memory_space<hbm>>
        %dma_start3A_522 = tpu.memref_squeeze %dma_start3A_521 : memref<1x8x128xf32, #tpu.memory_space<hbm>> -> memref<8x128xf32, #tpu.memory_space<hbm>>
        %dma_start3A_523 = arith.constant 16 : i32
        %dma_start3A_524 = arith.constant 128 : i32
        %dma_start3A_525 = tpu.memref_slice %arg4[%dma_start3A_523, %dma_start3A_524] : memref<32x512xf32, #tpu.memory_space<vmem>> -> memref<8x128xf32, #tpu.memory_space<vmem>>
        tpu.enqueue_dma source(%dma_start3A_525 : memref<8x128xf32, #tpu.memory_space<vmem>>) target(%dma_start3A_522 : memref<8x128xf32, #tpu.memory_space<hbm>>) target_semaphore(%arg8 : memref<!tpu.dma_semaphore, #tpu.memory_space<semaphore_mem>>)
        %jit3A_526 = arith.constant 128 : i32
        %div3A_527 = arith.divsi %mul3A_105, %jit3A_526 : i32
        %sign3A_528 = arith.constant 0 : i32
        %sign3A_529 = arith.cmpi sgt, %mul3A_105, %sign3A_528 : i32
        %sign3A_530 = arith.extui %sign3A_529 : i1 to i32
        %sign3A_531 = arith.constant 0 : i32
        %sign3A_532 = arith.cmpi slt, %mul3A_105, %sign3A_531 : i32
        %sign3A_533 = arith.extui %sign3A_532 : i1 to i32
        %sign3A_534 = arith.subi %sign3A_530, %sign3A_533 : i32
        %sign3A_535 = arith.constant 0 : i32
        %sign3A_536 = arith.cmpi sgt, %jit3A_526, %sign3A_535 : i32
        %sign3A_537 = arith.extui %sign3A_536 : i1 to i32
        %sign3A_538 = arith.constant 0 : i32
        %sign3A_539 = arith.cmpi slt, %jit3A_526, %sign3A_538 : i32
        %sign3A_540 = arith.extui %sign3A_539 : i1 to i32
        %sign3A_541 = arith.subi %sign3A_537, %sign3A_540 : i32
        %ne3A_542 = arith.cmpi ne, %sign3A_534, %sign3A_541 : i32
        %rem3A_543 = arith.remsi %mul3A_105, %jit3A_526 : i32
        %ne3A_544 = arith.constant 0 : i32
        %ne3A_545 = arith.cmpi ne, %rem3A_543, %ne3A_544 : i32
        %and3A_546 = arith.andi %ne3A_542, %ne3A_545 : i1
        %sub3A_547 = arith.constant 1 : i32
        %sub3A_548 = arith.subi %div3A_527, %sub3A_547 : i32
        %select_n3A_549 = arith.select %and3A_546, %sub3A_548, %div3A_527 : i32
        %add3A_550 = arith.constant 15626 : i32
        %add3A_551 = arith.addi %add3A_550, %select_n3A_549 : i32
        %add3A_552 = arith.constant 2 : i32
        %add3A_553 = arith.addi %add3A_551, %add3A_552 : i32
        %dma_start3A_554 = arith.constant 16 : i32
        %dma_start3A_555 = arith.constant 256 : i32
        %dma_start3A_556 = tpu.memref_slice %arg4[%dma_start3A_554, %dma_start3A_555] : memref<32x512xf32, #tpu.memory_space<vmem>> -> memref<8x128xf32, #tpu.memory_space<vmem>>
        %dma_start3A_557 = arith.constant 0 : i32
        %dma_start3A_558 = arith.constant 0 : i32
        %dma_start3A_559 = tpu.memref_slice %arg3[%add3A_553, %dma_start3A_557, %dma_start3A_558] : memref<31252x8x128xf32, #tpu.memory_space<hbm>> -> memref<1x8x128xf32, #tpu.memory_space<hbm>>
        %dma_start3A_560 = tpu.memref_squeeze %dma_start3A_559 : memref<1x8x128xf32, #tpu.memory_space<hbm>> -> memref<8x128xf32, #tpu.memory_space<hbm>>
        %dma_start3A_561 = arith.constant 0 : i32
        %dma_start3A_562 = arith.constant 0 : i32
        %dma_start3A_563 = tpu.memref_slice %arg3[%add3A_553, %dma_start3A_561, %dma_start3A_562] : memref<31252x8x128xf32, #tpu.memory_space<hbm>> -> memref<1x8x128xf32, #tpu.memory_space<hbm>>
        %dma_start3A_564 = tpu.memref_squeeze %dma_start3A_563 : memref<1x8x128xf32, #tpu.memory_space<hbm>> -> memref<8x128xf32, #tpu.memory_space<hbm>>
        %dma_start3A_565 = arith.constant 16 : i32
        %dma_start3A_566 = arith.constant 256 : i32
        %dma_start3A_567 = tpu.memref_slice %arg4[%dma_start3A_565, %dma_start3A_566] : memref<32x512xf32, #tpu.memory_space<vmem>> -> memref<8x128xf32, #tpu.memory_space<vmem>>
        tpu.enqueue_dma source(%dma_start3A_567 : memref<8x128xf32, #tpu.memory_space<vmem>>) target(%dma_start3A_564 : memref<8x128xf32, #tpu.memory_space<hbm>>) target_semaphore(%arg8 : memref<!tpu.dma_semaphore, #tpu.memory_space<semaphore_mem>>)
        %jit3A_568 = arith.constant 128 : i32
        %div3A_569 = arith.divsi %mul3A_105, %jit3A_568 : i32
        %sign3A_570 = arith.constant 0 : i32
        %sign3A_571 = arith.cmpi sgt, %mul3A_105, %sign3A_570 : i32
        %sign3A_572 = arith.extui %sign3A_571 : i1 to i32
        %sign3A_573 = arith.constant 0 : i32
        %sign3A_574 = arith.cmpi slt, %mul3A_105, %sign3A_573 : i32
        %sign3A_575 = arith.extui %sign3A_574 : i1 to i32
        %sign3A_576 = arith.subi %sign3A_572, %sign3A_575 : i32
        %sign3A_577 = arith.constant 0 : i32
        %sign3A_578 = arith.cmpi sgt, %jit3A_568, %sign3A_577 : i32
        %sign3A_579 = arith.extui %sign3A_578 : i1 to i32
        %sign3A_580 = arith.constant 0 : i32
        %sign3A_581 = arith.cmpi slt, %jit3A_568, %sign3A_580 : i32
        %sign3A_582 = arith.extui %sign3A_581 : i1 to i32
        %sign3A_583 = arith.subi %sign3A_579, %sign3A_582 : i32
        %ne3A_584 = arith.cmpi ne, %sign3A_576, %sign3A_583 : i32
        %rem3A_585 = arith.remsi %mul3A_105, %jit3A_568 : i32
        %ne3A_586 = arith.constant 0 : i32
        %ne3A_587 = arith.cmpi ne, %rem3A_585, %ne3A_586 : i32
        %and3A_588 = arith.andi %ne3A_584, %ne3A_587 : i1
        %sub3A_589 = arith.constant 1 : i32
        %sub3A_590 = arith.subi %div3A_569, %sub3A_589 : i32
        %select_n3A_591 = arith.select %and3A_588, %sub3A_590, %div3A_569 : i32
        %add3A_592 = arith.constant 15626 : i32
        %add3A_593 = arith.addi %add3A_592, %select_n3A_591 : i32
        %add3A_594 = arith.constant 3 : i32
        %add3A_595 = arith.addi %add3A_593, %add3A_594 : i32
        %dma_start3A_596 = arith.constant 16 : i32
        %dma_start3A_597 = arith.constant 384 : i32
        %dma_start3A_598 = tpu.memref_slice %arg4[%dma_start3A_596, %dma_start3A_597] : memref<32x512xf32, #tpu.memory_space<vmem>> -> memref<8x128xf32, #tpu.memory_space<vmem>>
        %dma_start3A_599 = arith.constant 0 : i32
        %dma_start3A_600 = arith.constant 0 : i32
        %dma_start3A_601 = tpu.memref_slice %arg3[%add3A_595, %dma_start3A_599, %dma_start3A_600] : memref<31252x8x128xf32, #tpu.memory_space<hbm>> -> memref<1x8x128xf32, #tpu.memory_space<hbm>>
        %dma_start3A_602 = tpu.memref_squeeze %dma_start3A_601 : memref<1x8x128xf32, #tpu.memory_space<hbm>> -> memref<8x128xf32, #tpu.memory_space<hbm>>
        %dma_start3A_603 = arith.constant 0 : i32
        %dma_start3A_604 = arith.constant 0 : i32
        %dma_start3A_605 = tpu.memref_slice %arg3[%add3A_595, %dma_start3A_603, %dma_start3A_604] : memref<31252x8x128xf32, #tpu.memory_space<hbm>> -> memref<1x8x128xf32, #tpu.memory_space<hbm>>
        %dma_start3A_606 = tpu.memref_squeeze %dma_start3A_605 : memref<1x8x128xf32, #tpu.memory_space<hbm>> -> memref<8x128xf32, #tpu.memory_space<hbm>>
        %dma_start3A_607 = arith.constant 16 : i32
        %dma_start3A_608 = arith.constant 384 : i32
        %dma_start3A_609 = tpu.memref_slice %arg4[%dma_start3A_607, %dma_start3A_608] : memref<32x512xf32, #tpu.memory_space<vmem>> -> memref<8x128xf32, #tpu.memory_space<vmem>>
        tpu.enqueue_dma source(%dma_start3A_609 : memref<8x128xf32, #tpu.memory_space<vmem>>) target(%dma_start3A_606 : memref<8x128xf32, #tpu.memory_space<hbm>>) target_semaphore(%arg8 : memref<!tpu.dma_semaphore, #tpu.memory_space<semaphore_mem>>)
        %jit3A_610 = arith.constant 128 : i32
        %div3A_611 = arith.divsi %mul3A_105, %jit3A_610 : i32
        %sign3A_612 = arith.constant 0 : i32
        %sign3A_613 = arith.cmpi sgt, %mul3A_105, %sign3A_612 : i32
        %sign3A_614 = arith.extui %sign3A_613 : i1 to i32
        %sign3A_615 = arith.constant 0 : i32
        %sign3A_616 = arith.cmpi slt, %mul3A_105, %sign3A_615 : i32
        %sign3A_617 = arith.extui %sign3A_616 : i1 to i32
        %sign3A_618 = arith.subi %sign3A_614, %sign3A_617 : i32
        %sign3A_619 = arith.constant 0 : i32
        %sign3A_620 = arith.cmpi sgt, %jit3A_610, %sign3A_619 : i32
        %sign3A_621 = arith.extui %sign3A_620 : i1 to i32
        %sign3A_622 = arith.constant 0 : i32
        %sign3A_623 = arith.cmpi slt, %jit3A_610, %sign3A_622 : i32
        %sign3A_624 = arith.extui %sign3A_623 : i1 to i32
        %sign3A_625 = arith.subi %sign3A_621, %sign3A_624 : i32
        %ne3A_626 = arith.cmpi ne, %sign3A_618, %sign3A_625 : i32
        %rem3A_627 = arith.remsi %mul3A_105, %jit3A_610 : i32
        %ne3A_628 = arith.constant 0 : i32
        %ne3A_629 = arith.cmpi ne, %rem3A_627, %ne3A_628 : i32
        %and3A_630 = arith.andi %ne3A_626, %ne3A_629 : i1
        %sub3A_631 = arith.constant 1 : i32
        %sub3A_632 = arith.subi %div3A_611, %sub3A_631 : i32
        %select_n3A_633 = arith.select %and3A_630, %sub3A_632, %div3A_611 : i32
        %add3A_634 = arith.constant 23439 : i32
        %add3A_635 = arith.addi %add3A_634, %select_n3A_633 : i32
        %add3A_636 = arith.constant 0 : i32
        %add3A_637 = arith.addi %add3A_635, %add3A_636 : i32
        %dma_start3A_638 = arith.constant 24 : i32
        %dma_start3A_639 = arith.constant 0 : i32
        %dma_start3A_640 = tpu.memref_slice %arg4[%dma_start3A_638, %dma_start3A_639] : memref<32x512xf32, #tpu.memory_space<vmem>> -> memref<8x128xf32, #tpu.memory_space<vmem>>
        %dma_start3A_641 = arith.constant 0 : i32
        %dma_start3A_642 = arith.constant 0 : i32
        %dma_start3A_643 = tpu.memref_slice %arg3[%add3A_637, %dma_start3A_641, %dma_start3A_642] : memref<31252x8x128xf32, #tpu.memory_space<hbm>> -> memref<1x8x128xf32, #tpu.memory_space<hbm>>
        %dma_start3A_644 = tpu.memref_squeeze %dma_start3A_643 : memref<1x8x128xf32, #tpu.memory_space<hbm>> -> memref<8x128xf32, #tpu.memory_space<hbm>>
        %dma_start3A_645 = arith.constant 0 : i32
        %dma_start3A_646 = arith.constant 0 : i32
        %dma_start3A_647 = tpu.memref_slice %arg3[%add3A_637, %dma_start3A_645, %dma_start3A_646] : memref<31252x8x128xf32, #tpu.memory_space<hbm>> -> memref<1x8x128xf32, #tpu.memory_space<hbm>>
        %dma_start3A_648 = tpu.memref_squeeze %dma_start3A_647 : memref<1x8x128xf32, #tpu.memory_space<hbm>> -> memref<8x128xf32, #tpu.memory_space<hbm>>
        %dma_start3A_649 = arith.constant 24 : i32
        %dma_start3A_650 = arith.constant 0 : i32
        %dma_start3A_651 = tpu.memref_slice %arg4[%dma_start3A_649, %dma_start3A_650] : memref<32x512xf32, #tpu.memory_space<vmem>> -> memref<8x128xf32, #tpu.memory_space<vmem>>
        tpu.enqueue_dma source(%dma_start3A_651 : memref<8x128xf32, #tpu.memory_space<vmem>>) target(%dma_start3A_648 : memref<8x128xf32, #tpu.memory_space<hbm>>) target_semaphore(%arg8 : memref<!tpu.dma_semaphore, #tpu.memory_space<semaphore_mem>>)
        %jit3A_652 = arith.constant 128 : i32
        %div3A_653 = arith.divsi %mul3A_105, %jit3A_652 : i32
        %sign3A_654 = arith.constant 0 : i32
        %sign3A_655 = arith.cmpi sgt, %mul3A_105, %sign3A_654 : i32
        %sign3A_656 = arith.extui %sign3A_655 : i1 to i32
        %sign3A_657 = arith.constant 0 : i32
        %sign3A_658 = arith.cmpi slt, %mul3A_105, %sign3A_657 : i32
        %sign3A_659 = arith.extui %sign3A_658 : i1 to i32
        %sign3A_660 = arith.subi %sign3A_656, %sign3A_659 : i32
        %sign3A_661 = arith.constant 0 : i32
        %sign3A_662 = arith.cmpi sgt, %jit3A_652, %sign3A_661 : i32
        %sign3A_663 = arith.extui %sign3A_662 : i1 to i32
        %sign3A_664 = arith.constant 0 : i32
        %sign3A_665 = arith.cmpi slt, %jit3A_652, %sign3A_664 : i32
        %sign3A_666 = arith.extui %sign3A_665 : i1 to i32
        %sign3A_667 = arith.subi %sign3A_663, %sign3A_666 : i32
        %ne3A_668 = arith.cmpi ne, %sign3A_660, %sign3A_667 : i32
        %rem3A_669 = arith.remsi %mul3A_105, %jit3A_652 : i32
        %ne3A_670 = arith.constant 0 : i32
        %ne3A_671 = arith.cmpi ne, %rem3A_669, %ne3A_670 : i32
        %and3A_672 = arith.andi %ne3A_668, %ne3A_671 : i1
        %sub3A_673 = arith.constant 1 : i32
        %sub3A_674 = arith.subi %div3A_653, %sub3A_673 : i32
        %select_n3A_675 = arith.select %and3A_672, %sub3A_674, %div3A_653 : i32
        %add3A_676 = arith.constant 23439 : i32
        %add3A_677 = arith.addi %add3A_676, %select_n3A_675 : i32
        %add3A_678 = arith.constant 1 : i32
        %add3A_679 = arith.addi %add3A_677, %add3A_678 : i32
        %dma_start3A_680 = arith.constant 24 : i32
        %dma_start3A_681 = arith.constant 128 : i32
        %dma_start3A_682 = tpu.memref_slice %arg4[%dma_start3A_680, %dma_start3A_681] : memref<32x512xf32, #tpu.memory_space<vmem>> -> memref<8x128xf32, #tpu.memory_space<vmem>>
        %dma_start3A_683 = arith.constant 0 : i32
        %dma_start3A_684 = arith.constant 0 : i32
        %dma_start3A_685 = tpu.memref_slice %arg3[%add3A_679, %dma_start3A_683, %dma_start3A_684] : memref<31252x8x128xf32, #tpu.memory_space<hbm>> -> memref<1x8x128xf32, #tpu.memory_space<hbm>>
        %dma_start3A_686 = tpu.memref_squeeze %dma_start3A_685 : memref<1x8x128xf32, #tpu.memory_space<hbm>> -> memref<8x128xf32, #tpu.memory_space<hbm>>
        %dma_start3A_687 = arith.constant 0 : i32
        %dma_start3A_688 = arith.constant 0 : i32
        %dma_start3A_689 = tpu.memref_slice %arg3[%add3A_679, %dma_start3A_687, %dma_start3A_688] : memref<31252x8x128xf32, #tpu.memory_space<hbm>> -> memref<1x8x128xf32, #tpu.memory_space<hbm>>
        %dma_start3A_690 = tpu.memref_squeeze %dma_start3A_689 : memref<1x8x128xf32, #tpu.memory_space<hbm>> -> memref<8x128xf32, #tpu.memory_space<hbm>>
        %dma_start3A_691 = arith.constant 24 : i32
        %dma_start3A_692 = arith.constant 128 : i32
        %dma_start3A_693 = tpu.memref_slice %arg4[%dma_start3A_691, %dma_start3A_692] : memref<32x512xf32, #tpu.memory_space<vmem>> -> memref<8x128xf32, #tpu.memory_space<vmem>>
        tpu.enqueue_dma source(%dma_start3A_693 : memref<8x128xf32, #tpu.memory_space<vmem>>) target(%dma_start3A_690 : memref<8x128xf32, #tpu.memory_space<hbm>>) target_semaphore(%arg8 : memref<!tpu.dma_semaphore, #tpu.memory_space<semaphore_mem>>)
        %jit3A_694 = arith.constant 128 : i32
        %div3A_695 = arith.divsi %mul3A_105, %jit3A_694 : i32
        %sign3A_696 = arith.constant 0 : i32
        %sign3A_697 = arith.cmpi sgt, %mul3A_105, %sign3A_696 : i32
        %sign3A_698 = arith.extui %sign3A_697 : i1 to i32
        %sign3A_699 = arith.constant 0 : i32
        %sign3A_700 = arith.cmpi slt, %mul3A_105, %sign3A_699 : i32
        %sign3A_701 = arith.extui %sign3A_700 : i1 to i32
        %sign3A_702 = arith.subi %sign3A_698, %sign3A_701 : i32
        %sign3A_703 = arith.constant 0 : i32
        %sign3A_704 = arith.cmpi sgt, %jit3A_694, %sign3A_703 : i32
        %sign3A_705 = arith.extui %sign3A_704 : i1 to i32
        %sign3A_706 = arith.constant 0 : i32
        %sign3A_707 = arith.cmpi slt, %jit3A_694, %sign3A_706 : i32
        %sign3A_708 = arith.extui %sign3A_707 : i1 to i32
        %sign3A_709 = arith.subi %sign3A_705, %sign3A_708 : i32
        %ne3A_710 = arith.cmpi ne, %sign3A_702, %sign3A_709 : i32
        %rem3A_711 = arith.remsi %mul3A_105, %jit3A_694 : i32
        %ne3A_712 = arith.constant 0 : i32
        %ne3A_713 = arith.cmpi ne, %rem3A_711, %ne3A_712 : i32
        %and3A_714 = arith.andi %ne3A_710, %ne3A_713 : i1
        %sub3A_715 = arith.constant 1 : i32
        %sub3A_716 = arith.subi %div3A_695, %sub3A_715 : i32
        %select_n3A_717 = arith.select %and3A_714, %sub3A_716, %div3A_695 : i32
        %add3A_718 = arith.constant 23439 : i32
        %add3A_719 = arith.addi %add3A_718, %select_n3A_717 : i32
        %add3A_720 = arith.constant 2 : i32
        %add3A_721 = arith.addi %add3A_719, %add3A_720 : i32
        %dma_start3A_722 = arith.constant 24 : i32
        %dma_start3A_723 = arith.constant 256 : i32
        %dma_start3A_724 = tpu.memref_slice %arg4[%dma_start3A_722, %dma_start3A_723] : memref<32x512xf32, #tpu.memory_space<vmem>> -> memref<8x128xf32, #tpu.memory_space<vmem>>
        %dma_start3A_725 = arith.constant 0 : i32
        %dma_start3A_726 = arith.constant 0 : i32
        %dma_start3A_727 = tpu.memref_slice %arg3[%add3A_721, %dma_start3A_725, %dma_start3A_726] : memref<31252x8x128xf32, #tpu.memory_space<hbm>> -> memref<1x8x128xf32, #tpu.memory_space<hbm>>
        %dma_start3A_728 = tpu.memref_squeeze %dma_start3A_727 : memref<1x8x128xf32, #tpu.memory_space<hbm>> -> memref<8x128xf32, #tpu.memory_space<hbm>>
        %dma_start3A_729 = arith.constant 0 : i32
        %dma_start3A_730 = arith.constant 0 : i32
        %dma_start3A_731 = tpu.memref_slice %arg3[%add3A_721, %dma_start3A_729, %dma_start3A_730] : memref<31252x8x128xf32, #tpu.memory_space<hbm>> -> memref<1x8x128xf32, #tpu.memory_space<hbm>>
        %dma_start3A_732 = tpu.memref_squeeze %dma_start3A_731 : memref<1x8x128xf32, #tpu.memory_space<hbm>> -> memref<8x128xf32, #tpu.memory_space<hbm>>
        %dma_start3A_733 = arith.constant 24 : i32
        %dma_start3A_734 = arith.constant 256 : i32
        %dma_start3A_735 = tpu.memref_slice %arg4[%dma_start3A_733, %dma_start3A_734] : memref<32x512xf32, #tpu.memory_space<vmem>> -> memref<8x128xf32, #tpu.memory_space<vmem>>
        tpu.enqueue_dma source(%dma_start3A_735 : memref<8x128xf32, #tpu.memory_space<vmem>>) target(%dma_start3A_732 : memref<8x128xf32, #tpu.memory_space<hbm>>) target_semaphore(%arg8 : memref<!tpu.dma_semaphore, #tpu.memory_space<semaphore_mem>>)
        %jit3A_736 = arith.constant 128 : i32
        %div3A_737 = arith.divsi %mul3A_105, %jit3A_736 : i32
        %sign3A_738 = arith.constant 0 : i32
        %sign3A_739 = arith.cmpi sgt, %mul3A_105, %sign3A_738 : i32
        %sign3A_740 = arith.extui %sign3A_739 : i1 to i32
        %sign3A_741 = arith.constant 0 : i32
        %sign3A_742 = arith.cmpi slt, %mul3A_105, %sign3A_741 : i32
        %sign3A_743 = arith.extui %sign3A_742 : i1 to i32
        %sign3A_744 = arith.subi %sign3A_740, %sign3A_743 : i32
        %sign3A_745 = arith.constant 0 : i32
        %sign3A_746 = arith.cmpi sgt, %jit3A_736, %sign3A_745 : i32
        %sign3A_747 = arith.extui %sign3A_746 : i1 to i32
        %sign3A_748 = arith.constant 0 : i32
        %sign3A_749 = arith.cmpi slt, %jit3A_736, %sign3A_748 : i32
        %sign3A_750 = arith.extui %sign3A_749 : i1 to i32
        %sign3A_751 = arith.subi %sign3A_747, %sign3A_750 : i32
        %ne3A_752 = arith.cmpi ne, %sign3A_744, %sign3A_751 : i32
        %rem3A_753 = arith.remsi %mul3A_105, %jit3A_736 : i32
        %ne3A_754 = arith.constant 0 : i32
        %ne3A_755 = arith.cmpi ne, %rem3A_753, %ne3A_754 : i32
        %and3A_756 = arith.andi %ne3A_752, %ne3A_755 : i1
        %sub3A_757 = arith.constant 1 : i32
        %sub3A_758 = arith.subi %div3A_737, %sub3A_757 : i32
        %select_n3A_759 = arith.select %and3A_756, %sub3A_758, %div3A_737 : i32
        %add3A_760 = arith.constant 23439 : i32
        %add3A_761 = arith.addi %add3A_760, %select_n3A_759 : i32
        %add3A_762 = arith.constant 3 : i32
        %add3A_763 = arith.addi %add3A_761, %add3A_762 : i32
        %dma_start3A_764 = arith.constant 24 : i32
        %dma_start3A_765 = arith.constant 384 : i32
        %dma_start3A_766 = tpu.memref_slice %arg4[%dma_start3A_764, %dma_start3A_765] : memref<32x512xf32, #tpu.memory_space<vmem>> -> memref<8x128xf32, #tpu.memory_space<vmem>>
        %dma_start3A_767 = arith.constant 0 : i32
        %dma_start3A_768 = arith.constant 0 : i32
        %dma_start3A_769 = tpu.memref_slice %arg3[%add3A_763, %dma_start3A_767, %dma_start3A_768] : memref<31252x8x128xf32, #tpu.memory_space<hbm>> -> memref<1x8x128xf32, #tpu.memory_space<hbm>>
        %dma_start3A_770 = tpu.memref_squeeze %dma_start3A_769 : memref<1x8x128xf32, #tpu.memory_space<hbm>> -> memref<8x128xf32, #tpu.memory_space<hbm>>
        %dma_start3A_771 = arith.constant 0 : i32
        %dma_start3A_772 = arith.constant 0 : i32
        %dma_start3A_773 = tpu.memref_slice %arg3[%add3A_763, %dma_start3A_771, %dma_start3A_772] : memref<31252x8x128xf32, #tpu.memory_space<hbm>> -> memref<1x8x128xf32, #tpu.memory_space<hbm>>
        %dma_start3A_774 = tpu.memref_squeeze %dma_start3A_773 : memref<1x8x128xf32, #tpu.memory_space<hbm>> -> memref<8x128xf32, #tpu.memory_space<hbm>>
        %dma_start3A_775 = arith.constant 24 : i32
        %dma_start3A_776 = arith.constant 384 : i32
        %dma_start3A_777 = tpu.memref_slice %arg4[%dma_start3A_775, %dma_start3A_776] : memref<32x512xf32, #tpu.memory_space<vmem>> -> memref<8x128xf32, #tpu.memory_space<vmem>>
        tpu.enqueue_dma source(%dma_start3A_777 : memref<8x128xf32, #tpu.memory_space<vmem>>) target(%dma_start3A_774 : memref<8x128xf32, #tpu.memory_space<hbm>>) target_semaphore(%arg8 : memref<!tpu.dma_semaphore, #tpu.memory_space<semaphore_mem>>)
      } else {
      }
      %eq3A_85 = arith.constant 1 : i32
      %eq3A_86 = arith.cmpi eq, %select_n3A_79, %eq3A_85 : i32
      %convert_element_type3A_87 = arith.extui %eq3A_86 : i1 to i32
      %cond3A_88 = arith.constant 0 : i32
      %cond3A_89 = arith.cmpi ne, %convert_element_type3A_87, %cond3A_88 : i32
      scf.if %cond3A_89 {
        %add3A_90 = arith.constant 1 : i32
        %add3A_91 = arith.addi %while3A_63, %add3A_90 : i32
        %lt3A_92 = arith.cmpi slt, %add3A_91, %select_n3A : i32
        %convert_element_type3A_93 = arith.extui %lt3A_92 : i1 to i32
        %cond3A_94 = arith.constant 0 : i32
        %cond3A_95 = arith.cmpi ne, %convert_element_type3A_93, %cond3A_94 : i32
        scf.if %cond3A_95 {
          %dma_wait3A_778 = arith.constant 0 : i32
          %dma_wait3A_779 = arith.constant 0 : i32
          %dma_wait3A_780 = tpu.memref_slice %arg2[%dma_wait3A_778, %dma_wait3A_779] : memref<32x1000000xf32, #tpu.memory_space<hbm>> -> memref<32x512xf32, #tpu.memory_space<hbm>>
          %dma_wait3A_781 = arith.constant 0 : i32
          %dma_wait3A_782 = arith.constant 0 : i32
          %dma_wait3A_783 = tpu.memref_slice %arg2[%dma_wait3A_781, %dma_wait3A_782] : memref<32x1000000xf32, #tpu.memory_space<hbm>> -> memref<32x512xf32, #tpu.memory_space<hbm>>
          tpu.wait_dma2 semaphore(%arg8 : memref<!tpu.dma_semaphore, #tpu.memory_space<semaphore_mem>>) src(%dma_wait3A_783 : memref<32x512xf32, #tpu.memory_space<hbm>>) dst(%arg4 : memref<32x512xf32, #tpu.memory_space<vmem>>)
          %add3A_784 = arith.constant 1 : i32
          %add3A_785 = arith.addi %while3A_63, %add3A_784 : i32
          %mul3A_786 = arith.constant 32 : i32
          %mul3A_787 = arith.muli %add3A_785, %mul3A_786 : i32
          %add3A_788 = arith.addi %add3A, %mul3A_787 : i32
          %mul3A_789 = arith.constant 512 : i32
          %mul3A_790 = arith.muli %add3A_788, %mul3A_789 : i32
          %multiple_of3A_791 = tpu.assume_multiple %mul3A_790, 128 : i32
          %dma_start3A_792 = arith.constant 0 : i32
          %dma_start3A_793 = tpu.memref_slice %arg2[%dma_start3A_792, %multiple_of3A_791] : memref<32x1000000xf32, #tpu.memory_space<hbm>> -> memref<32x512xf32, #tpu.memory_space<hbm>>
          %dma_start3A_794 = arith.constant 0 : i32
          %dma_start3A_795 = tpu.memref_slice %arg2[%dma_start3A_794, %multiple_of3A_791] : memref<32x1000000xf32, #tpu.memory_space<hbm>> -> memref<32x512xf32, #tpu.memory_space<hbm>>
          tpu.enqueue_dma source(%dma_start3A_795 : memref<32x512xf32, #tpu.memory_space<hbm>>) target(%arg4 : memref<32x512xf32, #tpu.memory_space<vmem>>) target_semaphore(%arg6 : memref<!tpu.dma_semaphore, #tpu.memory_space<semaphore_mem>>)
        } else {
        }
        %dma_wait3A = arith.constant 0 : i32
        %dma_wait3A_96 = arith.constant 0 : i32
        %dma_wait3A_97 = tpu.memref_slice %arg2[%dma_wait3A, %dma_wait3A_96] : memref<32x1000000xf32, #tpu.memory_space<hbm>> -> memref<32x512xf32, #tpu.memory_space<hbm>>
        %dma_wait3A_98 = arith.constant 0 : i32
        %dma_wait3A_99 = arith.constant 0 : i32
        %dma_wait3A_100 = tpu.memref_slice %arg2[%dma_wait3A_98, %dma_wait3A_99] : memref<32x1000000xf32, #tpu.memory_space<hbm>> -> memref<32x512xf32, #tpu.memory_space<hbm>>
        tpu.wait_dma2 semaphore(%arg7 : memref<!tpu.dma_semaphore, #tpu.memory_space<semaphore_mem>>) src(%dma_wait3A_100 : memref<32x512xf32, #tpu.memory_space<hbm>>) dst(%arg5 : memref<32x512xf32, #tpu.memory_space<vmem>>)
        %mul3A_101 = arith.constant 32 : i32
        %mul3A_102 = arith.muli %while3A_63, %mul3A_101 : i32
        %add3A_103 = arith.addi %add3A, %mul3A_102 : i32
        %mul3A_104 = arith.constant 512 : i32
        %mul3A_105 = arith.muli %add3A_103, %mul3A_104 : i32
        %jit3A_106 = arith.constant 128 : i32
        %div3A_107 = arith.divsi %mul3A_105, %jit3A_106 : i32
        %sign3A_108 = arith.constant 0 : i32
        %sign3A_109 = arith.cmpi sgt, %mul3A_105, %sign3A_108 : i32
        %sign3A_110 = arith.extui %sign3A_109 : i1 to i32
        %sign3A_111 = arith.constant 0 : i32
        %sign3A_112 = arith.cmpi slt, %mul3A_105, %sign3A_111 : i32
        %sign3A_113 = arith.extui %sign3A_112 : i1 to i32
        %sign3A_114 = arith.subi %sign3A_110, %sign3A_113 : i32
        %sign3A_115 = arith.constant 0 : i32
        %sign3A_116 = arith.cmpi sgt, %jit3A_106, %sign3A_115 : i32
        %sign3A_117 = arith.extui %sign3A_116 : i1 to i32
        %sign3A_118 = arith.constant 0 : i32
        %sign3A_119 = arith.cmpi slt, %jit3A_106, %sign3A_118 : i32
        %sign3A_120 = arith.extui %sign3A_119 : i1 to i32
        %sign3A_121 = arith.subi %sign3A_117, %sign3A_120 : i32
        %ne3A_122 = arith.cmpi ne, %sign3A_114, %sign3A_121 : i32
        %rem3A_123 = arith.remsi %mul3A_105, %jit3A_106 : i32
        %ne3A_124 = arith.constant 0 : i32
        %ne3A_125 = arith.cmpi ne, %rem3A_123, %ne3A_124 : i32
        %and3A_126 = arith.andi %ne3A_122, %ne3A_125 : i1
        %sub3A_127 = arith.constant 1 : i32
        %sub3A_128 = arith.subi %div3A_107, %sub3A_127 : i32
        %select_n3A_129 = arith.select %and3A_126, %sub3A_128, %div3A_107 : i32
        %add3A_130 = arith.constant 0 : i32
        %add3A_131 = arith.addi %add3A_130, %select_n3A_129 : i32
        %add3A_132 = arith.constant 0 : i32
        %add3A_133 = arith.addi %add3A_131, %add3A_132 : i32
        %dma_start3A_134 = arith.constant 0 : i32
        %dma_start3A_135 = arith.constant 0 : i32
        %dma_start3A_136 = tpu.memref_slice %arg5[%dma_start3A_134, %dma_start3A_135] : memref<32x512xf32, #tpu.memory_space<vmem>> -> memref<8x128xf32, #tpu.memory_space<vmem>>
        %dma_start3A_137 = arith.constant 0 : i32
        %dma_start3A_138 = arith.constant 0 : i32
        %dma_start3A_139 = tpu.memref_slice %arg3[%add3A_133, %dma_start3A_137, %dma_start3A_138] : memref<31252x8x128xf32, #tpu.memory_space<hbm>> -> memref<1x8x128xf32, #tpu.memory_space<hbm>>
        %dma_start3A_140 = tpu.memref_squeeze %dma_start3A_139 : memref<1x8x128xf32, #tpu.memory_space<hbm>> -> memref<8x128xf32, #tpu.memory_space<hbm>>
        %dma_start3A_141 = arith.constant 0 : i32
        %dma_start3A_142 = arith.constant 0 : i32
        %dma_start3A_143 = tpu.memref_slice %arg3[%add3A_133, %dma_start3A_141, %dma_start3A_142] : memref<31252x8x128xf32, #tpu.memory_space<hbm>> -> memref<1x8x128xf32, #tpu.memory_space<hbm>>
        %dma_start3A_144 = tpu.memref_squeeze %dma_start3A_143 : memref<1x8x128xf32, #tpu.memory_space<hbm>> -> memref<8x128xf32, #tpu.memory_space<hbm>>
        %dma_start3A_145 = arith.constant 0 : i32
        %dma_start3A_146 = arith.constant 0 : i32
        %dma_start3A_147 = tpu.memref_slice %arg5[%dma_start3A_145, %dma_start3A_146] : memref<32x512xf32, #tpu.memory_space<vmem>> -> memref<8x128xf32, #tpu.memory_space<vmem>>
        tpu.enqueue_dma source(%dma_start3A_147 : memref<8x128xf32, #tpu.memory_space<vmem>>) target(%dma_start3A_144 : memref<8x128xf32, #tpu.memory_space<hbm>>) target_semaphore(%arg9 : memref<!tpu.dma_semaphore, #tpu.memory_space<semaphore_mem>>)
        %jit3A_148 = arith.constant 128 : i32
        %div3A_149 = arith.divsi %mul3A_105, %jit3A_148 : i32
        %sign3A_150 = arith.constant 0 : i32
        %sign3A_151 = arith.cmpi sgt, %mul3A_105, %sign3A_150 : i32
        %sign3A_152 = arith.extui %sign3A_151 : i1 to i32
        %sign3A_153 = arith.constant 0 : i32
        %sign3A_154 = arith.cmpi slt, %mul3A_105, %sign3A_153 : i32
        %sign3A_155 = arith.extui %sign3A_154 : i1 to i32
        %sign3A_156 = arith.subi %sign3A_152, %sign3A_155 : i32
        %sign3A_157 = arith.constant 0 : i32
        %sign3A_158 = arith.cmpi sgt, %jit3A_148, %sign3A_157 : i32
        %sign3A_159 = arith.extui %sign3A_158 : i1 to i32
        %sign3A_160 = arith.constant 0 : i32
        %sign3A_161 = arith.cmpi slt, %jit3A_148, %sign3A_160 : i32
        %sign3A_162 = arith.extui %sign3A_161 : i1 to i32
        %sign3A_163 = arith.subi %sign3A_159, %sign3A_162 : i32
        %ne3A_164 = arith.cmpi ne, %sign3A_156, %sign3A_163 : i32
        %rem3A_165 = arith.remsi %mul3A_105, %jit3A_148 : i32
        %ne3A_166 = arith.constant 0 : i32
        %ne3A_167 = arith.cmpi ne, %rem3A_165, %ne3A_166 : i32
        %and3A_168 = arith.andi %ne3A_164, %ne3A_167 : i1
        %sub3A_169 = arith.constant 1 : i32
        %sub3A_170 = arith.subi %div3A_149, %sub3A_169 : i32
        %select_n3A_171 = arith.select %and3A_168, %sub3A_170, %div3A_149 : i32
        %add3A_172 = arith.constant 0 : i32
        %add3A_173 = arith.addi %add3A_172, %select_n3A_171 : i32
        %add3A_174 = arith.constant 1 : i32
        %add3A_175 = arith.addi %add3A_173, %add3A_174 : i32
        %dma_start3A_176 = arith.constant 0 : i32
        %dma_start3A_177 = arith.constant 128 : i32
        %dma_start3A_178 = tpu.memref_slice %arg5[%dma_start3A_176, %dma_start3A_177] : memref<32x512xf32, #tpu.memory_space<vmem>> -> memref<8x128xf32, #tpu.memory_space<vmem>>
        %dma_start3A_179 = arith.constant 0 : i32
        %dma_start3A_180 = arith.constant 0 : i32
        %dma_start3A_181 = tpu.memref_slice %arg3[%add3A_175, %dma_start3A_179, %dma_start3A_180] : memref<31252x8x128xf32, #tpu.memory_space<hbm>> -> memref<1x8x128xf32, #tpu.memory_space<hbm>>
        %dma_start3A_182 = tpu.memref_squeeze %dma_start3A_181 : memref<1x8x128xf32, #tpu.memory_space<hbm>> -> memref<8x128xf32, #tpu.memory_space<hbm>>
        %dma_start3A_183 = arith.constant 0 : i32
        %dma_start3A_184 = arith.constant 0 : i32
        %dma_start3A_185 = tpu.memref_slice %arg3[%add3A_175, %dma_start3A_183, %dma_start3A_184] : memref<31252x8x128xf32, #tpu.memory_space<hbm>> -> memref<1x8x128xf32, #tpu.memory_space<hbm>>
        %dma_start3A_186 = tpu.memref_squeeze %dma_start3A_185 : memref<1x8x128xf32, #tpu.memory_space<hbm>> -> memref<8x128xf32, #tpu.memory_space<hbm>>
        %dma_start3A_187 = arith.constant 0 : i32
        %dma_start3A_188 = arith.constant 128 : i32
        %dma_start3A_189 = tpu.memref_slice %arg5[%dma_start3A_187, %dma_start3A_188] : memref<32x512xf32, #tpu.memory_space<vmem>> -> memref<8x128xf32, #tpu.memory_space<vmem>>
        tpu.enqueue_dma source(%dma_start3A_189 : memref<8x128xf32, #tpu.memory_space<vmem>>) target(%dma_start3A_186 : memref<8x128xf32, #tpu.memory_space<hbm>>) target_semaphore(%arg9 : memref<!tpu.dma_semaphore, #tpu.memory_space<semaphore_mem>>)
        %jit3A_190 = arith.constant 128 : i32
        %div3A_191 = arith.divsi %mul3A_105, %jit3A_190 : i32
        %sign3A_192 = arith.constant 0 : i32
        %sign3A_193 = arith.cmpi sgt, %mul3A_105, %sign3A_192 : i32
        %sign3A_194 = arith.extui %sign3A_193 : i1 to i32
        %sign3A_195 = arith.constant 0 : i32
        %sign3A_196 = arith.cmpi slt, %mul3A_105, %sign3A_195 : i32
        %sign3A_197 = arith.extui %sign3A_196 : i1 to i32
        %sign3A_198 = arith.subi %sign3A_194, %sign3A_197 : i32
        %sign3A_199 = arith.constant 0 : i32
        %sign3A_200 = arith.cmpi sgt, %jit3A_190, %sign3A_199 : i32
        %sign3A_201 = arith.extui %sign3A_200 : i1 to i32
        %sign3A_202 = arith.constant 0 : i32
        %sign3A_203 = arith.cmpi slt, %jit3A_190, %sign3A_202 : i32
        %sign3A_204 = arith.extui %sign3A_203 : i1 to i32
        %sign3A_205 = arith.subi %sign3A_201, %sign3A_204 : i32
        %ne3A_206 = arith.cmpi ne, %sign3A_198, %sign3A_205 : i32
        %rem3A_207 = arith.remsi %mul3A_105, %jit3A_190 : i32
        %ne3A_208 = arith.constant 0 : i32
        %ne3A_209 = arith.cmpi ne, %rem3A_207, %ne3A_208 : i32
        %and3A_210 = arith.andi %ne3A_206, %ne3A_209 : i1
        %sub3A_211 = arith.constant 1 : i32
        %sub3A_212 = arith.subi %div3A_191, %sub3A_211 : i32
        %select_n3A_213 = arith.select %and3A_210, %sub3A_212, %div3A_191 : i32
        %add3A_214 = arith.constant 0 : i32
        %add3A_215 = arith.addi %add3A_214, %select_n3A_213 : i32
        %add3A_216 = arith.constant 2 : i32
        %add3A_217 = arith.addi %add3A_215, %add3A_216 : i32
        %dma_start3A_218 = arith.constant 0 : i32
        %dma_start3A_219 = arith.constant 256 : i32
        %dma_start3A_220 = tpu.memref_slice %arg5[%dma_start3A_218, %dma_start3A_219] : memref<32x512xf32, #tpu.memory_space<vmem>> -> memref<8x128xf32, #tpu.memory_space<vmem>>
        %dma_start3A_221 = arith.constant 0 : i32
        %dma_start3A_222 = arith.constant 0 : i32
        %dma_start3A_223 = tpu.memref_slice %arg3[%add3A_217, %dma_start3A_221, %dma_start3A_222] : memref<31252x8x128xf32, #tpu.memory_space<hbm>> -> memref<1x8x128xf32, #tpu.memory_space<hbm>>
        %dma_start3A_224 = tpu.memref_squeeze %dma_start3A_223 : memref<1x8x128xf32, #tpu.memory_space<hbm>> -> memref<8x128xf32, #tpu.memory_space<hbm>>
        %dma_start3A_225 = arith.constant 0 : i32
        %dma_start3A_226 = arith.constant 0 : i32
        %dma_start3A_227 = tpu.memref_slice %arg3[%add3A_217, %dma_start3A_225, %dma_start3A_226] : memref<31252x8x128xf32, #tpu.memory_space<hbm>> -> memref<1x8x128xf32, #tpu.memory_space<hbm>>
        %dma_start3A_228 = tpu.memref_squeeze %dma_start3A_227 : memref<1x8x128xf32, #tpu.memory_space<hbm>> -> memref<8x128xf32, #tpu.memory_space<hbm>>
        %dma_start3A_229 = arith.constant 0 : i32
        %dma_start3A_230 = arith.constant 256 : i32
        %dma_start3A_231 = tpu.memref_slice %arg5[%dma_start3A_229, %dma_start3A_230] : memref<32x512xf32, #tpu.memory_space<vmem>> -> memref<8x128xf32, #tpu.memory_space<vmem>>
        tpu.enqueue_dma source(%dma_start3A_231 : memref<8x128xf32, #tpu.memory_space<vmem>>) target(%dma_start3A_228 : memref<8x128xf32, #tpu.memory_space<hbm>>) target_semaphore(%arg9 : memref<!tpu.dma_semaphore, #tpu.memory_space<semaphore_mem>>)
        %jit3A_232 = arith.constant 128 : i32
        %div3A_233 = arith.divsi %mul3A_105, %jit3A_232 : i32
        %sign3A_234 = arith.constant 0 : i32
        %sign3A_235 = arith.cmpi sgt, %mul3A_105, %sign3A_234 : i32
        %sign3A_236 = arith.extui %sign3A_235 : i1 to i32
        %sign3A_237 = arith.constant 0 : i32
        %sign3A_238 = arith.cmpi slt, %mul3A_105, %sign3A_237 : i32
        %sign3A_239 = arith.extui %sign3A_238 : i1 to i32
        %sign3A_240 = arith.subi %sign3A_236, %sign3A_239 : i32
        %sign3A_241 = arith.constant 0 : i32
        %sign3A_242 = arith.cmpi sgt, %jit3A_232, %sign3A_241 : i32
        %sign3A_243 = arith.extui %sign3A_242 : i1 to i32
        %sign3A_244 = arith.constant 0 : i32
        %sign3A_245 = arith.cmpi slt, %jit3A_232, %sign3A_244 : i32
        %sign3A_246 = arith.extui %sign3A_245 : i1 to i32
        %sign3A_247 = arith.subi %sign3A_243, %sign3A_246 : i32
        %ne3A_248 = arith.cmpi ne, %sign3A_240, %sign3A_247 : i32
        %rem3A_249 = arith.remsi %mul3A_105, %jit3A_232 : i32
        %ne3A_250 = arith.constant 0 : i32
        %ne3A_251 = arith.cmpi ne, %rem3A_249, %ne3A_250 : i32
        %and3A_252 = arith.andi %ne3A_248, %ne3A_251 : i1
        %sub3A_253 = arith.constant 1 : i32
        %sub3A_254 = arith.subi %div3A_233, %sub3A_253 : i32
        %select_n3A_255 = arith.select %and3A_252, %sub3A_254, %div3A_233 : i32
        %add3A_256 = arith.constant 0 : i32
        %add3A_257 = arith.addi %add3A_256, %select_n3A_255 : i32
        %add3A_258 = arith.constant 3 : i32
        %add3A_259 = arith.addi %add3A_257, %add3A_258 : i32
        %dma_start3A_260 = arith.constant 0 : i32
        %dma_start3A_261 = arith.constant 384 : i32
        %dma_start3A_262 = tpu.memref_slice %arg5[%dma_start3A_260, %dma_start3A_261] : memref<32x512xf32, #tpu.memory_space<vmem>> -> memref<8x128xf32, #tpu.memory_space<vmem>>
        %dma_start3A_263 = arith.constant 0 : i32
        %dma_start3A_264 = arith.constant 0 : i32
        %dma_start3A_265 = tpu.memref_slice %arg3[%add3A_259, %dma_start3A_263, %dma_start3A_264] : memref<31252x8x128xf32, #tpu.memory_space<hbm>> -> memref<1x8x128xf32, #tpu.memory_space<hbm>>
        %dma_start3A_266 = tpu.memref_squeeze %dma_start3A_265 : memref<1x8x128xf32, #tpu.memory_space<hbm>> -> memref<8x128xf32, #tpu.memory_space<hbm>>
        %dma_start3A_267 = arith.constant 0 : i32
        %dma_start3A_268 = arith.constant 0 : i32
        %dma_start3A_269 = tpu.memref_slice %arg3[%add3A_259, %dma_start3A_267, %dma_start3A_268] : memref<31252x8x128xf32, #tpu.memory_space<hbm>> -> memref<1x8x128xf32, #tpu.memory_space<hbm>>
        %dma_start3A_270 = tpu.memref_squeeze %dma_start3A_269 : memref<1x8x128xf32, #tpu.memory_space<hbm>> -> memref<8x128xf32, #tpu.memory_space<hbm>>
        %dma_start3A_271 = arith.constant 0 : i32
        %dma_start3A_272 = arith.constant 384 : i32
        %dma_start3A_273 = tpu.memref_slice %arg5[%dma_start3A_271, %dma_start3A_272] : memref<32x512xf32, #tpu.memory_space<vmem>> -> memref<8x128xf32, #tpu.memory_space<vmem>>
        tpu.enqueue_dma source(%dma_start3A_273 : memref<8x128xf32, #tpu.memory_space<vmem>>) target(%dma_start3A_270 : memref<8x128xf32, #tpu.memory_space<hbm>>) target_semaphore(%arg9 : memref<!tpu.dma_semaphore, #tpu.memory_space<semaphore_mem>>)
        %jit3A_274 = arith.constant 128 : i32
        %div3A_275 = arith.divsi %mul3A_105, %jit3A_274 : i32
        %sign3A_276 = arith.constant 0 : i32
        %sign3A_277 = arith.cmpi sgt, %mul3A_105, %sign3A_276 : i32
        %sign3A_278 = arith.extui %sign3A_277 : i1 to i32
        %sign3A_279 = arith.constant 0 : i32
        %sign3A_280 = arith.cmpi slt, %mul3A_105, %sign3A_279 : i32
        %sign3A_281 = arith.extui %sign3A_280 : i1 to i32
        %sign3A_282 = arith.subi %sign3A_278, %sign3A_281 : i32
        %sign3A_283 = arith.constant 0 : i32
        %sign3A_284 = arith.cmpi sgt, %jit3A_274, %sign3A_283 : i32
        %sign3A_285 = arith.extui %sign3A_284 : i1 to i32
        %sign3A_286 = arith.constant 0 : i32
        %sign3A_287 = arith.cmpi slt, %jit3A_274, %sign3A_286 : i32
        %sign3A_288 = arith.extui %sign3A_287 : i1 to i32
        %sign3A_289 = arith.subi %sign3A_285, %sign3A_288 : i32
        %ne3A_290 = arith.cmpi ne, %sign3A_282, %sign3A_289 : i32
        %rem3A_291 = arith.remsi %mul3A_105, %jit3A_274 : i32
        %ne3A_292 = arith.constant 0 : i32
        %ne3A_293 = arith.cmpi ne, %rem3A_291, %ne3A_292 : i32
        %and3A_294 = arith.andi %ne3A_290, %ne3A_293 : i1
        %sub3A_295 = arith.constant 1 : i32
        %sub3A_296 = arith.subi %div3A_275, %sub3A_295 : i32
        %select_n3A_297 = arith.select %and3A_294, %sub3A_296, %div3A_275 : i32
        %add3A_298 = arith.constant 7813 : i32
        %add3A_299 = arith.addi %add3A_298, %select_n3A_297 : i32
        %add3A_300 = arith.constant 0 : i32
        %add3A_301 = arith.addi %add3A_299, %add3A_300 : i32
        %dma_start3A_302 = arith.constant 8 : i32
        %dma_start3A_303 = arith.constant 0 : i32
        %dma_start3A_304 = tpu.memref_slice %arg5[%dma_start3A_302, %dma_start3A_303] : memref<32x512xf32, #tpu.memory_space<vmem>> -> memref<8x128xf32, #tpu.memory_space<vmem>>
        %dma_start3A_305 = arith.constant 0 : i32
        %dma_start3A_306 = arith.constant 0 : i32
        %dma_start3A_307 = tpu.memref_slice %arg3[%add3A_301, %dma_start3A_305, %dma_start3A_306] : memref<31252x8x128xf32, #tpu.memory_space<hbm>> -> memref<1x8x128xf32, #tpu.memory_space<hbm>>
        %dma_start3A_308 = tpu.memref_squeeze %dma_start3A_307 : memref<1x8x128xf32, #tpu.memory_space<hbm>> -> memref<8x128xf32, #tpu.memory_space<hbm>>
        %dma_start3A_309 = arith.constant 0 : i32
        %dma_start3A_310 = arith.constant 0 : i32
        %dma_start3A_311 = tpu.memref_slice %arg3[%add3A_301, %dma_start3A_309, %dma_start3A_310] : memref<31252x8x128xf32, #tpu.memory_space<hbm>> -> memref<1x8x128xf32, #tpu.memory_space<hbm>>
        %dma_start3A_312 = tpu.memref_squeeze %dma_start3A_311 : memref<1x8x128xf32, #tpu.memory_space<hbm>> -> memref<8x128xf32, #tpu.memory_space<hbm>>
        %dma_start3A_313 = arith.constant 8 : i32
        %dma_start3A_314 = arith.constant 0 : i32
        %dma_start3A_315 = tpu.memref_slice %arg5[%dma_start3A_313, %dma_start3A_314] : memref<32x512xf32, #tpu.memory_space<vmem>> -> memref<8x128xf32, #tpu.memory_space<vmem>>
        tpu.enqueue_dma source(%dma_start3A_315 : memref<8x128xf32, #tpu.memory_space<vmem>>) target(%dma_start3A_312 : memref<8x128xf32, #tpu.memory_space<hbm>>) target_semaphore(%arg9 : memref<!tpu.dma_semaphore, #tpu.memory_space<semaphore_mem>>)
        %jit3A_316 = arith.constant 128 : i32
        %div3A_317 = arith.divsi %mul3A_105, %jit3A_316 : i32
        %sign3A_318 = arith.constant 0 : i32
        %sign3A_319 = arith.cmpi sgt, %mul3A_105, %sign3A_318 : i32
        %sign3A_320 = arith.extui %sign3A_319 : i1 to i32
        %sign3A_321 = arith.constant 0 : i32
        %sign3A_322 = arith.cmpi slt, %mul3A_105, %sign3A_321 : i32
        %sign3A_323 = arith.extui %sign3A_322 : i1 to i32
        %sign3A_324 = arith.subi %sign3A_320, %sign3A_323 : i32
        %sign3A_325 = arith.constant 0 : i32
        %sign3A_326 = arith.cmpi sgt, %jit3A_316, %sign3A_325 : i32
        %sign3A_327 = arith.extui %sign3A_326 : i1 to i32
        %sign3A_328 = arith.constant 0 : i32
        %sign3A_329 = arith.cmpi slt, %jit3A_316, %sign3A_328 : i32
        %sign3A_330 = arith.extui %sign3A_329 : i1 to i32
        %sign3A_331 = arith.subi %sign3A_327, %sign3A_330 : i32
        %ne3A_332 = arith.cmpi ne, %sign3A_324, %sign3A_331 : i32
        %rem3A_333 = arith.remsi %mul3A_105, %jit3A_316 : i32
        %ne3A_334 = arith.constant 0 : i32
        %ne3A_335 = arith.cmpi ne, %rem3A_333, %ne3A_334 : i32
        %and3A_336 = arith.andi %ne3A_332, %ne3A_335 : i1
        %sub3A_337 = arith.constant 1 : i32
        %sub3A_338 = arith.subi %div3A_317, %sub3A_337 : i32
        %select_n3A_339 = arith.select %and3A_336, %sub3A_338, %div3A_317 : i32
        %add3A_340 = arith.constant 7813 : i32
        %add3A_341 = arith.addi %add3A_340, %select_n3A_339 : i32
        %add3A_342 = arith.constant 1 : i32
        %add3A_343 = arith.addi %add3A_341, %add3A_342 : i32
        %dma_start3A_344 = arith.constant 8 : i32
        %dma_start3A_345 = arith.constant 128 : i32
        %dma_start3A_346 = tpu.memref_slice %arg5[%dma_start3A_344, %dma_start3A_345] : memref<32x512xf32, #tpu.memory_space<vmem>> -> memref<8x128xf32, #tpu.memory_space<vmem>>
        %dma_start3A_347 = arith.constant 0 : i32
        %dma_start3A_348 = arith.constant 0 : i32
        %dma_start3A_349 = tpu.memref_slice %arg3[%add3A_343, %dma_start3A_347, %dma_start3A_348] : memref<31252x8x128xf32, #tpu.memory_space<hbm>> -> memref<1x8x128xf32, #tpu.memory_space<hbm>>
        %dma_start3A_350 = tpu.memref_squeeze %dma_start3A_349 : memref<1x8x128xf32, #tpu.memory_space<hbm>> -> memref<8x128xf32, #tpu.memory_space<hbm>>
        %dma_start3A_351 = arith.constant 0 : i32
        %dma_start3A_352 = arith.constant 0 : i32
        %dma_start3A_353 = tpu.memref_slice %arg3[%add3A_343, %dma_start3A_351, %dma_start3A_352] : memref<31252x8x128xf32, #tpu.memory_space<hbm>> -> memref<1x8x128xf32, #tpu.memory_space<hbm>>
        %dma_start3A_354 = tpu.memref_squeeze %dma_start3A_353 : memref<1x8x128xf32, #tpu.memory_space<hbm>> -> memref<8x128xf32, #tpu.memory_space<hbm>>
        %dma_start3A_355 = arith.constant 8 : i32
        %dma_start3A_356 = arith.constant 128 : i32
        %dma_start3A_357 = tpu.memref_slice %arg5[%dma_start3A_355, %dma_start3A_356] : memref<32x512xf32, #tpu.memory_space<vmem>> -> memref<8x128xf32, #tpu.memory_space<vmem>>
        tpu.enqueue_dma source(%dma_start3A_357 : memref<8x128xf32, #tpu.memory_space<vmem>>) target(%dma_start3A_354 : memref<8x128xf32, #tpu.memory_space<hbm>>) target_semaphore(%arg9 : memref<!tpu.dma_semaphore, #tpu.memory_space<semaphore_mem>>)
        %jit3A_358 = arith.constant 128 : i32
        %div3A_359 = arith.divsi %mul3A_105, %jit3A_358 : i32
        %sign3A_360 = arith.constant 0 : i32
        %sign3A_361 = arith.cmpi sgt, %mul3A_105, %sign3A_360 : i32
        %sign3A_362 = arith.extui %sign3A_361 : i1 to i32
        %sign3A_363 = arith.constant 0 : i32
        %sign3A_364 = arith.cmpi slt, %mul3A_105, %sign3A_363 : i32
        %sign3A_365 = arith.extui %sign3A_364 : i1 to i32
        %sign3A_366 = arith.subi %sign3A_362, %sign3A_365 : i32
        %sign3A_367 = arith.constant 0 : i32
        %sign3A_368 = arith.cmpi sgt, %jit3A_358, %sign3A_367 : i32
        %sign3A_369 = arith.extui %sign3A_368 : i1 to i32
        %sign3A_370 = arith.constant 0 : i32
        %sign3A_371 = arith.cmpi slt, %jit3A_358, %sign3A_370 : i32
        %sign3A_372 = arith.extui %sign3A_371 : i1 to i32
        %sign3A_373 = arith.subi %sign3A_369, %sign3A_372 : i32
        %ne3A_374 = arith.cmpi ne, %sign3A_366, %sign3A_373 : i32
        %rem3A_375 = arith.remsi %mul3A_105, %jit3A_358 : i32
        %ne3A_376 = arith.constant 0 : i32
        %ne3A_377 = arith.cmpi ne, %rem3A_375, %ne3A_376 : i32
        %and3A_378 = arith.andi %ne3A_374, %ne3A_377 : i1
        %sub3A_379 = arith.constant 1 : i32
        %sub3A_380 = arith.subi %div3A_359, %sub3A_379 : i32
        %select_n3A_381 = arith.select %and3A_378, %sub3A_380, %div3A_359 : i32
        %add3A_382 = arith.constant 7813 : i32
        %add3A_383 = arith.addi %add3A_382, %select_n3A_381 : i32
        %add3A_384 = arith.constant 2 : i32
        %add3A_385 = arith.addi %add3A_383, %add3A_384 : i32
        %dma_start3A_386 = arith.constant 8 : i32
        %dma_start3A_387 = arith.constant 256 : i32
        %dma_start3A_388 = tpu.memref_slice %arg5[%dma_start3A_386, %dma_start3A_387] : memref<32x512xf32, #tpu.memory_space<vmem>> -> memref<8x128xf32, #tpu.memory_space<vmem>>
        %dma_start3A_389 = arith.constant 0 : i32
        %dma_start3A_390 = arith.constant 0 : i32
        %dma_start3A_391 = tpu.memref_slice %arg3[%add3A_385, %dma_start3A_389, %dma_start3A_390] : memref<31252x8x128xf32, #tpu.memory_space<hbm>> -> memref<1x8x128xf32, #tpu.memory_space<hbm>>
        %dma_start3A_392 = tpu.memref_squeeze %dma_start3A_391 : memref<1x8x128xf32, #tpu.memory_space<hbm>> -> memref<8x128xf32, #tpu.memory_space<hbm>>
        %dma_start3A_393 = arith.constant 0 : i32
        %dma_start3A_394 = arith.constant 0 : i32
        %dma_start3A_395 = tpu.memref_slice %arg3[%add3A_385, %dma_start3A_393, %dma_start3A_394] : memref<31252x8x128xf32, #tpu.memory_space<hbm>> -> memref<1x8x128xf32, #tpu.memory_space<hbm>>
        %dma_start3A_396 = tpu.memref_squeeze %dma_start3A_395 : memref<1x8x128xf32, #tpu.memory_space<hbm>> -> memref<8x128xf32, #tpu.memory_space<hbm>>
        %dma_start3A_397 = arith.constant 8 : i32
        %dma_start3A_398 = arith.constant 256 : i32
        %dma_start3A_399 = tpu.memref_slice %arg5[%dma_start3A_397, %dma_start3A_398] : memref<32x512xf32, #tpu.memory_space<vmem>> -> memref<8x128xf32, #tpu.memory_space<vmem>>
        tpu.enqueue_dma source(%dma_start3A_399 : memref<8x128xf32, #tpu.memory_space<vmem>>) target(%dma_start3A_396 : memref<8x128xf32, #tpu.memory_space<hbm>>) target_semaphore(%arg9 : memref<!tpu.dma_semaphore, #tpu.memory_space<semaphore_mem>>)
        %jit3A_400 = arith.constant 128 : i32
        %div3A_401 = arith.divsi %mul3A_105, %jit3A_400 : i32
        %sign3A_402 = arith.constant 0 : i32
        %sign3A_403 = arith.cmpi sgt, %mul3A_105, %sign3A_402 : i32
        %sign3A_404 = arith.extui %sign3A_403 : i1 to i32
        %sign3A_405 = arith.constant 0 : i32
        %sign3A_406 = arith.cmpi slt, %mul3A_105, %sign3A_405 : i32
        %sign3A_407 = arith.extui %sign3A_406 : i1 to i32
        %sign3A_408 = arith.subi %sign3A_404, %sign3A_407 : i32
        %sign3A_409 = arith.constant 0 : i32
        %sign3A_410 = arith.cmpi sgt, %jit3A_400, %sign3A_409 : i32
        %sign3A_411 = arith.extui %sign3A_410 : i1 to i32
        %sign3A_412 = arith.constant 0 : i32
        %sign3A_413 = arith.cmpi slt, %jit3A_400, %sign3A_412 : i32
        %sign3A_414 = arith.extui %sign3A_413 : i1 to i32
        %sign3A_415 = arith.subi %sign3A_411, %sign3A_414 : i32
        %ne3A_416 = arith.cmpi ne, %sign3A_408, %sign3A_415 : i32
        %rem3A_417 = arith.remsi %mul3A_105, %jit3A_400 : i32
        %ne3A_418 = arith.constant 0 : i32
        %ne3A_419 = arith.cmpi ne, %rem3A_417, %ne3A_418 : i32
        %and3A_420 = arith.andi %ne3A_416, %ne3A_419 : i1
        %sub3A_421 = arith.constant 1 : i32
        %sub3A_422 = arith.subi %div3A_401, %sub3A_421 : i32
        %select_n3A_423 = arith.select %and3A_420, %sub3A_422, %div3A_401 : i32
        %add3A_424 = arith.constant 7813 : i32
        %add3A_425 = arith.addi %add3A_424, %select_n3A_423 : i32
        %add3A_426 = arith.constant 3 : i32
        %add3A_427 = arith.addi %add3A_425, %add3A_426 : i32
        %dma_start3A_428 = arith.constant 8 : i32
        %dma_start3A_429 = arith.constant 384 : i32
        %dma_start3A_430 = tpu.memref_slice %arg5[%dma_start3A_428, %dma_start3A_429] : memref<32x512xf32, #tpu.memory_space<vmem>> -> memref<8x128xf32, #tpu.memory_space<vmem>>
        %dma_start3A_431 = arith.constant 0 : i32
        %dma_start3A_432 = arith.constant 0 : i32
        %dma_start3A_433 = tpu.memref_slice %arg3[%add3A_427, %dma_start3A_431, %dma_start3A_432] : memref<31252x8x128xf32, #tpu.memory_space<hbm>> -> memref<1x8x128xf32, #tpu.memory_space<hbm>>
        %dma_start3A_434 = tpu.memref_squeeze %dma_start3A_433 : memref<1x8x128xf32, #tpu.memory_space<hbm>> -> memref<8x128xf32, #tpu.memory_space<hbm>>
        %dma_start3A_435 = arith.constant 0 : i32
        %dma_start3A_436 = arith.constant 0 : i32
        %dma_start3A_437 = tpu.memref_slice %arg3[%add3A_427, %dma_start3A_435, %dma_start3A_436] : memref<31252x8x128xf32, #tpu.memory_space<hbm>> -> memref<1x8x128xf32, #tpu.memory_space<hbm>>
        %dma_start3A_438 = tpu.memref_squeeze %dma_start3A_437 : memref<1x8x128xf32, #tpu.memory_space<hbm>> -> memref<8x128xf32, #tpu.memory_space<hbm>>
        %dma_start3A_439 = arith.constant 8 : i32
        %dma_start3A_440 = arith.constant 384 : i32
        %dma_start3A_441 = tpu.memref_slice %arg5[%dma_start3A_439, %dma_start3A_440] : memref<32x512xf32, #tpu.memory_space<vmem>> -> memref<8x128xf32, #tpu.memory_space<vmem>>
        tpu.enqueue_dma source(%dma_start3A_441 : memref<8x128xf32, #tpu.memory_space<vmem>>) target(%dma_start3A_438 : memref<8x128xf32, #tpu.memory_space<hbm>>) target_semaphore(%arg9 : memref<!tpu.dma_semaphore, #tpu.memory_space<semaphore_mem>>)
        %jit3A_442 = arith.constant 128 : i32
        %div3A_443 = arith.divsi %mul3A_105, %jit3A_442 : i32
        %sign3A_444 = arith.constant 0 : i32
        %sign3A_445 = arith.cmpi sgt, %mul3A_105, %sign3A_444 : i32
        %sign3A_446 = arith.extui %sign3A_445 : i1 to i32
        %sign3A_447 = arith.constant 0 : i32
        %sign3A_448 = arith.cmpi slt, %mul3A_105, %sign3A_447 : i32
        %sign3A_449 = arith.extui %sign3A_448 : i1 to i32
        %sign3A_450 = arith.subi %sign3A_446, %sign3A_449 : i32
        %sign3A_451 = arith.constant 0 : i32
        %sign3A_452 = arith.cmpi sgt, %jit3A_442, %sign3A_451 : i32
        %sign3A_453 = arith.extui %sign3A_452 : i1 to i32
        %sign3A_454 = arith.constant 0 : i32
        %sign3A_455 = arith.cmpi slt, %jit3A_442, %sign3A_454 : i32
        %sign3A_456 = arith.extui %sign3A_455 : i1 to i32
        %sign3A_457 = arith.subi %sign3A_453, %sign3A_456 : i32
        %ne3A_458 = arith.cmpi ne, %sign3A_450, %sign3A_457 : i32
        %rem3A_459 = arith.remsi %mul3A_105, %jit3A_442 : i32
        %ne3A_460 = arith.constant 0 : i32
        %ne3A_461 = arith.cmpi ne, %rem3A_459, %ne3A_460 : i32
        %and3A_462 = arith.andi %ne3A_458, %ne3A_461 : i1
        %sub3A_463 = arith.constant 1 : i32
        %sub3A_464 = arith.subi %div3A_443, %sub3A_463 : i32
        %select_n3A_465 = arith.select %and3A_462, %sub3A_464, %div3A_443 : i32
        %add3A_466 = arith.constant 15626 : i32
        %add3A_467 = arith.addi %add3A_466, %select_n3A_465 : i32
        %add3A_468 = arith.constant 0 : i32
        %add3A_469 = arith.addi %add3A_467, %add3A_468 : i32
        %dma_start3A_470 = arith.constant 16 : i32
        %dma_start3A_471 = arith.constant 0 : i32
        %dma_start3A_472 = tpu.memref_slice %arg5[%dma_start3A_470, %dma_start3A_471] : memref<32x512xf32, #tpu.memory_space<vmem>> -> memref<8x128xf32, #tpu.memory_space<vmem>>
        %dma_start3A_473 = arith.constant 0 : i32
        %dma_start3A_474 = arith.constant 0 : i32
        %dma_start3A_475 = tpu.memref_slice %arg3[%add3A_469, %dma_start3A_473, %dma_start3A_474] : memref<31252x8x128xf32, #tpu.memory_space<hbm>> -> memref<1x8x128xf32, #tpu.memory_space<hbm>>
        %dma_start3A_476 = tpu.memref_squeeze %dma_start3A_475 : memref<1x8x128xf32, #tpu.memory_space<hbm>> -> memref<8x128xf32, #tpu.memory_space<hbm>>
        %dma_start3A_477 = arith.constant 0 : i32
        %dma_start3A_478 = arith.constant 0 : i32
        %dma_start3A_479 = tpu.memref_slice %arg3[%add3A_469, %dma_start3A_477, %dma_start3A_478] : memref<31252x8x128xf32, #tpu.memory_space<hbm>> -> memref<1x8x128xf32, #tpu.memory_space<hbm>>
        %dma_start3A_480 = tpu.memref_squeeze %dma_start3A_479 : memref<1x8x128xf32, #tpu.memory_space<hbm>> -> memref<8x128xf32, #tpu.memory_space<hbm>>
        %dma_start3A_481 = arith.constant 16 : i32
        %dma_start3A_482 = arith.constant 0 : i32
        %dma_start3A_483 = tpu.memref_slice %arg5[%dma_start3A_481, %dma_start3A_482] : memref<32x512xf32, #tpu.memory_space<vmem>> -> memref<8x128xf32, #tpu.memory_space<vmem>>
        tpu.enqueue_dma source(%dma_start3A_483 : memref<8x128xf32, #tpu.memory_space<vmem>>) target(%dma_start3A_480 : memref<8x128xf32, #tpu.memory_space<hbm>>) target_semaphore(%arg9 : memref<!tpu.dma_semaphore, #tpu.memory_space<semaphore_mem>>)
        %jit3A_484 = arith.constant 128 : i32
        %div3A_485 = arith.divsi %mul3A_105, %jit3A_484 : i32
        %sign3A_486 = arith.constant 0 : i32
        %sign3A_487 = arith.cmpi sgt, %mul3A_105, %sign3A_486 : i32
        %sign3A_488 = arith.extui %sign3A_487 : i1 to i32
        %sign3A_489 = arith.constant 0 : i32
        %sign3A_490 = arith.cmpi slt, %mul3A_105, %sign3A_489 : i32
        %sign3A_491 = arith.extui %sign3A_490 : i1 to i32
        %sign3A_492 = arith.subi %sign3A_488, %sign3A_491 : i32
        %sign3A_493 = arith.constant 0 : i32
        %sign3A_494 = arith.cmpi sgt, %jit3A_484, %sign3A_493 : i32
        %sign3A_495 = arith.extui %sign3A_494 : i1 to i32
        %sign3A_496 = arith.constant 0 : i32
        %sign3A_497 = arith.cmpi slt, %jit3A_484, %sign3A_496 : i32
        %sign3A_498 = arith.extui %sign3A_497 : i1 to i32
        %sign3A_499 = arith.subi %sign3A_495, %sign3A_498 : i32
        %ne3A_500 = arith.cmpi ne, %sign3A_492, %sign3A_499 : i32
        %rem3A_501 = arith.remsi %mul3A_105, %jit3A_484 : i32
        %ne3A_502 = arith.constant 0 : i32
        %ne3A_503 = arith.cmpi ne, %rem3A_501, %ne3A_502 : i32
        %and3A_504 = arith.andi %ne3A_500, %ne3A_503 : i1
        %sub3A_505 = arith.constant 1 : i32
        %sub3A_506 = arith.subi %div3A_485, %sub3A_505 : i32
        %select_n3A_507 = arith.select %and3A_504, %sub3A_506, %div3A_485 : i32
        %add3A_508 = arith.constant 15626 : i32
        %add3A_509 = arith.addi %add3A_508, %select_n3A_507 : i32
        %add3A_510 = arith.constant 1 : i32
        %add3A_511 = arith.addi %add3A_509, %add3A_510 : i32
        %dma_start3A_512 = arith.constant 16 : i32
        %dma_start3A_513 = arith.constant 128 : i32
        %dma_start3A_514 = tpu.memref_slice %arg5[%dma_start3A_512, %dma_start3A_513] : memref<32x512xf32, #tpu.memory_space<vmem>> -> memref<8x128xf32, #tpu.memory_space<vmem>>
        %dma_start3A_515 = arith.constant 0 : i32
        %dma_start3A_516 = arith.constant 0 : i32
        %dma_start3A_517 = tpu.memref_slice %arg3[%add3A_511, %dma_start3A_515, %dma_start3A_516] : memref<31252x8x128xf32, #tpu.memory_space<hbm>> -> memref<1x8x128xf32, #tpu.memory_space<hbm>>
        %dma_start3A_518 = tpu.memref_squeeze %dma_start3A_517 : memref<1x8x128xf32, #tpu.memory_space<hbm>> -> memref<8x128xf32, #tpu.memory_space<hbm>>
        %dma_start3A_519 = arith.constant 0 : i32
        %dma_start3A_520 = arith.constant 0 : i32
        %dma_start3A_521 = tpu.memref_slice %arg3[%add3A_511, %dma_start3A_519, %dma_start3A_520] : memref<31252x8x128xf32, #tpu.memory_space<hbm>> -> memref<1x8x128xf32, #tpu.memory_space<hbm>>
        %dma_start3A_522 = tpu.memref_squeeze %dma_start3A_521 : memref<1x8x128xf32, #tpu.memory_space<hbm>> -> memref<8x128xf32, #tpu.memory_space<hbm>>
        %dma_start3A_523 = arith.constant 16 : i32
        %dma_start3A_524 = arith.constant 128 : i32
        %dma_start3A_525 = tpu.memref_slice %arg5[%dma_start3A_523, %dma_start3A_524] : memref<32x512xf32, #tpu.memory_space<vmem>> -> memref<8x128xf32, #tpu.memory_space<vmem>>
        tpu.enqueue_dma source(%dma_start3A_525 : memref<8x128xf32, #tpu.memory_space<vmem>>) target(%dma_start3A_522 : memref<8x128xf32, #tpu.memory_space<hbm>>) target_semaphore(%arg9 : memref<!tpu.dma_semaphore, #tpu.memory_space<semaphore_mem>>)
        %jit3A_526 = arith.constant 128 : i32
        %div3A_527 = arith.divsi %mul3A_105, %jit3A_526 : i32
        %sign3A_528 = arith.constant 0 : i32
        %sign3A_529 = arith.cmpi sgt, %mul3A_105, %sign3A_528 : i32
        %sign3A_530 = arith.extui %sign3A_529 : i1 to i32
        %sign3A_531 = arith.constant 0 : i32
        %sign3A_532 = arith.cmpi slt, %mul3A_105, %sign3A_531 : i32
        %sign3A_533 = arith.extui %sign3A_532 : i1 to i32
        %sign3A_534 = arith.subi %sign3A_530, %sign3A_533 : i32
        %sign3A_535 = arith.constant 0 : i32
        %sign3A_536 = arith.cmpi sgt, %jit3A_526, %sign3A_535 : i32
        %sign3A_537 = arith.extui %sign3A_536 : i1 to i32
        %sign3A_538 = arith.constant 0 : i32
        %sign3A_539 = arith.cmpi slt, %jit3A_526, %sign3A_538 : i32
        %sign3A_540 = arith.extui %sign3A_539 : i1 to i32
        %sign3A_541 = arith.subi %sign3A_537, %sign3A_540 : i32
        %ne3A_542 = arith.cmpi ne, %sign3A_534, %sign3A_541 : i32
        %rem3A_543 = arith.remsi %mul3A_105, %jit3A_526 : i32
        %ne3A_544 = arith.constant 0 : i32
        %ne3A_545 = arith.cmpi ne, %rem3A_543, %ne3A_544 : i32
        %and3A_546 = arith.andi %ne3A_542, %ne3A_545 : i1
        %sub3A_547 = arith.constant 1 : i32
        %sub3A_548 = arith.subi %div3A_527, %sub3A_547 : i32
        %select_n3A_549 = arith.select %and3A_546, %sub3A_548, %div3A_527 : i32
        %add3A_550 = arith.constant 15626 : i32
        %add3A_551 = arith.addi %add3A_550, %select_n3A_549 : i32
        %add3A_552 = arith.constant 2 : i32
        %add3A_553 = arith.addi %add3A_551, %add3A_552 : i32
        %dma_start3A_554 = arith.constant 16 : i32
        %dma_start3A_555 = arith.constant 256 : i32
        %dma_start3A_556 = tpu.memref_slice %arg5[%dma_start3A_554, %dma_start3A_555] : memref<32x512xf32, #tpu.memory_space<vmem>> -> memref<8x128xf32, #tpu.memory_space<vmem>>
        %dma_start3A_557 = arith.constant 0 : i32
        %dma_start3A_558 = arith.constant 0 : i32
        %dma_start3A_559 = tpu.memref_slice %arg3[%add3A_553, %dma_start3A_557, %dma_start3A_558] : memref<31252x8x128xf32, #tpu.memory_space<hbm>> -> memref<1x8x128xf32, #tpu.memory_space<hbm>>
        %dma_start3A_560 = tpu.memref_squeeze %dma_start3A_559 : memref<1x8x128xf32, #tpu.memory_space<hbm>> -> memref<8x128xf32, #tpu.memory_space<hbm>>
        %dma_start3A_561 = arith.constant 0 : i32
        %dma_start3A_562 = arith.constant 0 : i32
        %dma_start3A_563 = tpu.memref_slice %arg3[%add3A_553, %dma_start3A_561, %dma_start3A_562] : memref<31252x8x128xf32, #tpu.memory_space<hbm>> -> memref<1x8x128xf32, #tpu.memory_space<hbm>>
        %dma_start3A_564 = tpu.memref_squeeze %dma_start3A_563 : memref<1x8x128xf32, #tpu.memory_space<hbm>> -> memref<8x128xf32, #tpu.memory_space<hbm>>
        %dma_start3A_565 = arith.constant 16 : i32
        %dma_start3A_566 = arith.constant 256 : i32
        %dma_start3A_567 = tpu.memref_slice %arg5[%dma_start3A_565, %dma_start3A_566] : memref<32x512xf32, #tpu.memory_space<vmem>> -> memref<8x128xf32, #tpu.memory_space<vmem>>
        tpu.enqueue_dma source(%dma_start3A_567 : memref<8x128xf32, #tpu.memory_space<vmem>>) target(%dma_start3A_564 : memref<8x128xf32, #tpu.memory_space<hbm>>) target_semaphore(%arg9 : memref<!tpu.dma_semaphore, #tpu.memory_space<semaphore_mem>>)
        %jit3A_568 = arith.constant 128 : i32
        %div3A_569 = arith.divsi %mul3A_105, %jit3A_568 : i32
        %sign3A_570 = arith.constant 0 : i32
        %sign3A_571 = arith.cmpi sgt, %mul3A_105, %sign3A_570 : i32
        %sign3A_572 = arith.extui %sign3A_571 : i1 to i32
        %sign3A_573 = arith.constant 0 : i32
        %sign3A_574 = arith.cmpi slt, %mul3A_105, %sign3A_573 : i32
        %sign3A_575 = arith.extui %sign3A_574 : i1 to i32
        %sign3A_576 = arith.subi %sign3A_572, %sign3A_575 : i32
        %sign3A_577 = arith.constant 0 : i32
        %sign3A_578 = arith.cmpi sgt, %jit3A_568, %sign3A_577 : i32
        %sign3A_579 = arith.extui %sign3A_578 : i1 to i32
        %sign3A_580 = arith.constant 0 : i32
        %sign3A_581 = arith.cmpi slt, %jit3A_568, %sign3A_580 : i32
        %sign3A_582 = arith.extui %sign3A_581 : i1 to i32
        %sign3A_583 = arith.subi %sign3A_579, %sign3A_582 : i32
        %ne3A_584 = arith.cmpi ne, %sign3A_576, %sign3A_583 : i32
        %rem3A_585 = arith.remsi %mul3A_105, %jit3A_568 : i32
        %ne3A_586 = arith.constant 0 : i32
        %ne3A_587 = arith.cmpi ne, %rem3A_585, %ne3A_586 : i32
        %and3A_588 = arith.andi %ne3A_584, %ne3A_587 : i1
        %sub3A_589 = arith.constant 1 : i32
        %sub3A_590 = arith.subi %div3A_569, %sub3A_589 : i32
        %select_n3A_591 = arith.select %and3A_588, %sub3A_590, %div3A_569 : i32
        %add3A_592 = arith.constant 15626 : i32
        %add3A_593 = arith.addi %add3A_592, %select_n3A_591 : i32
        %add3A_594 = arith.constant 3 : i32
        %add3A_595 = arith.addi %add3A_593, %add3A_594 : i32
        %dma_start3A_596 = arith.constant 16 : i32
        %dma_start3A_597 = arith.constant 384 : i32
        %dma_start3A_598 = tpu.memref_slice %arg5[%dma_start3A_596, %dma_start3A_597] : memref<32x512xf32, #tpu.memory_space<vmem>> -> memref<8x128xf32, #tpu.memory_space<vmem>>
        %dma_start3A_599 = arith.constant 0 : i32
        %dma_start3A_600 = arith.constant 0 : i32
        %dma_start3A_601 = tpu.memref_slice %arg3[%add3A_595, %dma_start3A_599, %dma_start3A_600] : memref<31252x8x128xf32, #tpu.memory_space<hbm>> -> memref<1x8x128xf32, #tpu.memory_space<hbm>>
        %dma_start3A_602 = tpu.memref_squeeze %dma_start3A_601 : memref<1x8x128xf32, #tpu.memory_space<hbm>> -> memref<8x128xf32, #tpu.memory_space<hbm>>
        %dma_start3A_603 = arith.constant 0 : i32
        %dma_start3A_604 = arith.constant 0 : i32
        %dma_start3A_605 = tpu.memref_slice %arg3[%add3A_595, %dma_start3A_603, %dma_start3A_604] : memref<31252x8x128xf32, #tpu.memory_space<hbm>> -> memref<1x8x128xf32, #tpu.memory_space<hbm>>
        %dma_start3A_606 = tpu.memref_squeeze %dma_start3A_605 : memref<1x8x128xf32, #tpu.memory_space<hbm>> -> memref<8x128xf32, #tpu.memory_space<hbm>>
        %dma_start3A_607 = arith.constant 16 : i32
        %dma_start3A_608 = arith.constant 384 : i32
        %dma_start3A_609 = tpu.memref_slice %arg5[%dma_start3A_607, %dma_start3A_608] : memref<32x512xf32, #tpu.memory_space<vmem>> -> memref<8x128xf32, #tpu.memory_space<vmem>>
        tpu.enqueue_dma source(%dma_start3A_609 : memref<8x128xf32, #tpu.memory_space<vmem>>) target(%dma_start3A_606 : memref<8x128xf32, #tpu.memory_space<hbm>>) target_semaphore(%arg9 : memref<!tpu.dma_semaphore, #tpu.memory_space<semaphore_mem>>)
        %jit3A_610 = arith.constant 128 : i32
        %div3A_611 = arith.divsi %mul3A_105, %jit3A_610 : i32
        %sign3A_612 = arith.constant 0 : i32
        %sign3A_613 = arith.cmpi sgt, %mul3A_105, %sign3A_612 : i32
        %sign3A_614 = arith.extui %sign3A_613 : i1 to i32
        %sign3A_615 = arith.constant 0 : i32
        %sign3A_616 = arith.cmpi slt, %mul3A_105, %sign3A_615 : i32
        %sign3A_617 = arith.extui %sign3A_616 : i1 to i32
        %sign3A_618 = arith.subi %sign3A_614, %sign3A_617 : i32
        %sign3A_619 = arith.constant 0 : i32
        %sign3A_620 = arith.cmpi sgt, %jit3A_610, %sign3A_619 : i32
        %sign3A_621 = arith.extui %sign3A_620 : i1 to i32
        %sign3A_622 = arith.constant 0 : i32
        %sign3A_623 = arith.cmpi slt, %jit3A_610, %sign3A_622 : i32
        %sign3A_624 = arith.extui %sign3A_623 : i1 to i32
        %sign3A_625 = arith.subi %sign3A_621, %sign3A_624 : i32
        %ne3A_626 = arith.cmpi ne, %sign3A_618, %sign3A_625 : i32
        %rem3A_627 = arith.remsi %mul3A_105, %jit3A_610 : i32
        %ne3A_628 = arith.constant 0 : i32
        %ne3A_629 = arith.cmpi ne, %rem3A_627, %ne3A_628 : i32
        %and3A_630 = arith.andi %ne3A_626, %ne3A_629 : i1
        %sub3A_631 = arith.constant 1 : i32
        %sub3A_632 = arith.subi %div3A_611, %sub3A_631 : i32
        %select_n3A_633 = arith.select %and3A_630, %sub3A_632, %div3A_611 : i32
        %add3A_634 = arith.constant 23439 : i32
        %add3A_635 = arith.addi %add3A_634, %select_n3A_633 : i32
        %add3A_636 = arith.constant 0 : i32
        %add3A_637 = arith.addi %add3A_635, %add3A_636 : i32
        %dma_start3A_638 = arith.constant 24 : i32
        %dma_start3A_639 = arith.constant 0 : i32
        %dma_start3A_640 = tpu.memref_slice %arg5[%dma_start3A_638, %dma_start3A_639] : memref<32x512xf32, #tpu.memory_space<vmem>> -> memref<8x128xf32, #tpu.memory_space<vmem>>
        %dma_start3A_641 = arith.constant 0 : i32
        %dma_start3A_642 = arith.constant 0 : i32
        %dma_start3A_643 = tpu.memref_slice %arg3[%add3A_637, %dma_start3A_641, %dma_start3A_642] : memref<31252x8x128xf32, #tpu.memory_space<hbm>> -> memref<1x8x128xf32, #tpu.memory_space<hbm>>
        %dma_start3A_644 = tpu.memref_squeeze %dma_start3A_643 : memref<1x8x128xf32, #tpu.memory_space<hbm>> -> memref<8x128xf32, #tpu.memory_space<hbm>>
        %dma_start3A_645 = arith.constant 0 : i32
        %dma_start3A_646 = arith.constant 0 : i32
        %dma_start3A_647 = tpu.memref_slice %arg3[%add3A_637, %dma_start3A_645, %dma_start3A_646] : memref<31252x8x128xf32, #tpu.memory_space<hbm>> -> memref<1x8x128xf32, #tpu.memory_space<hbm>>
        %dma_start3A_648 = tpu.memref_squeeze %dma_start3A_647 : memref<1x8x128xf32, #tpu.memory_space<hbm>> -> memref<8x128xf32, #tpu.memory_space<hbm>>
        %dma_start3A_649 = arith.constant 24 : i32
        %dma_start3A_650 = arith.constant 0 : i32
        %dma_start3A_651 = tpu.memref_slice %arg5[%dma_start3A_649, %dma_start3A_650] : memref<32x512xf32, #tpu.memory_space<vmem>> -> memref<8x128xf32, #tpu.memory_space<vmem>>
        tpu.enqueue_dma source(%dma_start3A_651 : memref<8x128xf32, #tpu.memory_space<vmem>>) target(%dma_start3A_648 : memref<8x128xf32, #tpu.memory_space<hbm>>) target_semaphore(%arg9 : memref<!tpu.dma_semaphore, #tpu.memory_space<semaphore_mem>>)
        %jit3A_652 = arith.constant 128 : i32
        %div3A_653 = arith.divsi %mul3A_105, %jit3A_652 : i32
        %sign3A_654 = arith.constant 0 : i32
        %sign3A_655 = arith.cmpi sgt, %mul3A_105, %sign3A_654 : i32
        %sign3A_656 = arith.extui %sign3A_655 : i1 to i32
        %sign3A_657 = arith.constant 0 : i32
        %sign3A_658 = arith.cmpi slt, %mul3A_105, %sign3A_657 : i32
        %sign3A_659 = arith.extui %sign3A_658 : i1 to i32
        %sign3A_660 = arith.subi %sign3A_656, %sign3A_659 : i32
        %sign3A_661 = arith.constant 0 : i32
        %sign3A_662 = arith.cmpi sgt, %jit3A_652, %sign3A_661 : i32
        %sign3A_663 = arith.extui %sign3A_662 : i1 to i32
        %sign3A_664 = arith.constant 0 : i32
        %sign3A_665 = arith.cmpi slt, %jit3A_652, %sign3A_664 : i32
        %sign3A_666 = arith.extui %sign3A_665 : i1 to i32
        %sign3A_667 = arith.subi %sign3A_663, %sign3A_666 : i32
        %ne3A_668 = arith.cmpi ne, %sign3A_660, %sign3A_667 : i32
        %rem3A_669 = arith.remsi %mul3A_105, %jit3A_652 : i32
        %ne3A_670 = arith.constant 0 : i32
        %ne3A_671 = arith.cmpi ne, %rem3A_669, %ne3A_670 : i32
        %and3A_672 = arith.andi %ne3A_668, %ne3A_671 : i1
        %sub3A_673 = arith.constant 1 : i32
        %sub3A_674 = arith.subi %div3A_653, %sub3A_673 : i32
        %select_n3A_675 = arith.select %and3A_672, %sub3A_674, %div3A_653 : i32
        %add3A_676 = arith.constant 23439 : i32
        %add3A_677 = arith.addi %add3A_676, %select_n3A_675 : i32
        %add3A_678 = arith.constant 1 : i32
        %add3A_679 = arith.addi %add3A_677, %add3A_678 : i32
        %dma_start3A_680 = arith.constant 24 : i32
        %dma_start3A_681 = arith.constant 128 : i32
        %dma_start3A_682 = tpu.memref_slice %arg5[%dma_start3A_680, %dma_start3A_681] : memref<32x512xf32, #tpu.memory_space<vmem>> -> memref<8x128xf32, #tpu.memory_space<vmem>>
        %dma_start3A_683 = arith.constant 0 : i32
        %dma_start3A_684 = arith.constant 0 : i32
        %dma_start3A_685 = tpu.memref_slice %arg3[%add3A_679, %dma_start3A_683, %dma_start3A_684] : memref<31252x8x128xf32, #tpu.memory_space<hbm>> -> memref<1x8x128xf32, #tpu.memory_space<hbm>>
        %dma_start3A_686 = tpu.memref_squeeze %dma_start3A_685 : memref<1x8x128xf32, #tpu.memory_space<hbm>> -> memref<8x128xf32, #tpu.memory_space<hbm>>
        %dma_start3A_687 = arith.constant 0 : i32
        %dma_start3A_688 = arith.constant 0 : i32
        %dma_start3A_689 = tpu.memref_slice %arg3[%add3A_679, %dma_start3A_687, %dma_start3A_688] : memref<31252x8x128xf32, #tpu.memory_space<hbm>> -> memref<1x8x128xf32, #tpu.memory_space<hbm>>
        %dma_start3A_690 = tpu.memref_squeeze %dma_start3A_689 : memref<1x8x128xf32, #tpu.memory_space<hbm>> -> memref<8x128xf32, #tpu.memory_space<hbm>>
        %dma_start3A_691 = arith.constant 24 : i32
        %dma_start3A_692 = arith.constant 128 : i32
        %dma_start3A_693 = tpu.memref_slice %arg5[%dma_start3A_691, %dma_start3A_692] : memref<32x512xf32, #tpu.memory_space<vmem>> -> memref<8x128xf32, #tpu.memory_space<vmem>>
        tpu.enqueue_dma source(%dma_start3A_693 : memref<8x128xf32, #tpu.memory_space<vmem>>) target(%dma_start3A_690 : memref<8x128xf32, #tpu.memory_space<hbm>>) target_semaphore(%arg9 : memref<!tpu.dma_semaphore, #tpu.memory_space<semaphore_mem>>)
        %jit3A_694 = arith.constant 128 : i32
        %div3A_695 = arith.divsi %mul3A_105, %jit3A_694 : i32
        %sign3A_696 = arith.constant 0 : i32
        %sign3A_697 = arith.cmpi sgt, %mul3A_105, %sign3A_696 : i32
        %sign3A_698 = arith.extui %sign3A_697 : i1 to i32
        %sign3A_699 = arith.constant 0 : i32
        %sign3A_700 = arith.cmpi slt, %mul3A_105, %sign3A_699 : i32
        %sign3A_701 = arith.extui %sign3A_700 : i1 to i32
        %sign3A_702 = arith.subi %sign3A_698, %sign3A_701 : i32
        %sign3A_703 = arith.constant 0 : i32
        %sign3A_704 = arith.cmpi sgt, %jit3A_694, %sign3A_703 : i32
        %sign3A_705 = arith.extui %sign3A_704 : i1 to i32
        %sign3A_706 = arith.constant 0 : i32
        %sign3A_707 = arith.cmpi slt, %jit3A_694, %sign3A_706 : i32
        %sign3A_708 = arith.extui %sign3A_707 : i1 to i32
        %sign3A_709 = arith.subi %sign3A_705, %sign3A_708 : i32
        %ne3A_710 = arith.cmpi ne, %sign3A_702, %sign3A_709 : i32
        %rem3A_711 = arith.remsi %mul3A_105, %jit3A_694 : i32
        %ne3A_712 = arith.constant 0 : i32
        %ne3A_713 = arith.cmpi ne, %rem3A_711, %ne3A_712 : i32
        %and3A_714 = arith.andi %ne3A_710, %ne3A_713 : i1
        %sub3A_715 = arith.constant 1 : i32
        %sub3A_716 = arith.subi %div3A_695, %sub3A_715 : i32
        %select_n3A_717 = arith.select %and3A_714, %sub3A_716, %div3A_695 : i32
        %add3A_718 = arith.constant 23439 : i32
        %add3A_719 = arith.addi %add3A_718, %select_n3A_717 : i32
        %add3A_720 = arith.constant 2 : i32
        %add3A_721 = arith.addi %add3A_719, %add3A_720 : i32
        %dma_start3A_722 = arith.constant 24 : i32
        %dma_start3A_723 = arith.constant 256 : i32
        %dma_start3A_724 = tpu.memref_slice %arg5[%dma_start3A_722, %dma_start3A_723] : memref<32x512xf32, #tpu.memory_space<vmem>> -> memref<8x128xf32, #tpu.memory_space<vmem>>
        %dma_start3A_725 = arith.constant 0 : i32
        %dma_start3A_726 = arith.constant 0 : i32
        %dma_start3A_727 = tpu.memref_slice %arg3[%add3A_721, %dma_start3A_725, %dma_start3A_726] : memref<31252x8x128xf32, #tpu.memory_space<hbm>> -> memref<1x8x128xf32, #tpu.memory_space<hbm>>
        %dma_start3A_728 = tpu.memref_squeeze %dma_start3A_727 : memref<1x8x128xf32, #tpu.memory_space<hbm>> -> memref<8x128xf32, #tpu.memory_space<hbm>>
        %dma_start3A_729 = arith.constant 0 : i32
        %dma_start3A_730 = arith.constant 0 : i32
        %dma_start3A_731 = tpu.memref_slice %arg3[%add3A_721, %dma_start3A_729, %dma_start3A_730] : memref<31252x8x128xf32, #tpu.memory_space<hbm>> -> memref<1x8x128xf32, #tpu.memory_space<hbm>>
        %dma_start3A_732 = tpu.memref_squeeze %dma_start3A_731 : memref<1x8x128xf32, #tpu.memory_space<hbm>> -> memref<8x128xf32, #tpu.memory_space<hbm>>
        %dma_start3A_733 = arith.constant 24 : i32
        %dma_start3A_734 = arith.constant 256 : i32
        %dma_start3A_735 = tpu.memref_slice %arg5[%dma_start3A_733, %dma_start3A_734] : memref<32x512xf32, #tpu.memory_space<vmem>> -> memref<8x128xf32, #tpu.memory_space<vmem>>
        tpu.enqueue_dma source(%dma_start3A_735 : memref<8x128xf32, #tpu.memory_space<vmem>>) target(%dma_start3A_732 : memref<8x128xf32, #tpu.memory_space<hbm>>) target_semaphore(%arg9 : memref<!tpu.dma_semaphore, #tpu.memory_space<semaphore_mem>>)
        %jit3A_736 = arith.constant 128 : i32
        %div3A_737 = arith.divsi %mul3A_105, %jit3A_736 : i32
        %sign3A_738 = arith.constant 0 : i32
        %sign3A_739 = arith.cmpi sgt, %mul3A_105, %sign3A_738 : i32
        %sign3A_740 = arith.extui %sign3A_739 : i1 to i32
        %sign3A_741 = arith.constant 0 : i32
        %sign3A_742 = arith.cmpi slt, %mul3A_105, %sign3A_741 : i32
        %sign3A_743 = arith.extui %sign3A_742 : i1 to i32
        %sign3A_744 = arith.subi %sign3A_740, %sign3A_743 : i32
        %sign3A_745 = arith.constant 0 : i32
        %sign3A_746 = arith.cmpi sgt, %jit3A_736, %sign3A_745 : i32
        %sign3A_747 = arith.extui %sign3A_746 : i1 to i32
        %sign3A_748 = arith.constant 0 : i32
        %sign3A_749 = arith.cmpi slt, %jit3A_736, %sign3A_748 : i32
        %sign3A_750 = arith.extui %sign3A_749 : i1 to i32
        %sign3A_751 = arith.subi %sign3A_747, %sign3A_750 : i32
        %ne3A_752 = arith.cmpi ne, %sign3A_744, %sign3A_751 : i32
        %rem3A_753 = arith.remsi %mul3A_105, %jit3A_736 : i32
        %ne3A_754 = arith.constant 0 : i32
        %ne3A_755 = arith.cmpi ne, %rem3A_753, %ne3A_754 : i32
        %and3A_756 = arith.andi %ne3A_752, %ne3A_755 : i1
        %sub3A_757 = arith.constant 1 : i32
        %sub3A_758 = arith.subi %div3A_737, %sub3A_757 : i32
        %select_n3A_759 = arith.select %and3A_756, %sub3A_758, %div3A_737 : i32
        %add3A_760 = arith.constant 23439 : i32
        %add3A_761 = arith.addi %add3A_760, %select_n3A_759 : i32
        %add3A_762 = arith.constant 3 : i32
        %add3A_763 = arith.addi %add3A_761, %add3A_762 : i32
        %dma_start3A_764 = arith.constant 24 : i32
        %dma_start3A_765 = arith.constant 384 : i32
        %dma_start3A_766 = tpu.memref_slice %arg5[%dma_start3A_764, %dma_start3A_765] : memref<32x512xf32, #tpu.memory_space<vmem>> -> memref<8x128xf32, #tpu.memory_space<vmem>>
        %dma_start3A_767 = arith.constant 0 : i32
        %dma_start3A_768 = arith.constant 0 : i32
        %dma_start3A_769 = tpu.memref_slice %arg3[%add3A_763, %dma_start3A_767, %dma_start3A_768] : memref<31252x8x128xf32, #tpu.memory_space<hbm>> -> memref<1x8x128xf32, #tpu.memory_space<hbm>>
        %dma_start3A_770 = tpu.memref_squeeze %dma_start3A_769 : memref<1x8x128xf32, #tpu.memory_space<hbm>> -> memref<8x128xf32, #tpu.memory_space<hbm>>
        %dma_start3A_771 = arith.constant 0 : i32
        %dma_start3A_772 = arith.constant 0 : i32
        %dma_start3A_773 = tpu.memref_slice %arg3[%add3A_763, %dma_start3A_771, %dma_start3A_772] : memref<31252x8x128xf32, #tpu.memory_space<hbm>> -> memref<1x8x128xf32, #tpu.memory_space<hbm>>
        %dma_start3A_774 = tpu.memref_squeeze %dma_start3A_773 : memref<1x8x128xf32, #tpu.memory_space<hbm>> -> memref<8x128xf32, #tpu.memory_space<hbm>>
        %dma_start3A_775 = arith.constant 24 : i32
        %dma_start3A_776 = arith.constant 384 : i32
        %dma_start3A_777 = tpu.memref_slice %arg5[%dma_start3A_775, %dma_start3A_776] : memref<32x512xf32, #tpu.memory_space<vmem>> -> memref<8x128xf32, #tpu.memory_space<vmem>>
        tpu.enqueue_dma source(%dma_start3A_777 : memref<8x128xf32, #tpu.memory_space<vmem>>) target(%dma_start3A_774 : memref<8x128xf32, #tpu.memory_space<hbm>>) target_semaphore(%arg9 : memref<!tpu.dma_semaphore, #tpu.memory_space<semaphore_mem>>)
      } else {
      }
    }
    %sub3A_39 = arith.constant 1 : i32
    %sub3A_40 = arith.subi %select_n3A, %sub3A_39 : i32
    %jit3A_41 = arith.constant 2 : i32
    %eq3A = arith.constant 0 : i32
    %eq3A_42 = arith.cmpi eq, %jit3A_41, %eq3A : i32
    %jit3A_43 = arith.constant 1 : i32
    %select_n3A_44 = arith.select %eq3A_42, %jit3A_43, %jit3A_41 : i32
    %rem3A_45 = arith.remsi %sub3A_40, %select_n3A_44 : i32
    %ne3A_46 = arith.constant 0 : i32
    %ne3A_47 = arith.cmpi ne, %rem3A_45, %ne3A_46 : i32
    %lt3A = arith.constant 0 : i32
    %lt3A_48 = arith.cmpi slt, %rem3A_45, %lt3A : i32
    %lt3A_49 = arith.constant 0 : i32
    %lt3A_50 = arith.cmpi slt, %select_n3A_44, %lt3A_49 : i32
    %ne3A_51 = arith.xori %lt3A_48, %lt3A_50 : i1
    %and3A_52 = arith.andi %ne3A_51, %ne3A_47 : i1
    %add3A_53 = arith.addi %rem3A_45, %select_n3A_44 : i32
    %select_n3A_54 = arith.select %and3A_52, %add3A_53, %rem3A_45 : i32
    %eq3A_55 = arith.constant 0 : i32
    %eq3A_56 = arith.cmpi eq, %select_n3A_54, %eq3A_55 : i32
    %convert_element_type3A = arith.extui %eq3A_56 : i1 to i32
    %cond3A = arith.constant 0 : i32
    %cond3A_57 = arith.cmpi ne, %convert_element_type3A, %cond3A : i32
    scf.if %cond3A_57 {
      %dma_wait3A = arith.constant 0 : i32
      %dma_wait3A_63 = arith.constant 0 : i32
      %dma_wait3A_64 = tpu.memref_slice %arg2[%dma_wait3A, %dma_wait3A_63] : memref<32x1000000xf32, #tpu.memory_space<hbm>> -> memref<32x512xf32, #tpu.memory_space<hbm>>
      %dma_wait3A_65 = arith.constant 0 : i32
      %dma_wait3A_66 = arith.constant 0 : i32
      %dma_wait3A_67 = tpu.memref_slice %arg2[%dma_wait3A_65, %dma_wait3A_66] : memref<32x1000000xf32, #tpu.memory_space<hbm>> -> memref<32x512xf32, #tpu.memory_space<hbm>>
      tpu.wait_dma2 semaphore(%arg8 : memref<!tpu.dma_semaphore, #tpu.memory_space<semaphore_mem>>) src(%dma_wait3A_67 : memref<32x512xf32, #tpu.memory_space<hbm>>) dst(%arg4 : memref<32x512xf32, #tpu.memory_space<vmem>>)
      %dma_wait3A_68 = arith.constant 0 : i32
      %dma_wait3A_69 = arith.constant 0 : i32
      %dma_wait3A_70 = tpu.memref_slice %arg2[%dma_wait3A_68, %dma_wait3A_69] : memref<32x1000000xf32, #tpu.memory_space<hbm>> -> memref<32x512xf32, #tpu.memory_space<hbm>>
      %dma_wait3A_71 = arith.constant 0 : i32
      %dma_wait3A_72 = arith.constant 0 : i32
      %dma_wait3A_73 = tpu.memref_slice %arg2[%dma_wait3A_71, %dma_wait3A_72] : memref<32x1000000xf32, #tpu.memory_space<hbm>> -> memref<32x512xf32, #tpu.memory_space<hbm>>
      tpu.wait_dma2 semaphore(%arg9 : memref<!tpu.dma_semaphore, #tpu.memory_space<semaphore_mem>>) src(%dma_wait3A_73 : memref<32x512xf32, #tpu.memory_space<hbm>>) dst(%arg5 : memref<32x512xf32, #tpu.memory_space<vmem>>)
    } else {
    }
    %eq3A_58 = arith.constant 1 : i32
    %eq3A_59 = arith.cmpi eq, %select_n3A_54, %eq3A_58 : i32
    %convert_element_type3A_60 = arith.extui %eq3A_59 : i1 to i32
    %cond3A_61 = arith.constant 0 : i32
    %cond3A_62 = arith.cmpi ne, %convert_element_type3A_60, %cond3A_61 : i32
    scf.if %cond3A_62 {
      %dma_wait3A = arith.constant 0 : i32
      %dma_wait3A_63 = arith.constant 0 : i32
      %dma_wait3A_64 = tpu.memref_slice %arg2[%dma_wait3A, %dma_wait3A_63] : memref<32x1000000xf32, #tpu.memory_space<hbm>> -> memref<32x512xf32, #tpu.memory_space<hbm>>
      %dma_wait3A_65 = arith.constant 0 : i32
      %dma_wait3A_66 = arith.constant 0 : i32
      %dma_wait3A_67 = tpu.memref_slice %arg2[%dma_wait3A_65, %dma_wait3A_66] : memref<32x1000000xf32, #tpu.memory_space<hbm>> -> memref<32x512xf32, #tpu.memory_space<hbm>>
      tpu.wait_dma2 semaphore(%arg9 : memref<!tpu.dma_semaphore, #tpu.memory_space<semaphore_mem>>) src(%dma_wait3A_67 : memref<32x512xf32, #tpu.memory_space<hbm>>) dst(%arg5 : memref<32x512xf32, #tpu.memory_space<vmem>>)
      %dma_wait3A_68 = arith.constant 0 : i32
      %dma_wait3A_69 = arith.constant 0 : i32
      %dma_wait3A_70 = tpu.memref_slice %arg2[%dma_wait3A_68, %dma_wait3A_69] : memref<32x1000000xf32, #tpu.memory_space<hbm>> -> memref<32x512xf32, #tpu.memory_space<hbm>>
      %dma_wait3A_71 = arith.constant 0 : i32
      %dma_wait3A_72 = arith.constant 0 : i32
      %dma_wait3A_73 = tpu.memref_slice %arg2[%dma_wait3A_71, %dma_wait3A_72] : memref<32x1000000xf32, #tpu.memory_space<hbm>> -> memref<32x512xf32, #tpu.memory_space<hbm>>
      tpu.wait_dma2 semaphore(%arg8 : memref<!tpu.dma_semaphore, #tpu.memory_space<semaphore_mem>>) src(%dma_wait3A_73 : memref<32x512xf32, #tpu.memory_space<hbm>>) dst(%arg4 : memref<32x512xf32, #tpu.memory_space<vmem>>)
    } else {
    }
    return
  }
}

#map = affine_map<(d0, d1) -> (0)>
#map1 = affine_map<(d0, d1) -> (0, 0)>
module attributes {stable_mosaic.version = 14 : i64} {
  func.func @_gather_body(%arg0: i32, %arg1: i32, %arg2: memref<16384xi32, #tpu.memory_space<hbm>>, %arg3: memref<32002048xf32, #tpu.memory_space<hbm>>, %arg4: memref<64x32xf32, #tpu.memory_space<hbm>>, %arg5: memref<524288xf32, #tpu.memory_space<hbm>>, %arg6: memref<512xi32, #tpu.memory_space<vmem>>, %arg7: memref<16384xi32, #tpu.memory_space<vmem>>, %arg8: memref<16384xf32, #tpu.memory_space<vmem>>, %arg9: memref<64x32xf32, #tpu.memory_space<vmem>>, %arg10: memref<!tpu.dma_semaphore, #tpu.memory_space<semaphore_mem>>) attributes {dimension_semantics = [#tpu.dimension_semantics<core_parallel>, #tpu.dimension_semantics<subcore_parallel>], iteration_bounds = array<i64: 2, 16>, scalar_prefetch = 0 : i64, scratch_operands = 5 : i64, tpu.core_type = #tpu.core_type<sc_vector_subcore>, window_params = [{transform_indices = #map}, {transform_indices = #map}, {transform_indices = #map1}, {transform_indices = #map}]} {
    %mul3A = arith.constant 2 : i32
    %mul3A_0 = arith.muli %arg1, %mul3A : i32
    %add3A = arith.addi %mul3A_0, %arg0 : i32
    %mul3A_1 = arith.constant 512 : i32
    %mul3A_2 = arith.muli %add3A, %mul3A_1 : i32
    "tpu.region"() ({
      %run_scoped3A = tpu.sem_alloc : memref<!tpu.dma_semaphore, #tpu.memory_space<semaphore_mem>>
      %dma_start3A_18 = tpu.memref_slice %arg2[%mul3A_2] : memref<16384xi32, #tpu.memory_space<hbm>> -> memref<512xi32, #tpu.memory_space<hbm>>
      %dma_start3A_19 = tpu.memref_slice %arg2[%mul3A_2] : memref<16384xi32, #tpu.memory_space<hbm>> -> memref<512xi32, #tpu.memory_space<hbm>>
      tpu.enqueue_dma source(%dma_start3A_19 : memref<512xi32, #tpu.memory_space<hbm>>) target(%arg6 : memref<512xi32, #tpu.memory_space<vmem>>) target_semaphore(%run_scoped3A : memref<!tpu.dma_semaphore, #tpu.memory_space<semaphore_mem>>)
      %dma_wait3A_20 = tpu.memref_slice %arg2[%mul3A_2] : memref<16384xi32, #tpu.memory_space<hbm>> -> memref<512xi32, #tpu.memory_space<hbm>>
      %dma_wait3A_21 = tpu.memref_slice %arg2[%mul3A_2] : memref<16384xi32, #tpu.memory_space<hbm>> -> memref<512xi32, #tpu.memory_space<hbm>>
      tpu.wait_dma2 semaphore(%run_scoped3A : memref<!tpu.dma_semaphore, #tpu.memory_space<semaphore_mem>>) src(%dma_wait3A_21 : memref<512xi32, #tpu.memory_space<hbm>>) dst(%arg6 : memref<512xi32, #tpu.memory_space<vmem>>)
      tpu.yield
    }) : () -> ()
    "tpu.region"() ({
      %run_scoped3A = tpu.sem_alloc : memref<!tpu.dma_semaphore, #tpu.memory_space<semaphore_mem>>
      tpu.enqueue_dma source(%arg4 : memref<64x32xf32, #tpu.memory_space<hbm>>) target(%arg9 : memref<64x32xf32, #tpu.memory_space<vmem>>) target_semaphore(%run_scoped3A : memref<!tpu.dma_semaphore, #tpu.memory_space<semaphore_mem>>)
      tpu.wait_dma2 semaphore(%run_scoped3A : memref<!tpu.dma_semaphore, #tpu.memory_space<semaphore_mem>>) src(%arg4 : memref<64x32xf32, #tpu.memory_space<hbm>>) dst(%arg9 : memref<64x32xf32, #tpu.memory_space<vmem>>)
      tpu.yield
    }) : () -> ()
    %iota3A = tpu.iota {dimensions = array<i32: 0>} : vector<16xi32>
    %scan3A = arith.constant 0 : i32
    %scan3A_3 = arith.constant 0 : i32
    %scan3A_4 = arith.constant 32 : i32
    %scan3A_5 = arith.addi %scan3A_3, %scan3A_4 : i32
    %scan3A_6 = arith.constant 1 : i32
    scf.for %scan3A_18 = %scan3A_3 to %scan3A_5 step %scan3A_6  : i32 {
      %mul3A_19 = arith.constant 16 : i32
      %mul3A_20 = arith.muli %scan3A_18, %mul3A_19 : i32
      %multiple_of3A = tpu.assume_multiple %mul3A_20, 16 : i32
      %get3A = arith.index_cast %multiple_of3A : i32 to index
      %get3A_21 = tpu.vector_load %arg6[%get3A] {strides = array<i32>} : memref<512xi32, #tpu.memory_space<vmem>>, vector<16xi32>,
      %shift_right_arithmetic3A = arith.constant 7 : i32
      %shift_right_arithmetic3A_22 = vector.broadcast %shift_right_arithmetic3A : i32 to vector<16xi32>
      %shift_right_arithmetic3A_23 = arith.shrsi %get3A_21, %shift_right_arithmetic3A_22 : vector<16xi32>
      %mul3A_24 = arith.constant 1024 : i32
      %mul3A_25 = vector.broadcast %mul3A_24 : i32 to vector<16xi32>
      %mul3A_26 = arith.muli %shift_right_arithmetic3A_23, %mul3A_25 : vector<16xi32>
      %and3A = arith.constant 127 : i32
      %and3A_27 = vector.broadcast %and3A : i32 to vector<16xi32>
      %and3A_28 = arith.andi %get3A_21, %and3A_27 : vector<16xi32>
      %add3A_29 = arith.addi %mul3A_26, %and3A_28 : vector<16xi32>
      %add3A_30 = arith.constant 0 : i32
      %add3A_31 = vector.broadcast %add3A_30 : i32 to vector<16xi32>
      %add3A_32 = arith.addi %add3A_29, %add3A_31 : vector<16xi32>
      %mul3A_33 = arith.constant 512 : i32
      %mul3A_34 = arith.muli %scan3A_18, %mul3A_33 : i32
      %mul3A_35 = arith.constant 32 : i32
      %mul3A_36 = vector.broadcast %mul3A_35 : i32 to vector<16xi32>
      %mul3A_37 = arith.muli %iota3A, %mul3A_36 : vector<16xi32>
      %add3A_38 = vector.broadcast %mul3A_34 : i32 to vector<16xi32>
      %add3A_39 = arith.addi %add3A_38, %mul3A_37 : vector<16xi32>
      %add3A_40 = arith.constant 0 : i32
      %add3A_41 = vector.broadcast %add3A_40 : i32 to vector<16xi32>
      %add3A_42 = arith.addi %add3A_39, %add3A_41 : vector<16xi32>
      tpu.vector_store_idx %arg7[%add3A_42], %add3A_32 : memref<16384xi32, #tpu.memory_space<vmem>>[vector<16xi32>], vector<16xi32>,
      %add3A_43 = arith.constant 128 : i32
      %add3A_44 = vector.broadcast %add3A_43 : i32 to vector<16xi32>
      %add3A_45 = arith.addi %add3A_29, %add3A_44 : vector<16xi32>
      %mul3A_46 = arith.constant 512 : i32
      %mul3A_47 = arith.muli %scan3A_18, %mul3A_46 : i32
      %mul3A_48 = arith.constant 32 : i32
      %mul3A_49 = vector.broadcast %mul3A_48 : i32 to vector<16xi32>
      %mul3A_50 = arith.muli %iota3A, %mul3A_49 : vector<16xi32>
      %add3A_51 = vector.broadcast %mul3A_47 : i32 to vector<16xi32>
      %add3A_52 = arith.addi %add3A_51, %mul3A_50 : vector<16xi32>
      %add3A_53 = arith.constant 1 : i32
      %add3A_54 = vector.broadcast %add3A_53 : i32 to vector<16xi32>
      %add3A_55 = arith.addi %add3A_52, %add3A_54 : vector<16xi32>
      tpu.vector_store_idx %arg7[%add3A_55], %add3A_45 : memref<16384xi32, #tpu.memory_space<vmem>>[vector<16xi32>], vector<16xi32>,
      %add3A_56 = arith.constant 256 : i32
      %add3A_57 = vector.broadcast %add3A_56 : i32 to vector<16xi32>
      %add3A_58 = arith.addi %add3A_29, %add3A_57 : vector<16xi32>
      %mul3A_59 = arith.constant 512 : i32
      %mul3A_60 = arith.muli %scan3A_18, %mul3A_59 : i32
      %mul3A_61 = arith.constant 32 : i32
      %mul3A_62 = vector.broadcast %mul3A_61 : i32 to vector<16xi32>
      %mul3A_63 = arith.muli %iota3A, %mul3A_62 : vector<16xi32>
      %add3A_64 = vector.broadcast %mul3A_60 : i32 to vector<16xi32>
      %add3A_65 = arith.addi %add3A_64, %mul3A_63 : vector<16xi32>
      %add3A_66 = arith.constant 2 : i32
      %add3A_67 = vector.broadcast %add3A_66 : i32 to vector<16xi32>
      %add3A_68 = arith.addi %add3A_65, %add3A_67 : vector<16xi32>
      tpu.vector_store_idx %arg7[%add3A_68], %add3A_58 : memref<16384xi32, #tpu.memory_space<vmem>>[vector<16xi32>], vector<16xi32>,
      %add3A_69 = arith.constant 384 : i32
      %add3A_70 = vector.broadcast %add3A_69 : i32 to vector<16xi32>
      %add3A_71 = arith.addi %add3A_29, %add3A_70 : vector<16xi32>
      %mul3A_72 = arith.constant 512 : i32
      %mul3A_73 = arith.muli %scan3A_18, %mul3A_72 : i32
      %mul3A_74 = arith.constant 32 : i32
      %mul3A_75 = vector.broadcast %mul3A_74 : i32 to vector<16xi32>
      %mul3A_76 = arith.muli %iota3A, %mul3A_75 : vector<16xi32>
      %add3A_77 = vector.broadcast %mul3A_73 : i32 to vector<16xi32>
      %add3A_78 = arith.addi %add3A_77, %mul3A_76 : vector<16xi32>
      %add3A_79 = arith.constant 3 : i32
      %add3A_80 = vector.broadcast %add3A_79 : i32 to vector<16xi32>
      %add3A_81 = arith.addi %add3A_78, %add3A_80 : vector<16xi32>
      tpu.vector_store_idx %arg7[%add3A_81], %add3A_71 : memref<16384xi32, #tpu.memory_space<vmem>>[vector<16xi32>], vector<16xi32>,
      %add3A_82 = arith.constant 512 : i32
      %add3A_83 = vector.broadcast %add3A_82 : i32 to vector<16xi32>
      %add3A_84 = arith.addi %add3A_29, %add3A_83 : vector<16xi32>
      %mul3A_85 = arith.constant 512 : i32
      %mul3A_86 = arith.muli %scan3A_18, %mul3A_85 : i32
      %mul3A_87 = arith.constant 32 : i32
      %mul3A_88 = vector.broadcast %mul3A_87 : i32 to vector<16xi32>
      %mul3A_89 = arith.muli %iota3A, %mul3A_88 : vector<16xi32>
      %add3A_90 = vector.broadcast %mul3A_86 : i32 to vector<16xi32>
      %add3A_91 = arith.addi %add3A_90, %mul3A_89 : vector<16xi32>
      %add3A_92 = arith.constant 4 : i32
      %add3A_93 = vector.broadcast %add3A_92 : i32 to vector<16xi32>
      %add3A_94 = arith.addi %add3A_91, %add3A_93 : vector<16xi32>
      tpu.vector_store_idx %arg7[%add3A_94], %add3A_84 : memref<16384xi32, #tpu.memory_space<vmem>>[vector<16xi32>], vector<16xi32>,
      %add3A_95 = arith.constant 640 : i32
      %add3A_96 = vector.broadcast %add3A_95 : i32 to vector<16xi32>
      %add3A_97 = arith.addi %add3A_29, %add3A_96 : vector<16xi32>
      %mul3A_98 = arith.constant 512 : i32
      %mul3A_99 = arith.muli %scan3A_18, %mul3A_98 : i32
      %mul3A_100 = arith.constant 32 : i32
      %mul3A_101 = vector.broadcast %mul3A_100 : i32 to vector<16xi32>
      %mul3A_102 = arith.muli %iota3A, %mul3A_101 : vector<16xi32>
      %add3A_103 = vector.broadcast %mul3A_99 : i32 to vector<16xi32>
      %add3A_104 = arith.addi %add3A_103, %mul3A_102 : vector<16xi32>
      %add3A_105 = arith.constant 5 : i32
      %add3A_106 = vector.broadcast %add3A_105 : i32 to vector<16xi32>
      %add3A_107 = arith.addi %add3A_104, %add3A_106 : vector<16xi32>
      tpu.vector_store_idx %arg7[%add3A_107], %add3A_97 : memref<16384xi32, #tpu.memory_space<vmem>>[vector<16xi32>], vector<16xi32>,
      %add3A_108 = arith.constant 768 : i32
      %add3A_109 = vector.broadcast %add3A_108 : i32 to vector<16xi32>
      %add3A_110 = arith.addi %add3A_29, %add3A_109 : vector<16xi32>
      %mul3A_111 = arith.constant 512 : i32
      %mul3A_112 = arith.muli %scan3A_18, %mul3A_111 : i32
      %mul3A_113 = arith.constant 32 : i32
      %mul3A_114 = vector.broadcast %mul3A_113 : i32 to vector<16xi32>
      %mul3A_115 = arith.muli %iota3A, %mul3A_114 : vector<16xi32>
      %add3A_116 = vector.broadcast %mul3A_112 : i32 to vector<16xi32>
      %add3A_117 = arith.addi %add3A_116, %mul3A_115 : vector<16xi32>
      %add3A_118 = arith.constant 6 : i32
      %add3A_119 = vector.broadcast %add3A_118 : i32 to vector<16xi32>
      %add3A_120 = arith.addi %add3A_117, %add3A_119 : vector<16xi32>
      tpu.vector_store_idx %arg7[%add3A_120], %add3A_110 : memref<16384xi32, #tpu.memory_space<vmem>>[vector<16xi32>], vector<16xi32>,
      %add3A_121 = arith.constant 896 : i32
      %add3A_122 = vector.broadcast %add3A_121 : i32 to vector<16xi32>
      %add3A_123 = arith.addi %add3A_29, %add3A_122 : vector<16xi32>
      %mul3A_124 = arith.constant 512 : i32
      %mul3A_125 = arith.muli %scan3A_18, %mul3A_124 : i32
      %mul3A_126 = arith.constant 32 : i32
      %mul3A_127 = vector.broadcast %mul3A_126 : i32 to vector<16xi32>
      %mul3A_128 = arith.muli %iota3A, %mul3A_127 : vector<16xi32>
      %add3A_129 = vector.broadcast %mul3A_125 : i32 to vector<16xi32>
      %add3A_130 = arith.addi %add3A_129, %mul3A_128 : vector<16xi32>
      %add3A_131 = arith.constant 7 : i32
      %add3A_132 = vector.broadcast %add3A_131 : i32 to vector<16xi32>
      %add3A_133 = arith.addi %add3A_130, %add3A_132 : vector<16xi32>
      tpu.vector_store_idx %arg7[%add3A_133], %add3A_123 : memref<16384xi32, #tpu.memory_space<vmem>>[vector<16xi32>], vector<16xi32>,
      %add3A_134 = arith.constant 8000512 : i32
      %add3A_135 = vector.broadcast %add3A_134 : i32 to vector<16xi32>
      %add3A_136 = arith.addi %add3A_29, %add3A_135 : vector<16xi32>
      %mul3A_137 = arith.constant 512 : i32
      %mul3A_138 = arith.muli %scan3A_18, %mul3A_137 : i32
      %mul3A_139 = arith.constant 32 : i32
      %mul3A_140 = vector.broadcast %mul3A_139 : i32 to vector<16xi32>
      %mul3A_141 = arith.muli %iota3A, %mul3A_140 : vector<16xi32>
      %add3A_142 = vector.broadcast %mul3A_138 : i32 to vector<16xi32>
      %add3A_143 = arith.addi %add3A_142, %mul3A_141 : vector<16xi32>
      %add3A_144 = arith.constant 8 : i32
      %add3A_145 = vector.broadcast %add3A_144 : i32 to vector<16xi32>
      %add3A_146 = arith.addi %add3A_143, %add3A_145 : vector<16xi32>
      tpu.vector_store_idx %arg7[%add3A_146], %add3A_136 : memref<16384xi32, #tpu.memory_space<vmem>>[vector<16xi32>], vector<16xi32>,
      %add3A_147 = arith.constant 8000640 : i32
      %add3A_148 = vector.broadcast %add3A_147 : i32 to vector<16xi32>
      %add3A_149 = arith.addi %add3A_29, %add3A_148 : vector<16xi32>
      %mul3A_150 = arith.constant 512 : i32
      %mul3A_151 = arith.muli %scan3A_18, %mul3A_150 : i32
      %mul3A_152 = arith.constant 32 : i32
      %mul3A_153 = vector.broadcast %mul3A_152 : i32 to vector<16xi32>
      %mul3A_154 = arith.muli %iota3A, %mul3A_153 : vector<16xi32>
      %add3A_155 = vector.broadcast %mul3A_151 : i32 to vector<16xi32>
      %add3A_156 = arith.addi %add3A_155, %mul3A_154 : vector<16xi32>
      %add3A_157 = arith.constant 9 : i32
      %add3A_158 = vector.broadcast %add3A_157 : i32 to vector<16xi32>
      %add3A_159 = arith.addi %add3A_156, %add3A_158 : vector<16xi32>
      tpu.vector_store_idx %arg7[%add3A_159], %add3A_149 : memref<16384xi32, #tpu.memory_space<vmem>>[vector<16xi32>], vector<16xi32>,
      %add3A_160 = arith.constant 8000768 : i32
      %add3A_161 = vector.broadcast %add3A_160 : i32 to vector<16xi32>
      %add3A_162 = arith.addi %add3A_29, %add3A_161 : vector<16xi32>
      %mul3A_163 = arith.constant 512 : i32
      %mul3A_164 = arith.muli %scan3A_18, %mul3A_163 : i32
      %mul3A_165 = arith.constant 32 : i32
      %mul3A_166 = vector.broadcast %mul3A_165 : i32 to vector<16xi32>
      %mul3A_167 = arith.muli %iota3A, %mul3A_166 : vector<16xi32>
      %add3A_168 = vector.broadcast %mul3A_164 : i32 to vector<16xi32>
      %add3A_169 = arith.addi %add3A_168, %mul3A_167 : vector<16xi32>
      %add3A_170 = arith.constant 10 : i32
      %add3A_171 = vector.broadcast %add3A_170 : i32 to vector<16xi32>
      %add3A_172 = arith.addi %add3A_169, %add3A_171 : vector<16xi32>
      tpu.vector_store_idx %arg7[%add3A_172], %add3A_162 : memref<16384xi32, #tpu.memory_space<vmem>>[vector<16xi32>], vector<16xi32>,
      %add3A_173 = arith.constant 8000896 : i32
      %add3A_174 = vector.broadcast %add3A_173 : i32 to vector<16xi32>
      %add3A_175 = arith.addi %add3A_29, %add3A_174 : vector<16xi32>
      %mul3A_176 = arith.constant 512 : i32
      %mul3A_177 = arith.muli %scan3A_18, %mul3A_176 : i32
      %mul3A_178 = arith.constant 32 : i32
      %mul3A_179 = vector.broadcast %mul3A_178 : i32 to vector<16xi32>
      %mul3A_180 = arith.muli %iota3A, %mul3A_179 : vector<16xi32>
      %add3A_181 = vector.broadcast %mul3A_177 : i32 to vector<16xi32>
      %add3A_182 = arith.addi %add3A_181, %mul3A_180 : vector<16xi32>
      %add3A_183 = arith.constant 11 : i32
      %add3A_184 = vector.broadcast %add3A_183 : i32 to vector<16xi32>
      %add3A_185 = arith.addi %add3A_182, %add3A_184 : vector<16xi32>
      tpu.vector_store_idx %arg7[%add3A_185], %add3A_175 : memref<16384xi32, #tpu.memory_space<vmem>>[vector<16xi32>], vector<16xi32>,
      %add3A_186 = arith.constant 8001024 : i32
      %add3A_187 = vector.broadcast %add3A_186 : i32 to vector<16xi32>
      %add3A_188 = arith.addi %add3A_29, %add3A_187 : vector<16xi32>
      %mul3A_189 = arith.constant 512 : i32
      %mul3A_190 = arith.muli %scan3A_18, %mul3A_189 : i32
      %mul3A_191 = arith.constant 32 : i32
      %mul3A_192 = vector.broadcast %mul3A_191 : i32 to vector<16xi32>
      %mul3A_193 = arith.muli %iota3A, %mul3A_192 : vector<16xi32>
      %add3A_194 = vector.broadcast %mul3A_190 : i32 to vector<16xi32>
      %add3A_195 = arith.addi %add3A_194, %mul3A_193 : vector<16xi32>
      %add3A_196 = arith.constant 12 : i32
      %add3A_197 = vector.broadcast %add3A_196 : i32 to vector<16xi32>
      %add3A_198 = arith.addi %add3A_195, %add3A_197 : vector<16xi32>
      tpu.vector_store_idx %arg7[%add3A_198], %add3A_188 : memref<16384xi32, #tpu.memory_space<vmem>>[vector<16xi32>], vector<16xi32>,
      %add3A_199 = arith.constant 8001152 : i32
      %add3A_200 = vector.broadcast %add3A_199 : i32 to vector<16xi32>
      %add3A_201 = arith.addi %add3A_29, %add3A_200 : vector<16xi32>
      %mul3A_202 = arith.constant 512 : i32
      %mul3A_203 = arith.muli %scan3A_18, %mul3A_202 : i32
      %mul3A_204 = arith.constant 32 : i32
      %mul3A_205 = vector.broadcast %mul3A_204 : i32 to vector<16xi32>
      %mul3A_206 = arith.muli %iota3A, %mul3A_205 : vector<16xi32>
      %add3A_207 = vector.broadcast %mul3A_203 : i32 to vector<16xi32>
      %add3A_208 = arith.addi %add3A_207, %mul3A_206 : vector<16xi32>
      %add3A_209 = arith.constant 13 : i32
      %add3A_210 = vector.broadcast %add3A_209 : i32 to vector<16xi32>
      %add3A_211 = arith.addi %add3A_208, %add3A_210 : vector<16xi32>
      tpu.vector_store_idx %arg7[%add3A_211], %add3A_201 : memref<16384xi32, #tpu.memory_space<vmem>>[vector<16xi32>], vector<16xi32>,
      %add3A_212 = arith.constant 8001280 : i32
      %add3A_213 = vector.broadcast %add3A_212 : i32 to vector<16xi32>
      %add3A_214 = arith.addi %add3A_29, %add3A_213 : vector<16xi32>
      %mul3A_215 = arith.constant 512 : i32
      %mul3A_216 = arith.muli %scan3A_18, %mul3A_215 : i32
      %mul3A_217 = arith.constant 32 : i32
      %mul3A_218 = vector.broadcast %mul3A_217 : i32 to vector<16xi32>
      %mul3A_219 = arith.muli %iota3A, %mul3A_218 : vector<16xi32>
      %add3A_220 = vector.broadcast %mul3A_216 : i32 to vector<16xi32>
      %add3A_221 = arith.addi %add3A_220, %mul3A_219 : vector<16xi32>
      %add3A_222 = arith.constant 14 : i32
      %add3A_223 = vector.broadcast %add3A_222 : i32 to vector<16xi32>
      %add3A_224 = arith.addi %add3A_221, %add3A_223 : vector<16xi32>
      tpu.vector_store_idx %arg7[%add3A_224], %add3A_214 : memref<16384xi32, #tpu.memory_space<vmem>>[vector<16xi32>], vector<16xi32>,
      %add3A_225 = arith.constant 8001408 : i32
      %add3A_226 = vector.broadcast %add3A_225 : i32 to vector<16xi32>
      %add3A_227 = arith.addi %add3A_29, %add3A_226 : vector<16xi32>
      %mul3A_228 = arith.constant 512 : i32
      %mul3A_229 = arith.muli %scan3A_18, %mul3A_228 : i32
      %mul3A_230 = arith.constant 32 : i32
      %mul3A_231 = vector.broadcast %mul3A_230 : i32 to vector<16xi32>
      %mul3A_232 = arith.muli %iota3A, %mul3A_231 : vector<16xi32>
      %add3A_233 = vector.broadcast %mul3A_229 : i32 to vector<16xi32>
      %add3A_234 = arith.addi %add3A_233, %mul3A_232 : vector<16xi32>
      %add3A_235 = arith.constant 15 : i32
      %add3A_236 = vector.broadcast %add3A_235 : i32 to vector<16xi32>
      %add3A_237 = arith.addi %add3A_234, %add3A_236 : vector<16xi32>
      tpu.vector_store_idx %arg7[%add3A_237], %add3A_227 : memref<16384xi32, #tpu.memory_space<vmem>>[vector<16xi32>], vector<16xi32>,
      %add3A_238 = arith.constant 16001024 : i32
      %add3A_239 = vector.broadcast %add3A_238 : i32 to vector<16xi32>
      %add3A_240 = arith.addi %add3A_29, %add3A_239 : vector<16xi32>
      %mul3A_241 = arith.constant 512 : i32
      %mul3A_242 = arith.muli %scan3A_18, %mul3A_241 : i32
      %mul3A_243 = arith.constant 32 : i32
      %mul3A_244 = vector.broadcast %mul3A_243 : i32 to vector<16xi32>
      %mul3A_245 = arith.muli %iota3A, %mul3A_244 : vector<16xi32>
      %add3A_246 = vector.broadcast %mul3A_242 : i32 to vector<16xi32>
      %add3A_247 = arith.addi %add3A_246, %mul3A_245 : vector<16xi32>
      %add3A_248 = arith.constant 16 : i32
      %add3A_249 = vector.broadcast %add3A_248 : i32 to vector<16xi32>
      %add3A_250 = arith.addi %add3A_247, %add3A_249 : vector<16xi32>
      tpu.vector_store_idx %arg7[%add3A_250], %add3A_240 : memref<16384xi32, #tpu.memory_space<vmem>>[vector<16xi32>], vector<16xi32>,
      %add3A_251 = arith.constant 16001152 : i32
      %add3A_252 = vector.broadcast %add3A_251 : i32 to vector<16xi32>
      %add3A_253 = arith.addi %add3A_29, %add3A_252 : vector<16xi32>
      %mul3A_254 = arith.constant 512 : i32
      %mul3A_255 = arith.muli %scan3A_18, %mul3A_254 : i32
      %mul3A_256 = arith.constant 32 : i32
      %mul3A_257 = vector.broadcast %mul3A_256 : i32 to vector<16xi32>
      %mul3A_258 = arith.muli %iota3A, %mul3A_257 : vector<16xi32>
      %add3A_259 = vector.broadcast %mul3A_255 : i32 to vector<16xi32>
      %add3A_260 = arith.addi %add3A_259, %mul3A_258 : vector<16xi32>
      %add3A_261 = arith.constant 17 : i32
      %add3A_262 = vector.broadcast %add3A_261 : i32 to vector<16xi32>
      %add3A_263 = arith.addi %add3A_260, %add3A_262 : vector<16xi32>
      tpu.vector_store_idx %arg7[%add3A_263], %add3A_253 : memref<16384xi32, #tpu.memory_space<vmem>>[vector<16xi32>], vector<16xi32>,
      %add3A_264 = arith.constant 16001280 : i32
      %add3A_265 = vector.broadcast %add3A_264 : i32 to vector<16xi32>
      %add3A_266 = arith.addi %add3A_29, %add3A_265 : vector<16xi32>
      %mul3A_267 = arith.constant 512 : i32
      %mul3A_268 = arith.muli %scan3A_18, %mul3A_267 : i32
      %mul3A_269 = arith.constant 32 : i32
      %mul3A_270 = vector.broadcast %mul3A_269 : i32 to vector<16xi32>
      %mul3A_271 = arith.muli %iota3A, %mul3A_270 : vector<16xi32>
      %add3A_272 = vector.broadcast %mul3A_268 : i32 to vector<16xi32>
      %add3A_273 = arith.addi %add3A_272, %mul3A_271 : vector<16xi32>
      %add3A_274 = arith.constant 18 : i32
      %add3A_275 = vector.broadcast %add3A_274 : i32 to vector<16xi32>
      %add3A_276 = arith.addi %add3A_273, %add3A_275 : vector<16xi32>
      tpu.vector_store_idx %arg7[%add3A_276], %add3A_266 : memref<16384xi32, #tpu.memory_space<vmem>>[vector<16xi32>], vector<16xi32>,
      %add3A_277 = arith.constant 16001408 : i32
      %add3A_278 = vector.broadcast %add3A_277 : i32 to vector<16xi32>
      %add3A_279 = arith.addi %add3A_29, %add3A_278 : vector<16xi32>
      %mul3A_280 = arith.constant 512 : i32
      %mul3A_281 = arith.muli %scan3A_18, %mul3A_280 : i32
      %mul3A_282 = arith.constant 32 : i32
      %mul3A_283 = vector.broadcast %mul3A_282 : i32 to vector<16xi32>
      %mul3A_284 = arith.muli %iota3A, %mul3A_283 : vector<16xi32>
      %add3A_285 = vector.broadcast %mul3A_281 : i32 to vector<16xi32>
      %add3A_286 = arith.addi %add3A_285, %mul3A_284 : vector<16xi32>
      %add3A_287 = arith.constant 19 : i32
      %add3A_288 = vector.broadcast %add3A_287 : i32 to vector<16xi32>
      %add3A_289 = arith.addi %add3A_286, %add3A_288 : vector<16xi32>
      tpu.vector_store_idx %arg7[%add3A_289], %add3A_279 : memref<16384xi32, #tpu.memory_space<vmem>>[vector<16xi32>], vector<16xi32>,
      %add3A_290 = arith.constant 16001536 : i32
      %add3A_291 = vector.broadcast %add3A_290 : i32 to vector<16xi32>
      %add3A_292 = arith.addi %add3A_29, %add3A_291 : vector<16xi32>
      %mul3A_293 = arith.constant 512 : i32
      %mul3A_294 = arith.muli %scan3A_18, %mul3A_293 : i32
      %mul3A_295 = arith.constant 32 : i32
      %mul3A_296 = vector.broadcast %mul3A_295 : i32 to vector<16xi32>
      %mul3A_297 = arith.muli %iota3A, %mul3A_296 : vector<16xi32>
      %add3A_298 = vector.broadcast %mul3A_294 : i32 to vector<16xi32>
      %add3A_299 = arith.addi %add3A_298, %mul3A_297 : vector<16xi32>
      %add3A_300 = arith.constant 20 : i32
      %add3A_301 = vector.broadcast %add3A_300 : i32 to vector<16xi32>
      %add3A_302 = arith.addi %add3A_299, %add3A_301 : vector<16xi32>
      tpu.vector_store_idx %arg7[%add3A_302], %add3A_292 : memref<16384xi32, #tpu.memory_space<vmem>>[vector<16xi32>], vector<16xi32>,
      %add3A_303 = arith.constant 16001664 : i32
      %add3A_304 = vector.broadcast %add3A_303 : i32 to vector<16xi32>
      %add3A_305 = arith.addi %add3A_29, %add3A_304 : vector<16xi32>
      %mul3A_306 = arith.constant 512 : i32
      %mul3A_307 = arith.muli %scan3A_18, %mul3A_306 : i32
      %mul3A_308 = arith.constant 32 : i32
      %mul3A_309 = vector.broadcast %mul3A_308 : i32 to vector<16xi32>
      %mul3A_310 = arith.muli %iota3A, %mul3A_309 : vector<16xi32>
      %add3A_311 = vector.broadcast %mul3A_307 : i32 to vector<16xi32>
      %add3A_312 = arith.addi %add3A_311, %mul3A_310 : vector<16xi32>
      %add3A_313 = arith.constant 21 : i32
      %add3A_314 = vector.broadcast %add3A_313 : i32 to vector<16xi32>
      %add3A_315 = arith.addi %add3A_312, %add3A_314 : vector<16xi32>
      tpu.vector_store_idx %arg7[%add3A_315], %add3A_305 : memref<16384xi32, #tpu.memory_space<vmem>>[vector<16xi32>], vector<16xi32>,
      %add3A_316 = arith.constant 16001792 : i32
      %add3A_317 = vector.broadcast %add3A_316 : i32 to vector<16xi32>
      %add3A_318 = arith.addi %add3A_29, %add3A_317 : vector<16xi32>
      %mul3A_319 = arith.constant 512 : i32
      %mul3A_320 = arith.muli %scan3A_18, %mul3A_319 : i32
      %mul3A_321 = arith.constant 32 : i32
      %mul3A_322 = vector.broadcast %mul3A_321 : i32 to vector<16xi32>
      %mul3A_323 = arith.muli %iota3A, %mul3A_322 : vector<16xi32>
      %add3A_324 = vector.broadcast %mul3A_320 : i32 to vector<16xi32>
      %add3A_325 = arith.addi %add3A_324, %mul3A_323 : vector<16xi32>
      %add3A_326 = arith.constant 22 : i32
      %add3A_327 = vector.broadcast %add3A_326 : i32 to vector<16xi32>
      %add3A_328 = arith.addi %add3A_325, %add3A_327 : vector<16xi32>
      tpu.vector_store_idx %arg7[%add3A_328], %add3A_318 : memref<16384xi32, #tpu.memory_space<vmem>>[vector<16xi32>], vector<16xi32>,
      %add3A_329 = arith.constant 16001920 : i32
      %add3A_330 = vector.broadcast %add3A_329 : i32 to vector<16xi32>
      %add3A_331 = arith.addi %add3A_29, %add3A_330 : vector<16xi32>
      %mul3A_332 = arith.constant 512 : i32
      %mul3A_333 = arith.muli %scan3A_18, %mul3A_332 : i32
      %mul3A_334 = arith.constant 32 : i32
      %mul3A_335 = vector.broadcast %mul3A_334 : i32 to vector<16xi32>
      %mul3A_336 = arith.muli %iota3A, %mul3A_335 : vector<16xi32>
      %add3A_337 = vector.broadcast %mul3A_333 : i32 to vector<16xi32>
      %add3A_338 = arith.addi %add3A_337, %mul3A_336 : vector<16xi32>
      %add3A_339 = arith.constant 23 : i32
      %add3A_340 = vector.broadcast %add3A_339 : i32 to vector<16xi32>
      %add3A_341 = arith.addi %add3A_338, %add3A_340 : vector<16xi32>
      tpu.vector_store_idx %arg7[%add3A_341], %add3A_331 : memref<16384xi32, #tpu.memory_space<vmem>>[vector<16xi32>], vector<16xi32>,
      %add3A_342 = arith.constant 24001536 : i32
      %add3A_343 = vector.broadcast %add3A_342 : i32 to vector<16xi32>
      %add3A_344 = arith.addi %add3A_29, %add3A_343 : vector<16xi32>
      %mul3A_345 = arith.constant 512 : i32
      %mul3A_346 = arith.muli %scan3A_18, %mul3A_345 : i32
      %mul3A_347 = arith.constant 32 : i32
      %mul3A_348 = vector.broadcast %mul3A_347 : i32 to vector<16xi32>
      %mul3A_349 = arith.muli %iota3A, %mul3A_348 : vector<16xi32>
      %add3A_350 = vector.broadcast %mul3A_346 : i32 to vector<16xi32>
      %add3A_351 = arith.addi %add3A_350, %mul3A_349 : vector<16xi32>
      %add3A_352 = arith.constant 24 : i32
      %add3A_353 = vector.broadcast %add3A_352 : i32 to vector<16xi32>
      %add3A_354 = arith.addi %add3A_351, %add3A_353 : vector<16xi32>
      tpu.vector_store_idx %arg7[%add3A_354], %add3A_344 : memref<16384xi32, #tpu.memory_space<vmem>>[vector<16xi32>], vector<16xi32>,
      %add3A_355 = arith.constant 24001664 : i32
      %add3A_356 = vector.broadcast %add3A_355 : i32 to vector<16xi32>
      %add3A_357 = arith.addi %add3A_29, %add3A_356 : vector<16xi32>
      %mul3A_358 = arith.constant 512 : i32
      %mul3A_359 = arith.muli %scan3A_18, %mul3A_358 : i32
      %mul3A_360 = arith.constant 32 : i32
      %mul3A_361 = vector.broadcast %mul3A_360 : i32 to vector<16xi32>
      %mul3A_362 = arith.muli %iota3A, %mul3A_361 : vector<16xi32>
      %add3A_363 = vector.broadcast %mul3A_359 : i32 to vector<16xi32>
      %add3A_364 = arith.addi %add3A_363, %mul3A_362 : vector<16xi32>
      %add3A_365 = arith.constant 25 : i32
      %add3A_366 = vector.broadcast %add3A_365 : i32 to vector<16xi32>
      %add3A_367 = arith.addi %add3A_364, %add3A_366 : vector<16xi32>
      tpu.vector_store_idx %arg7[%add3A_367], %add3A_357 : memref<16384xi32, #tpu.memory_space<vmem>>[vector<16xi32>], vector<16xi32>,
      %add3A_368 = arith.constant 24001792 : i32
      %add3A_369 = vector.broadcast %add3A_368 : i32 to vector<16xi32>
      %add3A_370 = arith.addi %add3A_29, %add3A_369 : vector<16xi32>
      %mul3A_371 = arith.constant 512 : i32
      %mul3A_372 = arith.muli %scan3A_18, %mul3A_371 : i32
      %mul3A_373 = arith.constant 32 : i32
      %mul3A_374 = vector.broadcast %mul3A_373 : i32 to vector<16xi32>
      %mul3A_375 = arith.muli %iota3A, %mul3A_374 : vector<16xi32>
      %add3A_376 = vector.broadcast %mul3A_372 : i32 to vector<16xi32>
      %add3A_377 = arith.addi %add3A_376, %mul3A_375 : vector<16xi32>
      %add3A_378 = arith.constant 26 : i32
      %add3A_379 = vector.broadcast %add3A_378 : i32 to vector<16xi32>
      %add3A_380 = arith.addi %add3A_377, %add3A_379 : vector<16xi32>
      tpu.vector_store_idx %arg7[%add3A_380], %add3A_370 : memref<16384xi32, #tpu.memory_space<vmem>>[vector<16xi32>], vector<16xi32>,
      %add3A_381 = arith.constant 24001920 : i32
      %add3A_382 = vector.broadcast %add3A_381 : i32 to vector<16xi32>
      %add3A_383 = arith.addi %add3A_29, %add3A_382 : vector<16xi32>
      %mul3A_384 = arith.constant 512 : i32
      %mul3A_385 = arith.muli %scan3A_18, %mul3A_384 : i32
      %mul3A_386 = arith.constant 32 : i32
      %mul3A_387 = vector.broadcast %mul3A_386 : i32 to vector<16xi32>
      %mul3A_388 = arith.muli %iota3A, %mul3A_387 : vector<16xi32>
      %add3A_389 = vector.broadcast %mul3A_385 : i32 to vector<16xi32>
      %add3A_390 = arith.addi %add3A_389, %mul3A_388 : vector<16xi32>
      %add3A_391 = arith.constant 27 : i32
      %add3A_392 = vector.broadcast %add3A_391 : i32 to vector<16xi32>
      %add3A_393 = arith.addi %add3A_390, %add3A_392 : vector<16xi32>
      tpu.vector_store_idx %arg7[%add3A_393], %add3A_383 : memref<16384xi32, #tpu.memory_space<vmem>>[vector<16xi32>], vector<16xi32>,
      %add3A_394 = arith.constant 24002048 : i32
      %add3A_395 = vector.broadcast %add3A_394 : i32 to vector<16xi32>
      %add3A_396 = arith.addi %add3A_29, %add3A_395 : vector<16xi32>
      %mul3A_397 = arith.constant 512 : i32
      %mul3A_398 = arith.muli %scan3A_18, %mul3A_397 : i32
      %mul3A_399 = arith.constant 32 : i32
      %mul3A_400 = vector.broadcast %mul3A_399 : i32 to vector<16xi32>
      %mul3A_401 = arith.muli %iota3A, %mul3A_400 : vector<16xi32>
      %add3A_402 = vector.broadcast %mul3A_398 : i32 to vector<16xi32>
      %add3A_403 = arith.addi %add3A_402, %mul3A_401 : vector<16xi32>
      %add3A_404 = arith.constant 28 : i32
      %add3A_405 = vector.broadcast %add3A_404 : i32 to vector<16xi32>
      %add3A_406 = arith.addi %add3A_403, %add3A_405 : vector<16xi32>
      tpu.vector_store_idx %arg7[%add3A_406], %add3A_396 : memref<16384xi32, #tpu.memory_space<vmem>>[vector<16xi32>], vector<16xi32>,
      %add3A_407 = arith.constant 24002176 : i32
      %add3A_408 = vector.broadcast %add3A_407 : i32 to vector<16xi32>
      %add3A_409 = arith.addi %add3A_29, %add3A_408 : vector<16xi32>
      %mul3A_410 = arith.constant 512 : i32
      %mul3A_411 = arith.muli %scan3A_18, %mul3A_410 : i32
      %mul3A_412 = arith.constant 32 : i32
      %mul3A_413 = vector.broadcast %mul3A_412 : i32 to vector<16xi32>
      %mul3A_414 = arith.muli %iota3A, %mul3A_413 : vector<16xi32>
      %add3A_415 = vector.broadcast %mul3A_411 : i32 to vector<16xi32>
      %add3A_416 = arith.addi %add3A_415, %mul3A_414 : vector<16xi32>
      %add3A_417 = arith.constant 29 : i32
      %add3A_418 = vector.broadcast %add3A_417 : i32 to vector<16xi32>
      %add3A_419 = arith.addi %add3A_416, %add3A_418 : vector<16xi32>
      tpu.vector_store_idx %arg7[%add3A_419], %add3A_409 : memref<16384xi32, #tpu.memory_space<vmem>>[vector<16xi32>], vector<16xi32>,
      %add3A_420 = arith.constant 24002304 : i32
      %add3A_421 = vector.broadcast %add3A_420 : i32 to vector<16xi32>
      %add3A_422 = arith.addi %add3A_29, %add3A_421 : vector<16xi32>
      %mul3A_423 = arith.constant 512 : i32
      %mul3A_424 = arith.muli %scan3A_18, %mul3A_423 : i32
      %mul3A_425 = arith.constant 32 : i32
      %mul3A_426 = vector.broadcast %mul3A_425 : i32 to vector<16xi32>
      %mul3A_427 = arith.muli %iota3A, %mul3A_426 : vector<16xi32>
      %add3A_428 = vector.broadcast %mul3A_424 : i32 to vector<16xi32>
      %add3A_429 = arith.addi %add3A_428, %mul3A_427 : vector<16xi32>
      %add3A_430 = arith.constant 30 : i32
      %add3A_431 = vector.broadcast %add3A_430 : i32 to vector<16xi32>
      %add3A_432 = arith.addi %add3A_429, %add3A_431 : vector<16xi32>
      tpu.vector_store_idx %arg7[%add3A_432], %add3A_422 : memref<16384xi32, #tpu.memory_space<vmem>>[vector<16xi32>], vector<16xi32>,
      %add3A_433 = arith.constant 24002432 : i32
      %add3A_434 = vector.broadcast %add3A_433 : i32 to vector<16xi32>
      %add3A_435 = arith.addi %add3A_29, %add3A_434 : vector<16xi32>
      %mul3A_436 = arith.constant 512 : i32
      %mul3A_437 = arith.muli %scan3A_18, %mul3A_436 : i32
      %mul3A_438 = arith.constant 32 : i32
      %mul3A_439 = vector.broadcast %mul3A_438 : i32 to vector<16xi32>
      %mul3A_440 = arith.muli %iota3A, %mul3A_439 : vector<16xi32>
      %add3A_441 = vector.broadcast %mul3A_437 : i32 to vector<16xi32>
      %add3A_442 = arith.addi %add3A_441, %mul3A_440 : vector<16xi32>
      %add3A_443 = arith.constant 31 : i32
      %add3A_444 = vector.broadcast %add3A_443 : i32 to vector<16xi32>
      %add3A_445 = arith.addi %add3A_442, %add3A_444 : vector<16xi32>
      tpu.vector_store_idx %arg7[%add3A_445], %add3A_435 : memref<16384xi32, #tpu.memory_space<vmem>>[vector<16xi32>], vector<16xi32>,
    }
    %scan3A_7 = arith.constant 32 : i32
    %dma_start3A = arith.constant 0 : i32
    %dma_start3A_8 = tpu.memref_slice %arg3[%dma_start3A] : memref<32002048xf32, #tpu.memory_space<hbm>> -> memref<32002048xf32, #tpu.memory_space<hbm>>
    tpu.enqueue_indirect_dma source(%dma_start3A_8 : memref<32002048xf32, #tpu.memory_space<hbm>>) target(%arg8 : memref<16384xf32, #tpu.memory_space<vmem>>) offsets(%arg7 : memref<16384xi32, #tpu.memory_space<vmem>>) semaphore(%arg10 : memref<!tpu.dma_semaphore, #tpu.memory_space<semaphore_mem>>)
    %dma_wait3A = arith.constant 0 : i32
    %dma_wait3A_9 = tpu.memref_slice %arg3[%dma_wait3A] : memref<32002048xf32, #tpu.memory_space<hbm>> -> memref<32002048xf32, #tpu.memory_space<hbm>>
    tpu.wait_indirect_dma semaphore(%arg10 : memref<!tpu.dma_semaphore, #tpu.memory_space<semaphore_mem>>) src(%dma_wait3A_9 : memref<32002048xf32, #tpu.memory_space<hbm>>) dst(%arg8 : memref<16384xf32, #tpu.memory_space<vmem>>)
    %scan3A_10 = arith.constant 0 : i32
    %scan3A_11 = arith.constant 0 : i32
    %scan3A_12 = arith.constant 32 : i32
    %scan3A_13 = arith.addi %scan3A_11, %scan3A_12 : i32
    %scan3A_14 = arith.constant 1 : i32
    scf.for %scan3A_18 = %scan3A_11 to %scan3A_13 step %scan3A_14  : i32 {
      %mul3A_19 = arith.constant 16 : i32
      %mul3A_20 = arith.muli %scan3A_18, %mul3A_19 : i32
      %multiple_of3A = tpu.assume_multiple %mul3A_20, 16 : i32
      %get3A = arith.index_cast %multiple_of3A : i32 to index
      %get3A_21 = tpu.vector_load %arg6[%get3A] {strides = array<i32>} : memref<512xi32, #tpu.memory_space<vmem>>, vector<16xi32>,
      %ge3A = arith.constant 999936 : i32
      %ge3A_22 = vector.broadcast %ge3A : i32 to vector<16xi32>
      %ge3A_23 = arith.cmpi sge, %get3A_21, %ge3A_22 : vector<16xi32>
      %jit3A = arith.constant 1 : i32
      %jit3A_24 = arith.constant 0 : i32
      %broadcast_in_dim3A = vector.broadcast %jit3A : i32 to vector<16xi32>
      %broadcast_in_dim3A_25 = vector.broadcast %jit3A_24 : i32 to vector<16xi32>
      %select_n3A = arith.select %ge3A_23, %broadcast_in_dim3A, %broadcast_in_dim3A_25 : vector<16xi1>, vector<16xi32>
      %reduce_max3A = arith.constant true
      %reduce_max3A_26 = vector.broadcast %reduce_max3A : i1 to vector<16xi1>
      %reduce_max3A_27 = arith.constant -2147483648 : i32
      %reduce_max3A_28 = vector.broadcast %reduce_max3A_27 : i32 to vector<16xi32>
      %reduce_max3A_29 = arith.xori %select_n3A, %reduce_max3A_28 : vector<16xi32>
      %reduce_max3A_30 = tpu.scan <max>, %reduce_max3A_29 masked %reduce_max3A_26 : vector<16xi32>, vector<16xi1> -> vector<16xi32>
      %reduce_max3A_31 = arith.xori %reduce_max3A_30, %reduce_max3A_28 : vector<16xi32>
      %reduce_max3A_32 = vector.extract %reduce_max3A_31[15] : i32 from vector<16xi32>
      %gt3A = arith.constant 0 : i32
      %gt3A_33 = arith.cmpi sgt, %reduce_max3A_32, %gt3A : i32
      %convert_element_type3A = arith.extui %gt3A_33 : i1 to i32
      %cond3A = arith.constant 0 : i32
      %cond3A_34 = arith.cmpi ne, %convert_element_type3A, %cond3A : i32
      scf.if %cond3A_34 {
        %sub3A = arith.constant 999936 : i32
        %sub3A_35 = vector.broadcast %sub3A : i32 to vector<16xi32>
        %sub3A_36 = arith.subi %get3A_21, %sub3A_35 : vector<16xi32>
        %jit3A_37 = arith.constant 0 : i32
        %jit3A_38 = arith.constant 63 : i32
        %max3A = vector.broadcast %jit3A_37 : i32 to vector<16xi32>
        %max3A_39 = arith.maxsi %max3A, %sub3A_36 : vector<16xi32>
        %min3A = vector.broadcast %jit3A_38 : i32 to vector<16xi32>
        %min3A_40 = arith.minsi %min3A, %max3A_39 : vector<16xi32>
        %broadcast_in_dim3A_41 = arith.constant 0 : i32
        %broadcast_in_dim3A_42 = vector.broadcast %broadcast_in_dim3A_41 : i32 to vector<16xi32>
        %gather3A = tpu.vector_load_idx %arg9[%min3A_40, %broadcast_in_dim3A_42] : memref<64x32xf32, #tpu.memory_space<vmem>>[vector<16xi32>, vector<16xi32>], vector<16xf32>,
        %mul3A_43 = arith.constant 512 : i32
        %mul3A_44 = arith.muli %scan3A_18, %mul3A_43 : i32
        %mul3A_45 = arith.constant 32 : i32
        %mul3A_46 = vector.broadcast %mul3A_45 : i32 to vector<16xi32>
        %mul3A_47 = arith.muli %iota3A, %mul3A_46 : vector<16xi32>
        %add3A_48 = vector.broadcast %mul3A_44 : i32 to vector<16xi32>
        %add3A_49 = arith.addi %add3A_48, %mul3A_47 : vector<16xi32>
        %add3A_50 = arith.constant 0 : i32
        %add3A_51 = vector.broadcast %add3A_50 : i32 to vector<16xi32>
        %add3A_52 = arith.addi %add3A_49, %add3A_51 : vector<16xi32>
        tpu.vector_store_idx %arg8[%add3A_52], %gather3A masked %ge3A_23 : memref<16384xf32, #tpu.memory_space<vmem>>[vector<16xi32>], vector<16xf32>, vector<16xi1>
        %broadcast_in_dim3A_53 = arith.constant 1 : i32
        %broadcast_in_dim3A_54 = vector.broadcast %broadcast_in_dim3A_53 : i32 to vector<16xi32>
        %gather3A_55 = tpu.vector_load_idx %arg9[%min3A_40, %broadcast_in_dim3A_54] : memref<64x32xf32, #tpu.memory_space<vmem>>[vector<16xi32>, vector<16xi32>], vector<16xf32>,
        %mul3A_56 = arith.constant 512 : i32
        %mul3A_57 = arith.muli %scan3A_18, %mul3A_56 : i32
        %mul3A_58 = arith.constant 32 : i32
        %mul3A_59 = vector.broadcast %mul3A_58 : i32 to vector<16xi32>
        %mul3A_60 = arith.muli %iota3A, %mul3A_59 : vector<16xi32>
        %add3A_61 = vector.broadcast %mul3A_57 : i32 to vector<16xi32>
        %add3A_62 = arith.addi %add3A_61, %mul3A_60 : vector<16xi32>
        %add3A_63 = arith.constant 1 : i32
        %add3A_64 = vector.broadcast %add3A_63 : i32 to vector<16xi32>
        %add3A_65 = arith.addi %add3A_62, %add3A_64 : vector<16xi32>
        tpu.vector_store_idx %arg8[%add3A_65], %gather3A_55 masked %ge3A_23 : memref<16384xf32, #tpu.memory_space<vmem>>[vector<16xi32>], vector<16xf32>, vector<16xi1>
        %broadcast_in_dim3A_66 = arith.constant 2 : i32
        %broadcast_in_dim3A_67 = vector.broadcast %broadcast_in_dim3A_66 : i32 to vector<16xi32>
        %gather3A_68 = tpu.vector_load_idx %arg9[%min3A_40, %broadcast_in_dim3A_67] : memref<64x32xf32, #tpu.memory_space<vmem>>[vector<16xi32>, vector<16xi32>], vector<16xf32>,
        %mul3A_69 = arith.constant 512 : i32
        %mul3A_70 = arith.muli %scan3A_18, %mul3A_69 : i32
        %mul3A_71 = arith.constant 32 : i32
        %mul3A_72 = vector.broadcast %mul3A_71 : i32 to vector<16xi32>
        %mul3A_73 = arith.muli %iota3A, %mul3A_72 : vector<16xi32>
        %add3A_74 = vector.broadcast %mul3A_70 : i32 to vector<16xi32>
        %add3A_75 = arith.addi %add3A_74, %mul3A_73 : vector<16xi32>
        %add3A_76 = arith.constant 2 : i32
        %add3A_77 = vector.broadcast %add3A_76 : i32 to vector<16xi32>
        %add3A_78 = arith.addi %add3A_75, %add3A_77 : vector<16xi32>
        tpu.vector_store_idx %arg8[%add3A_78], %gather3A_68 masked %ge3A_23 : memref<16384xf32, #tpu.memory_space<vmem>>[vector<16xi32>], vector<16xf32>, vector<16xi1>
        %broadcast_in_dim3A_79 = arith.constant 3 : i32
        %broadcast_in_dim3A_80 = vector.broadcast %broadcast_in_dim3A_79 : i32 to vector<16xi32>
        %gather3A_81 = tpu.vector_load_idx %arg9[%min3A_40, %broadcast_in_dim3A_80] : memref<64x32xf32, #tpu.memory_space<vmem>>[vector<16xi32>, vector<16xi32>], vector<16xf32>,
        %mul3A_82 = arith.constant 512 : i32
        %mul3A_83 = arith.muli %scan3A_18, %mul3A_82 : i32
        %mul3A_84 = arith.constant 32 : i32
        %mul3A_85 = vector.broadcast %mul3A_84 : i32 to vector<16xi32>
        %mul3A_86 = arith.muli %iota3A, %mul3A_85 : vector<16xi32>
        %add3A_87 = vector.broadcast %mul3A_83 : i32 to vector<16xi32>
        %add3A_88 = arith.addi %add3A_87, %mul3A_86 : vector<16xi32>
        %add3A_89 = arith.constant 3 : i32
        %add3A_90 = vector.broadcast %add3A_89 : i32 to vector<16xi32>
        %add3A_91 = arith.addi %add3A_88, %add3A_90 : vector<16xi32>
        tpu.vector_store_idx %arg8[%add3A_91], %gather3A_81 masked %ge3A_23 : memref<16384xf32, #tpu.memory_space<vmem>>[vector<16xi32>], vector<16xf32>, vector<16xi1>
        %broadcast_in_dim3A_92 = arith.constant 4 : i32
        %broadcast_in_dim3A_93 = vector.broadcast %broadcast_in_dim3A_92 : i32 to vector<16xi32>
        %gather3A_94 = tpu.vector_load_idx %arg9[%min3A_40, %broadcast_in_dim3A_93] : memref<64x32xf32, #tpu.memory_space<vmem>>[vector<16xi32>, vector<16xi32>], vector<16xf32>,
        %mul3A_95 = arith.constant 512 : i32
        %mul3A_96 = arith.muli %scan3A_18, %mul3A_95 : i32
        %mul3A_97 = arith.constant 32 : i32
        %mul3A_98 = vector.broadcast %mul3A_97 : i32 to vector<16xi32>
        %mul3A_99 = arith.muli %iota3A, %mul3A_98 : vector<16xi32>
        %add3A_100 = vector.broadcast %mul3A_96 : i32 to vector<16xi32>
        %add3A_101 = arith.addi %add3A_100, %mul3A_99 : vector<16xi32>
        %add3A_102 = arith.constant 4 : i32
        %add3A_103 = vector.broadcast %add3A_102 : i32 to vector<16xi32>
        %add3A_104 = arith.addi %add3A_101, %add3A_103 : vector<16xi32>
        tpu.vector_store_idx %arg8[%add3A_104], %gather3A_94 masked %ge3A_23 : memref<16384xf32, #tpu.memory_space<vmem>>[vector<16xi32>], vector<16xf32>, vector<16xi1>
        %broadcast_in_dim3A_105 = arith.constant 5 : i32
        %broadcast_in_dim3A_106 = vector.broadcast %broadcast_in_dim3A_105 : i32 to vector<16xi32>
        %gather3A_107 = tpu.vector_load_idx %arg9[%min3A_40, %broadcast_in_dim3A_106] : memref<64x32xf32, #tpu.memory_space<vmem>>[vector<16xi32>, vector<16xi32>], vector<16xf32>,
        %mul3A_108 = arith.constant 512 : i32
        %mul3A_109 = arith.muli %scan3A_18, %mul3A_108 : i32
        %mul3A_110 = arith.constant 32 : i32
        %mul3A_111 = vector.broadcast %mul3A_110 : i32 to vector<16xi32>
        %mul3A_112 = arith.muli %iota3A, %mul3A_111 : vector<16xi32>
        %add3A_113 = vector.broadcast %mul3A_109 : i32 to vector<16xi32>
        %add3A_114 = arith.addi %add3A_113, %mul3A_112 : vector<16xi32>
        %add3A_115 = arith.constant 5 : i32
        %add3A_116 = vector.broadcast %add3A_115 : i32 to vector<16xi32>
        %add3A_117 = arith.addi %add3A_114, %add3A_116 : vector<16xi32>
        tpu.vector_store_idx %arg8[%add3A_117], %gather3A_107 masked %ge3A_23 : memref<16384xf32, #tpu.memory_space<vmem>>[vector<16xi32>], vector<16xf32>, vector<16xi1>
        %broadcast_in_dim3A_118 = arith.constant 6 : i32
        %broadcast_in_dim3A_119 = vector.broadcast %broadcast_in_dim3A_118 : i32 to vector<16xi32>
        %gather3A_120 = tpu.vector_load_idx %arg9[%min3A_40, %broadcast_in_dim3A_119] : memref<64x32xf32, #tpu.memory_space<vmem>>[vector<16xi32>, vector<16xi32>], vector<16xf32>,
        %mul3A_121 = arith.constant 512 : i32
        %mul3A_122 = arith.muli %scan3A_18, %mul3A_121 : i32
        %mul3A_123 = arith.constant 32 : i32
        %mul3A_124 = vector.broadcast %mul3A_123 : i32 to vector<16xi32>
        %mul3A_125 = arith.muli %iota3A, %mul3A_124 : vector<16xi32>
        %add3A_126 = vector.broadcast %mul3A_122 : i32 to vector<16xi32>
        %add3A_127 = arith.addi %add3A_126, %mul3A_125 : vector<16xi32>
        %add3A_128 = arith.constant 6 : i32
        %add3A_129 = vector.broadcast %add3A_128 : i32 to vector<16xi32>
        %add3A_130 = arith.addi %add3A_127, %add3A_129 : vector<16xi32>
        tpu.vector_store_idx %arg8[%add3A_130], %gather3A_120 masked %ge3A_23 : memref<16384xf32, #tpu.memory_space<vmem>>[vector<16xi32>], vector<16xf32>, vector<16xi1>
        %broadcast_in_dim3A_131 = arith.constant 7 : i32
        %broadcast_in_dim3A_132 = vector.broadcast %broadcast_in_dim3A_131 : i32 to vector<16xi32>
        %gather3A_133 = tpu.vector_load_idx %arg9[%min3A_40, %broadcast_in_dim3A_132] : memref<64x32xf32, #tpu.memory_space<vmem>>[vector<16xi32>, vector<16xi32>], vector<16xf32>,
        %mul3A_134 = arith.constant 512 : i32
        %mul3A_135 = arith.muli %scan3A_18, %mul3A_134 : i32
        %mul3A_136 = arith.constant 32 : i32
        %mul3A_137 = vector.broadcast %mul3A_136 : i32 to vector<16xi32>
        %mul3A_138 = arith.muli %iota3A, %mul3A_137 : vector<16xi32>
        %add3A_139 = vector.broadcast %mul3A_135 : i32 to vector<16xi32>
        %add3A_140 = arith.addi %add3A_139, %mul3A_138 : vector<16xi32>
        %add3A_141 = arith.constant 7 : i32
        %add3A_142 = vector.broadcast %add3A_141 : i32 to vector<16xi32>
        %add3A_143 = arith.addi %add3A_140, %add3A_142 : vector<16xi32>
        tpu.vector_store_idx %arg8[%add3A_143], %gather3A_133 masked %ge3A_23 : memref<16384xf32, #tpu.memory_space<vmem>>[vector<16xi32>], vector<16xf32>, vector<16xi1>
        %broadcast_in_dim3A_144 = arith.constant 8 : i32
        %broadcast_in_dim3A_145 = vector.broadcast %broadcast_in_dim3A_144 : i32 to vector<16xi32>
        %gather3A_146 = tpu.vector_load_idx %arg9[%min3A_40, %broadcast_in_dim3A_145] : memref<64x32xf32, #tpu.memory_space<vmem>>[vector<16xi32>, vector<16xi32>], vector<16xf32>,
        %mul3A_147 = arith.constant 512 : i32
        %mul3A_148 = arith.muli %scan3A_18, %mul3A_147 : i32
        %mul3A_149 = arith.constant 32 : i32
        %mul3A_150 = vector.broadcast %mul3A_149 : i32 to vector<16xi32>
        %mul3A_151 = arith.muli %iota3A, %mul3A_150 : vector<16xi32>
        %add3A_152 = vector.broadcast %mul3A_148 : i32 to vector<16xi32>
        %add3A_153 = arith.addi %add3A_152, %mul3A_151 : vector<16xi32>
        %add3A_154 = arith.constant 8 : i32
        %add3A_155 = vector.broadcast %add3A_154 : i32 to vector<16xi32>
        %add3A_156 = arith.addi %add3A_153, %add3A_155 : vector<16xi32>
        tpu.vector_store_idx %arg8[%add3A_156], %gather3A_146 masked %ge3A_23 : memref<16384xf32, #tpu.memory_space<vmem>>[vector<16xi32>], vector<16xf32>, vector<16xi1>
        %broadcast_in_dim3A_157 = arith.constant 9 : i32
        %broadcast_in_dim3A_158 = vector.broadcast %broadcast_in_dim3A_157 : i32 to vector<16xi32>
        %gather3A_159 = tpu.vector_load_idx %arg9[%min3A_40, %broadcast_in_dim3A_158] : memref<64x32xf32, #tpu.memory_space<vmem>>[vector<16xi32>, vector<16xi32>], vector<16xf32>,
        %mul3A_160 = arith.constant 512 : i32
        %mul3A_161 = arith.muli %scan3A_18, %mul3A_160 : i32
        %mul3A_162 = arith.constant 32 : i32
        %mul3A_163 = vector.broadcast %mul3A_162 : i32 to vector<16xi32>
        %mul3A_164 = arith.muli %iota3A, %mul3A_163 : vector<16xi32>
        %add3A_165 = vector.broadcast %mul3A_161 : i32 to vector<16xi32>
        %add3A_166 = arith.addi %add3A_165, %mul3A_164 : vector<16xi32>
        %add3A_167 = arith.constant 9 : i32
        %add3A_168 = vector.broadcast %add3A_167 : i32 to vector<16xi32>
        %add3A_169 = arith.addi %add3A_166, %add3A_168 : vector<16xi32>
        tpu.vector_store_idx %arg8[%add3A_169], %gather3A_159 masked %ge3A_23 : memref<16384xf32, #tpu.memory_space<vmem>>[vector<16xi32>], vector<16xf32>, vector<16xi1>
        %broadcast_in_dim3A_170 = arith.constant 10 : i32
        %broadcast_in_dim3A_171 = vector.broadcast %broadcast_in_dim3A_170 : i32 to vector<16xi32>
        %gather3A_172 = tpu.vector_load_idx %arg9[%min3A_40, %broadcast_in_dim3A_171] : memref<64x32xf32, #tpu.memory_space<vmem>>[vector<16xi32>, vector<16xi32>], vector<16xf32>,
        %mul3A_173 = arith.constant 512 : i32
        %mul3A_174 = arith.muli %scan3A_18, %mul3A_173 : i32
        %mul3A_175 = arith.constant 32 : i32
        %mul3A_176 = vector.broadcast %mul3A_175 : i32 to vector<16xi32>
        %mul3A_177 = arith.muli %iota3A, %mul3A_176 : vector<16xi32>
        %add3A_178 = vector.broadcast %mul3A_174 : i32 to vector<16xi32>
        %add3A_179 = arith.addi %add3A_178, %mul3A_177 : vector<16xi32>
        %add3A_180 = arith.constant 10 : i32
        %add3A_181 = vector.broadcast %add3A_180 : i32 to vector<16xi32>
        %add3A_182 = arith.addi %add3A_179, %add3A_181 : vector<16xi32>
        tpu.vector_store_idx %arg8[%add3A_182], %gather3A_172 masked %ge3A_23 : memref<16384xf32, #tpu.memory_space<vmem>>[vector<16xi32>], vector<16xf32>, vector<16xi1>
        %broadcast_in_dim3A_183 = arith.constant 11 : i32
        %broadcast_in_dim3A_184 = vector.broadcast %broadcast_in_dim3A_183 : i32 to vector<16xi32>
        %gather3A_185 = tpu.vector_load_idx %arg9[%min3A_40, %broadcast_in_dim3A_184] : memref<64x32xf32, #tpu.memory_space<vmem>>[vector<16xi32>, vector<16xi32>], vector<16xf32>,
        %mul3A_186 = arith.constant 512 : i32
        %mul3A_187 = arith.muli %scan3A_18, %mul3A_186 : i32
        %mul3A_188 = arith.constant 32 : i32
        %mul3A_189 = vector.broadcast %mul3A_188 : i32 to vector<16xi32>
        %mul3A_190 = arith.muli %iota3A, %mul3A_189 : vector<16xi32>
        %add3A_191 = vector.broadcast %mul3A_187 : i32 to vector<16xi32>
        %add3A_192 = arith.addi %add3A_191, %mul3A_190 : vector<16xi32>
        %add3A_193 = arith.constant 11 : i32
        %add3A_194 = vector.broadcast %add3A_193 : i32 to vector<16xi32>
        %add3A_195 = arith.addi %add3A_192, %add3A_194 : vector<16xi32>
        tpu.vector_store_idx %arg8[%add3A_195], %gather3A_185 masked %ge3A_23 : memref<16384xf32, #tpu.memory_space<vmem>>[vector<16xi32>], vector<16xf32>, vector<16xi1>
        %broadcast_in_dim3A_196 = arith.constant 12 : i32
        %broadcast_in_dim3A_197 = vector.broadcast %broadcast_in_dim3A_196 : i32 to vector<16xi32>
        %gather3A_198 = tpu.vector_load_idx %arg9[%min3A_40, %broadcast_in_dim3A_197] : memref<64x32xf32, #tpu.memory_space<vmem>>[vector<16xi32>, vector<16xi32>], vector<16xf32>,
        %mul3A_199 = arith.constant 512 : i32
        %mul3A_200 = arith.muli %scan3A_18, %mul3A_199 : i32
        %mul3A_201 = arith.constant 32 : i32
        %mul3A_202 = vector.broadcast %mul3A_201 : i32 to vector<16xi32>
        %mul3A_203 = arith.muli %iota3A, %mul3A_202 : vector<16xi32>
        %add3A_204 = vector.broadcast %mul3A_200 : i32 to vector<16xi32>
        %add3A_205 = arith.addi %add3A_204, %mul3A_203 : vector<16xi32>
        %add3A_206 = arith.constant 12 : i32
        %add3A_207 = vector.broadcast %add3A_206 : i32 to vector<16xi32>
        %add3A_208 = arith.addi %add3A_205, %add3A_207 : vector<16xi32>
        tpu.vector_store_idx %arg8[%add3A_208], %gather3A_198 masked %ge3A_23 : memref<16384xf32, #tpu.memory_space<vmem>>[vector<16xi32>], vector<16xf32>, vector<16xi1>
        %broadcast_in_dim3A_209 = arith.constant 13 : i32
        %broadcast_in_dim3A_210 = vector.broadcast %broadcast_in_dim3A_209 : i32 to vector<16xi32>
        %gather3A_211 = tpu.vector_load_idx %arg9[%min3A_40, %broadcast_in_dim3A_210] : memref<64x32xf32, #tpu.memory_space<vmem>>[vector<16xi32>, vector<16xi32>], vector<16xf32>,
        %mul3A_212 = arith.constant 512 : i32
        %mul3A_213 = arith.muli %scan3A_18, %mul3A_212 : i32
        %mul3A_214 = arith.constant 32 : i32
        %mul3A_215 = vector.broadcast %mul3A_214 : i32 to vector<16xi32>
        %mul3A_216 = arith.muli %iota3A, %mul3A_215 : vector<16xi32>
        %add3A_217 = vector.broadcast %mul3A_213 : i32 to vector<16xi32>
        %add3A_218 = arith.addi %add3A_217, %mul3A_216 : vector<16xi32>
        %add3A_219 = arith.constant 13 : i32
        %add3A_220 = vector.broadcast %add3A_219 : i32 to vector<16xi32>
        %add3A_221 = arith.addi %add3A_218, %add3A_220 : vector<16xi32>
        tpu.vector_store_idx %arg8[%add3A_221], %gather3A_211 masked %ge3A_23 : memref<16384xf32, #tpu.memory_space<vmem>>[vector<16xi32>], vector<16xf32>, vector<16xi1>
        %broadcast_in_dim3A_222 = arith.constant 14 : i32
        %broadcast_in_dim3A_223 = vector.broadcast %broadcast_in_dim3A_222 : i32 to vector<16xi32>
        %gather3A_224 = tpu.vector_load_idx %arg9[%min3A_40, %broadcast_in_dim3A_223] : memref<64x32xf32, #tpu.memory_space<vmem>>[vector<16xi32>, vector<16xi32>], vector<16xf32>,
        %mul3A_225 = arith.constant 512 : i32
        %mul3A_226 = arith.muli %scan3A_18, %mul3A_225 : i32
        %mul3A_227 = arith.constant 32 : i32
        %mul3A_228 = vector.broadcast %mul3A_227 : i32 to vector<16xi32>
        %mul3A_229 = arith.muli %iota3A, %mul3A_228 : vector<16xi32>
        %add3A_230 = vector.broadcast %mul3A_226 : i32 to vector<16xi32>
        %add3A_231 = arith.addi %add3A_230, %mul3A_229 : vector<16xi32>
        %add3A_232 = arith.constant 14 : i32
        %add3A_233 = vector.broadcast %add3A_232 : i32 to vector<16xi32>
        %add3A_234 = arith.addi %add3A_231, %add3A_233 : vector<16xi32>
        tpu.vector_store_idx %arg8[%add3A_234], %gather3A_224 masked %ge3A_23 : memref<16384xf32, #tpu.memory_space<vmem>>[vector<16xi32>], vector<16xf32>, vector<16xi1>
        %broadcast_in_dim3A_235 = arith.constant 15 : i32
        %broadcast_in_dim3A_236 = vector.broadcast %broadcast_in_dim3A_235 : i32 to vector<16xi32>
        %gather3A_237 = tpu.vector_load_idx %arg9[%min3A_40, %broadcast_in_dim3A_236] : memref<64x32xf32, #tpu.memory_space<vmem>>[vector<16xi32>, vector<16xi32>], vector<16xf32>,
        %mul3A_238 = arith.constant 512 : i32
        %mul3A_239 = arith.muli %scan3A_18, %mul3A_238 : i32
        %mul3A_240 = arith.constant 32 : i32
        %mul3A_241 = vector.broadcast %mul3A_240 : i32 to vector<16xi32>
        %mul3A_242 = arith.muli %iota3A, %mul3A_241 : vector<16xi32>
        %add3A_243 = vector.broadcast %mul3A_239 : i32 to vector<16xi32>
        %add3A_244 = arith.addi %add3A_243, %mul3A_242 : vector<16xi32>
        %add3A_245 = arith.constant 15 : i32
        %add3A_246 = vector.broadcast %add3A_245 : i32 to vector<16xi32>
        %add3A_247 = arith.addi %add3A_244, %add3A_246 : vector<16xi32>
        tpu.vector_store_idx %arg8[%add3A_247], %gather3A_237 masked %ge3A_23 : memref<16384xf32, #tpu.memory_space<vmem>>[vector<16xi32>], vector<16xf32>, vector<16xi1>
        %broadcast_in_dim3A_248 = arith.constant 16 : i32
        %broadcast_in_dim3A_249 = vector.broadcast %broadcast_in_dim3A_248 : i32 to vector<16xi32>
        %gather3A_250 = tpu.vector_load_idx %arg9[%min3A_40, %broadcast_in_dim3A_249] : memref<64x32xf32, #tpu.memory_space<vmem>>[vector<16xi32>, vector<16xi32>], vector<16xf32>,
        %mul3A_251 = arith.constant 512 : i32
        %mul3A_252 = arith.muli %scan3A_18, %mul3A_251 : i32
        %mul3A_253 = arith.constant 32 : i32
        %mul3A_254 = vector.broadcast %mul3A_253 : i32 to vector<16xi32>
        %mul3A_255 = arith.muli %iota3A, %mul3A_254 : vector<16xi32>
        %add3A_256 = vector.broadcast %mul3A_252 : i32 to vector<16xi32>
        %add3A_257 = arith.addi %add3A_256, %mul3A_255 : vector<16xi32>
        %add3A_258 = arith.constant 16 : i32
        %add3A_259 = vector.broadcast %add3A_258 : i32 to vector<16xi32>
        %add3A_260 = arith.addi %add3A_257, %add3A_259 : vector<16xi32>
        tpu.vector_store_idx %arg8[%add3A_260], %gather3A_250 masked %ge3A_23 : memref<16384xf32, #tpu.memory_space<vmem>>[vector<16xi32>], vector<16xf32>, vector<16xi1>
        %broadcast_in_dim3A_261 = arith.constant 17 : i32
        %broadcast_in_dim3A_262 = vector.broadcast %broadcast_in_dim3A_261 : i32 to vector<16xi32>
        %gather3A_263 = tpu.vector_load_idx %arg9[%min3A_40, %broadcast_in_dim3A_262] : memref<64x32xf32, #tpu.memory_space<vmem>>[vector<16xi32>, vector<16xi32>], vector<16xf32>,
        %mul3A_264 = arith.constant 512 : i32
        %mul3A_265 = arith.muli %scan3A_18, %mul3A_264 : i32
        %mul3A_266 = arith.constant 32 : i32
        %mul3A_267 = vector.broadcast %mul3A_266 : i32 to vector<16xi32>
        %mul3A_268 = arith.muli %iota3A, %mul3A_267 : vector<16xi32>
        %add3A_269 = vector.broadcast %mul3A_265 : i32 to vector<16xi32>
        %add3A_270 = arith.addi %add3A_269, %mul3A_268 : vector<16xi32>
        %add3A_271 = arith.constant 17 : i32
        %add3A_272 = vector.broadcast %add3A_271 : i32 to vector<16xi32>
        %add3A_273 = arith.addi %add3A_270, %add3A_272 : vector<16xi32>
        tpu.vector_store_idx %arg8[%add3A_273], %gather3A_263 masked %ge3A_23 : memref<16384xf32, #tpu.memory_space<vmem>>[vector<16xi32>], vector<16xf32>, vector<16xi1>
        %broadcast_in_dim3A_274 = arith.constant 18 : i32
        %broadcast_in_dim3A_275 = vector.broadcast %broadcast_in_dim3A_274 : i32 to vector<16xi32>
        %gather3A_276 = tpu.vector_load_idx %arg9[%min3A_40, %broadcast_in_dim3A_275] : memref<64x32xf32, #tpu.memory_space<vmem>>[vector<16xi32>, vector<16xi32>], vector<16xf32>,
        %mul3A_277 = arith.constant 512 : i32
        %mul3A_278 = arith.muli %scan3A_18, %mul3A_277 : i32
        %mul3A_279 = arith.constant 32 : i32
        %mul3A_280 = vector.broadcast %mul3A_279 : i32 to vector<16xi32>
        %mul3A_281 = arith.muli %iota3A, %mul3A_280 : vector<16xi32>
        %add3A_282 = vector.broadcast %mul3A_278 : i32 to vector<16xi32>
        %add3A_283 = arith.addi %add3A_282, %mul3A_281 : vector<16xi32>
        %add3A_284 = arith.constant 18 : i32
        %add3A_285 = vector.broadcast %add3A_284 : i32 to vector<16xi32>
        %add3A_286 = arith.addi %add3A_283, %add3A_285 : vector<16xi32>
        tpu.vector_store_idx %arg8[%add3A_286], %gather3A_276 masked %ge3A_23 : memref<16384xf32, #tpu.memory_space<vmem>>[vector<16xi32>], vector<16xf32>, vector<16xi1>
        %broadcast_in_dim3A_287 = arith.constant 19 : i32
        %broadcast_in_dim3A_288 = vector.broadcast %broadcast_in_dim3A_287 : i32 to vector<16xi32>
        %gather3A_289 = tpu.vector_load_idx %arg9[%min3A_40, %broadcast_in_dim3A_288] : memref<64x32xf32, #tpu.memory_space<vmem>>[vector<16xi32>, vector<16xi32>], vector<16xf32>,
        %mul3A_290 = arith.constant 512 : i32
        %mul3A_291 = arith.muli %scan3A_18, %mul3A_290 : i32
        %mul3A_292 = arith.constant 32 : i32
        %mul3A_293 = vector.broadcast %mul3A_292 : i32 to vector<16xi32>
        %mul3A_294 = arith.muli %iota3A, %mul3A_293 : vector<16xi32>
        %add3A_295 = vector.broadcast %mul3A_291 : i32 to vector<16xi32>
        %add3A_296 = arith.addi %add3A_295, %mul3A_294 : vector<16xi32>
        %add3A_297 = arith.constant 19 : i32
        %add3A_298 = vector.broadcast %add3A_297 : i32 to vector<16xi32>
        %add3A_299 = arith.addi %add3A_296, %add3A_298 : vector<16xi32>
        tpu.vector_store_idx %arg8[%add3A_299], %gather3A_289 masked %ge3A_23 : memref<16384xf32, #tpu.memory_space<vmem>>[vector<16xi32>], vector<16xf32>, vector<16xi1>
        %broadcast_in_dim3A_300 = arith.constant 20 : i32
        %broadcast_in_dim3A_301 = vector.broadcast %broadcast_in_dim3A_300 : i32 to vector<16xi32>
        %gather3A_302 = tpu.vector_load_idx %arg9[%min3A_40, %broadcast_in_dim3A_301] : memref<64x32xf32, #tpu.memory_space<vmem>>[vector<16xi32>, vector<16xi32>], vector<16xf32>,
        %mul3A_303 = arith.constant 512 : i32
        %mul3A_304 = arith.muli %scan3A_18, %mul3A_303 : i32
        %mul3A_305 = arith.constant 32 : i32
        %mul3A_306 = vector.broadcast %mul3A_305 : i32 to vector<16xi32>
        %mul3A_307 = arith.muli %iota3A, %mul3A_306 : vector<16xi32>
        %add3A_308 = vector.broadcast %mul3A_304 : i32 to vector<16xi32>
        %add3A_309 = arith.addi %add3A_308, %mul3A_307 : vector<16xi32>
        %add3A_310 = arith.constant 20 : i32
        %add3A_311 = vector.broadcast %add3A_310 : i32 to vector<16xi32>
        %add3A_312 = arith.addi %add3A_309, %add3A_311 : vector<16xi32>
        tpu.vector_store_idx %arg8[%add3A_312], %gather3A_302 masked %ge3A_23 : memref<16384xf32, #tpu.memory_space<vmem>>[vector<16xi32>], vector<16xf32>, vector<16xi1>
        %broadcast_in_dim3A_313 = arith.constant 21 : i32
        %broadcast_in_dim3A_314 = vector.broadcast %broadcast_in_dim3A_313 : i32 to vector<16xi32>
        %gather3A_315 = tpu.vector_load_idx %arg9[%min3A_40, %broadcast_in_dim3A_314] : memref<64x32xf32, #tpu.memory_space<vmem>>[vector<16xi32>, vector<16xi32>], vector<16xf32>,
        %mul3A_316 = arith.constant 512 : i32
        %mul3A_317 = arith.muli %scan3A_18, %mul3A_316 : i32
        %mul3A_318 = arith.constant 32 : i32
        %mul3A_319 = vector.broadcast %mul3A_318 : i32 to vector<16xi32>
        %mul3A_320 = arith.muli %iota3A, %mul3A_319 : vector<16xi32>
        %add3A_321 = vector.broadcast %mul3A_317 : i32 to vector<16xi32>
        %add3A_322 = arith.addi %add3A_321, %mul3A_320 : vector<16xi32>
        %add3A_323 = arith.constant 21 : i32
        %add3A_324 = vector.broadcast %add3A_323 : i32 to vector<16xi32>
        %add3A_325 = arith.addi %add3A_322, %add3A_324 : vector<16xi32>
        tpu.vector_store_idx %arg8[%add3A_325], %gather3A_315 masked %ge3A_23 : memref<16384xf32, #tpu.memory_space<vmem>>[vector<16xi32>], vector<16xf32>, vector<16xi1>
        %broadcast_in_dim3A_326 = arith.constant 22 : i32
        %broadcast_in_dim3A_327 = vector.broadcast %broadcast_in_dim3A_326 : i32 to vector<16xi32>
        %gather3A_328 = tpu.vector_load_idx %arg9[%min3A_40, %broadcast_in_dim3A_327] : memref<64x32xf32, #tpu.memory_space<vmem>>[vector<16xi32>, vector<16xi32>], vector<16xf32>,
        %mul3A_329 = arith.constant 512 : i32
        %mul3A_330 = arith.muli %scan3A_18, %mul3A_329 : i32
        %mul3A_331 = arith.constant 32 : i32
        %mul3A_332 = vector.broadcast %mul3A_331 : i32 to vector<16xi32>
        %mul3A_333 = arith.muli %iota3A, %mul3A_332 : vector<16xi32>
        %add3A_334 = vector.broadcast %mul3A_330 : i32 to vector<16xi32>
        %add3A_335 = arith.addi %add3A_334, %mul3A_333 : vector<16xi32>
        %add3A_336 = arith.constant 22 : i32
        %add3A_337 = vector.broadcast %add3A_336 : i32 to vector<16xi32>
        %add3A_338 = arith.addi %add3A_335, %add3A_337 : vector<16xi32>
        tpu.vector_store_idx %arg8[%add3A_338], %gather3A_328 masked %ge3A_23 : memref<16384xf32, #tpu.memory_space<vmem>>[vector<16xi32>], vector<16xf32>, vector<16xi1>
        %broadcast_in_dim3A_339 = arith.constant 23 : i32
        %broadcast_in_dim3A_340 = vector.broadcast %broadcast_in_dim3A_339 : i32 to vector<16xi32>
        %gather3A_341 = tpu.vector_load_idx %arg9[%min3A_40, %broadcast_in_dim3A_340] : memref<64x32xf32, #tpu.memory_space<vmem>>[vector<16xi32>, vector<16xi32>], vector<16xf32>,
        %mul3A_342 = arith.constant 512 : i32
        %mul3A_343 = arith.muli %scan3A_18, %mul3A_342 : i32
        %mul3A_344 = arith.constant 32 : i32
        %mul3A_345 = vector.broadcast %mul3A_344 : i32 to vector<16xi32>
        %mul3A_346 = arith.muli %iota3A, %mul3A_345 : vector<16xi32>
        %add3A_347 = vector.broadcast %mul3A_343 : i32 to vector<16xi32>
        %add3A_348 = arith.addi %add3A_347, %mul3A_346 : vector<16xi32>
        %add3A_349 = arith.constant 23 : i32
        %add3A_350 = vector.broadcast %add3A_349 : i32 to vector<16xi32>
        %add3A_351 = arith.addi %add3A_348, %add3A_350 : vector<16xi32>
        tpu.vector_store_idx %arg8[%add3A_351], %gather3A_341 masked %ge3A_23 : memref<16384xf32, #tpu.memory_space<vmem>>[vector<16xi32>], vector<16xf32>, vector<16xi1>
        %broadcast_in_dim3A_352 = arith.constant 24 : i32
        %broadcast_in_dim3A_353 = vector.broadcast %broadcast_in_dim3A_352 : i32 to vector<16xi32>
        %gather3A_354 = tpu.vector_load_idx %arg9[%min3A_40, %broadcast_in_dim3A_353] : memref<64x32xf32, #tpu.memory_space<vmem>>[vector<16xi32>, vector<16xi32>], vector<16xf32>,
        %mul3A_355 = arith.constant 512 : i32
        %mul3A_356 = arith.muli %scan3A_18, %mul3A_355 : i32
        %mul3A_357 = arith.constant 32 : i32
        %mul3A_358 = vector.broadcast %mul3A_357 : i32 to vector<16xi32>
        %mul3A_359 = arith.muli %iota3A, %mul3A_358 : vector<16xi32>
        %add3A_360 = vector.broadcast %mul3A_356 : i32 to vector<16xi32>
        %add3A_361 = arith.addi %add3A_360, %mul3A_359 : vector<16xi32>
        %add3A_362 = arith.constant 24 : i32
        %add3A_363 = vector.broadcast %add3A_362 : i32 to vector<16xi32>
        %add3A_364 = arith.addi %add3A_361, %add3A_363 : vector<16xi32>
        tpu.vector_store_idx %arg8[%add3A_364], %gather3A_354 masked %ge3A_23 : memref<16384xf32, #tpu.memory_space<vmem>>[vector<16xi32>], vector<16xf32>, vector<16xi1>
        %broadcast_in_dim3A_365 = arith.constant 25 : i32
        %broadcast_in_dim3A_366 = vector.broadcast %broadcast_in_dim3A_365 : i32 to vector<16xi32>
        %gather3A_367 = tpu.vector_load_idx %arg9[%min3A_40, %broadcast_in_dim3A_366] : memref<64x32xf32, #tpu.memory_space<vmem>>[vector<16xi32>, vector<16xi32>], vector<16xf32>,
        %mul3A_368 = arith.constant 512 : i32
        %mul3A_369 = arith.muli %scan3A_18, %mul3A_368 : i32
        %mul3A_370 = arith.constant 32 : i32
        %mul3A_371 = vector.broadcast %mul3A_370 : i32 to vector<16xi32>
        %mul3A_372 = arith.muli %iota3A, %mul3A_371 : vector<16xi32>
        %add3A_373 = vector.broadcast %mul3A_369 : i32 to vector<16xi32>
        %add3A_374 = arith.addi %add3A_373, %mul3A_372 : vector<16xi32>
        %add3A_375 = arith.constant 25 : i32
        %add3A_376 = vector.broadcast %add3A_375 : i32 to vector<16xi32>
        %add3A_377 = arith.addi %add3A_374, %add3A_376 : vector<16xi32>
        tpu.vector_store_idx %arg8[%add3A_377], %gather3A_367 masked %ge3A_23 : memref<16384xf32, #tpu.memory_space<vmem>>[vector<16xi32>], vector<16xf32>, vector<16xi1>
        %broadcast_in_dim3A_378 = arith.constant 26 : i32
        %broadcast_in_dim3A_379 = vector.broadcast %broadcast_in_dim3A_378 : i32 to vector<16xi32>
        %gather3A_380 = tpu.vector_load_idx %arg9[%min3A_40, %broadcast_in_dim3A_379] : memref<64x32xf32, #tpu.memory_space<vmem>>[vector<16xi32>, vector<16xi32>], vector<16xf32>,
        %mul3A_381 = arith.constant 512 : i32
        %mul3A_382 = arith.muli %scan3A_18, %mul3A_381 : i32
        %mul3A_383 = arith.constant 32 : i32
        %mul3A_384 = vector.broadcast %mul3A_383 : i32 to vector<16xi32>
        %mul3A_385 = arith.muli %iota3A, %mul3A_384 : vector<16xi32>
        %add3A_386 = vector.broadcast %mul3A_382 : i32 to vector<16xi32>
        %add3A_387 = arith.addi %add3A_386, %mul3A_385 : vector<16xi32>
        %add3A_388 = arith.constant 26 : i32
        %add3A_389 = vector.broadcast %add3A_388 : i32 to vector<16xi32>
        %add3A_390 = arith.addi %add3A_387, %add3A_389 : vector<16xi32>
        tpu.vector_store_idx %arg8[%add3A_390], %gather3A_380 masked %ge3A_23 : memref<16384xf32, #tpu.memory_space<vmem>>[vector<16xi32>], vector<16xf32>, vector<16xi1>
        %broadcast_in_dim3A_391 = arith.constant 27 : i32
        %broadcast_in_dim3A_392 = vector.broadcast %broadcast_in_dim3A_391 : i32 to vector<16xi32>
        %gather3A_393 = tpu.vector_load_idx %arg9[%min3A_40, %broadcast_in_dim3A_392] : memref<64x32xf32, #tpu.memory_space<vmem>>[vector<16xi32>, vector<16xi32>], vector<16xf32>,
        %mul3A_394 = arith.constant 512 : i32
        %mul3A_395 = arith.muli %scan3A_18, %mul3A_394 : i32
        %mul3A_396 = arith.constant 32 : i32
        %mul3A_397 = vector.broadcast %mul3A_396 : i32 to vector<16xi32>
        %mul3A_398 = arith.muli %iota3A, %mul3A_397 : vector<16xi32>
        %add3A_399 = vector.broadcast %mul3A_395 : i32 to vector<16xi32>
        %add3A_400 = arith.addi %add3A_399, %mul3A_398 : vector<16xi32>
        %add3A_401 = arith.constant 27 : i32
        %add3A_402 = vector.broadcast %add3A_401 : i32 to vector<16xi32>
        %add3A_403 = arith.addi %add3A_400, %add3A_402 : vector<16xi32>
        tpu.vector_store_idx %arg8[%add3A_403], %gather3A_393 masked %ge3A_23 : memref<16384xf32, #tpu.memory_space<vmem>>[vector<16xi32>], vector<16xf32>, vector<16xi1>
        %broadcast_in_dim3A_404 = arith.constant 28 : i32
        %broadcast_in_dim3A_405 = vector.broadcast %broadcast_in_dim3A_404 : i32 to vector<16xi32>
        %gather3A_406 = tpu.vector_load_idx %arg9[%min3A_40, %broadcast_in_dim3A_405] : memref<64x32xf32, #tpu.memory_space<vmem>>[vector<16xi32>, vector<16xi32>], vector<16xf32>,
        %mul3A_407 = arith.constant 512 : i32
        %mul3A_408 = arith.muli %scan3A_18, %mul3A_407 : i32
        %mul3A_409 = arith.constant 32 : i32
        %mul3A_410 = vector.broadcast %mul3A_409 : i32 to vector<16xi32>
        %mul3A_411 = arith.muli %iota3A, %mul3A_410 : vector<16xi32>
        %add3A_412 = vector.broadcast %mul3A_408 : i32 to vector<16xi32>
        %add3A_413 = arith.addi %add3A_412, %mul3A_411 : vector<16xi32>
        %add3A_414 = arith.constant 28 : i32
        %add3A_415 = vector.broadcast %add3A_414 : i32 to vector<16xi32>
        %add3A_416 = arith.addi %add3A_413, %add3A_415 : vector<16xi32>
        tpu.vector_store_idx %arg8[%add3A_416], %gather3A_406 masked %ge3A_23 : memref<16384xf32, #tpu.memory_space<vmem>>[vector<16xi32>], vector<16xf32>, vector<16xi1>
        %broadcast_in_dim3A_417 = arith.constant 29 : i32
        %broadcast_in_dim3A_418 = vector.broadcast %broadcast_in_dim3A_417 : i32 to vector<16xi32>
        %gather3A_419 = tpu.vector_load_idx %arg9[%min3A_40, %broadcast_in_dim3A_418] : memref<64x32xf32, #tpu.memory_space<vmem>>[vector<16xi32>, vector<16xi32>], vector<16xf32>,
        %mul3A_420 = arith.constant 512 : i32
        %mul3A_421 = arith.muli %scan3A_18, %mul3A_420 : i32
        %mul3A_422 = arith.constant 32 : i32
        %mul3A_423 = vector.broadcast %mul3A_422 : i32 to vector<16xi32>
        %mul3A_424 = arith.muli %iota3A, %mul3A_423 : vector<16xi32>
        %add3A_425 = vector.broadcast %mul3A_421 : i32 to vector<16xi32>
        %add3A_426 = arith.addi %add3A_425, %mul3A_424 : vector<16xi32>
        %add3A_427 = arith.constant 29 : i32
        %add3A_428 = vector.broadcast %add3A_427 : i32 to vector<16xi32>
        %add3A_429 = arith.addi %add3A_426, %add3A_428 : vector<16xi32>
        tpu.vector_store_idx %arg8[%add3A_429], %gather3A_419 masked %ge3A_23 : memref<16384xf32, #tpu.memory_space<vmem>>[vector<16xi32>], vector<16xf32>, vector<16xi1>
        %broadcast_in_dim3A_430 = arith.constant 30 : i32
        %broadcast_in_dim3A_431 = vector.broadcast %broadcast_in_dim3A_430 : i32 to vector<16xi32>
        %gather3A_432 = tpu.vector_load_idx %arg9[%min3A_40, %broadcast_in_dim3A_431] : memref<64x32xf32, #tpu.memory_space<vmem>>[vector<16xi32>, vector<16xi32>], vector<16xf32>,
        %mul3A_433 = arith.constant 512 : i32
        %mul3A_434 = arith.muli %scan3A_18, %mul3A_433 : i32
        %mul3A_435 = arith.constant 32 : i32
        %mul3A_436 = vector.broadcast %mul3A_435 : i32 to vector<16xi32>
        %mul3A_437 = arith.muli %iota3A, %mul3A_436 : vector<16xi32>
        %add3A_438 = vector.broadcast %mul3A_434 : i32 to vector<16xi32>
        %add3A_439 = arith.addi %add3A_438, %mul3A_437 : vector<16xi32>
        %add3A_440 = arith.constant 30 : i32
        %add3A_441 = vector.broadcast %add3A_440 : i32 to vector<16xi32>
        %add3A_442 = arith.addi %add3A_439, %add3A_441 : vector<16xi32>
        tpu.vector_store_idx %arg8[%add3A_442], %gather3A_432 masked %ge3A_23 : memref<16384xf32, #tpu.memory_space<vmem>>[vector<16xi32>], vector<16xf32>, vector<16xi1>
        %broadcast_in_dim3A_443 = arith.constant 31 : i32
        %broadcast_in_dim3A_444 = vector.broadcast %broadcast_in_dim3A_443 : i32 to vector<16xi32>
        %gather3A_445 = tpu.vector_load_idx %arg9[%min3A_40, %broadcast_in_dim3A_444] : memref<64x32xf32, #tpu.memory_space<vmem>>[vector<16xi32>, vector<16xi32>], vector<16xf32>,
        %mul3A_446 = arith.constant 512 : i32
        %mul3A_447 = arith.muli %scan3A_18, %mul3A_446 : i32
        %mul3A_448 = arith.constant 32 : i32
        %mul3A_449 = vector.broadcast %mul3A_448 : i32 to vector<16xi32>
        %mul3A_450 = arith.muli %iota3A, %mul3A_449 : vector<16xi32>
        %add3A_451 = vector.broadcast %mul3A_447 : i32 to vector<16xi32>
        %add3A_452 = arith.addi %add3A_451, %mul3A_450 : vector<16xi32>
        %add3A_453 = arith.constant 31 : i32
        %add3A_454 = vector.broadcast %add3A_453 : i32 to vector<16xi32>
        %add3A_455 = arith.addi %add3A_452, %add3A_454 : vector<16xi32>
        tpu.vector_store_idx %arg8[%add3A_455], %gather3A_445 masked %ge3A_23 : memref<16384xf32, #tpu.memory_space<vmem>>[vector<16xi32>], vector<16xf32>, vector<16xi1>
      } else {
      }
    }
    %scan3A_15 = arith.constant 32 : i32
    %mul3A_16 = arith.constant 32 : i32
    %mul3A_17 = arith.muli %mul3A_2, %mul3A_16 : i32
    "tpu.region"() ({
      %run_scoped3A = tpu.sem_alloc : memref<!tpu.dma_semaphore, #tpu.memory_space<semaphore_mem>>
      %dma_start3A_18 = tpu.memref_slice %arg5[%mul3A_17] : memref<524288xf32, #tpu.memory_space<hbm>> -> memref<16384xf32, #tpu.memory_space<hbm>>
      %dma_start3A_19 = tpu.memref_slice %arg5[%mul3A_17] : memref<524288xf32, #tpu.memory_space<hbm>> -> memref<16384xf32, #tpu.memory_space<hbm>>
      tpu.enqueue_dma source(%arg8 : memref<16384xf32, #tpu.memory_space<vmem>>) target(%dma_start3A_19 : memref<16384xf32, #tpu.memory_space<hbm>>) target_semaphore(%run_scoped3A : memref<!tpu.dma_semaphore, #tpu.memory_space<semaphore_mem>>)
      %dma_wait3A_20 = tpu.memref_slice %arg5[%mul3A_17] : memref<524288xf32, #tpu.memory_space<hbm>> -> memref<16384xf32, #tpu.memory_space<hbm>>
      %dma_wait3A_21 = tpu.memref_slice %arg5[%mul3A_17] : memref<524288xf32, #tpu.memory_space<hbm>> -> memref<16384xf32, #tpu.memory_space<hbm>>
      tpu.wait_dma2 semaphore(%run_scoped3A : memref<!tpu.dma_semaphore, #tpu.memory_space<semaphore_mem>>) src(%arg8 : memref<16384xf32, #tpu.memory_space<vmem>>) dst(%dma_wait3A_21 : memref<16384xf32, #tpu.memory_space<hbm>>)
      tpu.yield
    }) : () -> ()
    return
  }
}

</mosaic_0001>

<sc_bundles>
// kernel: kernel.4.cloned.1.call-start
scs
__scs_entry_jumppad:
0x0: {  	(pc) =	sbr.rel $0x88, $3  }
0x1: {  	(tag) =	ssettag $0x0;
	lr =	simm.s32 $0x1  }
0x2: {  	[smem:$0x3F9F] =	sst lr;
	_ =	strace $0xD0000000  }
0x3: {  	_ = 	snop  }
0x4: {  	_ = 	snop  }
0x5: {  	_ = 	snop  }
0x6: {  	_ = 	snop  }
0x7: {  	_ = 	snop  }
__scs_overlays_trampoline_lowered:
0x8: {  	[smem:$0x3FAE] =	sst s0  }
0x9: {  	[smem:$0x3FAF] =	sst s1  }
0xa: {  	[smem:$0x3FB0] =	sst s2  }
0xb: {  	[smem:$0x3FB1] =	sst s3  }
0xc: {  	[smem:$0x3FB2] =	sst s4  }
0xd: {  	[smem:$0x3FB3] =	sst s5  }
0xe: {  	[smem:$0x3FB4] =	sst s6  }
0xf: {  	[smem:$0x3FB5] =	sst s7  }
0x10: {  	[smem:$0x3FB6] =	sst s8  }
0x11: {  	[smem:$0x3FB7] =	sst s9;
	s0 =	simm.s32 @!p0 $0x0  }
0x12: {  	s1 =	sld [smem:$0x3F9D];
	s0 =	simm.s32 @p0 $0x1  }
0x13: {  	[smem:$0x3FB8] =	sst s0;
	s0 =	simm.s32 @!p1 $0x0  }
0x14: {  	s2 =	sld [smem:$0x3F9C];
	s0 =	simm.s32 @p1 $0x1  }
0x15: {  	[smem:$0x3FB9] =	sst s0;
	s0 =	simm.s32 @!p2 $0x0  }
0x16: {  	s3 =	sld [smem:$0x3FDB];
	s0 =	simm.s32 @p2 $0x1  }
0x17: {  	s4 =	simm.s32 $0x1BF5;
	[smem:$0x3FBB] =	sst s0  }
0x18: {  	s0 =	sld [smem:$0x3F9E];
	_ =	swait.ge [sflag:s4], $0x0  }
0x19: {  	s7 =	sld [smem:$0x3F9F]  }
0x1a: {  	s8 =	sadd.s32 $0xFFFFE003, lr  }
0x1b: {  	s9 =	sadd.s32 $0xFFFFFEF7, lr;
	s5 =	simm.s32 $0xFFFFFFFF;
	p2 =	slt.u32 s8, $0xFFFFF086  }
0x1c: {  	p1 =	slt.u32 s9, $0xF7A;
	s5 =	simm.s32 @!p2 $0x0  }
0x1d: {  	s5 =	simm.s32 @p1 $0x1;
	p0 =	seq.s32 s7, s2  }
0x1e: {  	s7 =	smul.u32 @!p0 $0xF7A, s2;
	p2 =	seq.s32 @!p0 s5, $0x0  }
0x1f: {  	s9 =	smul.u32 $0xF7A, s1;
	s8 =	simm.s32 @!p0 $0x1BF5;
	p2 =	por !p2, p0  }
0x20: {  	[sflag:s8] =	ssyncset.s32 @!p0 $0xFFFFF086;
	s6 =	sadd.s32 @!p0 s3, s7;
	s7 =	simm.s32 @!p0 $0x108  }
0x21: {  	s3 =	sadd.s32 s3, s9;
	s6 =	sadd.s32 @!p0 $0x88, s6;
	s7 =	simm.s32 @p2 $0x1082  }
0x22: {  	[simem:s7], [sflag:s8] =	dma.local @!p0 [hbm:s6], $0xF7A  }
0x23: {  	s9 =	sor.u32 $0xD0000000, s2;
	s6 =	simm.s32 $0x108;
	_ =	swait.ge @!p0 [sflag:s8], $0x0  }
0x24: {  	s3 =	sadd.s32 $0x88, s3;
	s6 =	simm.s32 @!p1 $0x1082;
	[sflag:s4] =	ssyncset.s32 $0xFFFFF086  }
0x25: {  	[simem:s6], [sflag:s4] =	dma.local [hbm:s3], $0xF7A  }
0x26: {  	[smem:$0x3F9F] =	sst s1;
	(tag) =	ssettag s2;
	_ =	strace s9  }
0x27: {  	s1 =	sld [smem:$0x3FAF]  }
0x28: {  	s2 =	sld [smem:$0x3FB0]  }
0x29: {  	s4 =	sld [smem:$0x3FB2]  }
0x2a: {  	p0 =	seq.s32 s5, $0x0;
	s5 =	sld [smem:$0x3FB3]  }
0x2b: {  	s6 =	sld [smem:$0x3FB4]  }
0x2c: {  	s7 =	sld [smem:$0x3FB5]  }
0x2d: {  	s3 =	simm.s32 $0x108;
	s8 =	sld [smem:$0x3FB6]  }
0x2e: {  	s3 =	simm.s32 @!p0 $0x1082;
	s9 =	sld [smem:$0x3FB7]  }
0x2f: {  	lr =	sadd.s32 s0, s3;
	s0 =	sld [smem:$0x3FAE]  }
0x30: {  	s3 =	sld [smem:$0x3FB1]  }
0x31: {  	[smem:$0x3FBA] =	sst s10  }
0x32: {  	s10 =	sld [smem:$0x3FB8];
	_ =	sdelay $0x3  }
0x33: {  	p0 =	seq.s32 s10, $0x1;
	s10 =	sld [smem:$0x3FBA];
	_ =	sdelay $0x3  }
0x34: {  	[smem:$0x3FBA] =	sst s10  }
0x35: {  	s10 =	sld [smem:$0x3FB9];
	_ =	sdelay $0x3  }
0x36: {  	p1 =	seq.s32 s10, $0x1;
	s10 =	sld [smem:$0x3FBA];
	_ =	sdelay $0x3  }
0x37: {  	[smem:$0x3FBA] =	sst s10  }
0x38: {  	s10 =	sld [smem:$0x3FBB]  }
0x39: {  	_ = 	snop;
	(pc) =	sbr.ind lr, $3  }
0x3a: {  	_ = 	snop  }
0x3b: {  	_ = 	snop  }
0x3c: {  	p2 =	seq.s32 s10, $0x1;
	s10 =	sld [smem:$0x3FBA]  }
0x3d: {  	_ =	shalt  }
0x3e: {  	_ =	shalt  }
0x3f: {  	_ =	shalt  }
0x40: {  	_ =	shalt  }
0x41: {  	_ =	shalt  }
0x42: {  	_ =	shalt  }
0x43: {  	_ =	shalt  }
0x44: {  	_ =	shalt  }
0x45: {  	_ =	shalt  }
0x46: {  	_ =	shalt  }
0x47: {  	_ =	shalt  }
0x48: {  	_ =	shalt  }
0x49: {  	_ =	shalt  }
0x4a: {  	_ =	shalt  }
0x4b: {  	_ =	shalt  }
0x4c: {  	_ =	shalt  }
0x4d: {  	_ =	shalt  }
0x4e: {  	_ =	shalt  }
0x4f: {  	_ =	shalt  }
0x50: {  	_ =	shalt  }
0x51: {  	_ =	shalt  }
0x52: {  	_ =	shalt  }
0x53: {  	_ =	shalt  }
0x54: {  	_ =	shalt  }
0x55: {  	_ =	shalt  }
0x56: {  	_ =	shalt  }
0x57: {  	_ =	shalt  }
0x58: {  	_ =	shalt  }
0x59: {  	_ =	shalt  }
0x5a: {  	_ =	shalt  }
0x5b: {  	_ =	shalt  }
0x5c: {  	_ =	shalt  }
0x5d: {  	_ =	shalt  }
0x5e: {  	_ =	shalt  }
0x5f: {  	_ =	shalt  }
0x60: {  	_ =	shalt  }
0x61: {  	_ =	shalt  }
0x62: {  	_ =	shalt  }
0x63: {  	_ =	shalt  }
0x64: {  	_ =	shalt  }
0x65: {  	_ =	shalt  }
0x66: {  	_ =	shalt  }
0x67: {  	_ =	shalt  }
0x68: {  	_ =	shalt  }
0x69: {  	_ =	shalt  }
0x6a: {  	_ =	shalt  }
0x6b: {  	_ =	shalt  }
0x6c: {  	_ =	shalt  }
0x6d: {  	_ =	shalt  }
0x6e: {  	_ =	shalt  }
0x6f: {  	_ =	shalt  }
0x70: {  	_ =	shalt  }
0x71: {  	_ =	shalt  }
0x72: {  	_ =	shalt  }
0x73: {  	_ =	shalt  }
0x74: {  	_ =	shalt  }
0x75: {  	_ =	shalt  }
0x76: {  	_ =	shalt  }
0x77: {  	_ =	shalt  }
0x78: {  	_ =	shalt  }
0x79: {  	_ =	shalt  }
0x7a: {  	_ =	shalt  }
0x7b: {  	_ =	shalt  }
0x7c: {  	_ =	shalt  }
0x7d: {  	_ =	shalt  }
0x7e: {  	_ =	shalt  }
0x7f: {  	_ =	shalt  }
0x80: {  	_ =	shalt  }
0x81: {  	_ =	shalt  }
0x82: {  	_ =	shalt  }
0x83: {  	_ =	shalt  }
0x84: {  	_ =	shalt  }
0x85: {  	_ =	shalt  }
0x86: {  	_ =	shalt  }
0x87: {  	_ =	shalt  }
.Lfunc_end0:
.L_simem_size_0:
called_computation_lowered:
.L_overlay_start_0:
0x88: {  	s2 =	sld [smem:$0x3FD9]  }
0x89: {  	s3 =	sld [smem:$0x3FFE];
	_ =	sdelay $0x1  }
0x8a: {  	s1 =	srdreg.scid  }
0x8b: {  	s0 =	sand.u32 $0x1, s1  }
0x8c: {  	s17 =	sshll.u32 s0, $0xA;
	s2 =	sadd.s32 s3, s2  }
0x8d: {  	s2 =	sadd.s32 s2, s17  }
0x8e: {  	[smem:$0x3FC6] =	sst s2  }
0x8f: {  	_ = 	snop  }
0x90: {  	s2 =	sld [smem:$0x3FC8];
	(tm) =	ssettm $0x1  }
0x91: {  	s18 =	sld [smem:$0x3FFB];
	_ =	sdelay $0x3  }
0x92: {  	_ =	strace s18  }
0x93: {  	s3 =	sld [smem:$0x3FFC];
	_ =	sdelay $0x3  }
0x94: {  	_ =	strace s3  }
0x95: {  	s3 =	sld [smem:$0x3FFD];
	_ =	sdelay $0x3  }
0x96: {  	_ =	strace s3  }
0x97: {  	_ =	strace $0x8FFFFFFF  }
0x98: {  	s19 =	sld [smem:$0x3FDB];
	_ =	sdelay $0x1  }
0x99: {  	s4 =	simm.s32 $_scs_section_size  }
0x9a: {  	s5 =	simm.s32 $_size__tile_overlayer_lowered;
	s6 =	simm.s32 $_tile_overlayer_lowered  }
0x9b: {  	s22 =	simm.s32 $0x1BFF;
	s21 =	sshll.u32 s6, $0x1;
	s3 =	sadd.s32 s4, s19  }
0x9c: {  	s7 =	simm.s32 $0x0;
	s20 =	sshll.u32 s5, $0x1;
	s5 =	sadd.s32 s21, s3  }
0x9d: {  	[timem:s7], [sflag:s22] =	dma.local [hbm:s5], s20  }
0x9e: {  	_ =	swait.ge [sflag:s22], s20  }
0x9f: {  	s4 =	ssub.s32 $0x0, s20;
	[sflag:s22] =	ssyncset.done $0x0  }
0xa0: {  	[sflag:s22] =	ssyncadd.s32 s4;
	_ =	sdelay $0x1  }
0xa1: {  	s23 =	simm.s32 $0x1B8B  }
0xa2: {  	_ =	swait.ge [sflag:s23], $0x1  }
0xa3: {  	[sflag:s23] =	ssyncset.done $0x0  }
0xa4: {  	s25 =	simm.s32 $0x1B8E;
	s24 =	sld [smem:$0x3FFE];
	[sflag:s23] =	ssyncadd.s32 $0xFFFFFFFF  }
0xa5: {  	s26 =	simm.s32 $execute0_lowered;
	[smem:$0x3FD2] =	sst s25  }
0xa6: {  	s5 =	sshll.u32 s26, $0x1;
	_ =	strace $0x80000046;
	[dreg:$0x1] =	wrdreg $0xFFFFFFFF  }
0xa7: {  	s28 =	simm.s32 $_size_execute0_lowered;
	s3 =	sadd.s32 s3, s5;
	[dreg:$0x0] =	wrdreg $0x0  }
0xa8: {  	s5 =	sshll.u32 s28, $0x1;
	[dreg:$0x2] =	wrdreg s3  }
0xa9: {  	[dreg:$0x3] =	wrdreg s5  }
0xaa: {  	[dreg:$0x4] =	wrdreg $0xC0  }
0xab: {  	_ =	task [dreg:s7], $0x5FFFF  }
0xac: {  	[dreg:$0x1] =	wrdreg $0xFFFFFFFF  }
0xad: {  	[dreg:$0x0] =	wrdreg $0x60  }
0xae: {  	[dreg:$0x2] =	wrdreg s2  }
0xaf: {  	[dreg:$0x3] =	wrdreg s24  }
0xb0: {  	[dreg:$0x4] =	wrdreg $0x9  }
0xb1: {  	_ =	task.clear_ibuf [dreg:s7], $0x5FFFF;
	_ =	strace $0x90000046  }
0xb2: {  	s29 =	simm.s32 $0x9;
	_ =	strace $0x80000048  }
0xb3: {  	_ =	swait.ge [sflag:s29], $0x1  }
0xb4: {  	[sflag:s29] =	ssyncadd.s32 $0xFFFFFFFF  }
0xb5: {  	_ =	strace $0x90000048  }
0xb6: {  	_ =	sfence  }
0xb7: {  	s30 =	sld [smem:$0x0];
	_ =	sdelay $0x2  }
0xb8: {  	s31 =	sshll.u32 s1, $0xD;
	s1 =	sshrl.u32 s1, $0x2  }
0xb9: {  	s3 =	sand.u32 $0x4000, s31;
	s1 =	sadd.s32 s1, s30  }
0xba: {  	s0 =	sor.u32 s3, s0;
	s1 =	sshll.u32 s1, $0x11  }
0xbb: {  	s0 =	sor.u32 s1, s0  }
0xbc: {  	s0 =	sadd.s32 $0x8F2B, s0  }
0xbd: {  	[sflag:s0] =	ssyncadd.remote.s32 $0x1  }
0xbe: {  	_ =	sfence.sel $0xFFFF  }
0xbf: {  	[dreg:$0x0] =	wrdreg $0xFFFFFFFF;
	(pc) =	sbr.abs _section_cstart, $3  }
0xc0: {  	[dreg:$0x1] =	wrdreg $0xFFFFFFFF  }
0xc1: {  	_ =	task.clear_ibuf [dreg:s7], $0x2FFFF;
	_ =	strace $0x9FFFFFFF  }
0xc2: {  	(tm) =	ssettm $0x7FFFFFFF  }
0xc3: {  	_ =	shalt  }
tec
execute0_lowered:
.L_overlay_start_1:
0x0: {  	(tag) =	ssettag $0x1  }
0x1: {  	s1 =	rddreg [dreg:$0x0]  }
0x2: {  	s0 =	rddreg [dreg:$0x1];
	s3 =	simm.s32 $0x0;
	s2 =	srdreg.scid  }
0x3: {  	s4 =	stileid.u32;
	s17 =	simm.s32 $0x2;
	s21 =	simm.s32 $0x4C00  }
0x4: {  	s22 =	simm.s32 $0x5000;
	s23 =	simm.s32 $0x5400;
	s24 =	simm.s32 $0x5800  }
0x5: {  	s28 =	simm.s32 $0x6400;
	s29 =	simm.s32 $0x6800;
	s30 =	simm.s32 $0x6C00  }
0x6: {  	s31 =	simm.s32 $0x7000;
	s15 =	simm.s32 $0x7C00;
	[smem:$0x7FF] =	sst s3  }
0x7: {  	s2 =	sand.u32 $0x1, s2;
	s6 =	sshll.u32 s4, $0x1;
	s4 =	sadd.s32 $0x800, s0  }
0x8: {  	s9 =	sadd.s32 $0x880, s0;
	s10 =	sadd.s32 $0x900, s0;
	s11 =	sadd.s32 $0x980, s0  }
0x9: {  	s0 =	simm.s32 $0x3;
	s5 =	ssub.s32 $0x2, s2;
	s2 =	sor.u32 s2, s6  }
0xa: {  	_ =	strace $0x80000047;
	s7 =	sshrl.u32 s5, $0x1;
	s6 =	ssub.s32 $0x7C0, s2  }
0xb: {  	s7 =	ssub.s32 s5, s7;
	s5 =	sshll.u32 s2, $0x9;
	s6 =	sshrl.u32 s6, $0x5  }
0xc: {  	s8 =	sadd.s32 s1, s5;
	s25 =	sand.u32 $0x1, s6;
	s26 =	smax.u32 s7, $0x1  }
.Ltmp0:
0xd: {  	[dreg:$0x3] =	wrdreg s8;
	p0 =	seq.s32 s25, $0x1;
	(pc) =	sbr.rel .LBB2_1-.Ltmp0, $4  }
0xe: {  	s13 =	simm.s32 $0x0;
	[dreg:$0x5] =	wrdreg s26;
	s0 =	simm.s32 @!p0 $0x4  }
0xf: {  	s8 =	sshll.u32 s2, $0xC;
	[dreg:$0x4] =	wrdreg s0;
	s0 =	simm.s32 $0x4  }
0x10: {  	s25 =	simm.s32 $0x5C00;
	s26 =	simm.s32 $0x6000;
	s0 =	simm.s32 @!p0 $0x3  }
0x11: {  	s2 =	simm.s32 $0x7800;
	[dreg:$0x6] =	wrdreg s0;
	s0 =	simm.s32 $0x7400  }
.LBB2_5:
0x12: {  	s7 =	rddreg [dreg:$0x4]  }
0x13: {  	_ =	swait.ge [sflag:s7], $0x4000  }
0x14: {  	[sflag:s7] =	ssyncset.done $0x0  }
0x15: {  	s12 =	rddreg [dreg:$0x6];
	[sflag:s7] =	ssyncadd.s32 $0xFFFFC000  }
0x16: {  	_ =	swait.ge [sflag:s12], $0x4000  }
0x17: {  	s13 =	rddreg [dreg:$0x7]  }
0x18: {  	s20 =	rddreg [dreg:$0x5];
	s13 =	sadd.s32 $0x1, s13  }
0x19: {  	p0 =	sne.s32 s13, s20  }
.Ltmp1:
0x1a: {  	_ = 	snop;
	(pc) =	sbr.rel @!p0 .LBB2_6-.Ltmp1, $3  }
0x1b: {  	_ =	sdelay $0x1  }
0x1c: {  	[sflag:s12] =	ssyncset.done $0x0  }
0x1d: {  	[sflag:s12] =	ssyncadd.s32 $0xFFFFC000  }
.LBB2_1:
.Ltmp2:
0x1e: {  	(pc) =	sbr.rel .LBB2_2-.Ltmp2, $4  }
0x1f: {  	_ = 	snop  }
0x20: {  	s7 =	rddreg [dreg:$0x3];
	s12 =	simm.s32 $0x1000;
	s20 =	simm.s32 $0x7A1400  }
0x21: {  	[tilespmem:s3], [sflag:$0x1] =	stream.strided.gather [hbm4b:s7+s12], $0x4000, s20, s12, $0x38;
	[tilespmem:$0x8000] =	vst v63  }
0x22: {  	[dreg:$0x7] =	wrdreg s13;
	s7 =	simm.s32 $0x0  }
.LBB2_4:
0x23: {  	p0 =	sne.s32 s13, s6  }
.Ltmp3:
0x24: {  	_ = 	snop;
	(pc) =	sbr.rel @!p0 .LBB2_5-.Ltmp3, $2  }
0x25: {  	_ =	sdelay $0x2  }
0x26: {  	s7 =	smov.u32 s13  }
.LBB2_2:
0x27: {  	s12 =	sand.u32 $0x1, s7  }
0x28: {  	p0 =	seq.s32 s12, $0x1  }
0x29: {  	s13 =	sor.u32 @!p0 $0x1, s7  }
0x2a: {  	p2 =	sge.u32 @!p0 s13, s6  }
0x2b: {  	p1 =	por p2, p0  }
0x2c: {  	p3 =	seq.s32 @!p1 s7, $0x0  }
0x2d: {  	p2 =	por @!p0 p3, p2  }
0x2e: {  	p2 =	por p2, p0  }
0x2f: {  	s16 =	sshll.u32 @!p1 s13, $0x11;
	s14 =	simm.s32 @!p2 $0x4  }
0x30: {  	s18 =	simm.s32 @!p1 $0x7A1400;
	s16 =	sor.u32 @!p1 s8, s16;
	_ =	swait.ge @!p2 [sflag:s14], $0x4000  }
0x31: {  	s19 =	simm.s32 @!p1 $0x4000;
	s16 =	sshrl.u32 @!p1 s16, $0x3;
	[sflag:s14] =	ssyncset.done @!p2 $0x0  }
0x32: {  	[sflag:s14] =	ssyncadd.s32 @!p2 $0xFFFFC000;
	s14 =	sadd.s32 @!p1 s1, s16;
	s16 =	simm.s32 @!p1 $0x1000  }
0x33: {  	[tilespmem:s19], [sflag:$0x2] =	stream.strided.gather @!p1 [hbm4b:s14+s16], $0x4000, s18, s16, $0x38;
	[tilespmem:$0x8000] =	vst v63  }
0x34: {  	s16 =	simm.s32 @!p0 $0x1;
	s14 =	sshll.u32 @!p0 s7, $0xE  }
0x35: {  	_ =	swait.ge @!p0 [sflag:s16], $0x4000;
	s14 =	sor.u32 @!p0 s5, s14  }
0x36: {  	[sflag:s16] =	ssyncset.done @!p0 $0x0;
	s18 =	sand.u32 @!p0 $0x1FFFBE00, s14  }
0x37: {  	[sflag:s16] =	ssyncadd.s32 @!p0 $0xFFFFC000;
	s19 =	sadd.s32 @!p0 s4, s18;
	s16 =	simm.s32 @!p0 $0x0  }
0x38: {  	[hbm4b:s19+s16] =	stream.linear.scatter @!p0 [tilespmem:s16], [sflag:$0x3], $0x400, $0x38;
	[tilespmem:$0x8000] =	vst v63  }
0x39: {  	s20 =	simm.s32 @!p0 $0x400;
	s19 =	sadd.s32 @!p0 s18, s9  }
0x3a: {  	[hbm4b:s19+s16] =	stream.linear.scatter @!p0 [tilespmem:s20], [sflag:$0x3], $0x400, $0x38;
	[tilespmem:$0x8000] =	vst v63  }
0x3b: {  	s19 =	sadd.s32 @!p0 s18, s10;
	s20 =	simm.s32 @!p0 $0x800  }
0x3c: {  	[hbm4b:s19+s16] =	stream.linear.scatter @!p0 [tilespmem:s20], [sflag:$0x3], $0x400, $0x38;
	[tilespmem:$0x8000] =	vst v63  }
0x3d: {  	s18 =	sadd.s32 @!p0 s18, s11;
	s19 =	simm.s32 @!p0 $0xC00  }
0x3e: {  	[hbm4b:s18+s16] =	stream.linear.scatter @!p0 [tilespmem:s19], [sflag:$0x3], $0x400, $0x38;
	[tilespmem:$0x8000] =	vst v63  }
0x3f: {  	s18 =	sadd.s32 @!p0 $0xF4280, s14  }
0x40: {  	s18 =	sand.u32 @!p0 $0x1FFFFE80, s18  }
0x41: {  	s19 =	simm.s32 @!p0 $0x1000;
	s18 =	sadd.s32 @!p0 s4, s18  }
0x42: {  	[hbm4b:s18+s16] =	stream.linear.scatter @!p0 [tilespmem:s19], [sflag:$0x3], $0x400, $0x38;
	[tilespmem:$0x8000] =	vst v63  }
0x43: {  	s18 =	sadd.s32 @!p0 $0xF4300, s14  }
0x44: {  	s18 =	sand.u32 @!p0 $0x1FFFFF00, s18  }
0x45: {  	s19 =	simm.s32 @!p0 $0x1400;
	s18 =	sadd.s32 @!p0 s4, s18  }
0x46: {  	[hbm4b:s18+s16] =	stream.linear.scatter @!p0 [tilespmem:s19], [sflag:$0x3], $0x400, $0x38;
	[tilespmem:$0x8000] =	vst v63  }
0x47: {  	s18 =	sadd.s32 @!p0 $0xF4380, s14  }
0x48: {  	s18 =	sand.u32 @!p0 $0x1FFFFF80, s18  }
0x49: {  	s19 =	simm.s32 @!p0 $0x1800;
	s18 =	sadd.s32 @!p0 s4, s18  }
0x4a: {  	[hbm4b:s18+s16] =	stream.linear.scatter @!p0 [tilespmem:s19], [sflag:$0x3], $0x400, $0x38;
	[tilespmem:$0x8000] =	vst v63  }
0x4b: {  	s18 =	sadd.s32 @!p0 $0xF4400, s14  }
0x4c: {  	s18 =	sand.u32 @!p0 $0x1FFFFE00, s18  }
0x4d: {  	s19 =	simm.s32 @!p0 $0x1C00;
	s18 =	sadd.s32 @!p0 s4, s18  }
0x4e: {  	[hbm4b:s18+s16] =	stream.linear.scatter @!p0 [tilespmem:s19], [sflag:$0x3], $0x400, $0x38;
	[tilespmem:$0x8000] =	vst v63  }
0x4f: {  	s18 =	sadd.s32 @!p0 $0x1E8500, s14  }
0x50: {  	s18 =	sand.u32 @!p0 $0x1FFFFF00, s18  }
0x51: {  	s19 =	simm.s32 @!p0 $0x2000;
	s18 =	sadd.s32 @!p0 s4, s18  }
0x52: {  	[hbm4b:s18+s16] =	stream.linear.scatter @!p0 [tilespmem:s19], [sflag:$0x3], $0x400, $0x38;
	[tilespmem:$0x8000] =	vst v63  }
0x53: {  	s18 =	sadd.s32 @!p0 $0x1E8580, s14  }
0x54: {  	s18 =	sand.u32 @!p0 $0x1FFFFF80, s18  }
0x55: {  	s19 =	simm.s32 @!p0 $0x2400;
	s18 =	sadd.s32 @!p0 s4, s18  }
0x56: {  	[hbm4b:s18+s16] =	stream.linear.scatter @!p0 [tilespmem:s19], [sflag:$0x3], $0x400, $0x38;
	[tilespmem:$0x8000] =	vst v63  }
0x57: {  	s18 =	sadd.s32 @!p0 $0x1E8600, s14  }
0x58: {  	s18 =	sand.u32 @!p0 $0x1FFFFE00, s18  }
0x59: {  	s19 =	simm.s32 @!p0 $0x2800;
	s18 =	sadd.s32 @!p0 s4, s18  }
0x5a: {  	[hbm4b:s18+s16] =	stream.linear.scatter @!p0 [tilespmem:s19], [sflag:$0x3], $0x400, $0x38;
	[tilespmem:$0x8000] =	vst v63  }
0x5b: {  	s18 =	sadd.s32 @!p0 $0x1E8680, s14  }
0x5c: {  	s18 =	sand.u32 @!p0 $0x1FFFFE80, s18  }
0x5d: {  	s19 =	simm.s32 @!p0 $0x2C00;
	s18 =	sadd.s32 @!p0 s4, s18  }
0x5e: {  	[hbm4b:s18+s16] =	stream.linear.scatter @!p0 [tilespmem:s19], [sflag:$0x3], $0x400, $0x38;
	[tilespmem:$0x8000] =	vst v63  }
0x5f: {  	s18 =	sadd.s32 @!p0 $0x2DC780, s14  }
0x60: {  	s18 =	sand.u32 @!p0 $0x1FFFFF80, s18  }
0x61: {  	s19 =	simm.s32 @!p0 $0x3000;
	s18 =	sadd.s32 @!p0 s4, s18  }
0x62: {  	[hbm4b:s18+s16] =	stream.linear.scatter @!p0 [tilespmem:s19], [sflag:$0x3], $0x400, $0x38;
	[tilespmem:$0x8000] =	vst v63  }
0x63: {  	s18 =	sadd.s32 @!p0 $0x2DC800, s14  }
0x64: {  	s18 =	sand.u32 @!p0 $0x1FFFFE00, s18  }
0x65: {  	s19 =	simm.s32 @!p0 $0x3400;
	s18 =	sadd.s32 @!p0 s4, s18  }
0x66: {  	[hbm4b:s18+s16] =	stream.linear.scatter @!p0 [tilespmem:s19], [sflag:$0x3], $0x400, $0x38;
	[tilespmem:$0x8000] =	vst v63  }
0x67: {  	s18 =	sadd.s32 @!p0 $0x2DC880, s14  }
0x68: {  	s14 =	sadd.s32 @!p0 $0x2DC900, s14;
	s18 =	sand.u32 @!p0 $0x1FFFFE80, s18  }
0x69: {  	s19 =	simm.s32 @!p0 $0x3800;
	s14 =	sand.u32 @!p0 $0x1FFFFF00, s14;
	s18 =	sadd.s32 @!p0 s4, s18  }
0x6a: {  	[hbm4b:s18+s16] =	stream.linear.scatter @!p0 [tilespmem:s19], [sflag:$0x3], $0x400, $0x38;
	[tilespmem:$0x8000] =	vst v63  }
0x6b: {  	p1 =	seq.s32 @!p0 s12, $0x0;
	s14 =	sadd.s32 @!p0 s4, s14;
	s18 =	simm.s32 @!p0 $0x3C00  }
0x6c: {  	[hbm4b:s14+s16] =	stream.linear.scatter @!p0 [tilespmem:s18], [sflag:$0x3], $0x400, $0x38;
	[tilespmem:$0x8000] =	vst v63  }
0x6d: {  	p0 =	por p0, !p1  }
.Ltmp4:
0x6e: {  	_ = 	snop;
	(pc) =	sbr.rel @!p0 .LBB2_4-.Ltmp4, $1  }
0x6f: {  	_ =	sdelay $0x3  }
0x70: {  	s13 =	sadd.s32 $0x1, s7  }
0x71: {  	p0 =	sge.u32 s13, s6  }
0x72: {  	s12 =	simm.s32 @!p0 $0x3;
	s14 =	sshll.u32 @!p0 s13, $0x11  }
0x73: {  	s16 =	simm.s32 @!p0 $0x7A1400;
	_ =	swait.ge @!p0 [sflag:s12], $0x4000;
	s14 =	sor.u32 @!p0 s8, s14  }
0x74: {  	s18 =	simm.s32 @!p0 $0x0;
	[sflag:s12] =	ssyncset.done @!p0 $0x0;
	s14 =	sshrl.u32 @!p0 s14, $0x3  }
0x75: {  	[sflag:s12] =	ssyncadd.s32 @!p0 $0xFFFFC000;
	s12 =	sadd.s32 @!p0 s1, s14;
	s14 =	simm.s32 @!p0 $0x1000  }
0x76: {  	[tilespmem:s18], [sflag:$0x1] =	stream.strided.gather @!p0 [hbm4b:s12+s14], $0x4000, s16, s14, $0x38;
	[tilespmem:$0x8000] =	vst v63  }
0x77: {  	s14 =	sshll.u32 s7, $0xE  }
0x78: {  	_ =	swait.ge [sflag:s17], $0x4000;
	s7 =	sor.u32 s5, s14  }
0x79: {  	[sflag:s17] =	ssyncset.done $0x0;
	s12 =	sand.u32 $0x1FFFFE00, s7  }
0x7a: {  	s18 =	simm.s32 $0x4000;
	[sflag:s17] =	ssyncadd.s32 $0xFFFFC000;
	s16 =	sadd.s32 s4, s12  }
0x7b: {  	[hbm4b:s16+s3] =	stream.linear.scatter [tilespmem:s18], [sflag:$0x4], $0x400, $0x38;
	[tilespmem:$0x8000] =	vst v63  }
0x7c: {  	s20 =	simm.s32 $0x4400;
	s19 =	sadd.s32 s12, s9  }
0x7d: {  	[hbm4b:s19+s3] =	stream.linear.scatter [tilespmem:s20], [sflag:$0x4], $0x400, $0x38;
	[tilespmem:$0x8000] =	vst v63  }
0x7e: {  	s18 =	sadd.s32 s12, s10;
	s19 =	simm.s32 $0x4800  }
0x7f: {  	[hbm4b:s18+s3] =	stream.linear.scatter [tilespmem:s19], [sflag:$0x4], $0x400, $0x38;
	[tilespmem:$0x8000] =	vst v63  }
0x80: {  	s12 =	sadd.s32 s12, s11;
	s20 =	sadd.s32 $0xF4280, s7  }
0x81: {  	[hbm4b:s12+s3] =	stream.linear.scatter [tilespmem:s21], [sflag:$0x4], $0x400, $0x38;
	[tilespmem:$0x8000] =	vst v63  }
0x82: {  	s12 =	sand.u32 $0x1FFFFE80, s20  }
0x83: {  	s14 =	sadd.s32 $0xF4300, s7;
	s12 =	sadd.s32 s4, s12  }
0x84: {  	[hbm4b:s12+s3] =	stream.linear.scatter [tilespmem:s22], [sflag:$0x4], $0x400, $0x38;
	[tilespmem:$0x8000] =	vst v63  }
0x85: {  	s12 =	sand.u32 $0x1FFFFF00, s14  }
0x86: {  	s16 =	sadd.s32 $0xF4380, s7;
	s12 =	sadd.s32 s4, s12  }
0x87: {  	[hbm4b:s12+s3] =	stream.linear.scatter [tilespmem:s23], [sflag:$0x4], $0x400, $0x38;
	[tilespmem:$0x8000] =	vst v63  }
0x88: {  	s12 =	sand.u32 $0x1FFFFF80, s16  }
0x89: {  	s18 =	sadd.s32 $0xF4400, s7;
	s12 =	sadd.s32 s4, s12  }
0x8a: {  	[hbm4b:s12+s3] =	stream.linear.scatter [tilespmem:s24], [sflag:$0x4], $0x400, $0x38;
	[tilespmem:$0x8000] =	vst v63  }
0x8b: {  	s12 =	sand.u32 $0x1FFFFE00, s18  }
0x8c: {  	s19 =	sadd.s32 $0x1E8500, s7;
	s12 =	sadd.s32 s4, s12  }
0x8d: {  	[hbm4b:s12+s3] =	stream.linear.scatter [tilespmem:s25], [sflag:$0x4], $0x400, $0x38;
	[tilespmem:$0x8000] =	vst v63  }
0x8e: {  	s12 =	sand.u32 $0x1FFFFF00, s19  }
0x8f: {  	s20 =	sadd.s32 $0x1E8580, s7;
	s12 =	sadd.s32 s4, s12  }
0x90: {  	[hbm4b:s12+s3] =	stream.linear.scatter [tilespmem:s26], [sflag:$0x4], $0x400, $0x38;
	[tilespmem:$0x8000] =	vst v63  }
0x91: {  	s12 =	sand.u32 $0x1FFFFF80, s20  }
0x92: {  	s14 =	sadd.s32 $0x1E8600, s7;
	s12 =	sadd.s32 s4, s12  }
0x93: {  	[hbm4b:s12+s3] =	stream.linear.scatter [tilespmem:s28], [sflag:$0x4], $0x400, $0x38;
	[tilespmem:$0x8000] =	vst v63  }
0x94: {  	s12 =	sand.u32 $0x1FFFFE00, s14  }
0x95: {  	s16 =	sadd.s32 $0x1E8680, s7;
	s12 =	sadd.s32 s4, s12  }
0x96: {  	[hbm4b:s12+s3] =	stream.linear.scatter [tilespmem:s29], [sflag:$0x4], $0x400, $0x38;
	[tilespmem:$0x8000] =	vst v63  }
0x97: {  	s12 =	sand.u32 $0x1FFFFE80, s16  }
0x98: {  	s18 =	sadd.s32 $0x2DC780, s7;
	s12 =	sadd.s32 s4, s12  }
0x99: {  	[hbm4b:s12+s3] =	stream.linear.scatter [tilespmem:s30], [sflag:$0x4], $0x400, $0x38;
	[tilespmem:$0x8000] =	vst v63  }
0x9a: {  	s12 =	sand.u32 $0x1FFFFF80, s18  }
0x9b: {  	s19 =	sadd.s32 $0x2DC800, s7;
	s12 =	sadd.s32 s4, s12  }
0x9c: {  	[hbm4b:s12+s3] =	stream.linear.scatter [tilespmem:s31], [sflag:$0x4], $0x400, $0x38;
	[tilespmem:$0x8000] =	vst v63  }
0x9d: {  	s12 =	sand.u32 $0x1FFFFE00, s19  }
0x9e: {  	s20 =	sadd.s32 $0x2DC880, s7;
	s7 =	sadd.s32 $0x2DC900, s7;
	s12 =	sadd.s32 s4, s12  }
0x9f: {  	[hbm4b:s12+s3] =	stream.linear.scatter [tilespmem:s0], [sflag:$0x4], $0x400, $0x38;
	[tilespmem:$0x8000] =	vst v63  }
.Ltmp5:
0xa0: {  	s12 =	sand.u32 $0x1FFFFE80, s20;
	(pc) =	sbr.rel .LBB2_4-.Ltmp5, $4  }
0xa1: {  	s7 =	sand.u32 $0x1FFFFF00, s7;
	s12 =	sadd.s32 s4, s12  }
0xa2: {  	[hbm4b:s12+s3] =	stream.linear.scatter [tilespmem:s2], [sflag:$0x4], $0x400, $0x38;
	[tilespmem:$0x8000] =	vst v63  }
0xa3: {  	s7 =	sadd.s32 s4, s7  }
0xa4: {  	[hbm4b:s7+s3] =	stream.linear.scatter [tilespmem:s15], [sflag:$0x4], $0x400, $0x38;
	[tilespmem:$0x8000] =	vst v63  }
.LBB2_6:
0xa5: {  	_ =	sfence.sel $0x180000  }
0xa6: {  	[bflag:$0x0] =	sbarrier.arrive $0xFFFF  }
0xa7: {  	_ =	strace $0x90000047  }
0xa8: {  	s0 =	stileid.u32;
	[bflag:$0x2] =	sbarrier.arrive $0xFFFF  }
0xa9: {  	p0 =	sne.s32 s0, $0x0;
	s0 =	rddreg [dreg:$0x2]  }
0xaa: {  	s0 =	sadd.s32 @!p0 $0x100000, s0  }
0xab: {  	[sflag:s0] =	ssyncadd.tile.s32 @!p0 $0x1;
	_ =	shalt  }
.Lfunc_end2:
_tile_overlayer_lowered:
.L_overlay_start_2:
0xac: {  	(tag) =	ssettag $0x2  }
0xad: {  	s0 =	rddreg [dreg:$0x0];
	s2 =	stileid.u32  }
0xae: {  	s1 =	rddreg [dreg:$0x1];
	p0 =	sne.s32 s2, $0x0  }
0xaf: {  	s3 =	rddreg [dreg:$0x2];
	[bflag:$0x3] =	sbarrier.arrive $0xFFFF;
	s2 =	simm.s32 @!p0 $0x1C05  }
0xb0: {  	[timem:s3], [sflag:s2] =	dma.local @!p0 [hbm:s0], s1  }
0xb1: {  	s0 =	simm.s32 @!p0 $0x5  }
0xb2: {  	_ =	swait.ge @!p0 [sflag:s0], s1  }
0xb3: {  	s1 =	ssub.s32 @!p0 $0x0, s1;
	[sflag:s0] =	ssyncset.done @!p0 $0x0  }
0xb4: {  	[sflag:s0] =	ssyncadd.s32 @!p0 s1  }
0xb5: {  	[bflag:$0x3] =	sbarrier.arrive $0xFFFF  }
0xb6: {  	_ =	shalt  }

// kernel: kernel.7.cloned.1.call-start
scs
__scs_entry_jumppad:
0x0: {  	(pc) =	sbr.rel $0x88, $3  }
0x1: {  	(tag) =	ssettag $0x0;
	lr =	simm.s32 $0x1  }
0x2: {  	[smem:$0x3F9F] =	sst lr;
	_ =	strace $0xD0000000  }
0x3: {  	_ = 	snop  }
0x4: {  	_ = 	snop  }
0x5: {  	_ = 	snop  }
0x6: {  	_ = 	snop  }
0x7: {  	_ = 	snop  }
__scs_overlays_trampoline_lowered:
0x8: {  	[smem:$0x3FAE] =	sst s0  }
0x9: {  	[smem:$0x3FAF] =	sst s1  }
0xa: {  	[smem:$0x3FB0] =	sst s2  }
0xb: {  	[smem:$0x3FB1] =	sst s3  }
0xc: {  	[smem:$0x3FB2] =	sst s4  }
0xd: {  	[smem:$0x3FB3] =	sst s5  }
0xe: {  	[smem:$0x3FB4] =	sst s6  }
0xf: {  	[smem:$0x3FB5] =	sst s7  }
0x10: {  	[smem:$0x3FB6] =	sst s8  }
0x11: {  	[smem:$0x3FB7] =	sst s9;
	s0 =	simm.s32 @!p0 $0x0  }
0x12: {  	s1 =	sld [smem:$0x3F9D];
	s0 =	simm.s32 @p0 $0x1  }
0x13: {  	[smem:$0x3FB8] =	sst s0;
	s0 =	simm.s32 @!p1 $0x0  }
0x14: {  	s2 =	sld [smem:$0x3F9C];
	s0 =	simm.s32 @p1 $0x1  }
0x15: {  	[smem:$0x3FB9] =	sst s0;
	s0 =	simm.s32 @!p2 $0x0  }
0x16: {  	s3 =	sld [smem:$0x3FDB];
	s0 =	simm.s32 @p2 $0x1  }
0x17: {  	s4 =	simm.s32 $0x1BF5;
	[smem:$0x3FBB] =	sst s0  }
0x18: {  	s0 =	sld [smem:$0x3F9E];
	_ =	swait.ge [sflag:s4], $0x0  }
0x19: {  	s7 =	sld [smem:$0x3F9F]  }
0x1a: {  	s8 =	sadd.s32 $0xFFFFE003, lr  }
0x1b: {  	s9 =	sadd.s32 $0xFFFFFEF7, lr;
	s5 =	simm.s32 $0xFFFFFFFF;
	p2 =	slt.u32 s8, $0xFFFFF086  }
0x1c: {  	p1 =	slt.u32 s9, $0xF7A;
	s5 =	simm.s32 @!p2 $0x0  }
0x1d: {  	s5 =	simm.s32 @p1 $0x1;
	p0 =	seq.s32 s7, s2  }
0x1e: {  	s7 =	smul.u32 @!p0 $0xF7A, s2;
	p2 =	seq.s32 @!p0 s5, $0x0  }
0x1f: {  	s9 =	smul.u32 $0xF7A, s1;
	s8 =	simm.s32 @!p0 $0x1BF5;
	p2 =	por !p2, p0  }
0x20: {  	[sflag:s8] =	ssyncset.s32 @!p0 $0xFFFFF086;
	s6 =	sadd.s32 @!p0 s3, s7;
	s7 =	simm.s32 @!p0 $0x108  }
0x21: {  	s3 =	sadd.s32 s3, s9;
	s6 =	sadd.s32 @!p0 $0x88, s6;
	s7 =	simm.s32 @p2 $0x1082  }
0x22: {  	[simem:s7], [sflag:s8] =	dma.local @!p0 [hbm:s6], $0xF7A  }
0x23: {  	s9 =	sor.u32 $0xD0000000, s2;
	s6 =	simm.s32 $0x108;
	_ =	swait.ge @!p0 [sflag:s8], $0x0  }
0x24: {  	s3 =	sadd.s32 $0x88, s3;
	s6 =	simm.s32 @!p1 $0x1082;
	[sflag:s4] =	ssyncset.s32 $0xFFFFF086  }
0x25: {  	[simem:s6], [sflag:s4] =	dma.local [hbm:s3], $0xF7A  }
0x26: {  	[smem:$0x3F9F] =	sst s1;
	(tag) =	ssettag s2;
	_ =	strace s9  }
0x27: {  	s1 =	sld [smem:$0x3FAF]  }
0x28: {  	s2 =	sld [smem:$0x3FB0]  }
0x29: {  	s4 =	sld [smem:$0x3FB2]  }
0x2a: {  	p0 =	seq.s32 s5, $0x0;
	s5 =	sld [smem:$0x3FB3]  }
0x2b: {  	s6 =	sld [smem:$0x3FB4]  }
0x2c: {  	s7 =	sld [smem:$0x3FB5]  }
0x2d: {  	s3 =	simm.s32 $0x108;
	s8 =	sld [smem:$0x3FB6]  }
0x2e: {  	s3 =	simm.s32 @!p0 $0x1082;
	s9 =	sld [smem:$0x3FB7]  }
0x2f: {  	lr =	sadd.s32 s0, s3;
	s0 =	sld [smem:$0x3FAE]  }
0x30: {  	s3 =	sld [smem:$0x3FB1]  }
0x31: {  	[smem:$0x3FBA] =	sst s10  }
0x32: {  	s10 =	sld [smem:$0x3FB8];
	_ =	sdelay $0x3  }
0x33: {  	p0 =	seq.s32 s10, $0x1;
	s10 =	sld [smem:$0x3FBA];
	_ =	sdelay $0x3  }
0x34: {  	[smem:$0x3FBA] =	sst s10  }
0x35: {  	s10 =	sld [smem:$0x3FB9];
	_ =	sdelay $0x3  }
0x36: {  	p1 =	seq.s32 s10, $0x1;
	s10 =	sld [smem:$0x3FBA];
	_ =	sdelay $0x3  }
0x37: {  	[smem:$0x3FBA] =	sst s10  }
0x38: {  	s10 =	sld [smem:$0x3FBB]  }
0x39: {  	_ = 	snop;
	(pc) =	sbr.ind lr, $3  }
0x3a: {  	_ = 	snop  }
0x3b: {  	_ = 	snop  }
0x3c: {  	p2 =	seq.s32 s10, $0x1;
	s10 =	sld [smem:$0x3FBA]  }
0x3d: {  	_ =	shalt  }
0x3e: {  	_ =	shalt  }
0x3f: {  	_ =	shalt  }
0x40: {  	_ =	shalt  }
0x41: {  	_ =	shalt  }
0x42: {  	_ =	shalt  }
0x43: {  	_ =	shalt  }
0x44: {  	_ =	shalt  }
0x45: {  	_ =	shalt  }
0x46: {  	_ =	shalt  }
0x47: {  	_ =	shalt  }
0x48: {  	_ =	shalt  }
0x49: {  	_ =	shalt  }
0x4a: {  	_ =	shalt  }
0x4b: {  	_ =	shalt  }
0x4c: {  	_ =	shalt  }
0x4d: {  	_ =	shalt  }
0x4e: {  	_ =	shalt  }
0x4f: {  	_ =	shalt  }
0x50: {  	_ =	shalt  }
0x51: {  	_ =	shalt  }
0x52: {  	_ =	shalt  }
0x53: {  	_ =	shalt  }
0x54: {  	_ =	shalt  }
0x55: {  	_ =	shalt  }
0x56: {  	_ =	shalt  }
0x57: {  	_ =	shalt  }
0x58: {  	_ =	shalt  }
0x59: {  	_ =	shalt  }
0x5a: {  	_ =	shalt  }
0x5b: {  	_ =	shalt  }
0x5c: {  	_ =	shalt  }
0x5d: {  	_ =	shalt  }
0x5e: {  	_ =	shalt  }
0x5f: {  	_ =	shalt  }
0x60: {  	_ =	shalt  }
0x61: {  	_ =	shalt  }
0x62: {  	_ =	shalt  }
0x63: {  	_ =	shalt  }
0x64: {  	_ =	shalt  }
0x65: {  	_ =	shalt  }
0x66: {  	_ =	shalt  }
0x67: {  	_ =	shalt  }
0x68: {  	_ =	shalt  }
0x69: {  	_ =	shalt  }
0x6a: {  	_ =	shalt  }
0x6b: {  	_ =	shalt  }
0x6c: {  	_ =	shalt  }
0x6d: {  	_ =	shalt  }
0x6e: {  	_ =	shalt  }
0x6f: {  	_ =	shalt  }
0x70: {  	_ =	shalt  }
0x71: {  	_ =	shalt  }
0x72: {  	_ =	shalt  }
0x73: {  	_ =	shalt  }
0x74: {  	_ =	shalt  }
0x75: {  	_ =	shalt  }
0x76: {  	_ =	shalt  }
0x77: {  	_ =	shalt  }
0x78: {  	_ =	shalt  }
0x79: {  	_ =	shalt  }
0x7a: {  	_ =	shalt  }
0x7b: {  	_ =	shalt  }
0x7c: {  	_ =	shalt  }
0x7d: {  	_ =	shalt  }
0x7e: {  	_ =	shalt  }
0x7f: {  	_ =	shalt  }
0x80: {  	_ =	shalt  }
0x81: {  	_ =	shalt  }
0x82: {  	_ =	shalt  }
0x83: {  	_ =	shalt  }
0x84: {  	_ =	shalt  }
0x85: {  	_ =	shalt  }
0x86: {  	_ =	shalt  }
0x87: {  	_ =	shalt  }
.Lfunc_end0:
.L_simem_size_0:
called_computation.1_lowered:
.L_overlay_start_0:
0x88: {  	s2 =	sld [smem:$0x3FD9]  }
0x89: {  	s3 =	sld [smem:$0x3FFE];
	_ =	sdelay $0x1  }
0x8a: {  	s1 =	srdreg.scid  }
0x8b: {  	s0 =	sand.u32 $0x1, s1  }
0x8c: {  	s17 =	sshll.u32 s0, $0xA;
	s2 =	sadd.s32 s3, s2  }
0x8d: {  	s2 =	sadd.s32 s2, s17  }
0x8e: {  	[smem:$0x3FC6] =	sst s2  }
0x8f: {  	_ = 	snop  }
0x90: {  	s2 =	sld [smem:$0x3FC9]  }
0x91: {  	s18 =	sld [smem:$0x3FD0];
	(tm) =	ssettm $0x1  }
0x92: {  	s4 =	sld [smem:$0x3FFB];
	_ =	sdelay $0x3  }
0x93: {  	_ =	strace s4  }
0x94: {  	s4 =	sld [smem:$0x3FFC];
	_ =	sdelay $0x3  }
0x95: {  	_ =	strace s4  }
0x96: {  	s4 =	sld [smem:$0x3FFD];
	_ =	sdelay $0x3  }
0x97: {  	_ =	strace s4  }
0x98: {  	_ =	strace $0x8FFFFFFF  }
0x99: {  	s19 =	sld [smem:$0x3FDB];
	_ =	sdelay $0x1  }
0x9a: {  	s5 =	simm.s32 $_scs_section_size  }
0x9b: {  	s6 =	simm.s32 $_size__tile_overlayer_lowered;
	s7 =	simm.s32 $_tile_overlayer_lowered  }
0x9c: {  	s22 =	simm.s32 $0x1BFF;
	s21 =	sshll.u32 s7, $0x1;
	s4 =	sadd.s32 s5, s19  }
0x9d: {  	s8 =	simm.s32 $0x0;
	s20 =	sshll.u32 s6, $0x1;
	s6 =	sadd.s32 s21, s4  }
0x9e: {  	[timem:s8], [sflag:s22] =	dma.local [hbm:s6], s20  }
0x9f: {  	_ =	swait.ge [sflag:s22], s20  }
0xa0: {  	s5 =	ssub.s32 $0x0, s20;
	[sflag:s22] =	ssyncset.done $0x0  }
0xa1: {  	[sflag:s22] =	ssyncadd.s32 s5;
	_ =	sdelay $0x1  }
0xa2: {  	s23 =	simm.s32 $0x1B8B  }
0xa3: {  	_ =	swait.ge [sflag:s23], $0x1  }
0xa4: {  	[sflag:s23] =	ssyncset.done $0x0  }
0xa5: {  	s25 =	simm.s32 $0x1B8E;
	s24 =	sld [smem:$0x3FFE];
	[sflag:s23] =	ssyncadd.s32 $0xFFFFFFFF  }
0xa6: {  	s26 =	simm.s32 $execute0_lowered;
	[smem:$0x3FD2] =	sst s25  }
0xa7: {  	s6 =	sshll.u32 s26, $0x1;
	_ =	strace $0x80000049;
	[dreg:$0x1] =	wrdreg $0xFFFFFFFF  }
0xa8: {  	s28 =	simm.s32 $_size_execute0_lowered;
	s4 =	sadd.s32 s4, s6;
	[dreg:$0x0] =	wrdreg $0x0  }
0xa9: {  	s6 =	sshll.u32 s28, $0x1;
	[dreg:$0x2] =	wrdreg s4  }
0xaa: {  	[dreg:$0x3] =	wrdreg s6  }
0xab: {  	[dreg:$0x4] =	wrdreg $0xC0  }
0xac: {  	_ =	task [dreg:s8], $0x5FFFF  }
0xad: {  	[dreg:$0x1] =	wrdreg $0xFFFFFFFF  }
0xae: {  	[dreg:$0x0] =	wrdreg $0x60  }
0xaf: {  	[dreg:$0x2] =	wrdreg s2  }
0xb0: {  	[dreg:$0x3] =	wrdreg s24  }
0xb1: {  	[dreg:$0x4] =	wrdreg s18  }
0xb2: {  	[dreg:$0x5] =	wrdreg $0x9  }
0xb3: {  	_ =	task.clear_ibuf [dreg:s8], $0x6FFFF;
	_ =	strace $0x90000049  }
0xb4: {  	s29 =	simm.s32 $0x9;
	_ =	strace $0x8000004B  }
0xb5: {  	_ =	swait.ge [sflag:s29], $0x1  }
0xb6: {  	[sflag:s29] =	ssyncadd.s32 $0xFFFFFFFF  }
0xb7: {  	_ =	strace $0x9000004B  }
0xb8: {  	_ =	sfence  }
0xb9: {  	s30 =	sld [smem:$0x0];
	_ =	sdelay $0x2  }
0xba: {  	s31 =	sshll.u32 s1, $0xD;
	s1 =	sshrl.u32 s1, $0x2  }
0xbb: {  	s3 =	sand.u32 $0x4000, s31;
	s1 =	sadd.s32 s1, s30  }
0xbc: {  	s0 =	sor.u32 s3, s0;
	s1 =	sshll.u32 s1, $0x11  }
0xbd: {  	s0 =	sor.u32 s1, s0  }
0xbe: {  	s0 =	sadd.s32 $0x8F2B, s0  }
0xbf: {  	[sflag:s0] =	ssyncadd.remote.s32 $0x1  }
0xc0: {  	_ =	sfence.sel $0xFFFF  }
0xc1: {  	[dreg:$0x0] =	wrdreg $0xFFFFFFFF;
	(pc) =	sbr.abs _section_cstart, $3  }
0xc2: {  	[dreg:$0x1] =	wrdreg $0xFFFFFFFF  }
0xc3: {  	_ =	task.clear_ibuf [dreg:s8], $0x2FFFF;
	_ =	strace $0x9FFFFFFF  }
0xc4: {  	(tm) =	ssettm $0x7FFFFFFF  }
0xc5: {  	_ =	shalt  }
tec
execute0_lowered:
.L_overlay_start_1:
0x0: {  	(tag) =	ssettag $0x1  }
0x1: {  	v0 =	vlaneseq.u32  }
0x2: {  	v0 =	vmul.u32 $0x20, v0  }
0x3: {  	s5 =	rddreg [dreg:$0x0]  }
0x4: {  	s4 =	rddreg [dreg:$0x1];
	v32 =	vimm.s32 $0x0;
	v1 =	vor.u32 $0x1, v0  }
0x5: {  	s6 =	rddreg [dreg:$0x2];
	v2 =	vor.u32 $0x2, v0;
	v3 =	vor.u32 $0x3, v0;
	v4 =	vor.u32 $0x4, v0  }
0x6: {  	s0 =	rddreg [dreg:$0x3];
	s1 =	simm.s32 $0x0;
	s3 =	srdreg.scid;
	v5 =	vor.u32 $0x5, v0;
	v6 =	vor.u32 $0x6, v0;
	v7 =	vor.u32 $0x7, v0  }
0x7: {  	s2 =	stileid.u32;
	s11 =	simm.s32 $0x4000;
	s12 =	simm.s32 $0x4200;
	v8 =	vor.u32 $0x8, v0;
	v9 =	vor.u32 $0x9, v0;
	v10 =	vor.u32 $0xA, v0  }
0x8: {  	s13 =	simm.s32 $0x1;
	s14 =	simm.s32 $0x0;
	[smem:$0x7FF] =	sst s1;
	v11 =	vor.u32 $0xB, v0;
	v12 =	vor.u32 $0xC, v0;
	v13 =	vor.u32 $0xD, v0  }
0x9: {  	s7 =	sand.u32 $0x1, s3;
	s8 =	sshll.u32 s2, $0x1;
	s3 =	sadd.s32 $0x800, s4;
	v14 =	vor.u32 $0xE, v0;
	v15 =	vor.u32 $0xF, v0;
	v16 =	vor.u32 $0x10, v0  }
.Ltmp0:
0xa: {  	s4 =	sadd.s32 $0x3D1200, s4;
	s9 =	ssub.s32 $0x2, s7;
	v17 =	vor.u32 $0x11, v0;
	v18 =	vor.u32 $0x12, v0;
	v19 =	vor.u32 $0x13, v0;
	(pc) =	sbr.rel .LBB2_1-.Ltmp0, $4  }
0xb: {  	_ =	strace $0x8000004A;
	s7 =	sor.u32 s7, s8;
	s31 =	sshrl.u32 s9, $0x1;
	v20 =	vor.u32 $0x14, v0;
	v21 =	vor.u32 $0x15, v0;
	v22 =	vor.u32 $0x16, v0  }
0xc: {  	s10 =	sshll.u32 s7, $0x6;
	s7 =	sshll.u32 s7, $0xB;
	v23 =	vor.u32 $0x17, v0;
	v24 =	vor.u32 $0x18, v0;
	v25 =	vor.u32 $0x19, v0;
	s8 =	ssub.s32 s9, s31  }
0xd: {  	v26 =	vor.u32 $0x1A, v0;
	v27 =	vor.u32 $0x1B, v0;
	v28 =	vor.u32 $0x1C, v0;
	s5 =	sadd.s32 s5, s10;
	s6 =	sadd.s32 s6, s7;
	s9 =	simm.s32 $0x8200  }
0xe: {  	v29 =	vor.u32 $0x1D, v0;
	v30 =	vor.u32 $0x1E, v0;
	v31 =	vor.u32 $0x1F, v0;
	s10 =	simm.s32 $0x200;
	s7 =	smax.u32 s8, $0x1;
	s8 =	simm.s32 $0x2  }
.LBB2_7:
0xf: {  	s14 =	sadd.s32 $0x1, s14  }
0x10: {  	p0 =	sne.s32 s14, s7  }
.Ltmp1:
0x11: {  	_ = 	snop;
	(pc) =	sbr.rel @!p0 .LBB2_8-.Ltmp1, $4  }
0x12: {  	[hbm4b:s6+s1] =	stream.linear.scatter [tilespmem:s12], [sflag:$0x2], $0x4000, $0x38;
	[tilespmem:$0x8A00] =	vst v63  }
0x13: {  	_ =	swait.ge [sflag:s8], $0x4000  }
0x14: {  	[sflag:s8] =	ssyncset.done $0x0  }
0x15: {  	[sflag:s8] =	ssyncadd.s32 $0xFFFFC000  }
.LBB2_1:
0x16: {  	[tilespmem:s1], [sflag:$0x2] =	stream.linear.gather [hbm4b:s5+s1], $0x200, $0x38;
	[tilespmem:$0x8A00] =	vst v63  }
0x17: {  	_ =	swait.ge [sflag:s8], $0x200  }
0x18: {  	[sflag:s8] =	ssyncset.done $0x0  }
0x19: {  	[sflag:s8] =	ssyncadd.s32 $0xFFFFFE00  }
0x1a: {  	[tilespmem:s9], [sflag:$0x2] =	stream.linear.gather [hbm4b:s4+s1], $0x800, $0x38;
	[tilespmem:$0x8A00] =	vst v63  }
0x1b: {  	_ =	swait.ge [sflag:s8], $0x800  }
0x1c: {  	[sflag:s8] =	ssyncset.done $0x0  }
0x1d: {  	[sflag:s8] =	ssyncadd.s32 $0xFFFFF800  }
0x1e: {  	v33 =	vld [tilespmem:s1+$0x0];
	_ =	sdelay $0x2  }
0x1f: {  	v34 =	vor.u32 s1, v0  }
0x20: {  	v35 =	vor.u32 s1, v1  }
0x21: {  	v37 =	vor.u32 s1, v2;
	v36 =	vshll.u32 v33, $0x3  }
0x22: {  	v38 =	vor.u32 s1, v3;
	v33 =	vand.u32 $0x7F, v33;
	v36 =	vand.u32 $0xFFFFFC00, v36  }
0x23: {  	v52 =	vor.u32 s1, v4;
	v36 =	vor.u32 v33, v36  }
0x24: {  	v39 =	vor.u32 s1, v5;
	[tilespmem:v34+s10+$0x0] =	vst.idx.msk $0xffff, v36;
	v53 =	vor.u32 $0x80, v36  }
0x25: {  	v55 =	vor.u32 s1, v6;
	v54 =	vor.u32 $0x100, v36;
	[tilespmem:v35+s10+$0x0] =	vst.idx.msk $0xffff, v53  }
0x26: {  	v57 =	vor.u32 s1, v7;
	v56 =	vor.u32 $0x180, v36;
	[tilespmem:v37+s10+$0x0] =	vst.idx.msk $0xffff, v54  }
0x27: {  	v59 =	vor.u32 s1, v8;
	v58 =	vor.u32 $0x200, v36;
	[tilespmem:v38+s10+$0x0] =	vst.idx.msk $0xffff, v56  }
0x28: {  	v61 =	vor.u32 s1, v9;
	v60 =	vor.u32 $0x280, v36;
	[tilespmem:v52+s10+$0x0] =	vst.idx.msk $0xffff, v58  }
0x29: {  	v63 =	vor.u32 s1, v10;
	v62 =	vor.u32 $0x300, v36;
	[tilespmem:v39+s10+$0x0] =	vst.idx.msk $0xffff, v60  }
0x2a: {  	v43 =	vor.u32 s1, v11;
	v42 =	vor.u32 $0x380, v36;
	[tilespmem:v55+s10+$0x0] =	vst.idx.msk $0xffff, v62  }
0x2b: {  	v45 =	vor.u32 s1, v12;
	v44 =	vadd.s32 $0x7A1400, v36;
	[tilespmem:v57+s10+$0x0] =	vst.idx.msk $0xffff, v42  }
0x2c: {  	v47 =	vor.u32 s1, v13;
	v46 =	vadd.s32 $0x7A1480, v36;
	[tilespmem:v59+s10+$0x0] =	vst.idx.msk $0xffff, v44  }
0x2d: {  	v49 =	vor.u32 s1, v14;
	v48 =	vadd.s32 $0x7A1500, v36;
	[tilespmem:v61+s10+$0x0] =	vst.idx.msk $0xffff, v46  }
0x2e: {  	v51 =	vor.u32 s1, v15;
	v50 =	vadd.s32 $0x7A1580, v36;
	[tilespmem:v63+s10+$0x0] =	vst.idx.msk $0xffff, v48  }
0x2f: {  	v53 =	vor.u32 s1, v16;
	v52 =	vadd.s32 $0x7A1600, v36;
	[tilespmem:v43+s10+$0x0] =	vst.idx.msk $0xffff, v50  }
0x30: {  	v54 =	vadd.s32 $0x7A1680, v36;
	v55 =	vor.u32 s1, v17;
	[tilespmem:v45+s10+$0x0] =	vst.idx.msk $0xffff, v52  }
0x31: {  	v56 =	vadd.s32 $0x7A1700, v36;
	v57 =	vor.u32 s1, v18;
	[tilespmem:v47+s10+$0x0] =	vst.idx.msk $0xffff, v54  }
0x32: {  	v58 =	vadd.s32 $0x7A1780, v36;
	v59 =	vor.u32 s1, v19;
	[tilespmem:v49+s10+$0x0] =	vst.idx.msk $0xffff, v56  }
0x33: {  	v60 =	vadd.s32 $0xF42800, v36;
	v61 =	vor.u32 s1, v20;
	[tilespmem:v51+s10+$0x0] =	vst.idx.msk $0xffff, v58  }
0x34: {  	v62 =	vadd.s32 $0xF42880, v36;
	v63 =	vor.u32 s1, v21;
	[tilespmem:v53+s10+$0x0] =	vst.idx.msk $0xffff, v60  }
0x35: {  	v42 =	vadd.s32 $0xF42900, v36;
	v43 =	vor.u32 s1, v22;
	[tilespmem:v55+s10+$0x0] =	vst.idx.msk $0xffff, v62  }
0x36: {  	v44 =	vadd.s32 $0xF42980, v36;
	v45 =	vor.u32 s1, v23;
	[tilespmem:v57+s10+$0x0] =	vst.idx.msk $0xffff, v42  }
0x37: {  	v46 =	vadd.s32 $0xF42A00, v36;
	v47 =	vor.u32 s1, v24;
	[tilespmem:v59+s10+$0x0] =	vst.idx.msk $0xffff, v44  }
0x38: {  	v48 =	vadd.s32 $0xF42A80, v36;
	v49 =	vor.u32 s1, v25;
	[tilespmem:v61+s10+$0x0] =	vst.idx.msk $0xffff, v46  }
0x39: {  	v50 =	vadd.s32 $0xF42B00, v36;
	v51 =	vor.u32 s1, v26;
	[tilespmem:v63+s10+$0x0] =	vst.idx.msk $0xffff, v48  }
0x3a: {  	v52 =	vadd.s32 $0xF42B80, v36;
	v53 =	vor.u32 s1, v27;
	[tilespmem:v43+s10+$0x0] =	vst.idx.msk $0xffff, v50  }
0x3b: {  	v54 =	vadd.s32 $0x16E3C00, v36;
	v55 =	vor.u32 s1, v28;
	[tilespmem:v45+s10+$0x0] =	vst.idx.msk $0xffff, v52  }
0x3c: {  	v56 =	vadd.s32 $0x16E3C80, v36;
	v57 =	vor.u32 s1, v29;
	[tilespmem:v47+s10+$0x0] =	vst.idx.msk $0xffff, v54  }
0x3d: {  	v58 =	vadd.s32 $0x16E3D00, v36;
	v59 =	vor.u32 s1, v30;
	[tilespmem:v49+s10+$0x0] =	vst.idx.msk $0xffff, v56  }
0x3e: {  	v60 =	vadd.s32 $0x16E3D80, v36;
	[tilespmem:v51+s10+$0x0] =	vst.idx.msk $0xffff, v58  }
0x3f: {  	v33 =	vor.u32 s1, v31;
	v61 =	vadd.s32 $0x16E3E00, v36;
	[tilespmem:v53+s10+$0x0] =	vst.idx.msk $0xffff, v60  }
0x40: {  	v62 =	vadd.s32 $0x16E3E80, v36;
	[tilespmem:v55+s10+$0x0] =	vst.idx.msk $0xffff, v61  }
0x41: {  	v63 =	vadd.s32 $0x16E3F00, v36;
	[tilespmem:v57+s10+$0x0] =	vst.idx.msk $0xffff, v62  }
0x42: {  	s15 =	simm.s32 $0x200;
	s16 =	simm.s32 $0x0;
	v34 =	vadd.s32 $0x16E3F80, v36;
	[tilespmem:v59+s10+$0x0] =	vst.idx.msk $0xffff, v63  }
.LBB2_2:
0x43: {  	p0 =	sne.s32 s15, $0x3E00  }
0x44: {  	[tilespmem:v33+s10+$0x0] =	vst.idx.msk $0xffff, v34;
	s16 =	sadd.s32 $0x10, s16;
	s17 =	smov.u32 s15;
	s15 =	sadd.s32 $0x200, s15  }
0x45: {  	v33 =	vld [tilespmem:s16+$0x0];
	_ =	sdelay $0x2  }
0x46: {  	v34 =	vor.u32 s17, v0  }
0x47: {  	v35 =	vor.u32 s17, v1  }
0x48: {  	v37 =	vor.u32 s17, v2;
	v36 =	vshll.u32 v33, $0x3  }
0x49: {  	v38 =	vor.u32 s17, v3;
	v33 =	vand.u32 $0x7F, v33;
	v36 =	vand.u32 $0xFFFFFC00, v36  }
0x4a: {  	v36 =	vor.u32 v33, v36;
	v33 =	vor.u32 s17, v4  }
0x4b: {  	v39 =	vor.u32 s17, v5;
	[tilespmem:v34+s10+$0x0] =	vst.idx.msk $0xffff, v36;
	v34 =	vor.u32 $0x80, v36  }
0x4c: {  	[tilespmem:v35+s10+$0x0] =	vst.idx.msk $0xffff, v34;
	v34 =	vor.u32 $0x100, v36;
	v35 =	vor.u32 s17, v6  }
0x4d: {  	[tilespmem:v37+s10+$0x0] =	vst.idx.msk $0xffff, v34;
	v34 =	vor.u32 $0x180, v36;
	v37 =	vor.u32 s17, v7  }
0x4e: {  	[tilespmem:v38+s10+$0x0] =	vst.idx.msk $0xffff, v34;
	v34 =	vor.u32 $0x200, v36;
	v38 =	vor.u32 s17, v8  }
0x4f: {  	[tilespmem:v33+s10+$0x0] =	vst.idx.msk $0xffff, v34;
	v33 =	vor.u32 $0x280, v36;
	v34 =	vor.u32 s17, v9  }
0x50: {  	[tilespmem:v39+s10+$0x0] =	vst.idx.msk $0xffff, v33;
	v33 =	vor.u32 $0x300, v36;
	v39 =	vor.u32 s17, v10  }
0x51: {  	[tilespmem:v35+s10+$0x0] =	vst.idx.msk $0xffff, v33;
	v33 =	vor.u32 $0x380, v36;
	v35 =	vor.u32 s17, v11  }
0x52: {  	[tilespmem:v37+s10+$0x0] =	vst.idx.msk $0xffff, v33;
	v33 =	vadd.s32 $0x7A1400, v36;
	v37 =	vor.u32 s17, v12  }
0x53: {  	[tilespmem:v38+s10+$0x0] =	vst.idx.msk $0xffff, v33;
	v33 =	vadd.s32 $0x7A1480, v36;
	v38 =	vor.u32 s17, v13  }
0x54: {  	[tilespmem:v34+s10+$0x0] =	vst.idx.msk $0xffff, v33;
	v33 =	vadd.s32 $0x7A1500, v36;
	v34 =	vor.u32 s17, v14  }
0x55: {  	[tilespmem:v39+s10+$0x0] =	vst.idx.msk $0xffff, v33;
	v33 =	vadd.s32 $0x7A1580, v36;
	v39 =	vor.u32 s17, v15  }
0x56: {  	[tilespmem:v35+s10+$0x0] =	vst.idx.msk $0xffff, v33;
	v33 =	vadd.s32 $0x7A1600, v36;
	v35 =	vor.u32 s17, v16  }
0x57: {  	[tilespmem:v37+s10+$0x0] =	vst.idx.msk $0xffff, v33;
	v33 =	vadd.s32 $0x7A1680, v36;
	v37 =	vor.u32 s17, v17  }
0x58: {  	[tilespmem:v38+s10+$0x0] =	vst.idx.msk $0xffff, v33;
	v33 =	vadd.s32 $0x7A1700, v36;
	v38 =	vor.u32 s17, v18  }
0x59: {  	[tilespmem:v34+s10+$0x0] =	vst.idx.msk $0xffff, v33;
	v33 =	vadd.s32 $0x7A1780, v36;
	v34 =	vor.u32 s17, v19  }
0x5a: {  	[tilespmem:v39+s10+$0x0] =	vst.idx.msk $0xffff, v33;
	v33 =	vadd.s32 $0xF42800, v36;
	v39 =	vor.u32 s17, v20  }
0x5b: {  	[tilespmem:v35+s10+$0x0] =	vst.idx.msk $0xffff, v33;
	v33 =	vadd.s32 $0xF42880, v36;
	v35 =	vor.u32 s17, v21  }
0x5c: {  	[tilespmem:v37+s10+$0x0] =	vst.idx.msk $0xffff, v33;
	v33 =	vadd.s32 $0xF42900, v36;
	v37 =	vor.u32 s17, v22  }
0x5d: {  	[tilespmem:v38+s10+$0x0] =	vst.idx.msk $0xffff, v33;
	v33 =	vadd.s32 $0xF42980, v36;
	v38 =	vor.u32 s17, v23  }
0x5e: {  	[tilespmem:v34+s10+$0x0] =	vst.idx.msk $0xffff, v33;
	v33 =	vadd.s32 $0xF42A00, v36;
	v34 =	vor.u32 s17, v24  }
0x5f: {  	[tilespmem:v39+s10+$0x0] =	vst.idx.msk $0xffff, v33;
	v33 =	vadd.s32 $0xF42A80, v36;
	v39 =	vor.u32 s17, v25  }
0x60: {  	[tilespmem:v35+s10+$0x0] =	vst.idx.msk $0xffff, v33;
	v33 =	vadd.s32 $0xF42B00, v36;
	v35 =	vor.u32 s17, v26  }
0x61: {  	[tilespmem:v37+s10+$0x0] =	vst.idx.msk $0xffff, v33;
	v33 =	vadd.s32 $0xF42B80, v36;
	v37 =	vor.u32 s17, v27  }
0x62: {  	[tilespmem:v38+s10+$0x0] =	vst.idx.msk $0xffff, v33;
	v33 =	vadd.s32 $0x16E3C00, v36;
	v38 =	vor.u32 s17, v28  }
0x63: {  	[tilespmem:v34+s10+$0x0] =	vst.idx.msk $0xffff, v33;
	v33 =	vadd.s32 $0x16E3C80, v36;
	v34 =	vor.u32 s17, v29  }
0x64: {  	[tilespmem:v39+s10+$0x0] =	vst.idx.msk $0xffff, v33;
	v33 =	vadd.s32 $0x16E3D00, v36;
	v39 =	vor.u32 s17, v30  }
.Ltmp2:
0x65: {  	[tilespmem:v35+s10+$0x0] =	vst.idx.msk $0xffff, v33;
	v35 =	vadd.s32 $0x16E3D80, v36;
	v33 =	vor.u32 s17, v31;
	(pc) =	sbr.rel @p0 .LBB2_2-.Ltmp2, $4  }
0x66: {  	[tilespmem:v37+s10+$0x0] =	vst.idx.msk $0xffff, v35;
	v35 =	vadd.s32 $0x16E3E00, v36  }
0x67: {  	[tilespmem:v38+s10+$0x0] =	vst.idx.msk $0xffff, v35;
	v35 =	vadd.s32 $0x16E3E80, v36  }
0x68: {  	[tilespmem:v34+s10+$0x0] =	vst.idx.msk $0xffff, v35;
	v34 =	vadd.s32 $0x16E3F00, v36  }
0x69: {  	[tilespmem:v39+s10+$0x0] =	vst.idx.msk $0xffff, v34;
	v34 =	vadd.s32 $0x16E3F80, v36  }
0x6a: {  	_ =	sdelay $0x3  }
.Ltmp3:
0x6b: {  	[tilespmem:v33+s10+$0x0] =	vst.idx.msk $0xffff, v34;
	(pc) =	sbr.rel .LBB2_4-.Ltmp3, $4  }
0x6c: {  	[tilespmem:s12], [sflag:$0x1] =	stream.indirect.gather [hbm4b:s3+s11], $0x1, s10, s11, $0xb8;
	[tilespmem:$0x8A00] =	vst v63  }
0x6d: {  	_ =	swait.ge [sflag:s13], $0x4000  }
0x6e: {  	[sflag:s13] =	ssyncset.done $0x0  }
0x6f: {  	s15 =	simm.s32 $0x0;
	s16 =	simm.s32 $0x0;
	[sflag:s13] =	ssyncadd.s32 $0xFFFFC000  }
.LBB2_6:
0x70: {  	s16 =	sadd.s32 $0x200, s16  }
0x71: {  	p0 =	sne.s32 s16, $0x4000  }
.Ltmp4:
0x72: {  	_ = 	snop;
	(pc) =	sbr.rel @!p0 .LBB2_7-.Ltmp4, $2  }
0x73: {  	_ =	sdelay $0x2  }
0x74: {  	s15 =	sadd.s32 $0x10, s15  }
.LBB2_4:
0x75: {  	v33 =	vld [tilespmem:s15+$0x0];
	_ =	sdelay $0x4  }
0x76: {  	vm0 =	vgt.s32 v33, $0xF41FF  }
0x77: {  	v34 =	vsel vm0, $0x1, v32  }
0x78: {  	v34 =	vor.u32 $0x80000000, v34  }
0x79: {  	(xrf0) =	vmax.scan.msk.u32 $0xffff, v34;
	_ =	sdelay $0x5  }
0x7a: {  	v34, _, _ =	vpop (xrf0)  }
0x7b: {  	(v2sf) =	vpush v34, $0xF;
	_ =	sdelay $0xe  }
0x7c: {  	s17 =	spop (v2sf)  }
0x7d: {  	p0 =	slt.u32 s17, $0x80000001  }
.Ltmp5:
0x7e: {  	_ = 	snop;
	(pc) =	sbr.rel @p0 .LBB2_6-.Ltmp5, $1  }
0x7f: {  	_ =	sdelay $0x3  }
0x80: {  	v33 =	vadd.s32 $0xFFF0BE00, v33  }
0x81: {  	vm1 =	vgt.s32 v33, $0x0  }
0x82: {  	v33 =	vnsel vm1, $0x0, v33  }
0x83: {  	v33 =	vmin.u32 v33, $0x3F  }
0x84: {  	v33 =	vshll.u32 v33, $0x5;
	_ =	sdelay $0x4  }
0x85: {  	v35 =	vor.u32 s16, v0;
	v34 =	vld.idx.msk [tilespmem:v33+s9+$0x0], $0xffff  }
0x86: {  	v36 =	vor.u32 $0x1, v33;
	_ =	sdelay $0x3  }
0x87: {  	[tilespmem:v35+s12+$0x0] =	vst.idx.msk vm0, v34  }
0x88: {  	v52 =	vor.u32 s16, v1;
	v34 =	vld.idx.msk [tilespmem:v36+s9+$0x0], $0xffff  }
0x89: {  	v53 =	vor.u32 $0x2, v33;
	_ =	sdelay $0x3  }
0x8a: {  	[tilespmem:v52+s12+$0x0] =	vst.idx.msk vm0, v34  }
0x8b: {  	v54 =	vor.u32 s16, v2;
	v34 =	vld.idx.msk [tilespmem:v53+s9+$0x0], $0xffff  }
0x8c: {  	v55 =	vor.u32 $0x3, v33;
	_ =	sdelay $0x3  }
0x8d: {  	[tilespmem:v54+s12+$0x0] =	vst.idx.msk vm0, v34  }
0x8e: {  	v56 =	vor.u32 s16, v3;
	v34 =	vld.idx.msk [tilespmem:v55+s9+$0x0], $0xffff  }
0x8f: {  	v57 =	vor.u32 $0x4, v33;
	_ =	sdelay $0x3  }
0x90: {  	[tilespmem:v56+s12+$0x0] =	vst.idx.msk vm0, v34  }
0x91: {  	v58 =	vor.u32 s16, v4;
	v34 =	vld.idx.msk [tilespmem:v57+s9+$0x0], $0xffff  }
0x92: {  	v59 =	vor.u32 $0x5, v33;
	_ =	sdelay $0x3  }
0x93: {  	[tilespmem:v58+s12+$0x0] =	vst.idx.msk vm0, v34  }
0x94: {  	v60 =	vor.u32 s16, v5;
	v34 =	vld.idx.msk [tilespmem:v59+s9+$0x0], $0xffff  }
0x95: {  	v61 =	vor.u32 $0x6, v33;
	_ =	sdelay $0x3  }
0x96: {  	[tilespmem:v60+s12+$0x0] =	vst.idx.msk vm0, v34  }
0x97: {  	v62 =	vor.u32 s16, v6;
	v34 =	vld.idx.msk [tilespmem:v61+s9+$0x0], $0xffff  }
0x98: {  	v63 =	vor.u32 $0x7, v33;
	_ =	sdelay $0x3  }
0x99: {  	[tilespmem:v62+s12+$0x0] =	vst.idx.msk vm0, v34  }
0x9a: {  	v40 =	vor.u32 s16, v7;
	v34 =	vld.idx.msk [tilespmem:v63+s9+$0x0], $0xffff  }
0x9b: {  	v41 =	vor.u32 $0x8, v33;
	_ =	sdelay $0x3  }
0x9c: {  	[tilespmem:v40+s12+$0x0] =	vst.idx.msk vm0, v34  }
0x9d: {  	v42 =	vor.u32 s16, v8;
	v34 =	vld.idx.msk [tilespmem:v41+s9+$0x0], $0xffff  }
0x9e: {  	v43 =	vor.u32 $0x9, v33;
	_ =	sdelay $0x3  }
0x9f: {  	[tilespmem:v42+s12+$0x0] =	vst.idx.msk vm0, v34  }
0xa0: {  	v44 =	vor.u32 s16, v9;
	v34 =	vld.idx.msk [tilespmem:v43+s9+$0x0], $0xffff  }
0xa1: {  	v45 =	vor.u32 $0xA, v33;
	_ =	sdelay $0x3  }
0xa2: {  	[tilespmem:v44+s12+$0x0] =	vst.idx.msk vm0, v34  }
0xa3: {  	v46 =	vor.u32 s16, v10;
	v34 =	vld.idx.msk [tilespmem:v45+s9+$0x0], $0xffff  }
0xa4: {  	v47 =	vor.u32 $0xB, v33;
	_ =	sdelay $0x3  }
0xa5: {  	[tilespmem:v46+s12+$0x0] =	vst.idx.msk vm0, v34  }
0xa6: {  	v48 =	vor.u32 s16, v11;
	v34 =	vld.idx.msk [tilespmem:v47+s9+$0x0], $0xffff  }
0xa7: {  	v49 =	vor.u32 $0xC, v33;
	_ =	sdelay $0x3  }
0xa8: {  	[tilespmem:v48+s12+$0x0] =	vst.idx.msk vm0, v34  }
0xa9: {  	v50 =	vor.u32 s16, v12;
	v34 =	vld.idx.msk [tilespmem:v49+s9+$0x0], $0xffff  }
0xaa: {  	v51 =	vor.u32 $0xD, v33;
	_ =	sdelay $0x3  }
0xab: {  	[tilespmem:v50+s12+$0x0] =	vst.idx.msk vm0, v34  }
0xac: {  	v52 =	vor.u32 s16, v13;
	v34 =	vld.idx.msk [tilespmem:v51+s9+$0x0], $0xffff  }
0xad: {  	v53 =	vor.u32 $0xE, v33;
	_ =	sdelay $0x3  }
0xae: {  	[tilespmem:v52+s12+$0x0] =	vst.idx.msk vm0, v34  }
0xaf: {  	v54 =	vor.u32 s16, v14;
	v34 =	vld.idx.msk [tilespmem:v53+s9+$0x0], $0xffff  }
0xb0: {  	v55 =	vor.u32 $0xF, v33;
	_ =	sdelay $0x3  }
0xb1: {  	[tilespmem:v54+s12+$0x0] =	vst.idx.msk vm0, v34  }
0xb2: {  	v56 =	vor.u32 s16, v15;
	v34 =	vld.idx.msk [tilespmem:v55+s9+$0x0], $0xffff  }
0xb3: {  	v57 =	vor.u32 $0x10, v33;
	_ =	sdelay $0x3  }
0xb4: {  	[tilespmem:v56+s12+$0x0] =	vst.idx.msk vm0, v34  }
0xb5: {  	v58 =	vor.u32 s16, v16;
	v34 =	vld.idx.msk [tilespmem:v57+s9+$0x0], $0xffff  }
0xb6: {  	v59 =	vor.u32 $0x11, v33;
	_ =	sdelay $0x3  }
0xb7: {  	[tilespmem:v58+s12+$0x0] =	vst.idx.msk vm0, v34  }
0xb8: {  	v60 =	vor.u32 s16, v17;
	v34 =	vld.idx.msk [tilespmem:v59+s9+$0x0], $0xffff  }
0xb9: {  	v61 =	vor.u32 $0x12, v33;
	_ =	sdelay $0x3  }
0xba: {  	[tilespmem:v60+s12+$0x0] =	vst.idx.msk vm0, v34  }
0xbb: {  	v62 =	vor.u32 s16, v18;
	v34 =	vld.idx.msk [tilespmem:v61+s9+$0x0], $0xffff  }
0xbc: {  	v63 =	vor.u32 $0x13, v33;
	_ =	sdelay $0x3  }
0xbd: {  	[tilespmem:v62+s12+$0x0] =	vst.idx.msk vm0, v34  }
0xbe: {  	v40 =	vor.u32 s16, v19;
	v34 =	vld.idx.msk [tilespmem:v63+s9+$0x0], $0xffff  }
0xbf: {  	v41 =	vor.u32 $0x14, v33;
	_ =	sdelay $0x3  }
0xc0: {  	[tilespmem:v40+s12+$0x0] =	vst.idx.msk vm0, v34  }
0xc1: {  	v42 =	vor.u32 s16, v20;
	v34 =	vld.idx.msk [tilespmem:v41+s9+$0x0], $0xffff  }
0xc2: {  	v43 =	vor.u32 $0x15, v33;
	_ =	sdelay $0x3  }
0xc3: {  	[tilespmem:v42+s12+$0x0] =	vst.idx.msk vm0, v34  }
0xc4: {  	v44 =	vor.u32 s16, v21;
	v34 =	vld.idx.msk [tilespmem:v43+s9+$0x0], $0xffff  }
0xc5: {  	v45 =	vor.u32 $0x16, v33;
	_ =	sdelay $0x3  }
0xc6: {  	[tilespmem:v44+s12+$0x0] =	vst.idx.msk vm0, v34  }
0xc7: {  	v46 =	vor.u32 s16, v22;
	v34 =	vld.idx.msk [tilespmem:v45+s9+$0x0], $0xffff  }
0xc8: {  	v47 =	vor.u32 $0x17, v33;
	_ =	sdelay $0x3  }
0xc9: {  	[tilespmem:v46+s12+$0x0] =	vst.idx.msk vm0, v34  }
0xca: {  	v48 =	vor.u32 s16, v23;
	v34 =	vld.idx.msk [tilespmem:v47+s9+$0x0], $0xffff  }
0xcb: {  	v49 =	vor.u32 $0x18, v33;
	_ =	sdelay $0x3  }
0xcc: {  	[tilespmem:v48+s12+$0x0] =	vst.idx.msk vm0, v34  }
0xcd: {  	v50 =	vor.u32 s16, v24;
	v34 =	vld.idx.msk [tilespmem:v49+s9+$0x0], $0xffff  }
0xce: {  	v51 =	vor.u32 $0x19, v33;
	_ =	sdelay $0x3  }
0xcf: {  	[tilespmem:v50+s12+$0x0] =	vst.idx.msk vm0, v34  }
0xd0: {  	v52 =	vor.u32 s16, v25;
	v34 =	vld.idx.msk [tilespmem:v51+s9+$0x0], $0xffff  }
0xd1: {  	v53 =	vor.u32 $0x1A, v33;
	_ =	sdelay $0x3  }
0xd2: {  	[tilespmem:v52+s12+$0x0] =	vst.idx.msk vm0, v34  }
0xd3: {  	v54 =	vor.u32 s16, v26;
	v34 =	vld.idx.msk [tilespmem:v53+s9+$0x0], $0xffff  }
0xd4: {  	v55 =	vor.u32 $0x1B, v33;
	_ =	sdelay $0x3  }
0xd5: {  	[tilespmem:v54+s12+$0x0] =	vst.idx.msk vm0, v34  }
0xd6: {  	v56 =	vor.u32 s16, v27;
	v34 =	vld.idx.msk [tilespmem:v55+s9+$0x0], $0xffff  }
0xd7: {  	v57 =	vor.u32 $0x1C, v33;
	_ =	sdelay $0x3  }
0xd8: {  	[tilespmem:v56+s12+$0x0] =	vst.idx.msk vm0, v34  }
0xd9: {  	v58 =	vor.u32 s16, v28;
	v34 =	vld.idx.msk [tilespmem:v57+s9+$0x0], $0xffff  }
0xda: {  	v59 =	vor.u32 $0x1D, v33;
	_ =	sdelay $0x3  }
0xdb: {  	[tilespmem:v58+s12+$0x0] =	vst.idx.msk vm0, v34  }
0xdc: {  	v60 =	vor.u32 s16, v29;
	v34 =	vld.idx.msk [tilespmem:v59+s9+$0x0], $0xffff  }
0xdd: {  	v61 =	vor.u32 $0x1E, v33;
	_ =	sdelay $0x3  }
0xde: {  	[tilespmem:v60+s12+$0x0] =	vst.idx.msk vm0, v34  }
0xdf: {  	v62 =	vor.u32 s16, v30;
	v34 =	vld.idx.msk [tilespmem:v61+s9+$0x0], $0xffff  }
0xe0: {  	v33 =	vor.u32 $0x1F, v33;
	_ =	sdelay $0x3  }
0xe1: {  	[tilespmem:v62+s12+$0x0] =	vst.idx.msk vm0, v34  }
0xe2: {  	v63 =	vor.u32 s16, v31;
	v33 =	vld.idx.msk [tilespmem:v33+s9+$0x0], $0xffff  }
.Ltmp6:
0xe3: {  	_ = 	snop;
	(pc) =	sbr.rel .LBB2_6-.Ltmp6, $2  }
0xe4: {  	_ =	sdelay $0x2  }
0xe5: {  	[tilespmem:v63+s12+$0x0] =	vst.idx.msk vm0, v33  }
.LBB2_8:
0xe6: {  	_ =	sfence.sel $0x180000  }
0xe7: {  	[bflag:$0x0] =	sbarrier.arrive $0xFFFF  }
0xe8: {  	p0 =	sne.s32 s2, $0x0;
	_ =	strace $0x9000004A  }
0xe9: {  	s0 =	sadd.s32 @!p0 $0x100000, s0;
	[bflag:$0x2] =	sbarrier.arrive $0xFFFF  }
0xea: {  	[sflag:s0] =	ssyncadd.tile.s32 @!p0 $0x1;
	_ =	shalt  }
.Lfunc_end2:
_tile_overlayer_lowered:
.L_overlay_start_2:
0xeb: {  	(tag) =	ssettag $0x2  }
0xec: {  	s0 =	rddreg [dreg:$0x0];
	s2 =	stileid.u32  }
0xed: {  	s1 =	rddreg [dreg:$0x1];
	p0 =	sne.s32 s2, $0x0  }
0xee: {  	s3 =	rddreg [dreg:$0x2];
	[bflag:$0x3] =	sbarrier.arrive $0xFFFF;
	s2 =	simm.s32 @!p0 $0x1C02  }
0xef: {  	[timem:s3], [sflag:s2] =	dma.local @!p0 [hbm:s0], s1  }
0xf0: {  	s0 =	simm.s32 @!p0 $0x2  }
0xf1: {  	_ =	swait.ge @!p0 [sflag:s0], s1  }
0xf2: {  	s1 =	ssub.s32 @!p0 $0x0, s1;
	[sflag:s0] =	ssyncset.done @!p0 $0x0  }
0xf3: {  	[sflag:s0] =	ssyncadd.s32 @!p0 s1  }
0xf4: {  	[bflag:$0x3] =	sbarrier.arrive $0xFFFF  }
0xf5: {  	_ =	shalt  }

</sc_bundles>
